<compile_context>
chip_gen: v7x
topology: tpu7x:2x2x1
jax: 0.10.2.dev20260603
libtpu: 0.0.44.dev20260713+nightly
codegen_flags: <defaults>
</compile_context>

<pallas_src>
import functools

import jax
import jax.numpy as jnp
from jax import lax
from jax.experimental import pallas as pl
from jax.experimental.pallas import tpu as pltpu
from jax.experimental.pallas import tpu_sc as plsc

N = 10000
E = 320000
R = 16
D = 128
H1 = 64
H2 = 16

NC = 2
NS = 16
NW = NC * NS
EPW = E // NW
C = 80
NCHUNK = EPW // C
PIPE = 5
SLOTS = 2 * PIPE
TRAIL = 8
NSEG = N * R
SEG_PER_TILE = NSEG // NS
NP = 10240
NPT = NP // NS
ZROWS = 128

_MESH = plsc.VectorSubcoreMesh(
    core_axis_name="c", subcore_axis_name="s", num_cores=NC, num_subcores=NS
)


def _fill_vmem_1d(buf, nwords, value):
    v = jnp.full((16,), value, jnp.float32)

    def body(i, _):
        buf[pl.ds(i * 16, 16)] = v
        return 0

    lax.fori_loop(0, nwords // 16, body, 0, unroll=4)


def _zero_vmem_2d(buf, rows, do):
    z = jnp.zeros((16,), jnp.float32)

    def body(r, _):
        for q in range(do // 16):
            buf[r, pl.ds(q * 16, 16)] = z
        return 0

    lax.fori_loop(0, rows, body, 0, unroll=4)


EPS = E // NS
CNT_ROWS = EPS // C
W_ROWS = EPW // C


def _cw_body(ei_hbm, et_hbm, w_hbm, g2_hbm, d2_hbm,
             cnt_sh, dbuf, tbuf, sbuf, kbuf2, gbuf2, dkbuf2, wbuf, ones, zbuf, sem):
    cid = lax.axis_index("c")
    sid = lax.axis_index("s")
    wid = cid * NS + sid

    _fill_vmem_1d(zbuf, SEG_PER_TILE, 0.0)
    _fill_vmem_1d(ones, C, 1.0)
    pltpu.sync_copy(zbuf, cnt_sh.at[pl.ds(sid * SEG_PER_TILE, SEG_PER_TILE)])
    plsc.subcore_barrier()

    cbase = sid * EPS
    pltpu.sync_copy(ei_hbm.at[1, pl.ds(cbase, EPS)], dbuf)
    pltpu.sync_copy(et_hbm.at[pl.ds(cbase, EPS)], tbuf)

    @plsc.parallel_loop(0, CNT_ROWS, unroll=2)
    def mkk(j):
        for q in range(C // 16):
            s = pl.ds(j * C + q * 16, 16)
            kbuf2[j, pl.ds(q * 16, 16)] = dbuf[s] * R + tbuf[s]

    def cadd(j, _):
        pltpu.async_copy(ones, cnt_sh.at[kbuf2.at[j]], sem, add=True)

        @pl.when(j >= TRAIL)
        def _():
            pltpu.make_async_copy(ones, cnt_sh.at[kbuf2.at[j - TRAIL]], sem).wait()

        return 0

    lax.fori_loop(0, CNT_ROWS, cadd, 0)
    for b in range(TRAIL):
        pltpu.make_async_copy(ones, cnt_sh.at[kbuf2.at[CNT_ROWS - TRAIL + b]], sem).wait()
    plsc.subcore_barrier()

    wbase = wid * EPW
    pltpu.sync_copy(ei_hbm.at[1, pl.ds(wbase, EPW)], dbuf.at[pl.ds(0, EPW)])
    pltpu.sync_copy(et_hbm.at[pl.ds(wbase, EPW)], tbuf.at[pl.ds(0, EPW)])
    pltpu.sync_copy(ei_hbm.at[0, pl.ds(wbase, EPW)], sbuf)

    @plsc.parallel_loop(0, W_ROWS, unroll=2)
    def mkkg(j):
        for q in range(C // 16):
            s = pl.ds(j * C + q * 16, 16)
            q16 = pl.ds(q * 16, 16)
            kbuf2[j, q16] = dbuf[s] * R + tbuf[s]
            gbuf2[j, q16] = tbuf[s] * N + sbuf[s]
            dkbuf2[j, q16] = dbuf[s]

    wrow = wid * W_ROWS
    pltpu.sync_copy(gbuf2, g2_hbm.at[pl.ds(wrow, W_ROWS)])
    pltpu.sync_copy(dkbuf2, d2_hbm.at[pl.ds(wrow, W_ROWS)])

    def cgather(j, _):
        pltpu.async_copy(cnt_sh.at[kbuf2.at[j]], wbuf.at[pl.ds(j * C, C)], sem)

        @pl.when(j >= TRAIL)
        def _():
            jm = j - TRAIL
            pltpu.make_async_copy(
                cnt_sh.at[kbuf2.at[jm]], wbuf.at[pl.ds(jm * C, C)], sem
            ).wait()

        return 0

    lax.fori_loop(0, W_ROWS, cgather, 0)
    for b in range(TRAIL):
        jm = W_ROWS - TRAIL + b
        pltpu.make_async_copy(
            cnt_sh.at[kbuf2.at[jm]], wbuf.at[pl.ds(jm * C, C)], sem
        ).wait()

    def mkw(j, _):
        s = pl.ds(j * 16, 16)
        c = jnp.maximum(wbuf[s], 1.0)
        r = 1.0 / c
        r = r * (2.0 - c * r)
        wbuf[s] = r * (2.0 - c * r)
        return 0

    lax.fori_loop(0, EPW // 16, mkw, 0, unroll=4)
    pltpu.sync_copy(wbuf, w_hbm.at[pl.ds(wid * EPW, EPW)])


def _edge_weights(ei, et):
    return pl.kernel(
        _cw_body,
        out_type=(
            pltpu.MemorySpace.HBM((E,), jnp.float32),
            pltpu.MemorySpace.HBM((E // C, C), jnp.int32),
            pltpu.MemorySpace.HBM((E // C, C), jnp.int32),
        ),
        mesh=_MESH,
        compiler_params=pltpu.CompilerParams(use_tc_tiling_on_sc=False),
        scratch_types=[
            pltpu.VMEM_SHARED((NSEG,), jnp.float32),
            pltpu.VMEM((EPS,), jnp.int32),
            pltpu.VMEM((EPS,), jnp.int32),
            pltpu.VMEM((EPW,), jnp.int32),
            pltpu.VMEM((CNT_ROWS, C), jnp.int32),
            pltpu.VMEM((W_ROWS, C), jnp.int32),
            pltpu.VMEM((W_ROWS, C), jnp.int32),
            pltpu.VMEM((EPW,), jnp.float32),
            pltpu.VMEM((C,), jnp.float32),
            pltpu.VMEM((SEG_PER_TILE,), jnp.float32),
            pltpu.SemaphoreType.DMA,
        ],
    )(ei, et)


def _agg_body(do, dst2_hbm, g2_hbm, w_hbm, y_hbm, agg_hbm,
              agg_sh, dbuf2, gbuf2, wbuf, rbuf, zb2, gsem, ssem):
    cid = lax.axis_index("c")
    sid = lax.axis_index("s")
    wid = cid * NS + sid

    wrow = wid * W_ROWS
    pltpu.sync_copy(dst2_hbm.at[pl.ds(wrow, W_ROWS)], dbuf2)
    pltpu.sync_copy(g2_hbm.at[pl.ds(wrow, W_ROWS)], gbuf2)
    pltpu.sync_copy(w_hbm.at[pl.ds(wid * EPW, EPW)], wbuf)
    _zero_vmem_2d(zb2, ZROWS, do)

    def zero_slice(i, _):
        pltpu.sync_copy(zb2, agg_sh.at[pl.ds(sid * NPT + i * ZROWS, ZROWS)])
        return 0

    lax.fori_loop(0, NPT // ZROWS, zero_slice, 0)
    plsc.subcore_barrier()

    for b in range(PIPE):
        pltpu.async_copy(y_hbm.at[gbuf2.at[b]], rbuf.at[b], gsem)

    def step(j, _):
        slot = lax.rem(j, SLOTS)
        pltpu.make_async_copy(y_hbm.at[gbuf2.at[j]], rbuf.at[slot], gsem).wait()

        def scale16(m, _):
            wv = wbuf[pl.ds(j * C + m * 16, 16)]
            for l in range(16):
                e = m * 16 + l
                w = wv[l]
                for q in range(do // 16):
                    s = pl.ds(q * 16, 16)
                    rbuf[slot, e, s] = rbuf[slot, e, s] * w
            return 0

        @plsc.parallel_loop(0, C // 16, unroll=8)
        def scale16(m):
            wv = wbuf[pl.ds(j * C + m * 16, 16)]
            for l in range(16):
                e = m * 16 + l
                w = wv[l]
                for q in range(do // 16):
                    s = pl.ds(q * 16, 16)
                    rbuf[slot, e, s] = rbuf[slot, e, s] * w

        pltpu.async_copy(rbuf.at[slot], agg_sh.at[dbuf2.at[j]], ssem, add=True)

        @pl.when(j >= PIPE)
        def _():
            jm = j - PIPE
            pltpu.make_async_copy(
                rbuf.at[lax.rem(jm, SLOTS)], agg_sh.at[dbuf2.at[jm]], ssem
            ).wait()

        @pl.when(j + PIPE < NCHUNK)
        def _():
            jp = j + PIPE
            pltpu.async_copy(
                y_hbm.at[gbuf2.at[jp]], rbuf.at[lax.rem(jp, SLOTS)], gsem
            )

        return 0

    lax.fori_loop(0, NCHUNK, step, 0)
    for b in range(PIPE):
        jm = NCHUNK - PIPE + b
        pltpu.make_async_copy(
            rbuf.at[lax.rem(jm, SLOTS)], agg_sh.at[dbuf2.at[jm]], ssem
        ).wait()
    plsc.subcore_barrier()

    def out_slice(i, _):
        rows = pl.ds(sid * NPT + i * ZROWS, ZROWS)
        pltpu.sync_copy(agg_sh.at[rows], zb2)
        pltpu.sync_copy(zb2, agg_hbm.at[cid, rows])
        return 0

    lax.fori_loop(0, NPT // ZROWS, out_slice, 0)


def _aggregate(dst2, g2, w_edge, y_flat, do):
    return pl.kernel(
        functools.partial(_agg_body, do),
        out_type=pltpu.MemorySpace.HBM((NC, NP, do), jnp.float32),
        mesh=_MESH,
        compiler_params=pltpu.CompilerParams(use_tc_tiling_on_sc=False),
        scratch_types=[
            pltpu.VMEM_SHARED((NP, do), jnp.float32),
            pltpu.VMEM((W_ROWS, C), jnp.int32),
            pltpu.VMEM((W_ROWS, C), jnp.int32),
            pltpu.VMEM((EPW,), jnp.float32),
            pltpu.VMEM((SLOTS, C, do), jnp.float32),
            pltpu.VMEM((ZROWS, do), jnp.float32),
            pltpu.SemaphoreType.DMA,
            pltpu.SemaphoreType.DMA,
        ],
    )(dst2, g2, w_edge, y_flat)


def _mm_body(x_ref, w_ref, y_ref, p_ref):
    r = pl.program_id(0)
    y = jnp.dot(x_ref[...], w_ref[0], preferred_element_type=jnp.float32)

    @pl.when(r < R)
    def _():
        y_ref[0] = y

    @pl.when(r == R)
    def _():
        p_ref[...] = y


def _transform(x_packed, w_packed):
    g, dink, _ = w_packed.shape
    rows = x_packed.shape[0]
    return pl.pallas_call(
        _mm_body,
        grid=(g,),
        in_specs=[
            pl.BlockSpec((rows, dink), lambda r: (0, 0)),
            pl.BlockSpec((1, dink, 128), lambda r: (r, 0, 0)),
        ],
        out_specs=[
            pl.BlockSpec((1, rows, 128), lambda r: (jnp.minimum(r, R - 1), 0, 0)),
            pl.BlockSpec((rows, 128), lambda r: (0, 0)),
        ],
        out_shape=[
            jax.ShapeDtypeStruct((R, rows, 128), jnp.float32),
            jax.ShapeDtypeStruct((rows, 128), jnp.float32),
        ],
    )(x_packed, w_packed)


def _mm1_body(x_ref, w_ref, y_ref, p_ref):
    for r in range(R):
        y_ref[r] = jnp.dot(x_ref[...], w_ref[r], preferred_element_type=jnp.float32)
    p_ref[...] = jnp.dot(x_ref[...], w_ref[R], preferred_element_type=jnp.float32)


def _transform_single(x_packed, w_packed):
    rows = x_packed.shape[0]
    return pl.pallas_call(
        _mm1_body,
        out_shape=[
            jax.ShapeDtypeStruct((R, rows, 128), jnp.float32),
            jax.ShapeDtypeStruct((rows, 128), jnp.float32),
        ],
    )(x_packed, w_packed)


def _blockdiag(w_all, k):
    eye = jnp.eye(k, dtype=w_all.dtype)
    return jax.vmap(lambda wr: jnp.kron(eye, wr))(w_all)


def _combine_relu_body(a_ref, p_ref, b_ref, h_ref):
    n = p_ref.shape[0]
    h = jnp.maximum(a_ref[0, :n] + a_ref[1, :n] + p_ref[...] + b_ref[...], 0.0)
    h_ref[...] = h.reshape(h_ref.shape)


def _combine_relu(agg_packed, p_packed, b_tiled):
    n = p_packed.shape[0]
    return pl.pallas_call(
        _combine_relu_body,
        out_shape=jax.ShapeDtypeStruct((n // 4, 512), jnp.float32),
    )(agg_packed, p_packed, b_tiled.reshape(1, 128))


def _combine_sigmoid_body(a_ref, p_ref, b_ref, o_ref):
    n = p_ref.shape[0]
    o_ref[...] = jax.nn.sigmoid(a_ref[0, :n] + a_ref[1, :n] + p_ref[...] + b_ref[...])


def _combine_sigmoid(agg_packed, p_packed, b_tiled):
    n = p_packed.shape[0]
    return pl.pallas_call(
        _combine_sigmoid_body,
        out_shape=jax.ShapeDtypeStruct((n, 128), jnp.float32),
    )(agg_packed, p_packed, b_tiled.reshape(1, 128))


def kernel(edge_index, edge_type, emb, W1, root1, bias1, W2, root2, bias2):
    ei = edge_index.astype(jnp.int32)
    et = edge_type.astype(jnp.int32)

    w_edge, g2, d2 = _edge_weights(ei, et)

    k1 = 128 // H1
    w1_all = _blockdiag(jnp.concatenate([W1, root1[None]], axis=0), k1)
    y1, p1 = _transform(emb.reshape(N // k1, D * k1), w1_all)
    agg1 = _aggregate(d2, g2, w_edge, y1.reshape(R * N, H1), H1)
    h_packed = _combine_relu(
        agg1.reshape(NC, NP // k1, 128), p1, jnp.tile(bias1, k1)
    )

    k2 = 128 // H2
    w2_all = _blockdiag(jnp.concatenate([W2, root2[None]], axis=0), k2)
    y2, p2 = _transform_single(h_packed, w2_all)
    agg2 = _aggregate(d2, g2, w_edge, y2.reshape(R * N, H2), H2)
    out_packed = _combine_sigmoid(
        agg2.reshape(NC, NP // k2, 128), p2, jnp.tile(bias2, k2)
    )
    return out_packed.reshape(N, H2)

# --- scband reference (transcript-rebuilt; emitter-appended) ---
"""Pipeline reference for scband-emb-layers-22110491640675 (READ-ONLY COPY).

The authoritative reference and input builder live on the scoring server;
editing this copy changes nothing except your own understanding.
"""

import jax, jax.numpy as jnp
import numpy as np

N = 10000
E = 320000
R = 16
D = 128
H = 64
L = 16


def setup_inputs(seed: int = 0) -> dict:
    key = jax.random.key(seed)
    ks = jax.random.split(key, 9)
    edge_index = jax.random.randint(ks[0], (2, E), 0, N, dtype=jnp.int64 if jax.config.jax_enable_x64 else jnp.int32)
    edge_type = jax.random.randint(ks[1], (E,), 0, R, dtype=jnp.int64 if jax.config.jax_enable_x64 else jnp.int32)
    emb = jax.random.normal(ks[2], (N, D), dtype=jnp.float32)
    W1 = jax.random.normal(ks[3], (R, D, H), dtype=jnp.float32) * (1.0 / np.sqrt(D))
    root1 = jax.random.normal(ks[4], (D, H), dtype=jnp.float32) * (1.0 / np.sqrt(D))
    bias1 = jnp.zeros((H,), dtype=jnp.float32)
    W2 = jax.random.normal(ks[5], (R, H, L), dtype=jnp.float32) * (1.0 / np.sqrt(H))
    root2 = jax.random.normal(ks[6], (H, L), dtype=jnp.float32) * (1.0 / np.sqrt(H))
    bias2 = jnp.zeros((L,), dtype=jnp.float32)
    return {
        "edge_index": edge_index,
        "edge_type": edge_type,
        "emb": emb,
        "W1": W1,
        "root1": root1,
        "bias1": bias1,
        "W2": W2,
        "root2": root2,
        "bias2": bias2,
    }


def _rgcn_conv(x, edge_index, edge_type, W, root, bias):
    # PyG RGCNConv semantics: per-relation mean aggregation of source features,
    # then relation-specific linear transform, plus root transform and bias.
    n = x.shape[0]
    r = W.shape[0]
    d = x.shape[1]
    src = edge_index[0]
    dst = edge_index[1]
    seg = dst * r + edge_type  # combined (dst node, relation) segment id
    msg = x[src]  # gather source features per edge
    sums = jax.ops.segment_sum(msg, seg, num_segments=n * r)
    cnt = jax.ops.segment_sum(jnp.ones((msg.shape[0],), dtype=x.dtype), seg, num_segments=n * r)
    mean = sums / jnp.maximum(cnt, 1.0)[:, None]
    mean = mean.reshape(n, r, d)
    out = jnp.einsum("nrd,rdo->no", mean, W) + x @ root + bias
    return out


def reference(edge_index, edge_type, emb, W1, root1, bias1, W2, root2, bias2):
    h = jax.nn.relu(_rgcn_conv(emb, edge_index, edge_type, W1, root1, bias1))
    out = jax.nn.sigmoid(_rgcn_conv(h, edge_index, edge_type, W2, root2, bias2))
    return out

if __name__ == "__main__":
    import jax
    _d = setup_inputs()
    print(jax.jit(kernel)(*tuple(_d.values())))

</pallas_src>

<mosaic_0001>
#map = affine_map<(d0, d1) -> (0, 0)>
#map1 = affine_map<(d0, d1) -> (0)>
module attributes {stable_mosaic.version = 14 : i64} {
  func.func @_cw_body(%arg0: i32, %arg1: i32, %arg2: memref<2x320000xi32, #tpu.memory_space<hbm>>, %arg3: memref<320000xi32, #tpu.memory_space<hbm>>, %arg4: memref<320000xf32, #tpu.memory_space<hbm>>, %arg5: memref<4000x80xi32, #tpu.memory_space<hbm>>, %arg6: memref<4000x80xi32, #tpu.memory_space<hbm>>, %arg7: memref<160000xf32, #tpu.memory_space<vmem_shared>>, %arg8: memref<20000xi32, #tpu.memory_space<vmem>>, %arg9: memref<20000xi32, #tpu.memory_space<vmem>>, %arg10: memref<10000xi32, #tpu.memory_space<vmem>>, %arg11: memref<250x80xi32, #tpu.memory_space<vmem>>, %arg12: memref<125x80xi32, #tpu.memory_space<vmem>>, %arg13: memref<125x80xi32, #tpu.memory_space<vmem>>, %arg14: memref<10000xf32, #tpu.memory_space<vmem>>, %arg15: memref<80xf32, #tpu.memory_space<vmem>>, %arg16: memref<10000xf32, #tpu.memory_space<vmem>>, %arg17: memref<!tpu.dma_semaphore, #tpu.memory_space<semaphore_mem>>) attributes {dimension_semantics = [#tpu.dimension_semantics<core_parallel>, #tpu.dimension_semantics<subcore_parallel>], iteration_bounds = array<i64: 2, 16>, scalar_prefetch = 0 : i64, scratch_operands = 11 : i64, tpu.core_type = #tpu.core_type<sc_vector_subcore>, window_params = [{transform_indices = #map}, {transform_indices = #map1}, {transform_indices = #map1}, {transform_indices = #map}, {transform_indices = #map}]} {
    %mul3A = arith.constant 16 : i32
    %mul3A_0 = arith.muli %arg0, %mul3A : i32
    %add3A = arith.addi %mul3A_0, %arg1 : i32
    %broadcast_in_dim3A = arith.constant 0.000000e+00 : f32
    %broadcast_in_dim3A_1 = vector.broadcast %broadcast_in_dim3A : f32 to vector<16xf32>
    %scan3A = arith.constant 0 : i32
    %scan3A_2 = arith.constant 0 : i32
    %scan3A_3 = arith.constant 624 : i32
    %scan3A_4 = arith.addi %scan3A_2, %scan3A_3 : i32
    %scan3A_5 = arith.constant 4 : i32
    %scan3A_6 = scf.for %scan3A_208 = %scan3A_2 to %scan3A_4 step %scan3A_5 iter_args(%scan3A_209 = %scan3A) -> (i32)  : i32 {
      %mul3A_210 = arith.constant 16 : i32
      %mul3A_211 = arith.muli %scan3A_208, %mul3A_210 : i32
      %swap3A_212 = arith.index_cast %mul3A_211 : i32 to index
      %swap3A_213 = tpu.vector_load %arg16[%swap3A_212] {strides = array<i32>} : memref<10000xf32, #tpu.memory_space<vmem>>, vector<16xf32>,
      %swap3A_214 = vector.shape_cast %swap3A_213 : vector<16xf32> to vector<16xf32>
      %swap3A_215 = vector.shape_cast %broadcast_in_dim3A_1 : vector<16xf32> to vector<16xf32>
      tpu.vector_store %arg16[%swap3A_212], %swap3A_215 {strides = array<i32>} : memref<10000xf32, #tpu.memory_space<vmem>>, vector<16xf32>,
      %scan3A_216 = arith.constant 0 : i32
      %scan3A_217 = arith.constant 1 : i32
      %scan3A_218 = arith.addi %scan3A_208, %scan3A_217 : i32
      %mul3A_219 = arith.constant 16 : i32
      %mul3A_220 = arith.muli %scan3A_218, %mul3A_219 : i32
      %swap3A_221 = arith.index_cast %mul3A_220 : i32 to index
      %swap3A_222 = tpu.vector_load %arg16[%swap3A_221] {strides = array<i32>} : memref<10000xf32, #tpu.memory_space<vmem>>, vector<16xf32>,
      %swap3A_223 = vector.shape_cast %swap3A_222 : vector<16xf32> to vector<16xf32>
      %swap3A_224 = vector.shape_cast %broadcast_in_dim3A_1 : vector<16xf32> to vector<16xf32>
      tpu.vector_store %arg16[%swap3A_221], %swap3A_224 {strides = array<i32>} : memref<10000xf32, #tpu.memory_space<vmem>>, vector<16xf32>,
      %scan3A_225 = arith.constant 0 : i32
      %scan3A_226 = arith.constant 2 : i32
      %scan3A_227 = arith.addi %scan3A_208, %scan3A_226 : i32
      %mul3A_228 = arith.constant 16 : i32
      %mul3A_229 = arith.muli %scan3A_227, %mul3A_228 : i32
      %swap3A_230 = arith.index_cast %mul3A_229 : i32 to index
      %swap3A_231 = tpu.vector_load %arg16[%swap3A_230] {strides = array<i32>} : memref<10000xf32, #tpu.memory_space<vmem>>, vector<16xf32>,
      %swap3A_232 = vector.shape_cast %swap3A_231 : vector<16xf32> to vector<16xf32>
      %swap3A_233 = vector.shape_cast %broadcast_in_dim3A_1 : vector<16xf32> to vector<16xf32>
      tpu.vector_store %arg16[%swap3A_230], %swap3A_233 {strides = array<i32>} : memref<10000xf32, #tpu.memory_space<vmem>>, vector<16xf32>,
      %scan3A_234 = arith.constant 0 : i32
      %scan3A_235 = arith.constant 3 : i32
      %scan3A_236 = arith.addi %scan3A_208, %scan3A_235 : i32
      %mul3A_237 = arith.constant 16 : i32
      %mul3A_238 = arith.muli %scan3A_236, %mul3A_237 : i32
      %swap3A_239 = arith.index_cast %mul3A_238 : i32 to index
      %swap3A_240 = tpu.vector_load %arg16[%swap3A_239] {strides = array<i32>} : memref<10000xf32, #tpu.memory_space<vmem>>, vector<16xf32>,
      %swap3A_241 = vector.shape_cast %swap3A_240 : vector<16xf32> to vector<16xf32>
      %swap3A_242 = vector.shape_cast %broadcast_in_dim3A_1 : vector<16xf32> to vector<16xf32>
      tpu.vector_store %arg16[%swap3A_239], %swap3A_242 {strides = array<i32>} : memref<10000xf32, #tpu.memory_space<vmem>>, vector<16xf32>,
      %scan3A_243 = arith.constant 0 : i32
      scf.yield %scan3A_243 : i32
    }
    %scan3A_7 = arith.constant 624 : i32
    %scan3A_8 = arith.addi %scan3A_2, %scan3A_7 : i32
    %mul3A_9 = arith.constant 16 : i32
    %mul3A_10 = arith.muli %scan3A_8, %mul3A_9 : i32
    %swap3A = arith.index_cast %mul3A_10 : i32 to index
    %swap3A_11 = tpu.vector_load %arg16[%swap3A] {strides = array<i32>} : memref<10000xf32, #tpu.memory_space<vmem>>, vector<16xf32>,
    %swap3A_12 = vector.shape_cast %swap3A_11 : vector<16xf32> to vector<16xf32>
    %swap3A_13 = vector.shape_cast %broadcast_in_dim3A_1 : vector<16xf32> to vector<16xf32>
    tpu.vector_store %arg16[%swap3A], %swap3A_13 {strides = array<i32>} : memref<10000xf32, #tpu.memory_space<vmem>>, vector<16xf32>,
    %scan3A_14 = arith.constant 0 : i32
    %scan3A_15 = arith.constant 625 : i32
    %broadcast_in_dim3A_16 = arith.constant 1.000000e+00 : f32
    %broadcast_in_dim3A_17 = vector.broadcast %broadcast_in_dim3A_16 : f32 to vector<16xf32>
    %scan3A_18 = arith.constant 0 : i32
    %scan3A_19 = arith.constant 0 : i32
    %scan3A_20 = arith.constant 4 : i32
    %scan3A_21 = arith.addi %scan3A_19, %scan3A_20 : i32
    %scan3A_22 = arith.constant 4 : i32
    %scan3A_23 = scf.for %scan3A_208 = %scan3A_19 to %scan3A_21 step %scan3A_22 iter_args(%scan3A_209 = %scan3A_18) -> (i32)  : i32 {
      %mul3A_210 = arith.constant 16 : i32
      %mul3A_211 = arith.muli %scan3A_208, %mul3A_210 : i32
      %swap3A_212 = arith.index_cast %mul3A_211 : i32 to index
      %swap3A_213 = tpu.vector_load %arg15[%swap3A_212] {strides = array<i32>} : memref<80xf32, #tpu.memory_space<vmem>>, vector<16xf32>,
      %swap3A_214 = vector.shape_cast %swap3A_213 : vector<16xf32> to vector<16xf32>
      %swap3A_215 = vector.shape_cast %broadcast_in_dim3A_17 : vector<16xf32> to vector<16xf32>
      tpu.vector_store %arg15[%swap3A_212], %swap3A_215 {strides = array<i32>} : memref<80xf32, #tpu.memory_space<vmem>>, vector<16xf32>,
      %scan3A_216 = arith.constant 0 : i32
      %scan3A_217 = arith.constant 1 : i32
      %scan3A_218 = arith.addi %scan3A_208, %scan3A_217 : i32
      %mul3A_219 = arith.constant 16 : i32
      %mul3A_220 = arith.muli %scan3A_218, %mul3A_219 : i32
      %swap3A_221 = arith.index_cast %mul3A_220 : i32 to index
      %swap3A_222 = tpu.vector_load %arg15[%swap3A_221] {strides = array<i32>} : memref<80xf32, #tpu.memory_space<vmem>>, vector<16xf32>,
      %swap3A_223 = vector.shape_cast %swap3A_222 : vector<16xf32> to vector<16xf32>
      %swap3A_224 = vector.shape_cast %broadcast_in_dim3A_17 : vector<16xf32> to vector<16xf32>
      tpu.vector_store %arg15[%swap3A_221], %swap3A_224 {strides = array<i32>} : memref<80xf32, #tpu.memory_space<vmem>>, vector<16xf32>,
      %scan3A_225 = arith.constant 0 : i32
      %scan3A_226 = arith.constant 2 : i32
      %scan3A_227 = arith.addi %scan3A_208, %scan3A_226 : i32
      %mul3A_228 = arith.constant 16 : i32
      %mul3A_229 = arith.muli %scan3A_227, %mul3A_228 : i32
      %swap3A_230 = arith.index_cast %mul3A_229 : i32 to index
      %swap3A_231 = tpu.vector_load %arg15[%swap3A_230] {strides = array<i32>} : memref<80xf32, #tpu.memory_space<vmem>>, vector<16xf32>,
      %swap3A_232 = vector.shape_cast %swap3A_231 : vector<16xf32> to vector<16xf32>
      %swap3A_233 = vector.shape_cast %broadcast_in_dim3A_17 : vector<16xf32> to vector<16xf32>
      tpu.vector_store %arg15[%swap3A_230], %swap3A_233 {strides = array<i32>} : memref<80xf32, #tpu.memory_space<vmem>>, vector<16xf32>,
      %scan3A_234 = arith.constant 0 : i32
      %scan3A_235 = arith.constant 3 : i32
      %scan3A_236 = arith.addi %scan3A_208, %scan3A_235 : i32
      %mul3A_237 = arith.constant 16 : i32
      %mul3A_238 = arith.muli %scan3A_236, %mul3A_237 : i32
      %swap3A_239 = arith.index_cast %mul3A_238 : i32 to index
      %swap3A_240 = tpu.vector_load %arg15[%swap3A_239] {strides = array<i32>} : memref<80xf32, #tpu.memory_space<vmem>>, vector<16xf32>,
      %swap3A_241 = vector.shape_cast %swap3A_240 : vector<16xf32> to vector<16xf32>
      %swap3A_242 = vector.shape_cast %broadcast_in_dim3A_17 : vector<16xf32> to vector<16xf32>
      tpu.vector_store %arg15[%swap3A_239], %swap3A_242 {strides = array<i32>} : memref<80xf32, #tpu.memory_space<vmem>>, vector<16xf32>,
      %scan3A_243 = arith.constant 0 : i32
      scf.yield %scan3A_243 : i32
    }
    %scan3A_24 = arith.constant 4 : i32
    %scan3A_25 = arith.addi %scan3A_19, %scan3A_24 : i32
    %mul3A_26 = arith.constant 16 : i32
    %mul3A_27 = arith.muli %scan3A_25, %mul3A_26 : i32
    %swap3A_28 = arith.index_cast %mul3A_27 : i32 to index
    %swap3A_29 = tpu.vector_load %arg15[%swap3A_28] {strides = array<i32>} : memref<80xf32, #tpu.memory_space<vmem>>, vector<16xf32>,
    %swap3A_30 = vector.shape_cast %swap3A_29 : vector<16xf32> to vector<16xf32>
    %swap3A_31 = vector.shape_cast %broadcast_in_dim3A_17 : vector<16xf32> to vector<16xf32>
    tpu.vector_store %arg15[%swap3A_28], %swap3A_31 {strides = array<i32>} : memref<80xf32, #tpu.memory_space<vmem>>, vector<16xf32>,
    %scan3A_32 = arith.constant 0 : i32
    %scan3A_33 = arith.constant 5 : i32
    %mul3A_34 = arith.constant 10000 : i32
    %mul3A_35 = arith.muli %arg1, %mul3A_34 : i32
    "tpu.region"() ({
      %run_scoped3A_208 = tpu.sem_alloc : memref<!tpu.dma_semaphore, #tpu.memory_space<semaphore_mem>>
      %dma_start3A = tpu.memref_slice %arg7[%mul3A_35] : memref<160000xf32, #tpu.memory_space<vmem_shared>> -> memref<10000xf32, #tpu.memory_space<vmem_shared>>
      %dma_start3A_209 = tpu.memref_slice %arg7[%mul3A_35] : memref<160000xf32, #tpu.memory_space<vmem_shared>> -> memref<10000xf32, #tpu.memory_space<vmem_shared>>
      tpu.enqueue_dma source(%arg16 : memref<10000xf32, #tpu.memory_space<vmem>>) target(%dma_start3A_209 : memref<10000xf32, #tpu.memory_space<vmem_shared>>) target_semaphore(%run_scoped3A_208 : memref<!tpu.dma_semaphore, #tpu.memory_space<semaphore_mem>>)
      %dma_wait3A_210 = tpu.memref_slice %arg7[%mul3A_35] : memref<160000xf32, #tpu.memory_space<vmem_shared>> -> memref<10000xf32, #tpu.memory_space<vmem_shared>>
      %dma_wait3A_211 = tpu.memref_slice %arg7[%mul3A_35] : memref<160000xf32, #tpu.memory_space<vmem_shared>> -> memref<10000xf32, #tpu.memory_space<vmem_shared>>
      tpu.wait_dma2 semaphore(%run_scoped3A_208 : memref<!tpu.dma_semaphore, #tpu.memory_space<semaphore_mem>>) src(%arg16 : memref<10000xf32, #tpu.memory_space<vmem>>) dst(%dma_wait3A_211 : memref<10000xf32, #tpu.memory_space<vmem_shared>>)
      tpu.yield
    }) : () -> ()
    %barrier3A = arith.constant 0 : index
    tpu.barrier barrier_id(%barrier3A)
    %mul3A_36 = arith.constant 20000 : i32
    %mul3A_37 = arith.muli %arg1, %mul3A_36 : i32
    %run_scoped3A = arith.constant 1 : i32
    "tpu.region"() ({
      %run_scoped3A_208 = tpu.sem_alloc : memref<!tpu.dma_semaphore, #tpu.memory_space<semaphore_mem>>
      %dma_start3A = tpu.memref_slice %arg2[%run_scoped3A, %mul3A_37] : memref<2x320000xi32, #tpu.memory_space<hbm>> -> memref<1x20000xi32, #tpu.memory_space<hbm>>
      %dma_start3A_209 = tpu.memref_squeeze %dma_start3A : memref<1x20000xi32, #tpu.memory_space<hbm>> -> memref<20000xi32, #tpu.memory_space<hbm>>
      %dma_start3A_210 = tpu.memref_slice %arg2[%run_scoped3A, %mul3A_37] : memref<2x320000xi32, #tpu.memory_space<hbm>> -> memref<1x20000xi32, #tpu.memory_space<hbm>>
      %dma_start3A_211 = tpu.memref_squeeze %dma_start3A_210 : memref<1x20000xi32, #tpu.memory_space<hbm>> -> memref<20000xi32, #tpu.memory_space<hbm>>
      tpu.enqueue_dma source(%dma_start3A_211 : memref<20000xi32, #tpu.memory_space<hbm>>) target(%arg8 : memref<20000xi32, #tpu.memory_space<vmem>>) target_semaphore(%run_scoped3A_208 : memref<!tpu.dma_semaphore, #tpu.memory_space<semaphore_mem>>)
      %dma_wait3A_212 = tpu.memref_slice %arg2[%run_scoped3A, %mul3A_37] : memref<2x320000xi32, #tpu.memory_space<hbm>> -> memref<1x20000xi32, #tpu.memory_space<hbm>>
      %dma_wait3A_213 = tpu.memref_squeeze %dma_wait3A_212 : memref<1x20000xi32, #tpu.memory_space<hbm>> -> memref<20000xi32, #tpu.memory_space<hbm>>
      %dma_wait3A_214 = tpu.memref_slice %arg2[%run_scoped3A, %mul3A_37] : memref<2x320000xi32, #tpu.memory_space<hbm>> -> memref<1x20000xi32, #tpu.memory_space<hbm>>
      %dma_wait3A_215 = tpu.memref_squeeze %dma_wait3A_214 : memref<1x20000xi32, #tpu.memory_space<hbm>> -> memref<20000xi32, #tpu.memory_space<hbm>>
      tpu.wait_dma2 semaphore(%run_scoped3A_208 : memref<!tpu.dma_semaphore, #tpu.memory_space<semaphore_mem>>) src(%dma_wait3A_215 : memref<20000xi32, #tpu.memory_space<hbm>>) dst(%arg8 : memref<20000xi32, #tpu.memory_space<vmem>>)
      tpu.yield
    }) : () -> ()
    "tpu.region"() ({
      %run_scoped3A_208 = tpu.sem_alloc : memref<!tpu.dma_semaphore, #tpu.memory_space<semaphore_mem>>
      %dma_start3A = tpu.memref_slice %arg3[%mul3A_37] : memref<320000xi32, #tpu.memory_space<hbm>> -> memref<20000xi32, #tpu.memory_space<hbm>>
      %dma_start3A_209 = tpu.memref_slice %arg3[%mul3A_37] : memref<320000xi32, #tpu.memory_space<hbm>> -> memref<20000xi32, #tpu.memory_space<hbm>>
      tpu.enqueue_dma source(%dma_start3A_209 : memref<20000xi32, #tpu.memory_space<hbm>>) target(%arg9 : memref<20000xi32, #tpu.memory_space<vmem>>) target_semaphore(%run_scoped3A_208 : memref<!tpu.dma_semaphore, #tpu.memory_space<semaphore_mem>>)
      %dma_wait3A_210 = tpu.memref_slice %arg3[%mul3A_37] : memref<320000xi32, #tpu.memory_space<hbm>> -> memref<20000xi32, #tpu.memory_space<hbm>>
      %dma_wait3A_211 = tpu.memref_slice %arg3[%mul3A_37] : memref<320000xi32, #tpu.memory_space<hbm>> -> memref<20000xi32, #tpu.memory_space<hbm>>
      tpu.wait_dma2 semaphore(%run_scoped3A_208 : memref<!tpu.dma_semaphore, #tpu.memory_space<semaphore_mem>>) src(%dma_wait3A_211 : memref<20000xi32, #tpu.memory_space<hbm>>) dst(%arg9 : memref<20000xi32, #tpu.memory_space<vmem>>)
      tpu.yield
    }) : () -> ()
    %parallel_loop3A = arith.constant 0 : i32
    %parallel_loop3A_38 = arith.constant 250 : i32
    %parallel_loop3A_39 = arith.constant 1 : i32
    scf.for %parallel_loop3A_208 = %parallel_loop3A to %parallel_loop3A_38 step %parallel_loop3A_39  : i32 {
      %parallel_loop3A_209 = arith.constant 80 : i32
      %parallel_loop3A_210 = arith.muli %parallel_loop3A_208, %parallel_loop3A_209 : i32
      %parallel_loop3A_211 = arith.constant 0 : i32
      %parallel_loop3A_212 = arith.addi %parallel_loop3A_210, %parallel_loop3A_211 : i32
      %parallel_loop3A_213 = arith.index_cast %parallel_loop3A_212 : i32 to index
      %parallel_loop3A_214 = tpu.vector_load %arg8[%parallel_loop3A_213] {strides = array<i32>} : memref<20000xi32, #tpu.memory_space<vmem>>, vector<16xi32>,
      %parallel_loop3A_215 = vector.shape_cast %parallel_loop3A_214 : vector<16xi32> to vector<16xi32>
      %parallel_loop3A_216 = arith.constant 16 : i32
      %parallel_loop3A_217 = vector.broadcast %parallel_loop3A_216 : i32 to vector<16xi32>
      %parallel_loop3A_218 = arith.muli %parallel_loop3A_215, %parallel_loop3A_217 : vector<16xi32>
      %parallel_loop3A_219 = arith.index_cast %parallel_loop3A_212 : i32 to index
      %parallel_loop3A_220 = tpu.vector_load %arg9[%parallel_loop3A_219] {strides = array<i32>} : memref<20000xi32, #tpu.memory_space<vmem>>, vector<16xi32>,
      %parallel_loop3A_221 = vector.shape_cast %parallel_loop3A_220 : vector<16xi32> to vector<16xi32>
      %parallel_loop3A_222 = arith.addi %parallel_loop3A_218, %parallel_loop3A_221 : vector<16xi32>
      %parallel_loop3A_223 = arith.index_cast %parallel_loop3A_208 : i32 to index
      %parallel_loop3A_224 = arith.constant 0 : index
      %parallel_loop3A_225 = tpu.vector_load %arg11[%parallel_loop3A_223, %parallel_loop3A_224] {strides = array<i32>} : memref<250x80xi32, #tpu.memory_space<vmem>>, vector<1x16xi32>,
      %parallel_loop3A_226 = vector.shape_cast %parallel_loop3A_225 : vector<1x16xi32> to vector<16xi32>
      %parallel_loop3A_227 = vector.shape_cast %parallel_loop3A_222 : vector<16xi32> to vector<1x16xi32>
      tpu.vector_store %arg11[%parallel_loop3A_223, %parallel_loop3A_224], %parallel_loop3A_227 {strides = array<i32>} : memref<250x80xi32, #tpu.memory_space<vmem>>, vector<1x16xi32>,
      %parallel_loop3A_228 = arith.constant 80 : i32
      %parallel_loop3A_229 = arith.muli %parallel_loop3A_208, %parallel_loop3A_228 : i32
      %parallel_loop3A_230 = arith.constant 16 : i32
      %parallel_loop3A_231 = arith.addi %parallel_loop3A_229, %parallel_loop3A_230 : i32
      %parallel_loop3A_232 = arith.index_cast %parallel_loop3A_231 : i32 to index
      %parallel_loop3A_233 = tpu.vector_load %arg8[%parallel_loop3A_232] {strides = array<i32>} : memref<20000xi32, #tpu.memory_space<vmem>>, vector<16xi32>,
      %parallel_loop3A_234 = vector.shape_cast %parallel_loop3A_233 : vector<16xi32> to vector<16xi32>
      %parallel_loop3A_235 = arith.constant 16 : i32
      %parallel_loop3A_236 = vector.broadcast %parallel_loop3A_235 : i32 to vector<16xi32>
      %parallel_loop3A_237 = arith.muli %parallel_loop3A_234, %parallel_loop3A_236 : vector<16xi32>
      %parallel_loop3A_238 = arith.index_cast %parallel_loop3A_231 : i32 to index
      %parallel_loop3A_239 = tpu.vector_load %arg9[%parallel_loop3A_238] {strides = array<i32>} : memref<20000xi32, #tpu.memory_space<vmem>>, vector<16xi32>,
      %parallel_loop3A_240 = vector.shape_cast %parallel_loop3A_239 : vector<16xi32> to vector<16xi32>
      %parallel_loop3A_241 = arith.addi %parallel_loop3A_237, %parallel_loop3A_240 : vector<16xi32>
      %parallel_loop3A_242 = arith.index_cast %parallel_loop3A_208 : i32 to index
      %parallel_loop3A_243 = arith.constant 16 : index
      %parallel_loop3A_244 = tpu.vector_load %arg11[%parallel_loop3A_242, %parallel_loop3A_243] {strides = array<i32>} : memref<250x80xi32, #tpu.memory_space<vmem>>, vector<1x16xi32>,
      %parallel_loop3A_245 = vector.shape_cast %parallel_loop3A_244 : vector<1x16xi32> to vector<16xi32>
      %parallel_loop3A_246 = vector.shape_cast %parallel_loop3A_241 : vector<16xi32> to vector<1x16xi32>
      tpu.vector_store %arg11[%parallel_loop3A_242, %parallel_loop3A_243], %parallel_loop3A_246 {strides = array<i32>} : memref<250x80xi32, #tpu.memory_space<vmem>>, vector<1x16xi32>,
      %parallel_loop3A_247 = arith.constant 80 : i32
      %parallel_loop3A_248 = arith.muli %parallel_loop3A_208, %parallel_loop3A_247 : i32
      %parallel_loop3A_249 = arith.constant 32 : i32
      %parallel_loop3A_250 = arith.addi %parallel_loop3A_248, %parallel_loop3A_249 : i32
      %parallel_loop3A_251 = arith.index_cast %parallel_loop3A_250 : i32 to index
      %parallel_loop3A_252 = tpu.vector_load %arg8[%parallel_loop3A_251] {strides = array<i32>} : memref<20000xi32, #tpu.memory_space<vmem>>, vector<16xi32>,
      %parallel_loop3A_253 = vector.shape_cast %parallel_loop3A_252 : vector<16xi32> to vector<16xi32>
      %parallel_loop3A_254 = arith.constant 16 : i32
      %parallel_loop3A_255 = vector.broadcast %parallel_loop3A_254 : i32 to vector<16xi32>
      %parallel_loop3A_256 = arith.muli %parallel_loop3A_253, %parallel_loop3A_255 : vector<16xi32>
      %parallel_loop3A_257 = arith.index_cast %parallel_loop3A_250 : i32 to index
      %parallel_loop3A_258 = tpu.vector_load %arg9[%parallel_loop3A_257] {strides = array<i32>} : memref<20000xi32, #tpu.memory_space<vmem>>, vector<16xi32>,
      %parallel_loop3A_259 = vector.shape_cast %parallel_loop3A_258 : vector<16xi32> to vector<16xi32>
      %parallel_loop3A_260 = arith.addi %parallel_loop3A_256, %parallel_loop3A_259 : vector<16xi32>
      %parallel_loop3A_261 = arith.index_cast %parallel_loop3A_208 : i32 to index
      %parallel_loop3A_262 = arith.constant 32 : index
      %parallel_loop3A_263 = tpu.vector_load %arg11[%parallel_loop3A_261, %parallel_loop3A_262] {strides = array<i32>} : memref<250x80xi32, #tpu.memory_space<vmem>>, vector<1x16xi32>,
      %parallel_loop3A_264 = vector.shape_cast %parallel_loop3A_263 : vector<1x16xi32> to vector<16xi32>
      %parallel_loop3A_265 = vector.shape_cast %parallel_loop3A_260 : vector<16xi32> to vector<1x16xi32>
      tpu.vector_store %arg11[%parallel_loop3A_261, %parallel_loop3A_262], %parallel_loop3A_265 {strides = array<i32>} : memref<250x80xi32, #tpu.memory_space<vmem>>, vector<1x16xi32>,
      %parallel_loop3A_266 = arith.constant 80 : i32
      %parallel_loop3A_267 = arith.muli %parallel_loop3A_208, %parallel_loop3A_266 : i32
      %parallel_loop3A_268 = arith.constant 48 : i32
      %parallel_loop3A_269 = arith.addi %parallel_loop3A_267, %parallel_loop3A_268 : i32
      %parallel_loop3A_270 = arith.index_cast %parallel_loop3A_269 : i32 to index
      %parallel_loop3A_271 = tpu.vector_load %arg8[%parallel_loop3A_270] {strides = array<i32>} : memref<20000xi32, #tpu.memory_space<vmem>>, vector<16xi32>,
      %parallel_loop3A_272 = vector.shape_cast %parallel_loop3A_271 : vector<16xi32> to vector<16xi32>
      %parallel_loop3A_273 = arith.constant 16 : i32
      %parallel_loop3A_274 = vector.broadcast %parallel_loop3A_273 : i32 to vector<16xi32>
      %parallel_loop3A_275 = arith.muli %parallel_loop3A_272, %parallel_loop3A_274 : vector<16xi32>
      %parallel_loop3A_276 = arith.index_cast %parallel_loop3A_269 : i32 to index
      %parallel_loop3A_277 = tpu.vector_load %arg9[%parallel_loop3A_276] {strides = array<i32>} : memref<20000xi32, #tpu.memory_space<vmem>>, vector<16xi32>,
      %parallel_loop3A_278 = vector.shape_cast %parallel_loop3A_277 : vector<16xi32> to vector<16xi32>
      %parallel_loop3A_279 = arith.addi %parallel_loop3A_275, %parallel_loop3A_278 : vector<16xi32>
      %parallel_loop3A_280 = arith.index_cast %parallel_loop3A_208 : i32 to index
      %parallel_loop3A_281 = arith.constant 48 : index
      %parallel_loop3A_282 = tpu.vector_load %arg11[%parallel_loop3A_280, %parallel_loop3A_281] {strides = array<i32>} : memref<250x80xi32, #tpu.memory_space<vmem>>, vector<1x16xi32>,
      %parallel_loop3A_283 = vector.shape_cast %parallel_loop3A_282 : vector<1x16xi32> to vector<16xi32>
      %parallel_loop3A_284 = vector.shape_cast %parallel_loop3A_279 : vector<16xi32> to vector<1x16xi32>
      tpu.vector_store %arg11[%parallel_loop3A_280, %parallel_loop3A_281], %parallel_loop3A_284 {strides = array<i32>} : memref<250x80xi32, #tpu.memory_space<vmem>>, vector<1x16xi32>,
      %parallel_loop3A_285 = arith.constant 80 : i32
      %parallel_loop3A_286 = arith.muli %parallel_loop3A_208, %parallel_loop3A_285 : i32
      %parallel_loop3A_287 = arith.constant 64 : i32
      %parallel_loop3A_288 = arith.addi %parallel_loop3A_286, %parallel_loop3A_287 : i32
      %parallel_loop3A_289 = arith.index_cast %parallel_loop3A_288 : i32 to index
      %parallel_loop3A_290 = tpu.vector_load %arg8[%parallel_loop3A_289] {strides = array<i32>} : memref<20000xi32, #tpu.memory_space<vmem>>, vector<16xi32>,
      %parallel_loop3A_291 = vector.shape_cast %parallel_loop3A_290 : vector<16xi32> to vector<16xi32>
      %parallel_loop3A_292 = arith.constant 16 : i32
      %parallel_loop3A_293 = vector.broadcast %parallel_loop3A_292 : i32 to vector<16xi32>
      %parallel_loop3A_294 = arith.muli %parallel_loop3A_291, %parallel_loop3A_293 : vector<16xi32>
      %parallel_loop3A_295 = arith.index_cast %parallel_loop3A_288 : i32 to index
      %parallel_loop3A_296 = tpu.vector_load %arg9[%parallel_loop3A_295] {strides = array<i32>} : memref<20000xi32, #tpu.memory_space<vmem>>, vector<16xi32>,
      %parallel_loop3A_297 = vector.shape_cast %parallel_loop3A_296 : vector<16xi32> to vector<16xi32>
      %parallel_loop3A_298 = arith.addi %parallel_loop3A_294, %parallel_loop3A_297 : vector<16xi32>
      %parallel_loop3A_299 = arith.index_cast %parallel_loop3A_208 : i32 to index
      %parallel_loop3A_300 = arith.constant 64 : index
      %parallel_loop3A_301 = tpu.vector_load %arg11[%parallel_loop3A_299, %parallel_loop3A_300] {strides = array<i32>} : memref<250x80xi32, #tpu.memory_space<vmem>>, vector<1x16xi32>,
      %parallel_loop3A_302 = vector.shape_cast %parallel_loop3A_301 : vector<1x16xi32> to vector<16xi32>
      %parallel_loop3A_303 = vector.shape_cast %parallel_loop3A_298 : vector<16xi32> to vector<1x16xi32>
      tpu.vector_store %arg11[%parallel_loop3A_299, %parallel_loop3A_300], %parallel_loop3A_303 {strides = array<i32>} : memref<250x80xi32, #tpu.memory_space<vmem>>, vector<1x16xi32>,
    } {sc.loop_unroll_factor = 2 : i64, sc.parallel_access}
    %scan3A_40 = arith.constant 0 : i32
    %scan3A_41 = arith.constant 0 : i32
    %scan3A_42 = arith.constant 250 : i32
    %scan3A_43 = arith.addi %scan3A_41, %scan3A_42 : i32
    %scan3A_44 = arith.constant 1 : i32
    %scan3A_45 = scf.for %scan3A_208 = %scan3A_41 to %scan3A_43 step %scan3A_44 iter_args(%scan3A_209 = %scan3A_40) -> (i32)  : i32 {
      %dma_start3A = arith.constant 0 : i32
      %dma_start3A_210 = tpu.memref_slice %arg11[%scan3A_208, %dma_start3A] : memref<250x80xi32, #tpu.memory_space<vmem>> -> memref<1x80xi32, #tpu.memory_space<vmem>>
      %dma_start3A_211 = tpu.memref_squeeze %dma_start3A_210 : memref<1x80xi32, #tpu.memory_space<vmem>> -> memref<80xi32, #tpu.memory_space<vmem>>
      %dma_start3A_212 = arith.constant 0 : i32
      %dma_start3A_213 = tpu.memref_slice %arg7[%dma_start3A_212] : memref<160000xf32, #tpu.memory_space<vmem_shared>> -> memref<160000xf32, #tpu.memory_space<vmem_shared>>
      tpu.enqueue_indirect_dma source(%arg15 : memref<80xf32, #tpu.memory_space<vmem>>) target(%dma_start3A_213 : memref<160000xf32, #tpu.memory_space<vmem_shared>>) offsets(%dma_start3A_211 : memref<80xi32, #tpu.memory_space<vmem>>) semaphore(%arg17 : memref<!tpu.dma_semaphore, #tpu.memory_space<semaphore_mem>>) {add = true}
      %ge3A = arith.constant 8 : i32
      %ge3A_214 = arith.cmpi sge, %scan3A_208, %ge3A : i32
      %convert_element_type3A = arith.extui %ge3A_214 : i1 to i32
      %cond3A = arith.constant 0 : i32
      %cond3A_215 = arith.cmpi ne, %convert_element_type3A, %cond3A : i32
      scf.if %cond3A_215 {
        %sub3A_217 = arith.constant 8 : i32
        %sub3A_218 = arith.subi %scan3A_208, %sub3A_217 : i32
        %dma_wait3A_219 = arith.constant 0 : i32
        %dma_wait3A_220 = tpu.memref_slice %arg11[%sub3A_218, %dma_wait3A_219] : memref<250x80xi32, #tpu.memory_space<vmem>> -> memref<1x80xi32, #tpu.memory_space<vmem>>
        %dma_wait3A_221 = tpu.memref_squeeze %dma_wait3A_220 : memref<1x80xi32, #tpu.memory_space<vmem>> -> memref<80xi32, #tpu.memory_space<vmem>>
        %dma_wait3A_222 = arith.constant 0 : i32
        %dma_wait3A_223 = tpu.memref_slice %arg7[%dma_wait3A_222] : memref<160000xf32, #tpu.memory_space<vmem_shared>> -> memref<160000xf32, #tpu.memory_space<vmem_shared>>
        tpu.wait_indirect_dma semaphore(%arg17 : memref<!tpu.dma_semaphore, #tpu.memory_space<semaphore_mem>>) src(%arg15 : memref<80xf32, #tpu.memory_space<vmem>>) dst(%dma_wait3A_223 : memref<160000xf32, #tpu.memory_space<vmem_shared>>)
      } else {
      }
      %scan3A_216 = arith.constant 0 : i32
      scf.yield %scan3A_216 : i32
    }
    %scan3A_46 = arith.constant 250 : i32
    %dma_wait3A = arith.constant 242 : i32
    %dma_wait3A_47 = arith.constant 0 : i32
    %dma_wait3A_48 = tpu.memref_slice %arg11[%dma_wait3A, %dma_wait3A_47] : memref<250x80xi32, #tpu.memory_space<vmem>> -> memref<1x80xi32, #tpu.memory_space<vmem>>
    %dma_wait3A_49 = tpu.memref_squeeze %dma_wait3A_48 : memref<1x80xi32, #tpu.memory_space<vmem>> -> memref<80xi32, #tpu.memory_space<vmem>>
    %dma_wait3A_50 = arith.constant 0 : i32
    %dma_wait3A_51 = tpu.memref_slice %arg7[%dma_wait3A_50] : memref<160000xf32, #tpu.memory_space<vmem_shared>> -> memref<160000xf32, #tpu.memory_space<vmem_shared>>
    tpu.wait_indirect_dma semaphore(%arg17 : memref<!tpu.dma_semaphore, #tpu.memory_space<semaphore_mem>>) src(%arg15 : memref<80xf32, #tpu.memory_space<vmem>>) dst(%dma_wait3A_51 : memref<160000xf32, #tpu.memory_space<vmem_shared>>)
    %dma_wait3A_52 = arith.constant 243 : i32
    %dma_wait3A_53 = arith.constant 0 : i32
    %dma_wait3A_54 = tpu.memref_slice %arg11[%dma_wait3A_52, %dma_wait3A_53] : memref<250x80xi32, #tpu.memory_space<vmem>> -> memref<1x80xi32, #tpu.memory_space<vmem>>
    %dma_wait3A_55 = tpu.memref_squeeze %dma_wait3A_54 : memref<1x80xi32, #tpu.memory_space<vmem>> -> memref<80xi32, #tpu.memory_space<vmem>>
    %dma_wait3A_56 = arith.constant 0 : i32
    %dma_wait3A_57 = tpu.memref_slice %arg7[%dma_wait3A_56] : memref<160000xf32, #tpu.memory_space<vmem_shared>> -> memref<160000xf32, #tpu.memory_space<vmem_shared>>
    tpu.wait_indirect_dma semaphore(%arg17 : memref<!tpu.dma_semaphore, #tpu.memory_space<semaphore_mem>>) src(%arg15 : memref<80xf32, #tpu.memory_space<vmem>>) dst(%dma_wait3A_57 : memref<160000xf32, #tpu.memory_space<vmem_shared>>)
    %dma_wait3A_58 = arith.constant 244 : i32
    %dma_wait3A_59 = arith.constant 0 : i32
    %dma_wait3A_60 = tpu.memref_slice %arg11[%dma_wait3A_58, %dma_wait3A_59] : memref<250x80xi32, #tpu.memory_space<vmem>> -> memref<1x80xi32, #tpu.memory_space<vmem>>
    %dma_wait3A_61 = tpu.memref_squeeze %dma_wait3A_60 : memref<1x80xi32, #tpu.memory_space<vmem>> -> memref<80xi32, #tpu.memory_space<vmem>>
    %dma_wait3A_62 = arith.constant 0 : i32
    %dma_wait3A_63 = tpu.memref_slice %arg7[%dma_wait3A_62] : memref<160000xf32, #tpu.memory_space<vmem_shared>> -> memref<160000xf32, #tpu.memory_space<vmem_shared>>
    tpu.wait_indirect_dma semaphore(%arg17 : memref<!tpu.dma_semaphore, #tpu.memory_space<semaphore_mem>>) src(%arg15 : memref<80xf32, #tpu.memory_space<vmem>>) dst(%dma_wait3A_63 : memref<160000xf32, #tpu.memory_space<vmem_shared>>)
    %dma_wait3A_64 = arith.constant 245 : i32
    %dma_wait3A_65 = arith.constant 0 : i32
    %dma_wait3A_66 = tpu.memref_slice %arg11[%dma_wait3A_64, %dma_wait3A_65] : memref<250x80xi32, #tpu.memory_space<vmem>> -> memref<1x80xi32, #tpu.memory_space<vmem>>
    %dma_wait3A_67 = tpu.memref_squeeze %dma_wait3A_66 : memref<1x80xi32, #tpu.memory_space<vmem>> -> memref<80xi32, #tpu.memory_space<vmem>>
    %dma_wait3A_68 = arith.constant 0 : i32
    %dma_wait3A_69 = tpu.memref_slice %arg7[%dma_wait3A_68] : memref<160000xf32, #tpu.memory_space<vmem_shared>> -> memref<160000xf32, #tpu.memory_space<vmem_shared>>
    tpu.wait_indirect_dma semaphore(%arg17 : memref<!tpu.dma_semaphore, #tpu.memory_space<semaphore_mem>>) src(%arg15 : memref<80xf32, #tpu.memory_space<vmem>>) dst(%dma_wait3A_69 : memref<160000xf32, #tpu.memory_space<vmem_shared>>)
    %dma_wait3A_70 = arith.constant 246 : i32
    %dma_wait3A_71 = arith.constant 0 : i32
    %dma_wait3A_72 = tpu.memref_slice %arg11[%dma_wait3A_70, %dma_wait3A_71] : memref<250x80xi32, #tpu.memory_space<vmem>> -> memref<1x80xi32, #tpu.memory_space<vmem>>
    %dma_wait3A_73 = tpu.memref_squeeze %dma_wait3A_72 : memref<1x80xi32, #tpu.memory_space<vmem>> -> memref<80xi32, #tpu.memory_space<vmem>>
    %dma_wait3A_74 = arith.constant 0 : i32
    %dma_wait3A_75 = tpu.memref_slice %arg7[%dma_wait3A_74] : memref<160000xf32, #tpu.memory_space<vmem_shared>> -> memref<160000xf32, #tpu.memory_space<vmem_shared>>
    tpu.wait_indirect_dma semaphore(%arg17 : memref<!tpu.dma_semaphore, #tpu.memory_space<semaphore_mem>>) src(%arg15 : memref<80xf32, #tpu.memory_space<vmem>>) dst(%dma_wait3A_75 : memref<160000xf32, #tpu.memory_space<vmem_shared>>)
    %dma_wait3A_76 = arith.constant 247 : i32
    %dma_wait3A_77 = arith.constant 0 : i32
    %dma_wait3A_78 = tpu.memref_slice %arg11[%dma_wait3A_76, %dma_wait3A_77] : memref<250x80xi32, #tpu.memory_space<vmem>> -> memref<1x80xi32, #tpu.memory_space<vmem>>
    %dma_wait3A_79 = tpu.memref_squeeze %dma_wait3A_78 : memref<1x80xi32, #tpu.memory_space<vmem>> -> memref<80xi32, #tpu.memory_space<vmem>>
    %dma_wait3A_80 = arith.constant 0 : i32
    %dma_wait3A_81 = tpu.memref_slice %arg7[%dma_wait3A_80] : memref<160000xf32, #tpu.memory_space<vmem_shared>> -> memref<160000xf32, #tpu.memory_space<vmem_shared>>
    tpu.wait_indirect_dma semaphore(%arg17 : memref<!tpu.dma_semaphore, #tpu.memory_space<semaphore_mem>>) src(%arg15 : memref<80xf32, #tpu.memory_space<vmem>>) dst(%dma_wait3A_81 : memref<160000xf32, #tpu.memory_space<vmem_shared>>)
    %dma_wait3A_82 = arith.constant 248 : i32
    %dma_wait3A_83 = arith.constant 0 : i32
    %dma_wait3A_84 = tpu.memref_slice %arg11[%dma_wait3A_82, %dma_wait3A_83] : memref<250x80xi32, #tpu.memory_space<vmem>> -> memref<1x80xi32, #tpu.memory_space<vmem>>
    %dma_wait3A_85 = tpu.memref_squeeze %dma_wait3A_84 : memref<1x80xi32, #tpu.memory_space<vmem>> -> memref<80xi32, #tpu.memory_space<vmem>>
    %dma_wait3A_86 = arith.constant 0 : i32
    %dma_wait3A_87 = tpu.memref_slice %arg7[%dma_wait3A_86] : memref<160000xf32, #tpu.memory_space<vmem_shared>> -> memref<160000xf32, #tpu.memory_space<vmem_shared>>
    tpu.wait_indirect_dma semaphore(%arg17 : memref<!tpu.dma_semaphore, #tpu.memory_space<semaphore_mem>>) src(%arg15 : memref<80xf32, #tpu.memory_space<vmem>>) dst(%dma_wait3A_87 : memref<160000xf32, #tpu.memory_space<vmem_shared>>)
    %dma_wait3A_88 = arith.constant 249 : i32
    %dma_wait3A_89 = arith.constant 0 : i32
    %dma_wait3A_90 = tpu.memref_slice %arg11[%dma_wait3A_88, %dma_wait3A_89] : memref<250x80xi32, #tpu.memory_space<vmem>> -> memref<1x80xi32, #tpu.memory_space<vmem>>
    %dma_wait3A_91 = tpu.memref_squeeze %dma_wait3A_90 : memref<1x80xi32, #tpu.memory_space<vmem>> -> memref<80xi32, #tpu.memory_space<vmem>>
    %dma_wait3A_92 = arith.constant 0 : i32
    %dma_wait3A_93 = tpu.memref_slice %arg7[%dma_wait3A_92] : memref<160000xf32, #tpu.memory_space<vmem_shared>> -> memref<160000xf32, #tpu.memory_space<vmem_shared>>
    tpu.wait_indirect_dma semaphore(%arg17 : memref<!tpu.dma_semaphore, #tpu.memory_space<semaphore_mem>>) src(%arg15 : memref<80xf32, #tpu.memory_space<vmem>>) dst(%dma_wait3A_93 : memref<160000xf32, #tpu.memory_space<vmem_shared>>)
    %barrier3A_94 = arith.constant 0 : index
    tpu.barrier barrier_id(%barrier3A_94)
    %mul3A_95 = arith.constant 10000 : i32
    %mul3A_96 = arith.muli %add3A, %mul3A_95 : i32
    %run_scoped3A_97 = arith.constant 1 : i32
    "tpu.region"() ({
      %run_scoped3A_208 = tpu.sem_alloc : memref<!tpu.dma_semaphore, #tpu.memory_space<semaphore_mem>>
      %dma_start3A = arith.constant 0 : i32
      %dma_start3A_209 = tpu.memref_slice %arg8[%dma_start3A] : memref<20000xi32, #tpu.memory_space<vmem>> -> memref<10000xi32, #tpu.memory_space<vmem>>
      %dma_start3A_210 = tpu.memref_slice %arg2[%run_scoped3A_97, %mul3A_96] : memref<2x320000xi32, #tpu.memory_space<hbm>> -> memref<1x10000xi32, #tpu.memory_space<hbm>>
      %dma_start3A_211 = tpu.memref_squeeze %dma_start3A_210 : memref<1x10000xi32, #tpu.memory_space<hbm>> -> memref<10000xi32, #tpu.memory_space<hbm>>
      %dma_start3A_212 = arith.constant 0 : i32
      %dma_start3A_213 = tpu.memref_slice %arg8[%dma_start3A_212] : memref<20000xi32, #tpu.memory_space<vmem>> -> memref<10000xi32, #tpu.memory_space<vmem>>
      %dma_start3A_214 = tpu.memref_slice %arg2[%run_scoped3A_97, %mul3A_96] : memref<2x320000xi32, #tpu.memory_space<hbm>> -> memref<1x10000xi32, #tpu.memory_space<hbm>>
      %dma_start3A_215 = tpu.memref_squeeze %dma_start3A_214 : memref<1x10000xi32, #tpu.memory_space<hbm>> -> memref<10000xi32, #tpu.memory_space<hbm>>
      tpu.enqueue_dma source(%dma_start3A_215 : memref<10000xi32, #tpu.memory_space<hbm>>) target(%dma_start3A_213 : memref<10000xi32, #tpu.memory_space<vmem>>) target_semaphore(%run_scoped3A_208 : memref<!tpu.dma_semaphore, #tpu.memory_space<semaphore_mem>>)
      %dma_wait3A_216 = arith.constant 0 : i32
      %dma_wait3A_217 = tpu.memref_slice %arg8[%dma_wait3A_216] : memref<20000xi32, #tpu.memory_space<vmem>> -> memref<10000xi32, #tpu.memory_space<vmem>>
      %dma_wait3A_218 = tpu.memref_slice %arg2[%run_scoped3A_97, %mul3A_96] : memref<2x320000xi32, #tpu.memory_space<hbm>> -> memref<1x10000xi32, #tpu.memory_space<hbm>>
      %dma_wait3A_219 = tpu.memref_squeeze %dma_wait3A_218 : memref<1x10000xi32, #tpu.memory_space<hbm>> -> memref<10000xi32, #tpu.memory_space<hbm>>
      %dma_wait3A_220 = arith.constant 0 : i32
      %dma_wait3A_221 = tpu.memref_slice %arg8[%dma_wait3A_220] : memref<20000xi32, #tpu.memory_space<vmem>> -> memref<10000xi32, #tpu.memory_space<vmem>>
      %dma_wait3A_222 = tpu.memref_slice %arg2[%run_scoped3A_97, %mul3A_96] : memref<2x320000xi32, #tpu.memory_space<hbm>> -> memref<1x10000xi32, #tpu.memory_space<hbm>>
      %dma_wait3A_223 = tpu.memref_squeeze %dma_wait3A_222 : memref<1x10000xi32, #tpu.memory_space<hbm>> -> memref<10000xi32, #tpu.memory_space<hbm>>
      tpu.wait_dma2 semaphore(%run_scoped3A_208 : memref<!tpu.dma_semaphore, #tpu.memory_space<semaphore_mem>>) src(%dma_wait3A_223 : memref<10000xi32, #tpu.memory_space<hbm>>) dst(%dma_wait3A_221 : memref<10000xi32, #tpu.memory_space<vmem>>)
      tpu.yield
    }) : () -> ()
    "tpu.region"() ({
      %run_scoped3A_208 = tpu.sem_alloc : memref<!tpu.dma_semaphore, #tpu.memory_space<semaphore_mem>>
      %dma_start3A = arith.constant 0 : i32
      %dma_start3A_209 = tpu.memref_slice %arg9[%dma_start3A] : memref<20000xi32, #tpu.memory_space<vmem>> -> memref<10000xi32, #tpu.memory_space<vmem>>
      %dma_start3A_210 = tpu.memref_slice %arg3[%mul3A_96] : memref<320000xi32, #tpu.memory_space<hbm>> -> memref<10000xi32, #tpu.memory_space<hbm>>
      %dma_start3A_211 = arith.constant 0 : i32
      %dma_start3A_212 = tpu.memref_slice %arg9[%dma_start3A_211] : memref<20000xi32, #tpu.memory_space<vmem>> -> memref<10000xi32, #tpu.memory_space<vmem>>
      %dma_start3A_213 = tpu.memref_slice %arg3[%mul3A_96] : memref<320000xi32, #tpu.memory_space<hbm>> -> memref<10000xi32, #tpu.memory_space<hbm>>
      tpu.enqueue_dma source(%dma_start3A_213 : memref<10000xi32, #tpu.memory_space<hbm>>) target(%dma_start3A_212 : memref<10000xi32, #tpu.memory_space<vmem>>) target_semaphore(%run_scoped3A_208 : memref<!tpu.dma_semaphore, #tpu.memory_space<semaphore_mem>>)
      %dma_wait3A_214 = arith.constant 0 : i32
      %dma_wait3A_215 = tpu.memref_slice %arg9[%dma_wait3A_214] : memref<20000xi32, #tpu.memory_space<vmem>> -> memref<10000xi32, #tpu.memory_space<vmem>>
      %dma_wait3A_216 = tpu.memref_slice %arg3[%mul3A_96] : memref<320000xi32, #tpu.memory_space<hbm>> -> memref<10000xi32, #tpu.memory_space<hbm>>
      %dma_wait3A_217 = arith.constant 0 : i32
      %dma_wait3A_218 = tpu.memref_slice %arg9[%dma_wait3A_217] : memref<20000xi32, #tpu.memory_space<vmem>> -> memref<10000xi32, #tpu.memory_space<vmem>>
      %dma_wait3A_219 = tpu.memref_slice %arg3[%mul3A_96] : memref<320000xi32, #tpu.memory_space<hbm>> -> memref<10000xi32, #tpu.memory_space<hbm>>
      tpu.wait_dma2 semaphore(%run_scoped3A_208 : memref<!tpu.dma_semaphore, #tpu.memory_space<semaphore_mem>>) src(%dma_wait3A_219 : memref<10000xi32, #tpu.memory_space<hbm>>) dst(%dma_wait3A_218 : memref<10000xi32, #tpu.memory_space<vmem>>)
      tpu.yield
    }) : () -> ()
    %run_scoped3A_98 = arith.constant 0 : i32
    "tpu.region"() ({
      %run_scoped3A_208 = tpu.sem_alloc : memref<!tpu.dma_semaphore, #tpu.memory_space<semaphore_mem>>
      %dma_start3A = tpu.memref_slice %arg2[%run_scoped3A_98, %mul3A_96] : memref<2x320000xi32, #tpu.memory_space<hbm>> -> memref<1x10000xi32, #tpu.memory_space<hbm>>
      %dma_start3A_209 = tpu.memref_squeeze %dma_start3A : memref<1x10000xi32, #tpu.memory_space<hbm>> -> memref<10000xi32, #tpu.memory_space<hbm>>
      %dma_start3A_210 = tpu.memref_slice %arg2[%run_scoped3A_98, %mul3A_96] : memref<2x320000xi32, #tpu.memory_space<hbm>> -> memref<1x10000xi32, #tpu.memory_space<hbm>>
      %dma_start3A_211 = tpu.memref_squeeze %dma_start3A_210 : memref<1x10000xi32, #tpu.memory_space<hbm>> -> memref<10000xi32, #tpu.memory_space<hbm>>
      tpu.enqueue_dma source(%dma_start3A_211 : memref<10000xi32, #tpu.memory_space<hbm>>) target(%arg10 : memref<10000xi32, #tpu.memory_space<vmem>>) target_semaphore(%run_scoped3A_208 : memref<!tpu.dma_semaphore, #tpu.memory_space<semaphore_mem>>)
      %dma_wait3A_212 = tpu.memref_slice %arg2[%run_scoped3A_98, %mul3A_96] : memref<2x320000xi32, #tpu.memory_space<hbm>> -> memref<1x10000xi32, #tpu.memory_space<hbm>>
      %dma_wait3A_213 = tpu.memref_squeeze %dma_wait3A_212 : memref<1x10000xi32, #tpu.memory_space<hbm>> -> memref<10000xi32, #tpu.memory_space<hbm>>
      %dma_wait3A_214 = tpu.memref_slice %arg2[%run_scoped3A_98, %mul3A_96] : memref<2x320000xi32, #tpu.memory_space<hbm>> -> memref<1x10000xi32, #tpu.memory_space<hbm>>
      %dma_wait3A_215 = tpu.memref_squeeze %dma_wait3A_214 : memref<1x10000xi32, #tpu.memory_space<hbm>> -> memref<10000xi32, #tpu.memory_space<hbm>>
      tpu.wait_dma2 semaphore(%run_scoped3A_208 : memref<!tpu.dma_semaphore, #tpu.memory_space<semaphore_mem>>) src(%dma_wait3A_215 : memref<10000xi32, #tpu.memory_space<hbm>>) dst(%arg10 : memref<10000xi32, #tpu.memory_space<vmem>>)
      tpu.yield
    }) : () -> ()
    %parallel_loop3A_99 = arith.constant 0 : i32
    %parallel_loop3A_100 = arith.constant 125 : i32
    %parallel_loop3A_101 = arith.constant 1 : i32
    scf.for %parallel_loop3A_208 = %parallel_loop3A_99 to %parallel_loop3A_100 step %parallel_loop3A_101  : i32 {
      %parallel_loop3A_209 = arith.constant 80 : i32
      %parallel_loop3A_210 = arith.muli %parallel_loop3A_208, %parallel_loop3A_209 : i32
      %parallel_loop3A_211 = arith.constant 0 : i32
      %parallel_loop3A_212 = arith.addi %parallel_loop3A_210, %parallel_loop3A_211 : i32
      %parallel_loop3A_213 = arith.index_cast %parallel_loop3A_212 : i32 to index
      %parallel_loop3A_214 = tpu.vector_load %arg8[%parallel_loop3A_213] {strides = array<i32>} : memref<20000xi32, #tpu.memory_space<vmem>>, vector<16xi32>,
      %parallel_loop3A_215 = vector.shape_cast %parallel_loop3A_214 : vector<16xi32> to vector<16xi32>
      %parallel_loop3A_216 = arith.constant 16 : i32
      %parallel_loop3A_217 = vector.broadcast %parallel_loop3A_216 : i32 to vector<16xi32>
      %parallel_loop3A_218 = arith.muli %parallel_loop3A_215, %parallel_loop3A_217 : vector<16xi32>
      %parallel_loop3A_219 = arith.index_cast %parallel_loop3A_212 : i32 to index
      %parallel_loop3A_220 = tpu.vector_load %arg9[%parallel_loop3A_219] {strides = array<i32>} : memref<20000xi32, #tpu.memory_space<vmem>>, vector<16xi32>,
      %parallel_loop3A_221 = vector.shape_cast %parallel_loop3A_220 : vector<16xi32> to vector<16xi32>
      %parallel_loop3A_222 = arith.addi %parallel_loop3A_218, %parallel_loop3A_221 : vector<16xi32>
      %parallel_loop3A_223 = arith.index_cast %parallel_loop3A_208 : i32 to index
      %parallel_loop3A_224 = arith.constant 0 : index
      %parallel_loop3A_225 = tpu.vector_load %arg11[%parallel_loop3A_223, %parallel_loop3A_224] {strides = array<i32>} : memref<250x80xi32, #tpu.memory_space<vmem>>, vector<1x16xi32>,
      %parallel_loop3A_226 = vector.shape_cast %parallel_loop3A_225 : vector<1x16xi32> to vector<16xi32>
      %parallel_loop3A_227 = vector.shape_cast %parallel_loop3A_222 : vector<16xi32> to vector<1x16xi32>
      tpu.vector_store %arg11[%parallel_loop3A_223, %parallel_loop3A_224], %parallel_loop3A_227 {strides = array<i32>} : memref<250x80xi32, #tpu.memory_space<vmem>>, vector<1x16xi32>,
      %parallel_loop3A_228 = arith.index_cast %parallel_loop3A_212 : i32 to index
      %parallel_loop3A_229 = tpu.vector_load %arg9[%parallel_loop3A_228] {strides = array<i32>} : memref<20000xi32, #tpu.memory_space<vmem>>, vector<16xi32>,
      %parallel_loop3A_230 = vector.shape_cast %parallel_loop3A_229 : vector<16xi32> to vector<16xi32>
      %parallel_loop3A_231 = arith.constant 10000 : i32
      %parallel_loop3A_232 = vector.broadcast %parallel_loop3A_231 : i32 to vector<16xi32>
      %parallel_loop3A_233 = arith.muli %parallel_loop3A_230, %parallel_loop3A_232 : vector<16xi32>
      %parallel_loop3A_234 = arith.index_cast %parallel_loop3A_212 : i32 to index
      %parallel_loop3A_235 = tpu.vector_load %arg10[%parallel_loop3A_234] {strides = array<i32>} : memref<10000xi32, #tpu.memory_space<vmem>>, vector<16xi32>,
      %parallel_loop3A_236 = vector.shape_cast %parallel_loop3A_235 : vector<16xi32> to vector<16xi32>
      %parallel_loop3A_237 = arith.addi %parallel_loop3A_233, %parallel_loop3A_236 : vector<16xi32>
      %parallel_loop3A_238 = arith.index_cast %parallel_loop3A_208 : i32 to index
      %parallel_loop3A_239 = arith.constant 0 : index
      %parallel_loop3A_240 = tpu.vector_load %arg12[%parallel_loop3A_238, %parallel_loop3A_239] {strides = array<i32>} : memref<125x80xi32, #tpu.memory_space<vmem>>, vector<1x16xi32>,
      %parallel_loop3A_241 = vector.shape_cast %parallel_loop3A_240 : vector<1x16xi32> to vector<16xi32>
      %parallel_loop3A_242 = vector.shape_cast %parallel_loop3A_237 : vector<16xi32> to vector<1x16xi32>
      tpu.vector_store %arg12[%parallel_loop3A_238, %parallel_loop3A_239], %parallel_loop3A_242 {strides = array<i32>} : memref<125x80xi32, #tpu.memory_space<vmem>>, vector<1x16xi32>,
      %parallel_loop3A_243 = arith.index_cast %parallel_loop3A_212 : i32 to index
      %parallel_loop3A_244 = tpu.vector_load %arg8[%parallel_loop3A_243] {strides = array<i32>} : memref<20000xi32, #tpu.memory_space<vmem>>, vector<16xi32>,
      %parallel_loop3A_245 = vector.shape_cast %parallel_loop3A_244 : vector<16xi32> to vector<16xi32>
      %parallel_loop3A_246 = arith.index_cast %parallel_loop3A_208 : i32 to index
      %parallel_loop3A_247 = arith.constant 0 : index
      %parallel_loop3A_248 = tpu.vector_load %arg13[%parallel_loop3A_246, %parallel_loop3A_247] {strides = array<i32>} : memref<125x80xi32, #tpu.memory_space<vmem>>, vector<1x16xi32>,
      %parallel_loop3A_249 = vector.shape_cast %parallel_loop3A_248 : vector<1x16xi32> to vector<16xi32>
      %parallel_loop3A_250 = vector.shape_cast %parallel_loop3A_245 : vector<16xi32> to vector<1x16xi32>
      tpu.vector_store %arg13[%parallel_loop3A_246, %parallel_loop3A_247], %parallel_loop3A_250 {strides = array<i32>} : memref<125x80xi32, #tpu.memory_space<vmem>>, vector<1x16xi32>,
      %parallel_loop3A_251 = arith.constant 80 : i32
      %parallel_loop3A_252 = arith.muli %parallel_loop3A_208, %parallel_loop3A_251 : i32
      %parallel_loop3A_253 = arith.constant 16 : i32
      %parallel_loop3A_254 = arith.addi %parallel_loop3A_252, %parallel_loop3A_253 : i32
      %parallel_loop3A_255 = arith.index_cast %parallel_loop3A_254 : i32 to index
      %parallel_loop3A_256 = tpu.vector_load %arg8[%parallel_loop3A_255] {strides = array<i32>} : memref<20000xi32, #tpu.memory_space<vmem>>, vector<16xi32>,
      %parallel_loop3A_257 = vector.shape_cast %parallel_loop3A_256 : vector<16xi32> to vector<16xi32>
      %parallel_loop3A_258 = arith.constant 16 : i32
      %parallel_loop3A_259 = vector.broadcast %parallel_loop3A_258 : i32 to vector<16xi32>
      %parallel_loop3A_260 = arith.muli %parallel_loop3A_257, %parallel_loop3A_259 : vector<16xi32>
      %parallel_loop3A_261 = arith.index_cast %parallel_loop3A_254 : i32 to index
      %parallel_loop3A_262 = tpu.vector_load %arg9[%parallel_loop3A_261] {strides = array<i32>} : memref<20000xi32, #tpu.memory_space<vmem>>, vector<16xi32>,
      %parallel_loop3A_263 = vector.shape_cast %parallel_loop3A_262 : vector<16xi32> to vector<16xi32>
      %parallel_loop3A_264 = arith.addi %parallel_loop3A_260, %parallel_loop3A_263 : vector<16xi32>
      %parallel_loop3A_265 = arith.index_cast %parallel_loop3A_208 : i32 to index
      %parallel_loop3A_266 = arith.constant 16 : index
      %parallel_loop3A_267 = tpu.vector_load %arg11[%parallel_loop3A_265, %parallel_loop3A_266] {strides = array<i32>} : memref<250x80xi32, #tpu.memory_space<vmem>>, vector<1x16xi32>,
      %parallel_loop3A_268 = vector.shape_cast %parallel_loop3A_267 : vector<1x16xi32> to vector<16xi32>
      %parallel_loop3A_269 = vector.shape_cast %parallel_loop3A_264 : vector<16xi32> to vector<1x16xi32>
      tpu.vector_store %arg11[%parallel_loop3A_265, %parallel_loop3A_266], %parallel_loop3A_269 {strides = array<i32>} : memref<250x80xi32, #tpu.memory_space<vmem>>, vector<1x16xi32>,
      %parallel_loop3A_270 = arith.index_cast %parallel_loop3A_254 : i32 to index
      %parallel_loop3A_271 = tpu.vector_load %arg9[%parallel_loop3A_270] {strides = array<i32>} : memref<20000xi32, #tpu.memory_space<vmem>>, vector<16xi32>,
      %parallel_loop3A_272 = vector.shape_cast %parallel_loop3A_271 : vector<16xi32> to vector<16xi32>
      %parallel_loop3A_273 = arith.constant 10000 : i32
      %parallel_loop3A_274 = vector.broadcast %parallel_loop3A_273 : i32 to vector<16xi32>
      %parallel_loop3A_275 = arith.muli %parallel_loop3A_272, %parallel_loop3A_274 : vector<16xi32>
      %parallel_loop3A_276 = arith.index_cast %parallel_loop3A_254 : i32 to index
      %parallel_loop3A_277 = tpu.vector_load %arg10[%parallel_loop3A_276] {strides = array<i32>} : memref<10000xi32, #tpu.memory_space<vmem>>, vector<16xi32>,
      %parallel_loop3A_278 = vector.shape_cast %parallel_loop3A_277 : vector<16xi32> to vector<16xi32>
      %parallel_loop3A_279 = arith.addi %parallel_loop3A_275, %parallel_loop3A_278 : vector<16xi32>
      %parallel_loop3A_280 = arith.index_cast %parallel_loop3A_208 : i32 to index
      %parallel_loop3A_281 = arith.constant 16 : index
      %parallel_loop3A_282 = tpu.vector_load %arg12[%parallel_loop3A_280, %parallel_loop3A_281] {strides = array<i32>} : memref<125x80xi32, #tpu.memory_space<vmem>>, vector<1x16xi32>,
      %parallel_loop3A_283 = vector.shape_cast %parallel_loop3A_282 : vector<1x16xi32> to vector<16xi32>
      %parallel_loop3A_284 = vector.shape_cast %parallel_loop3A_279 : vector<16xi32> to vector<1x16xi32>
      tpu.vector_store %arg12[%parallel_loop3A_280, %parallel_loop3A_281], %parallel_loop3A_284 {strides = array<i32>} : memref<125x80xi32, #tpu.memory_space<vmem>>, vector<1x16xi32>,
      %parallel_loop3A_285 = arith.index_cast %parallel_loop3A_254 : i32 to index
      %parallel_loop3A_286 = tpu.vector_load %arg8[%parallel_loop3A_285] {strides = array<i32>} : memref<20000xi32, #tpu.memory_space<vmem>>, vector<16xi32>,
      %parallel_loop3A_287 = vector.shape_cast %parallel_loop3A_286 : vector<16xi32> to vector<16xi32>
      %parallel_loop3A_288 = arith.index_cast %parallel_loop3A_208 : i32 to index
      %parallel_loop3A_289 = arith.constant 16 : index
      %parallel_loop3A_290 = tpu.vector_load %arg13[%parallel_loop3A_288, %parallel_loop3A_289] {strides = array<i32>} : memref<125x80xi32, #tpu.memory_space<vmem>>, vector<1x16xi32>,
      %parallel_loop3A_291 = vector.shape_cast %parallel_loop3A_290 : vector<1x16xi32> to vector<16xi32>
      %parallel_loop3A_292 = vector.shape_cast %parallel_loop3A_287 : vector<16xi32> to vector<1x16xi32>
      tpu.vector_store %arg13[%parallel_loop3A_288, %parallel_loop3A_289], %parallel_loop3A_292 {strides = array<i32>} : memref<125x80xi32, #tpu.memory_space<vmem>>, vector<1x16xi32>,
      %parallel_loop3A_293 = arith.constant 80 : i32
      %parallel_loop3A_294 = arith.muli %parallel_loop3A_208, %parallel_loop3A_293 : i32
      %parallel_loop3A_295 = arith.constant 32 : i32
      %parallel_loop3A_296 = arith.addi %parallel_loop3A_294, %parallel_loop3A_295 : i32
      %parallel_loop3A_297 = arith.index_cast %parallel_loop3A_296 : i32 to index
      %parallel_loop3A_298 = tpu.vector_load %arg8[%parallel_loop3A_297] {strides = array<i32>} : memref<20000xi32, #tpu.memory_space<vmem>>, vector<16xi32>,
      %parallel_loop3A_299 = vector.shape_cast %parallel_loop3A_298 : vector<16xi32> to vector<16xi32>
      %parallel_loop3A_300 = arith.constant 16 : i32
      %parallel_loop3A_301 = vector.broadcast %parallel_loop3A_300 : i32 to vector<16xi32>
      %parallel_loop3A_302 = arith.muli %parallel_loop3A_299, %parallel_loop3A_301 : vector<16xi32>
      %parallel_loop3A_303 = arith.index_cast %parallel_loop3A_296 : i32 to index
      %parallel_loop3A_304 = tpu.vector_load %arg9[%parallel_loop3A_303] {strides = array<i32>} : memref<20000xi32, #tpu.memory_space<vmem>>, vector<16xi32>,
      %parallel_loop3A_305 = vector.shape_cast %parallel_loop3A_304 : vector<16xi32> to vector<16xi32>
      %parallel_loop3A_306 = arith.addi %parallel_loop3A_302, %parallel_loop3A_305 : vector<16xi32>
      %parallel_loop3A_307 = arith.index_cast %parallel_loop3A_208 : i32 to index
      %parallel_loop3A_308 = arith.constant 32 : index
      %parallel_loop3A_309 = tpu.vector_load %arg11[%parallel_loop3A_307, %parallel_loop3A_308] {strides = array<i32>} : memref<250x80xi32, #tpu.memory_space<vmem>>, vector<1x16xi32>,
      %parallel_loop3A_310 = vector.shape_cast %parallel_loop3A_309 : vector<1x16xi32> to vector<16xi32>
      %parallel_loop3A_311 = vector.shape_cast %parallel_loop3A_306 : vector<16xi32> to vector<1x16xi32>
      tpu.vector_store %arg11[%parallel_loop3A_307, %parallel_loop3A_308], %parallel_loop3A_311 {strides = array<i32>} : memref<250x80xi32, #tpu.memory_space<vmem>>, vector<1x16xi32>,
      %parallel_loop3A_312 = arith.index_cast %parallel_loop3A_296 : i32 to index
      %parallel_loop3A_313 = tpu.vector_load %arg9[%parallel_loop3A_312] {strides = array<i32>} : memref<20000xi32, #tpu.memory_space<vmem>>, vector<16xi32>,
      %parallel_loop3A_314 = vector.shape_cast %parallel_loop3A_313 : vector<16xi32> to vector<16xi32>
      %parallel_loop3A_315 = arith.constant 10000 : i32
      %parallel_loop3A_316 = vector.broadcast %parallel_loop3A_315 : i32 to vector<16xi32>
      %parallel_loop3A_317 = arith.muli %parallel_loop3A_314, %parallel_loop3A_316 : vector<16xi32>
      %parallel_loop3A_318 = arith.index_cast %parallel_loop3A_296 : i32 to index
      %parallel_loop3A_319 = tpu.vector_load %arg10[%parallel_loop3A_318] {strides = array<i32>} : memref<10000xi32, #tpu.memory_space<vmem>>, vector<16xi32>,
      %parallel_loop3A_320 = vector.shape_cast %parallel_loop3A_319 : vector<16xi32> to vector<16xi32>
      %parallel_loop3A_321 = arith.addi %parallel_loop3A_317, %parallel_loop3A_320 : vector<16xi32>
      %parallel_loop3A_322 = arith.index_cast %parallel_loop3A_208 : i32 to index
      %parallel_loop3A_323 = arith.constant 32 : index
      %parallel_loop3A_324 = tpu.vector_load %arg12[%parallel_loop3A_322, %parallel_loop3A_323] {strides = array<i32>} : memref<125x80xi32, #tpu.memory_space<vmem>>, vector<1x16xi32>,
      %parallel_loop3A_325 = vector.shape_cast %parallel_loop3A_324 : vector<1x16xi32> to vector<16xi32>
      %parallel_loop3A_326 = vector.shape_cast %parallel_loop3A_321 : vector<16xi32> to vector<1x16xi32>
      tpu.vector_store %arg12[%parallel_loop3A_322, %parallel_loop3A_323], %parallel_loop3A_326 {strides = array<i32>} : memref<125x80xi32, #tpu.memory_space<vmem>>, vector<1x16xi32>,
      %parallel_loop3A_327 = arith.index_cast %parallel_loop3A_296 : i32 to index
      %parallel_loop3A_328 = tpu.vector_load %arg8[%parallel_loop3A_327] {strides = array<i32>} : memref<20000xi32, #tpu.memory_space<vmem>>, vector<16xi32>,
      %parallel_loop3A_329 = vector.shape_cast %parallel_loop3A_328 : vector<16xi32> to vector<16xi32>
      %parallel_loop3A_330 = arith.index_cast %parallel_loop3A_208 : i32 to index
      %parallel_loop3A_331 = arith.constant 32 : index
      %parallel_loop3A_332 = tpu.vector_load %arg13[%parallel_loop3A_330, %parallel_loop3A_331] {strides = array<i32>} : memref<125x80xi32, #tpu.memory_space<vmem>>, vector<1x16xi32>,
      %parallel_loop3A_333 = vector.shape_cast %parallel_loop3A_332 : vector<1x16xi32> to vector<16xi32>
      %parallel_loop3A_334 = vector.shape_cast %parallel_loop3A_329 : vector<16xi32> to vector<1x16xi32>
      tpu.vector_store %arg13[%parallel_loop3A_330, %parallel_loop3A_331], %parallel_loop3A_334 {strides = array<i32>} : memref<125x80xi32, #tpu.memory_space<vmem>>, vector<1x16xi32>,
      %parallel_loop3A_335 = arith.constant 80 : i32
      %parallel_loop3A_336 = arith.muli %parallel_loop3A_208, %parallel_loop3A_335 : i32
      %parallel_loop3A_337 = arith.constant 48 : i32
      %parallel_loop3A_338 = arith.addi %parallel_loop3A_336, %parallel_loop3A_337 : i32
      %parallel_loop3A_339 = arith.index_cast %parallel_loop3A_338 : i32 to index
      %parallel_loop3A_340 = tpu.vector_load %arg8[%parallel_loop3A_339] {strides = array<i32>} : memref<20000xi32, #tpu.memory_space<vmem>>, vector<16xi32>,
      %parallel_loop3A_341 = vector.shape_cast %parallel_loop3A_340 : vector<16xi32> to vector<16xi32>
      %parallel_loop3A_342 = arith.constant 16 : i32
      %parallel_loop3A_343 = vector.broadcast %parallel_loop3A_342 : i32 to vector<16xi32>
      %parallel_loop3A_344 = arith.muli %parallel_loop3A_341, %parallel_loop3A_343 : vector<16xi32>
      %parallel_loop3A_345 = arith.index_cast %parallel_loop3A_338 : i32 to index
      %parallel_loop3A_346 = tpu.vector_load %arg9[%parallel_loop3A_345] {strides = array<i32>} : memref<20000xi32, #tpu.memory_space<vmem>>, vector<16xi32>,
      %parallel_loop3A_347 = vector.shape_cast %parallel_loop3A_346 : vector<16xi32> to vector<16xi32>
      %parallel_loop3A_348 = arith.addi %parallel_loop3A_344, %parallel_loop3A_347 : vector<16xi32>
      %parallel_loop3A_349 = arith.index_cast %parallel_loop3A_208 : i32 to index
      %parallel_loop3A_350 = arith.constant 48 : index
      %parallel_loop3A_351 = tpu.vector_load %arg11[%parallel_loop3A_349, %parallel_loop3A_350] {strides = array<i32>} : memref<250x80xi32, #tpu.memory_space<vmem>>, vector<1x16xi32>,
      %parallel_loop3A_352 = vector.shape_cast %parallel_loop3A_351 : vector<1x16xi32> to vector<16xi32>
      %parallel_loop3A_353 = vector.shape_cast %parallel_loop3A_348 : vector<16xi32> to vector<1x16xi32>
      tpu.vector_store %arg11[%parallel_loop3A_349, %parallel_loop3A_350], %parallel_loop3A_353 {strides = array<i32>} : memref<250x80xi32, #tpu.memory_space<vmem>>, vector<1x16xi32>,
      %parallel_loop3A_354 = arith.index_cast %parallel_loop3A_338 : i32 to index
      %parallel_loop3A_355 = tpu.vector_load %arg9[%parallel_loop3A_354] {strides = array<i32>} : memref<20000xi32, #tpu.memory_space<vmem>>, vector<16xi32>,
      %parallel_loop3A_356 = vector.shape_cast %parallel_loop3A_355 : vector<16xi32> to vector<16xi32>
      %parallel_loop3A_357 = arith.constant 10000 : i32
      %parallel_loop3A_358 = vector.broadcast %parallel_loop3A_357 : i32 to vector<16xi32>
      %parallel_loop3A_359 = arith.muli %parallel_loop3A_356, %parallel_loop3A_358 : vector<16xi32>
      %parallel_loop3A_360 = arith.index_cast %parallel_loop3A_338 : i32 to index
      %parallel_loop3A_361 = tpu.vector_load %arg10[%parallel_loop3A_360] {strides = array<i32>} : memref<10000xi32, #tpu.memory_space<vmem>>, vector<16xi32>,
      %parallel_loop3A_362 = vector.shape_cast %parallel_loop3A_361 : vector<16xi32> to vector<16xi32>
      %parallel_loop3A_363 = arith.addi %parallel_loop3A_359, %parallel_loop3A_362 : vector<16xi32>
      %parallel_loop3A_364 = arith.index_cast %parallel_loop3A_208 : i32 to index
      %parallel_loop3A_365 = arith.constant 48 : index
      %parallel_loop3A_366 = tpu.vector_load %arg12[%parallel_loop3A_364, %parallel_loop3A_365] {strides = array<i32>} : memref<125x80xi32, #tpu.memory_space<vmem>>, vector<1x16xi32>,
      %parallel_loop3A_367 = vector.shape_cast %parallel_loop3A_366 : vector<1x16xi32> to vector<16xi32>
      %parallel_loop3A_368 = vector.shape_cast %parallel_loop3A_363 : vector<16xi32> to vector<1x16xi32>
      tpu.vector_store %arg12[%parallel_loop3A_364, %parallel_loop3A_365], %parallel_loop3A_368 {strides = array<i32>} : memref<125x80xi32, #tpu.memory_space<vmem>>, vector<1x16xi32>,
      %parallel_loop3A_369 = arith.index_cast %parallel_loop3A_338 : i32 to index
      %parallel_loop3A_370 = tpu.vector_load %arg8[%parallel_loop3A_369] {strides = array<i32>} : memref<20000xi32, #tpu.memory_space<vmem>>, vector<16xi32>,
      %parallel_loop3A_371 = vector.shape_cast %parallel_loop3A_370 : vector<16xi32> to vector<16xi32>
      %parallel_loop3A_372 = arith.index_cast %parallel_loop3A_208 : i32 to index
      %parallel_loop3A_373 = arith.constant 48 : index
      %parallel_loop3A_374 = tpu.vector_load %arg13[%parallel_loop3A_372, %parallel_loop3A_373] {strides = array<i32>} : memref<125x80xi32, #tpu.memory_space<vmem>>, vector<1x16xi32>,
      %parallel_loop3A_375 = vector.shape_cast %parallel_loop3A_374 : vector<1x16xi32> to vector<16xi32>
      %parallel_loop3A_376 = vector.shape_cast %parallel_loop3A_371 : vector<16xi32> to vector<1x16xi32>
      tpu.vector_store %arg13[%parallel_loop3A_372, %parallel_loop3A_373], %parallel_loop3A_376 {strides = array<i32>} : memref<125x80xi32, #tpu.memory_space<vmem>>, vector<1x16xi32>,
      %parallel_loop3A_377 = arith.constant 80 : i32
      %parallel_loop3A_378 = arith.muli %parallel_loop3A_208, %parallel_loop3A_377 : i32
      %parallel_loop3A_379 = arith.constant 64 : i32
      %parallel_loop3A_380 = arith.addi %parallel_loop3A_378, %parallel_loop3A_379 : i32
      %parallel_loop3A_381 = arith.index_cast %parallel_loop3A_380 : i32 to index
      %parallel_loop3A_382 = tpu.vector_load %arg8[%parallel_loop3A_381] {strides = array<i32>} : memref<20000xi32, #tpu.memory_space<vmem>>, vector<16xi32>,
      %parallel_loop3A_383 = vector.shape_cast %parallel_loop3A_382 : vector<16xi32> to vector<16xi32>
      %parallel_loop3A_384 = arith.constant 16 : i32
      %parallel_loop3A_385 = vector.broadcast %parallel_loop3A_384 : i32 to vector<16xi32>
      %parallel_loop3A_386 = arith.muli %parallel_loop3A_383, %parallel_loop3A_385 : vector<16xi32>
      %parallel_loop3A_387 = arith.index_cast %parallel_loop3A_380 : i32 to index
      %parallel_loop3A_388 = tpu.vector_load %arg9[%parallel_loop3A_387] {strides = array<i32>} : memref<20000xi32, #tpu.memory_space<vmem>>, vector<16xi32>,
      %parallel_loop3A_389 = vector.shape_cast %parallel_loop3A_388 : vector<16xi32> to vector<16xi32>
      %parallel_loop3A_390 = arith.addi %parallel_loop3A_386, %parallel_loop3A_389 : vector<16xi32>
      %parallel_loop3A_391 = arith.index_cast %parallel_loop3A_208 : i32 to index
      %parallel_loop3A_392 = arith.constant 64 : index
      %parallel_loop3A_393 = tpu.vector_load %arg11[%parallel_loop3A_391, %parallel_loop3A_392] {strides = array<i32>} : memref<250x80xi32, #tpu.memory_space<vmem>>, vector<1x16xi32>,
      %parallel_loop3A_394 = vector.shape_cast %parallel_loop3A_393 : vector<1x16xi32> to vector<16xi32>
      %parallel_loop3A_395 = vector.shape_cast %parallel_loop3A_390 : vector<16xi32> to vector<1x16xi32>
      tpu.vector_store %arg11[%parallel_loop3A_391, %parallel_loop3A_392], %parallel_loop3A_395 {strides = array<i32>} : memref<250x80xi32, #tpu.memory_space<vmem>>, vector<1x16xi32>,
      %parallel_loop3A_396 = arith.index_cast %parallel_loop3A_380 : i32 to index
      %parallel_loop3A_397 = tpu.vector_load %arg9[%parallel_loop3A_396] {strides = array<i32>} : memref<20000xi32, #tpu.memory_space<vmem>>, vector<16xi32>,
      %parallel_loop3A_398 = vector.shape_cast %parallel_loop3A_397 : vector<16xi32> to vector<16xi32>
      %parallel_loop3A_399 = arith.constant 10000 : i32
      %parallel_loop3A_400 = vector.broadcast %parallel_loop3A_399 : i32 to vector<16xi32>
      %parallel_loop3A_401 = arith.muli %parallel_loop3A_398, %parallel_loop3A_400 : vector<16xi32>
      %parallel_loop3A_402 = arith.index_cast %parallel_loop3A_380 : i32 to index
      %parallel_loop3A_403 = tpu.vector_load %arg10[%parallel_loop3A_402] {strides = array<i32>} : memref<10000xi32, #tpu.memory_space<vmem>>, vector<16xi32>,
      %parallel_loop3A_404 = vector.shape_cast %parallel_loop3A_403 : vector<16xi32> to vector<16xi32>
      %parallel_loop3A_405 = arith.addi %parallel_loop3A_401, %parallel_loop3A_404 : vector<16xi32>
      %parallel_loop3A_406 = arith.index_cast %parallel_loop3A_208 : i32 to index
      %parallel_loop3A_407 = arith.constant 64 : index
      %parallel_loop3A_408 = tpu.vector_load %arg12[%parallel_loop3A_406, %parallel_loop3A_407] {strides = array<i32>} : memref<125x80xi32, #tpu.memory_space<vmem>>, vector<1x16xi32>,
      %parallel_loop3A_409 = vector.shape_cast %parallel_loop3A_408 : vector<1x16xi32> to vector<16xi32>
      %parallel_loop3A_410 = vector.shape_cast %parallel_loop3A_405 : vector<16xi32> to vector<1x16xi32>
      tpu.vector_store %arg12[%parallel_loop3A_406, %parallel_loop3A_407], %parallel_loop3A_410 {strides = array<i32>} : memref<125x80xi32, #tpu.memory_space<vmem>>, vector<1x16xi32>,
      %parallel_loop3A_411 = arith.index_cast %parallel_loop3A_380 : i32 to index
      %parallel_loop3A_412 = tpu.vector_load %arg8[%parallel_loop3A_411] {strides = array<i32>} : memref<20000xi32, #tpu.memory_space<vmem>>, vector<16xi32>,
      %parallel_loop3A_413 = vector.shape_cast %parallel_loop3A_412 : vector<16xi32> to vector<16xi32>
      %parallel_loop3A_414 = arith.index_cast %parallel_loop3A_208 : i32 to index
      %parallel_loop3A_415 = arith.constant 64 : index
      %parallel_loop3A_416 = tpu.vector_load %arg13[%parallel_loop3A_414, %parallel_loop3A_415] {strides = array<i32>} : memref<125x80xi32, #tpu.memory_space<vmem>>, vector<1x16xi32>,
      %parallel_loop3A_417 = vector.shape_cast %parallel_loop3A_416 : vector<1x16xi32> to vector<16xi32>
      %parallel_loop3A_418 = vector.shape_cast %parallel_loop3A_413 : vector<16xi32> to vector<1x16xi32>
      tpu.vector_store %arg13[%parallel_loop3A_414, %parallel_loop3A_415], %parallel_loop3A_418 {strides = array<i32>} : memref<125x80xi32, #tpu.memory_space<vmem>>, vector<1x16xi32>,
    } {sc.loop_unroll_factor = 2 : i64, sc.parallel_access}
    %mul3A_102 = arith.constant 125 : i32
    %mul3A_103 = arith.muli %add3A, %mul3A_102 : i32
    "tpu.region"() ({
      %run_scoped3A_208 = tpu.sem_alloc : memref<!tpu.dma_semaphore, #tpu.memory_space<semaphore_mem>>
      %dma_start3A = arith.constant 0 : i32
      %dma_start3A_209 = tpu.memref_slice %arg5[%mul3A_103, %dma_start3A] : memref<4000x80xi32, #tpu.memory_space<hbm>> -> memref<125x80xi32, #tpu.memory_space<hbm>>
      %dma_start3A_210 = arith.constant 0 : i32
      %dma_start3A_211 = tpu.memref_slice %arg5[%mul3A_103, %dma_start3A_210] : memref<4000x80xi32, #tpu.memory_space<hbm>> -> memref<125x80xi32, #tpu.memory_space<hbm>>
      tpu.enqueue_dma source(%arg12 : memref<125x80xi32, #tpu.memory_space<vmem>>) target(%dma_start3A_211 : memref<125x80xi32, #tpu.memory_space<hbm>>) target_semaphore(%run_scoped3A_208 : memref<!tpu.dma_semaphore, #tpu.memory_space<semaphore_mem>>)
      %dma_wait3A_212 = arith.constant 0 : i32
      %dma_wait3A_213 = tpu.memref_slice %arg5[%mul3A_103, %dma_wait3A_212] : memref<4000x80xi32, #tpu.memory_space<hbm>> -> memref<125x80xi32, #tpu.memory_space<hbm>>
      %dma_wait3A_214 = arith.constant 0 : i32
      %dma_wait3A_215 = tpu.memref_slice %arg5[%mul3A_103, %dma_wait3A_214] : memref<4000x80xi32, #tpu.memory_space<hbm>> -> memref<125x80xi32, #tpu.memory_space<hbm>>
      tpu.wait_dma2 semaphore(%run_scoped3A_208 : memref<!tpu.dma_semaphore, #tpu.memory_space<semaphore_mem>>) src(%arg12 : memref<125x80xi32, #tpu.memory_space<vmem>>) dst(%dma_wait3A_215 : memref<125x80xi32, #tpu.memory_space<hbm>>)
      tpu.yield
    }) : () -> ()
    "tpu.region"() ({
      %run_scoped3A_208 = tpu.sem_alloc : memref<!tpu.dma_semaphore, #tpu.memory_space<semaphore_mem>>
      %dma_start3A = arith.constant 0 : i32
      %dma_start3A_209 = tpu.memref_slice %arg6[%mul3A_103, %dma_start3A] : memref<4000x80xi32, #tpu.memory_space<hbm>> -> memref<125x80xi32, #tpu.memory_space<hbm>>
      %dma_start3A_210 = arith.constant 0 : i32
      %dma_start3A_211 = tpu.memref_slice %arg6[%mul3A_103, %dma_start3A_210] : memref<4000x80xi32, #tpu.memory_space<hbm>> -> memref<125x80xi32, #tpu.memory_space<hbm>>
      tpu.enqueue_dma source(%arg13 : memref<125x80xi32, #tpu.memory_space<vmem>>) target(%dma_start3A_211 : memref<125x80xi32, #tpu.memory_space<hbm>>) target_semaphore(%run_scoped3A_208 : memref<!tpu.dma_semaphore, #tpu.memory_space<semaphore_mem>>)
      %dma_wait3A_212 = arith.constant 0 : i32
      %dma_wait3A_213 = tpu.memref_slice %arg6[%mul3A_103, %dma_wait3A_212] : memref<4000x80xi32, #tpu.memory_space<hbm>> -> memref<125x80xi32, #tpu.memory_space<hbm>>
      %dma_wait3A_214 = arith.constant 0 : i32
      %dma_wait3A_215 = tpu.memref_slice %arg6[%mul3A_103, %dma_wait3A_214] : memref<4000x80xi32, #tpu.memory_space<hbm>> -> memref<125x80xi32, #tpu.memory_space<hbm>>
      tpu.wait_dma2 semaphore(%run_scoped3A_208 : memref<!tpu.dma_semaphore, #tpu.memory_space<semaphore_mem>>) src(%arg13 : memref<125x80xi32, #tpu.memory_space<vmem>>) dst(%dma_wait3A_215 : memref<125x80xi32, #tpu.memory_space<hbm>>)
      tpu.yield
    }) : () -> ()
    %scan3A_104 = arith.constant 0 : i32
    %scan3A_105 = arith.constant 0 : i32
    %scan3A_106 = arith.constant 125 : i32
    %scan3A_107 = arith.addi %scan3A_105, %scan3A_106 : i32
    %scan3A_108 = arith.constant 1 : i32
    %scan3A_109 = scf.for %scan3A_208 = %scan3A_105 to %scan3A_107 step %scan3A_108 iter_args(%scan3A_209 = %scan3A_104) -> (i32)  : i32 {
      %mul3A_210 = arith.constant 80 : i32
      %mul3A_211 = arith.muli %scan3A_208, %mul3A_210 : i32
      %dma_start3A = tpu.memref_slice %arg14[%mul3A_211] : memref<10000xf32, #tpu.memory_space<vmem>> -> memref<80xf32, #tpu.memory_space<vmem>>
      %dma_start3A_212 = arith.constant 0 : i32
      %dma_start3A_213 = tpu.memref_slice %arg11[%scan3A_208, %dma_start3A_212] : memref<250x80xi32, #tpu.memory_space<vmem>> -> memref<1x80xi32, #tpu.memory_space<vmem>>
      %dma_start3A_214 = tpu.memref_squeeze %dma_start3A_213 : memref<1x80xi32, #tpu.memory_space<vmem>> -> memref<80xi32, #tpu.memory_space<vmem>>
      %dma_start3A_215 = arith.constant 0 : i32
      %dma_start3A_216 = tpu.memref_slice %arg7[%dma_start3A_215] : memref<160000xf32, #tpu.memory_space<vmem_shared>> -> memref<160000xf32, #tpu.memory_space<vmem_shared>>
      tpu.enqueue_indirect_dma source(%dma_start3A_216 : memref<160000xf32, #tpu.memory_space<vmem_shared>>) target(%dma_start3A : memref<80xf32, #tpu.memory_space<vmem>>) offsets(%dma_start3A_214 : memref<80xi32, #tpu.memory_space<vmem>>) semaphore(%arg17 : memref<!tpu.dma_semaphore, #tpu.memory_space<semaphore_mem>>)
      %ge3A = arith.constant 8 : i32
      %ge3A_217 = arith.cmpi sge, %scan3A_208, %ge3A : i32
      %convert_element_type3A = arith.extui %ge3A_217 : i1 to i32
      %cond3A = arith.constant 0 : i32
      %cond3A_218 = arith.cmpi ne, %convert_element_type3A, %cond3A : i32
      scf.if %cond3A_218 {
        %sub3A_220 = arith.constant 8 : i32
        %sub3A_221 = arith.subi %scan3A_208, %sub3A_220 : i32
        %mul3A_222 = arith.constant 80 : i32
        %mul3A_223 = arith.muli %sub3A_221, %mul3A_222 : i32
        %dma_wait3A_224 = tpu.memref_slice %arg14[%mul3A_223] : memref<10000xf32, #tpu.memory_space<vmem>> -> memref<80xf32, #tpu.memory_space<vmem>>
        %dma_wait3A_225 = arith.constant 0 : i32
        %dma_wait3A_226 = tpu.memref_slice %arg11[%sub3A_221, %dma_wait3A_225] : memref<250x80xi32, #tpu.memory_space<vmem>> -> memref<1x80xi32, #tpu.memory_space<vmem>>
        %dma_wait3A_227 = tpu.memref_squeeze %dma_wait3A_226 : memref<1x80xi32, #tpu.memory_space<vmem>> -> memref<80xi32, #tpu.memory_space<vmem>>
        %dma_wait3A_228 = arith.constant 0 : i32
        %dma_wait3A_229 = tpu.memref_slice %arg7[%dma_wait3A_228] : memref<160000xf32, #tpu.memory_space<vmem_shared>> -> memref<160000xf32, #tpu.memory_space<vmem_shared>>
        tpu.wait_indirect_dma semaphore(%arg17 : memref<!tpu.dma_semaphore, #tpu.memory_space<semaphore_mem>>) src(%dma_wait3A_229 : memref<160000xf32, #tpu.memory_space<vmem_shared>>) dst(%dma_wait3A_224 : memref<80xf32, #tpu.memory_space<vmem>>)
      } else {
      }
      %scan3A_219 = arith.constant 0 : i32
      scf.yield %scan3A_219 : i32
    }
    %scan3A_110 = arith.constant 125 : i32
    %dma_wait3A_111 = arith.constant 117 : i32
    %dma_wait3A_112 = arith.constant 9360 : i32
    %dma_wait3A_113 = tpu.memref_slice %arg14[%dma_wait3A_112] : memref<10000xf32, #tpu.memory_space<vmem>> -> memref<80xf32, #tpu.memory_space<vmem>>
    %dma_wait3A_114 = arith.constant 0 : i32
    %dma_wait3A_115 = tpu.memref_slice %arg11[%dma_wait3A_111, %dma_wait3A_114] : memref<250x80xi32, #tpu.memory_space<vmem>> -> memref<1x80xi32, #tpu.memory_space<vmem>>
    %dma_wait3A_116 = tpu.memref_squeeze %dma_wait3A_115 : memref<1x80xi32, #tpu.memory_space<vmem>> -> memref<80xi32, #tpu.memory_space<vmem>>
    %dma_wait3A_117 = arith.constant 0 : i32
    %dma_wait3A_118 = tpu.memref_slice %arg7[%dma_wait3A_117] : memref<160000xf32, #tpu.memory_space<vmem_shared>> -> memref<160000xf32, #tpu.memory_space<vmem_shared>>
    tpu.wait_indirect_dma semaphore(%arg17 : memref<!tpu.dma_semaphore, #tpu.memory_space<semaphore_mem>>) src(%dma_wait3A_118 : memref<160000xf32, #tpu.memory_space<vmem_shared>>) dst(%dma_wait3A_113 : memref<80xf32, #tpu.memory_space<vmem>>)
    %dma_wait3A_119 = arith.constant 118 : i32
    %dma_wait3A_120 = arith.constant 9440 : i32
    %dma_wait3A_121 = tpu.memref_slice %arg14[%dma_wait3A_120] : memref<10000xf32, #tpu.memory_space<vmem>> -> memref<80xf32, #tpu.memory_space<vmem>>
    %dma_wait3A_122 = arith.constant 0 : i32
    %dma_wait3A_123 = tpu.memref_slice %arg11[%dma_wait3A_119, %dma_wait3A_122] : memref<250x80xi32, #tpu.memory_space<vmem>> -> memref<1x80xi32, #tpu.memory_space<vmem>>
    %dma_wait3A_124 = tpu.memref_squeeze %dma_wait3A_123 : memref<1x80xi32, #tpu.memory_space<vmem>> -> memref<80xi32, #tpu.memory_space<vmem>>
    %dma_wait3A_125 = arith.constant 0 : i32
    %dma_wait3A_126 = tpu.memref_slice %arg7[%dma_wait3A_125] : memref<160000xf32, #tpu.memory_space<vmem_shared>> -> memref<160000xf32, #tpu.memory_space<vmem_shared>>
    tpu.wait_indirect_dma semaphore(%arg17 : memref<!tpu.dma_semaphore, #tpu.memory_space<semaphore_mem>>) src(%dma_wait3A_126 : memref<160000xf32, #tpu.memory_space<vmem_shared>>) dst(%dma_wait3A_121 : memref<80xf32, #tpu.memory_space<vmem>>)
    %dma_wait3A_127 = arith.constant 119 : i32
    %dma_wait3A_128 = arith.constant 9520 : i32
    %dma_wait3A_129 = tpu.memref_slice %arg14[%dma_wait3A_128] : memref<10000xf32, #tpu.memory_space<vmem>> -> memref<80xf32, #tpu.memory_space<vmem>>
    %dma_wait3A_130 = arith.constant 0 : i32
    %dma_wait3A_131 = tpu.memref_slice %arg11[%dma_wait3A_127, %dma_wait3A_130] : memref<250x80xi32, #tpu.memory_space<vmem>> -> memref<1x80xi32, #tpu.memory_space<vmem>>
    %dma_wait3A_132 = tpu.memref_squeeze %dma_wait3A_131 : memref<1x80xi32, #tpu.memory_space<vmem>> -> memref<80xi32, #tpu.memory_space<vmem>>
    %dma_wait3A_133 = arith.constant 0 : i32
    %dma_wait3A_134 = tpu.memref_slice %arg7[%dma_wait3A_133] : memref<160000xf32, #tpu.memory_space<vmem_shared>> -> memref<160000xf32, #tpu.memory_space<vmem_shared>>
    tpu.wait_indirect_dma semaphore(%arg17 : memref<!tpu.dma_semaphore, #tpu.memory_space<semaphore_mem>>) src(%dma_wait3A_134 : memref<160000xf32, #tpu.memory_space<vmem_shared>>) dst(%dma_wait3A_129 : memref<80xf32, #tpu.memory_space<vmem>>)
    %dma_wait3A_135 = arith.constant 120 : i32
    %dma_wait3A_136 = arith.constant 9600 : i32
    %dma_wait3A_137 = tpu.memref_slice %arg14[%dma_wait3A_136] : memref<10000xf32, #tpu.memory_space<vmem>> -> memref<80xf32, #tpu.memory_space<vmem>>
    %dma_wait3A_138 = arith.constant 0 : i32
    %dma_wait3A_139 = tpu.memref_slice %arg11[%dma_wait3A_135, %dma_wait3A_138] : memref<250x80xi32, #tpu.memory_space<vmem>> -> memref<1x80xi32, #tpu.memory_space<vmem>>
    %dma_wait3A_140 = tpu.memref_squeeze %dma_wait3A_139 : memref<1x80xi32, #tpu.memory_space<vmem>> -> memref<80xi32, #tpu.memory_space<vmem>>
    %dma_wait3A_141 = arith.constant 0 : i32
    %dma_wait3A_142 = tpu.memref_slice %arg7[%dma_wait3A_141] : memref<160000xf32, #tpu.memory_space<vmem_shared>> -> memref<160000xf32, #tpu.memory_space<vmem_shared>>
    tpu.wait_indirect_dma semaphore(%arg17 : memref<!tpu.dma_semaphore, #tpu.memory_space<semaphore_mem>>) src(%dma_wait3A_142 : memref<160000xf32, #tpu.memory_space<vmem_shared>>) dst(%dma_wait3A_137 : memref<80xf32, #tpu.memory_space<vmem>>)
    %dma_wait3A_143 = arith.constant 121 : i32
    %dma_wait3A_144 = arith.constant 9680 : i32
    %dma_wait3A_145 = tpu.memref_slice %arg14[%dma_wait3A_144] : memref<10000xf32, #tpu.memory_space<vmem>> -> memref<80xf32, #tpu.memory_space<vmem>>
    %dma_wait3A_146 = arith.constant 0 : i32
    %dma_wait3A_147 = tpu.memref_slice %arg11[%dma_wait3A_143, %dma_wait3A_146] : memref<250x80xi32, #tpu.memory_space<vmem>> -> memref<1x80xi32, #tpu.memory_space<vmem>>
    %dma_wait3A_148 = tpu.memref_squeeze %dma_wait3A_147 : memref<1x80xi32, #tpu.memory_space<vmem>> -> memref<80xi32, #tpu.memory_space<vmem>>
    %dma_wait3A_149 = arith.constant 0 : i32
    %dma_wait3A_150 = tpu.memref_slice %arg7[%dma_wait3A_149] : memref<160000xf32, #tpu.memory_space<vmem_shared>> -> memref<160000xf32, #tpu.memory_space<vmem_shared>>
    tpu.wait_indirect_dma semaphore(%arg17 : memref<!tpu.dma_semaphore, #tpu.memory_space<semaphore_mem>>) src(%dma_wait3A_150 : memref<160000xf32, #tpu.memory_space<vmem_shared>>) dst(%dma_wait3A_145 : memref<80xf32, #tpu.memory_space<vmem>>)
    %dma_wait3A_151 = arith.constant 122 : i32
    %dma_wait3A_152 = arith.constant 9760 : i32
    %dma_wait3A_153 = tpu.memref_slice %arg14[%dma_wait3A_152] : memref<10000xf32, #tpu.memory_space<vmem>> -> memref<80xf32, #tpu.memory_space<vmem>>
    %dma_wait3A_154 = arith.constant 0 : i32
    %dma_wait3A_155 = tpu.memref_slice %arg11[%dma_wait3A_151, %dma_wait3A_154] : memref<250x80xi32, #tpu.memory_space<vmem>> -> memref<1x80xi32, #tpu.memory_space<vmem>>
    %dma_wait3A_156 = tpu.memref_squeeze %dma_wait3A_155 : memref<1x80xi32, #tpu.memory_space<vmem>> -> memref<80xi32, #tpu.memory_space<vmem>>
    %dma_wait3A_157 = arith.constant 0 : i32
    %dma_wait3A_158 = tpu.memref_slice %arg7[%dma_wait3A_157] : memref<160000xf32, #tpu.memory_space<vmem_shared>> -> memref<160000xf32, #tpu.memory_space<vmem_shared>>
    tpu.wait_indirect_dma semaphore(%arg17 : memref<!tpu.dma_semaphore, #tpu.memory_space<semaphore_mem>>) src(%dma_wait3A_158 : memref<160000xf32, #tpu.memory_space<vmem_shared>>) dst(%dma_wait3A_153 : memref<80xf32, #tpu.memory_space<vmem>>)
    %dma_wait3A_159 = arith.constant 123 : i32
    %dma_wait3A_160 = arith.constant 9840 : i32
    %dma_wait3A_161 = tpu.memref_slice %arg14[%dma_wait3A_160] : memref<10000xf32, #tpu.memory_space<vmem>> -> memref<80xf32, #tpu.memory_space<vmem>>
    %dma_wait3A_162 = arith.constant 0 : i32
    %dma_wait3A_163 = tpu.memref_slice %arg11[%dma_wait3A_159, %dma_wait3A_162] : memref<250x80xi32, #tpu.memory_space<vmem>> -> memref<1x80xi32, #tpu.memory_space<vmem>>
    %dma_wait3A_164 = tpu.memref_squeeze %dma_wait3A_163 : memref<1x80xi32, #tpu.memory_space<vmem>> -> memref<80xi32, #tpu.memory_space<vmem>>
    %dma_wait3A_165 = arith.constant 0 : i32
    %dma_wait3A_166 = tpu.memref_slice %arg7[%dma_wait3A_165] : memref<160000xf32, #tpu.memory_space<vmem_shared>> -> memref<160000xf32, #tpu.memory_space<vmem_shared>>
    tpu.wait_indirect_dma semaphore(%arg17 : memref<!tpu.dma_semaphore, #tpu.memory_space<semaphore_mem>>) src(%dma_wait3A_166 : memref<160000xf32, #tpu.memory_space<vmem_shared>>) dst(%dma_wait3A_161 : memref<80xf32, #tpu.memory_space<vmem>>)
    %dma_wait3A_167 = arith.constant 124 : i32
    %dma_wait3A_168 = arith.constant 9920 : i32
    %dma_wait3A_169 = tpu.memref_slice %arg14[%dma_wait3A_168] : memref<10000xf32, #tpu.memory_space<vmem>> -> memref<80xf32, #tpu.memory_space<vmem>>
    %dma_wait3A_170 = arith.constant 0 : i32
    %dma_wait3A_171 = tpu.memref_slice %arg11[%dma_wait3A_167, %dma_wait3A_170] : memref<250x80xi32, #tpu.memory_space<vmem>> -> memref<1x80xi32, #tpu.memory_space<vmem>>
    %dma_wait3A_172 = tpu.memref_squeeze %dma_wait3A_171 : memref<1x80xi32, #tpu.memory_space<vmem>> -> memref<80xi32, #tpu.memory_space<vmem>>
    %dma_wait3A_173 = arith.constant 0 : i32
    %dma_wait3A_174 = tpu.memref_slice %arg7[%dma_wait3A_173] : memref<160000xf32, #tpu.memory_space<vmem_shared>> -> memref<160000xf32, #tpu.memory_space<vmem_shared>>
    tpu.wait_indirect_dma semaphore(%arg17 : memref<!tpu.dma_semaphore, #tpu.memory_space<semaphore_mem>>) src(%dma_wait3A_174 : memref<160000xf32, #tpu.memory_space<vmem_shared>>) dst(%dma_wait3A_169 : memref<80xf32, #tpu.memory_space<vmem>>)
    %scan3A_175 = arith.constant 0 : i32
    %scan3A_176 = arith.constant 0 : i32
    %scan3A_177 = arith.constant 624 : i32
    %scan3A_178 = arith.addi %scan3A_176, %scan3A_177 : i32
    %scan3A_179 = arith.constant 4 : i32
    %scan3A_180 = scf.for %scan3A_208 = %scan3A_176 to %scan3A_178 step %scan3A_179 iter_args(%scan3A_209 = %scan3A_175) -> (i32)  : i32 {
      %mul3A_210 = arith.constant 16 : i32
      %mul3A_211 = arith.muli %scan3A_208, %mul3A_210 : i32
      %get3A_212 = arith.index_cast %mul3A_211 : i32 to index
      %get3A_213 = tpu.vector_load %arg14[%get3A_212] {strides = array<i32>} : memref<10000xf32, #tpu.memory_space<vmem>>, vector<16xf32>,
      %get3A_214 = vector.shape_cast %get3A_213 : vector<16xf32> to vector<16xf32>
      %max3A_215 = arith.constant 1.000000e+00 : f32
      %max3A_216 = vector.broadcast %max3A_215 : f32 to vector<16xf32>
      %max3A_217 = arith.maximumf %get3A_214, %max3A_216 : vector<16xf32>
      %div3A_218 = arith.constant 1.000000e+00 : f32
      %div3A_219 = vector.broadcast %div3A_218 : f32 to vector<16xf32>
      %div3A_220 = arith.divf %div3A_219, %max3A_217 : vector<16xf32>
      %mul3A_221 = arith.mulf %max3A_217, %div3A_220 : vector<16xf32>
      %sub3A_222 = arith.constant 2.000000e+00 : f32
      %sub3A_223 = vector.broadcast %sub3A_222 : f32 to vector<16xf32>
      %sub3A_224 = arith.subf %sub3A_223, %mul3A_221 : vector<16xf32>
      %mul3A_225 = arith.mulf %div3A_220, %sub3A_224 : vector<16xf32>
      %mul3A_226 = arith.mulf %max3A_217, %mul3A_225 : vector<16xf32>
      %sub3A_227 = arith.constant 2.000000e+00 : f32
      %sub3A_228 = vector.broadcast %sub3A_227 : f32 to vector<16xf32>
      %sub3A_229 = arith.subf %sub3A_228, %mul3A_226 : vector<16xf32>
      %mul3A_230 = arith.mulf %mul3A_225, %sub3A_229 : vector<16xf32>
      %swap3A_231 = arith.index_cast %mul3A_211 : i32 to index
      %swap3A_232 = tpu.vector_load %arg14[%swap3A_231] {strides = array<i32>} : memref<10000xf32, #tpu.memory_space<vmem>>, vector<16xf32>,
      %swap3A_233 = vector.shape_cast %swap3A_232 : vector<16xf32> to vector<16xf32>
      %swap3A_234 = vector.shape_cast %mul3A_230 : vector<16xf32> to vector<16xf32>
      tpu.vector_store %arg14[%swap3A_231], %swap3A_234 {strides = array<i32>} : memref<10000xf32, #tpu.memory_space<vmem>>, vector<16xf32>,
      %scan3A_235 = arith.constant 0 : i32
      %scan3A_236 = arith.constant 1 : i32
      %scan3A_237 = arith.addi %scan3A_208, %scan3A_236 : i32
      %mul3A_238 = arith.constant 16 : i32
      %mul3A_239 = arith.muli %scan3A_237, %mul3A_238 : i32
      %get3A_240 = arith.index_cast %mul3A_239 : i32 to index
      %get3A_241 = tpu.vector_load %arg14[%get3A_240] {strides = array<i32>} : memref<10000xf32, #tpu.memory_space<vmem>>, vector<16xf32>,
      %get3A_242 = vector.shape_cast %get3A_241 : vector<16xf32> to vector<16xf32>
      %max3A_243 = arith.constant 1.000000e+00 : f32
      %max3A_244 = vector.broadcast %max3A_243 : f32 to vector<16xf32>
      %max3A_245 = arith.maximumf %get3A_242, %max3A_244 : vector<16xf32>
      %div3A_246 = arith.constant 1.000000e+00 : f32
      %div3A_247 = vector.broadcast %div3A_246 : f32 to vector<16xf32>
      %div3A_248 = arith.divf %div3A_247, %max3A_245 : vector<16xf32>
      %mul3A_249 = arith.mulf %max3A_245, %div3A_248 : vector<16xf32>
      %sub3A_250 = arith.constant 2.000000e+00 : f32
      %sub3A_251 = vector.broadcast %sub3A_250 : f32 to vector<16xf32>
      %sub3A_252 = arith.subf %sub3A_251, %mul3A_249 : vector<16xf32>
      %mul3A_253 = arith.mulf %div3A_248, %sub3A_252 : vector<16xf32>
      %mul3A_254 = arith.mulf %max3A_245, %mul3A_253 : vector<16xf32>
      %sub3A_255 = arith.constant 2.000000e+00 : f32
      %sub3A_256 = vector.broadcast %sub3A_255 : f32 to vector<16xf32>
      %sub3A_257 = arith.subf %sub3A_256, %mul3A_254 : vector<16xf32>
      %mul3A_258 = arith.mulf %mul3A_253, %sub3A_257 : vector<16xf32>
      %swap3A_259 = arith.index_cast %mul3A_239 : i32 to index
      %swap3A_260 = tpu.vector_load %arg14[%swap3A_259] {strides = array<i32>} : memref<10000xf32, #tpu.memory_space<vmem>>, vector<16xf32>,
      %swap3A_261 = vector.shape_cast %swap3A_260 : vector<16xf32> to vector<16xf32>
      %swap3A_262 = vector.shape_cast %mul3A_258 : vector<16xf32> to vector<16xf32>
      tpu.vector_store %arg14[%swap3A_259], %swap3A_262 {strides = array<i32>} : memref<10000xf32, #tpu.memory_space<vmem>>, vector<16xf32>,
      %scan3A_263 = arith.constant 0 : i32
      %scan3A_264 = arith.constant 2 : i32
      %scan3A_265 = arith.addi %scan3A_208, %scan3A_264 : i32
      %mul3A_266 = arith.constant 16 : i32
      %mul3A_267 = arith.muli %scan3A_265, %mul3A_266 : i32
      %get3A_268 = arith.index_cast %mul3A_267 : i32 to index
      %get3A_269 = tpu.vector_load %arg14[%get3A_268] {strides = array<i32>} : memref<10000xf32, #tpu.memory_space<vmem>>, vector<16xf32>,
      %get3A_270 = vector.shape_cast %get3A_269 : vector<16xf32> to vector<16xf32>
      %max3A_271 = arith.constant 1.000000e+00 : f32
      %max3A_272 = vector.broadcast %max3A_271 : f32 to vector<16xf32>
      %max3A_273 = arith.maximumf %get3A_270, %max3A_272 : vector<16xf32>
      %div3A_274 = arith.constant 1.000000e+00 : f32
      %div3A_275 = vector.broadcast %div3A_274 : f32 to vector<16xf32>
      %div3A_276 = arith.divf %div3A_275, %max3A_273 : vector<16xf32>
      %mul3A_277 = arith.mulf %max3A_273, %div3A_276 : vector<16xf32>
      %sub3A_278 = arith.constant 2.000000e+00 : f32
      %sub3A_279 = vector.broadcast %sub3A_278 : f32 to vector<16xf32>
      %sub3A_280 = arith.subf %sub3A_279, %mul3A_277 : vector<16xf32>
      %mul3A_281 = arith.mulf %div3A_276, %sub3A_280 : vector<16xf32>
      %mul3A_282 = arith.mulf %max3A_273, %mul3A_281 : vector<16xf32>
      %sub3A_283 = arith.constant 2.000000e+00 : f32
      %sub3A_284 = vector.broadcast %sub3A_283 : f32 to vector<16xf32>
      %sub3A_285 = arith.subf %sub3A_284, %mul3A_282 : vector<16xf32>
      %mul3A_286 = arith.mulf %mul3A_281, %sub3A_285 : vector<16xf32>
      %swap3A_287 = arith.index_cast %mul3A_267 : i32 to index
      %swap3A_288 = tpu.vector_load %arg14[%swap3A_287] {strides = array<i32>} : memref<10000xf32, #tpu.memory_space<vmem>>, vector<16xf32>,
      %swap3A_289 = vector.shape_cast %swap3A_288 : vector<16xf32> to vector<16xf32>
      %swap3A_290 = vector.shape_cast %mul3A_286 : vector<16xf32> to vector<16xf32>
      tpu.vector_store %arg14[%swap3A_287], %swap3A_290 {strides = array<i32>} : memref<10000xf32, #tpu.memory_space<vmem>>, vector<16xf32>,
      %scan3A_291 = arith.constant 0 : i32
      %scan3A_292 = arith.constant 3 : i32
      %scan3A_293 = arith.addi %scan3A_208, %scan3A_292 : i32
      %mul3A_294 = arith.constant 16 : i32
      %mul3A_295 = arith.muli %scan3A_293, %mul3A_294 : i32
      %get3A_296 = arith.index_cast %mul3A_295 : i32 to index
      %get3A_297 = tpu.vector_load %arg14[%get3A_296] {strides = array<i32>} : memref<10000xf32, #tpu.memory_space<vmem>>, vector<16xf32>,
      %get3A_298 = vector.shape_cast %get3A_297 : vector<16xf32> to vector<16xf32>
      %max3A_299 = arith.constant 1.000000e+00 : f32
      %max3A_300 = vector.broadcast %max3A_299 : f32 to vector<16xf32>
      %max3A_301 = arith.maximumf %get3A_298, %max3A_300 : vector<16xf32>
      %div3A_302 = arith.constant 1.000000e+00 : f32
      %div3A_303 = vector.broadcast %div3A_302 : f32 to vector<16xf32>
      %div3A_304 = arith.divf %div3A_303, %max3A_301 : vector<16xf32>
      %mul3A_305 = arith.mulf %max3A_301, %div3A_304 : vector<16xf32>
      %sub3A_306 = arith.constant 2.000000e+00 : f32
      %sub3A_307 = vector.broadcast %sub3A_306 : f32 to vector<16xf32>
      %sub3A_308 = arith.subf %sub3A_307, %mul3A_305 : vector<16xf32>
      %mul3A_309 = arith.mulf %div3A_304, %sub3A_308 : vector<16xf32>
      %mul3A_310 = arith.mulf %max3A_301, %mul3A_309 : vector<16xf32>
      %sub3A_311 = arith.constant 2.000000e+00 : f32
      %sub3A_312 = vector.broadcast %sub3A_311 : f32 to vector<16xf32>
      %sub3A_313 = arith.subf %sub3A_312, %mul3A_310 : vector<16xf32>
      %mul3A_314 = arith.mulf %mul3A_309, %sub3A_313 : vector<16xf32>
      %swap3A_315 = arith.index_cast %mul3A_295 : i32 to index
      %swap3A_316 = tpu.vector_load %arg14[%swap3A_315] {strides = array<i32>} : memref<10000xf32, #tpu.memory_space<vmem>>, vector<16xf32>,
      %swap3A_317 = vector.shape_cast %swap3A_316 : vector<16xf32> to vector<16xf32>
      %swap3A_318 = vector.shape_cast %mul3A_314 : vector<16xf32> to vector<16xf32>
      tpu.vector_store %arg14[%swap3A_315], %swap3A_318 {strides = array<i32>} : memref<10000xf32, #tpu.memory_space<vmem>>, vector<16xf32>,
      %scan3A_319 = arith.constant 0 : i32
      scf.yield %scan3A_319 : i32
    }
    %scan3A_181 = arith.constant 624 : i32
    %scan3A_182 = arith.addi %scan3A_176, %scan3A_181 : i32
    %mul3A_183 = arith.constant 16 : i32
    %mul3A_184 = arith.muli %scan3A_182, %mul3A_183 : i32
    %get3A = arith.index_cast %mul3A_184 : i32 to index
    %get3A_185 = tpu.vector_load %arg14[%get3A] {strides = array<i32>} : memref<10000xf32, #tpu.memory_space<vmem>>, vector<16xf32>,
    %get3A_186 = vector.shape_cast %get3A_185 : vector<16xf32> to vector<16xf32>
    %max3A = arith.constant 1.000000e+00 : f32
    %max3A_187 = vector.broadcast %max3A : f32 to vector<16xf32>
    %max3A_188 = arith.maximumf %get3A_186, %max3A_187 : vector<16xf32>
    %div3A = arith.constant 1.000000e+00 : f32
    %div3A_189 = vector.broadcast %div3A : f32 to vector<16xf32>
    %div3A_190 = arith.divf %div3A_189, %max3A_188 : vector<16xf32>
    %mul3A_191 = arith.mulf %max3A_188, %div3A_190 : vector<16xf32>
    %sub3A = arith.constant 2.000000e+00 : f32
    %sub3A_192 = vector.broadcast %sub3A : f32 to vector<16xf32>
    %sub3A_193 = arith.subf %sub3A_192, %mul3A_191 : vector<16xf32>
    %mul3A_194 = arith.mulf %div3A_190, %sub3A_193 : vector<16xf32>
    %mul3A_195 = arith.mulf %max3A_188, %mul3A_194 : vector<16xf32>
    %sub3A_196 = arith.constant 2.000000e+00 : f32
    %sub3A_197 = vector.broadcast %sub3A_196 : f32 to vector<16xf32>
    %sub3A_198 = arith.subf %sub3A_197, %mul3A_195 : vector<16xf32>
    %mul3A_199 = arith.mulf %mul3A_194, %sub3A_198 : vector<16xf32>
    %swap3A_200 = arith.index_cast %mul3A_184 : i32 to index
    %swap3A_201 = tpu.vector_load %arg14[%swap3A_200] {strides = array<i32>} : memref<10000xf32, #tpu.memory_space<vmem>>, vector<16xf32>,
    %swap3A_202 = vector.shape_cast %swap3A_201 : vector<16xf32> to vector<16xf32>
    %swap3A_203 = vector.shape_cast %mul3A_199 : vector<16xf32> to vector<16xf32>
    tpu.vector_store %arg14[%swap3A_200], %swap3A_203 {strides = array<i32>} : memref<10000xf32, #tpu.memory_space<vmem>>, vector<16xf32>,
    %scan3A_204 = arith.constant 0 : i32
    %scan3A_205 = arith.constant 625 : i32
    %mul3A_206 = arith.constant 10000 : i32
    %mul3A_207 = arith.muli %add3A, %mul3A_206 : i32
    "tpu.region"() ({
      %run_scoped3A_208 = tpu.sem_alloc : memref<!tpu.dma_semaphore, #tpu.memory_space<semaphore_mem>>
      %dma_start3A = tpu.memref_slice %arg4[%mul3A_207] : memref<320000xf32, #tpu.memory_space<hbm>> -> memref<10000xf32, #tpu.memory_space<hbm>>
      %dma_start3A_209 = tpu.memref_slice %arg4[%mul3A_207] : memref<320000xf32, #tpu.memory_space<hbm>> -> memref<10000xf32, #tpu.memory_space<hbm>>
      tpu.enqueue_dma source(%arg14 : memref<10000xf32, #tpu.memory_space<vmem>>) target(%dma_start3A_209 : memref<10000xf32, #tpu.memory_space<hbm>>) target_semaphore(%run_scoped3A_208 : memref<!tpu.dma_semaphore, #tpu.memory_space<semaphore_mem>>)
      %dma_wait3A_210 = tpu.memref_slice %arg4[%mul3A_207] : memref<320000xf32, #tpu.memory_space<hbm>> -> memref<10000xf32, #tpu.memory_space<hbm>>
      %dma_wait3A_211 = tpu.memref_slice %arg4[%mul3A_207] : memref<320000xf32, #tpu.memory_space<hbm>> -> memref<10000xf32, #tpu.memory_space<hbm>>
      tpu.wait_dma2 semaphore(%run_scoped3A_208 : memref<!tpu.dma_semaphore, #tpu.memory_space<semaphore_mem>>) src(%arg14 : memref<10000xf32, #tpu.memory_space<vmem>>) dst(%dma_wait3A_211 : memref<10000xf32, #tpu.memory_space<hbm>>)
      tpu.yield
    }) : () -> ()
    return
  }
}

#map = affine_map<(d0, d1) -> (0, 0)>
#map1 = affine_map<(d0, d1) -> (0)>
#map2 = affine_map<(d0, d1) -> (0, 0, 0)>
module attributes {stable_mosaic.version = 14 : i64} {
  func.func @_agg_body(%arg0: i32, %arg1: i32, %arg2: memref<4000x80xi32, #tpu.memory_space<hbm>>, %arg3: memref<4000x80xi32, #tpu.memory_space<hbm>>, %arg4: memref<320000xf32, #tpu.memory_space<hbm>>, %arg5: memref<160000x16xf32, #tpu.memory_space<hbm>>, %arg6: memref<2x10240x16xf32, #tpu.memory_space<hbm>>, %arg7: memref<10240x16xf32, #tpu.memory_space<vmem_shared>>, %arg8: memref<125x80xi32, #tpu.memory_space<vmem>>, %arg9: memref<125x80xi32, #tpu.memory_space<vmem>>, %arg10: memref<10000xf32, #tpu.memory_space<vmem>>, %arg11: memref<10x80x16xf32, #tpu.memory_space<vmem>>, %arg12: memref<128x16xf32, #tpu.memory_space<vmem>>, %arg13: memref<!tpu.dma_semaphore, #tpu.memory_space<semaphore_mem>>, %arg14: memref<!tpu.dma_semaphore, #tpu.memory_space<semaphore_mem>>) attributes {dimension_semantics = [#tpu.dimension_semantics<core_parallel>, #tpu.dimension_semantics<subcore_parallel>], iteration_bounds = array<i64: 2, 16>, scalar_prefetch = 0 : i64, scratch_operands = 8 : i64, tpu.core_type = #tpu.core_type<sc_vector_subcore>, window_params = [{transform_indices = #map}, {transform_indices = #map}, {transform_indices = #map1}, {transform_indices = #map}, {transform_indices = #map2}]} {
    %mul3A = arith.constant 16 : i32
    %mul3A_0 = arith.muli %arg0, %mul3A : i32
    %add3A = arith.addi %mul3A_0, %arg1 : i32
    %mul3A_1 = arith.constant 125 : i32
    %mul3A_2 = arith.muli %add3A, %mul3A_1 : i32
    "tpu.region"() ({
      %run_scoped3A = tpu.sem_alloc : memref<!tpu.dma_semaphore, #tpu.memory_space<semaphore_mem>>
      %dma_start3A_161 = arith.constant 0 : i32
      %dma_start3A_162 = tpu.memref_slice %arg2[%mul3A_2, %dma_start3A_161] : memref<4000x80xi32, #tpu.memory_space<hbm>> -> memref<125x80xi32, #tpu.memory_space<hbm>>
      %dma_start3A_163 = arith.constant 0 : i32
      %dma_start3A_164 = tpu.memref_slice %arg2[%mul3A_2, %dma_start3A_163] : memref<4000x80xi32, #tpu.memory_space<hbm>> -> memref<125x80xi32, #tpu.memory_space<hbm>>
      tpu.enqueue_dma source(%dma_start3A_164 : memref<125x80xi32, #tpu.memory_space<hbm>>) target(%arg8 : memref<125x80xi32, #tpu.memory_space<vmem>>) target_semaphore(%run_scoped3A : memref<!tpu.dma_semaphore, #tpu.memory_space<semaphore_mem>>)
      %dma_wait3A_165 = arith.constant 0 : i32
      %dma_wait3A_166 = tpu.memref_slice %arg2[%mul3A_2, %dma_wait3A_165] : memref<4000x80xi32, #tpu.memory_space<hbm>> -> memref<125x80xi32, #tpu.memory_space<hbm>>
      %dma_wait3A_167 = arith.constant 0 : i32
      %dma_wait3A_168 = tpu.memref_slice %arg2[%mul3A_2, %dma_wait3A_167] : memref<4000x80xi32, #tpu.memory_space<hbm>> -> memref<125x80xi32, #tpu.memory_space<hbm>>
      tpu.wait_dma2 semaphore(%run_scoped3A : memref<!tpu.dma_semaphore, #tpu.memory_space<semaphore_mem>>) src(%dma_wait3A_168 : memref<125x80xi32, #tpu.memory_space<hbm>>) dst(%arg8 : memref<125x80xi32, #tpu.memory_space<vmem>>)
      tpu.yield
    }) : () -> ()
    "tpu.region"() ({
      %run_scoped3A = tpu.sem_alloc : memref<!tpu.dma_semaphore, #tpu.memory_space<semaphore_mem>>
      %dma_start3A_161 = arith.constant 0 : i32
      %dma_start3A_162 = tpu.memref_slice %arg3[%mul3A_2, %dma_start3A_161] : memref<4000x80xi32, #tpu.memory_space<hbm>> -> memref<125x80xi32, #tpu.memory_space<hbm>>
      %dma_start3A_163 = arith.constant 0 : i32
      %dma_start3A_164 = tpu.memref_slice %arg3[%mul3A_2, %dma_start3A_163] : memref<4000x80xi32, #tpu.memory_space<hbm>> -> memref<125x80xi32, #tpu.memory_space<hbm>>
      tpu.enqueue_dma source(%dma_start3A_164 : memref<125x80xi32, #tpu.memory_space<hbm>>) target(%arg9 : memref<125x80xi32, #tpu.memory_space<vmem>>) target_semaphore(%run_scoped3A : memref<!tpu.dma_semaphore, #tpu.memory_space<semaphore_mem>>)
      %dma_wait3A_165 = arith.constant 0 : i32
      %dma_wait3A_166 = tpu.memref_slice %arg3[%mul3A_2, %dma_wait3A_165] : memref<4000x80xi32, #tpu.memory_space<hbm>> -> memref<125x80xi32, #tpu.memory_space<hbm>>
      %dma_wait3A_167 = arith.constant 0 : i32
      %dma_wait3A_168 = tpu.memref_slice %arg3[%mul3A_2, %dma_wait3A_167] : memref<4000x80xi32, #tpu.memory_space<hbm>> -> memref<125x80xi32, #tpu.memory_space<hbm>>
      tpu.wait_dma2 semaphore(%run_scoped3A : memref<!tpu.dma_semaphore, #tpu.memory_space<semaphore_mem>>) src(%dma_wait3A_168 : memref<125x80xi32, #tpu.memory_space<hbm>>) dst(%arg9 : memref<125x80xi32, #tpu.memory_space<vmem>>)
      tpu.yield
    }) : () -> ()
    %mul3A_3 = arith.constant 10000 : i32
    %mul3A_4 = arith.muli %add3A, %mul3A_3 : i32
    "tpu.region"() ({
      %run_scoped3A = tpu.sem_alloc : memref<!tpu.dma_semaphore, #tpu.memory_space<semaphore_mem>>
      %dma_start3A_161 = tpu.memref_slice %arg4[%mul3A_4] : memref<320000xf32, #tpu.memory_space<hbm>> -> memref<10000xf32, #tpu.memory_space<hbm>>
      %dma_start3A_162 = tpu.memref_slice %arg4[%mul3A_4] : memref<320000xf32, #tpu.memory_space<hbm>> -> memref<10000xf32, #tpu.memory_space<hbm>>
      tpu.enqueue_dma source(%dma_start3A_162 : memref<10000xf32, #tpu.memory_space<hbm>>) target(%arg10 : memref<10000xf32, #tpu.memory_space<vmem>>) target_semaphore(%run_scoped3A : memref<!tpu.dma_semaphore, #tpu.memory_space<semaphore_mem>>)
      %dma_wait3A_163 = tpu.memref_slice %arg4[%mul3A_4] : memref<320000xf32, #tpu.memory_space<hbm>> -> memref<10000xf32, #tpu.memory_space<hbm>>
      %dma_wait3A_164 = tpu.memref_slice %arg4[%mul3A_4] : memref<320000xf32, #tpu.memory_space<hbm>> -> memref<10000xf32, #tpu.memory_space<hbm>>
      tpu.wait_dma2 semaphore(%run_scoped3A : memref<!tpu.dma_semaphore, #tpu.memory_space<semaphore_mem>>) src(%dma_wait3A_164 : memref<10000xf32, #tpu.memory_space<hbm>>) dst(%arg10 : memref<10000xf32, #tpu.memory_space<vmem>>)
      tpu.yield
    }) : () -> ()
    %broadcast_in_dim3A = arith.constant 0.000000e+00 : f32
    %broadcast_in_dim3A_5 = vector.broadcast %broadcast_in_dim3A : f32 to vector<16xf32>
    %scan3A = arith.constant 0 : i32
    %scan3A_6 = arith.constant 0 : i32
    %scan3A_7 = arith.constant 128 : i32
    %scan3A_8 = arith.addi %scan3A_6, %scan3A_7 : i32
    %scan3A_9 = arith.constant 4 : i32
    %scan3A_10 = scf.for %scan3A_161 = %scan3A_6 to %scan3A_8 step %scan3A_9 iter_args(%scan3A_162 = %scan3A) -> (i32)  : i32 {
      %swap3A = arith.index_cast %scan3A_161 : i32 to index
      %swap3A_163 = arith.constant 0 : index
      %swap3A_164 = tpu.vector_load %arg12[%swap3A, %swap3A_163] {strides = array<i32>} : memref<128x16xf32, #tpu.memory_space<vmem>>, vector<1x16xf32>,
      %swap3A_165 = vector.shape_cast %swap3A_164 : vector<1x16xf32> to vector<16xf32>
      %swap3A_166 = vector.shape_cast %broadcast_in_dim3A_5 : vector<16xf32> to vector<1x16xf32>
      tpu.vector_store %arg12[%swap3A, %swap3A_163], %swap3A_166 {strides = array<i32>} : memref<128x16xf32, #tpu.memory_space<vmem>>, vector<1x16xf32>,
      %scan3A_167 = arith.constant 0 : i32
      %scan3A_168 = arith.constant 1 : i32
      %scan3A_169 = arith.addi %scan3A_161, %scan3A_168 : i32
      %swap3A_170 = arith.index_cast %scan3A_169 : i32 to index
      %swap3A_171 = arith.constant 0 : index
      %swap3A_172 = tpu.vector_load %arg12[%swap3A_170, %swap3A_171] {strides = array<i32>} : memref<128x16xf32, #tpu.memory_space<vmem>>, vector<1x16xf32>,
      %swap3A_173 = vector.shape_cast %swap3A_172 : vector<1x16xf32> to vector<16xf32>
      %swap3A_174 = vector.shape_cast %broadcast_in_dim3A_5 : vector<16xf32> to vector<1x16xf32>
      tpu.vector_store %arg12[%swap3A_170, %swap3A_171], %swap3A_174 {strides = array<i32>} : memref<128x16xf32, #tpu.memory_space<vmem>>, vector<1x16xf32>,
      %scan3A_175 = arith.constant 0 : i32
      %scan3A_176 = arith.constant 2 : i32
      %scan3A_177 = arith.addi %scan3A_161, %scan3A_176 : i32
      %swap3A_178 = arith.index_cast %scan3A_177 : i32 to index
      %swap3A_179 = arith.constant 0 : index
      %swap3A_180 = tpu.vector_load %arg12[%swap3A_178, %swap3A_179] {strides = array<i32>} : memref<128x16xf32, #tpu.memory_space<vmem>>, vector<1x16xf32>,
      %swap3A_181 = vector.shape_cast %swap3A_180 : vector<1x16xf32> to vector<16xf32>
      %swap3A_182 = vector.shape_cast %broadcast_in_dim3A_5 : vector<16xf32> to vector<1x16xf32>
      tpu.vector_store %arg12[%swap3A_178, %swap3A_179], %swap3A_182 {strides = array<i32>} : memref<128x16xf32, #tpu.memory_space<vmem>>, vector<1x16xf32>,
      %scan3A_183 = arith.constant 0 : i32
      %scan3A_184 = arith.constant 3 : i32
      %scan3A_185 = arith.addi %scan3A_161, %scan3A_184 : i32
      %swap3A_186 = arith.index_cast %scan3A_185 : i32 to index
      %swap3A_187 = arith.constant 0 : index
      %swap3A_188 = tpu.vector_load %arg12[%swap3A_186, %swap3A_187] {strides = array<i32>} : memref<128x16xf32, #tpu.memory_space<vmem>>, vector<1x16xf32>,
      %swap3A_189 = vector.shape_cast %swap3A_188 : vector<1x16xf32> to vector<16xf32>
      %swap3A_190 = vector.shape_cast %broadcast_in_dim3A_5 : vector<16xf32> to vector<1x16xf32>
      tpu.vector_store %arg12[%swap3A_186, %swap3A_187], %swap3A_190 {strides = array<i32>} : memref<128x16xf32, #tpu.memory_space<vmem>>, vector<1x16xf32>,
      %scan3A_191 = arith.constant 0 : i32
      scf.yield %scan3A_191 : i32
    }
    %scan3A_11 = arith.constant 128 : i32
    %scan3A_12 = arith.constant 0 : i32
    %scan3A_13 = arith.constant 0 : i32
    %scan3A_14 = arith.constant 5 : i32
    %scan3A_15 = arith.addi %scan3A_13, %scan3A_14 : i32
    %scan3A_16 = arith.constant 1 : i32
    %scan3A_17 = scf.for %scan3A_161 = %scan3A_13 to %scan3A_15 step %scan3A_16 iter_args(%scan3A_162 = %scan3A_12) -> (i32)  : i32 {
      %mul3A_163 = arith.constant 640 : i32
      %mul3A_164 = arith.muli %arg1, %mul3A_163 : i32
      %mul3A_165 = arith.constant 128 : i32
      %mul3A_166 = arith.muli %scan3A_161, %mul3A_165 : i32
      %add3A_167 = arith.addi %mul3A_164, %mul3A_166 : i32
      "tpu.region"() ({
        %run_scoped3A = tpu.sem_alloc : memref<!tpu.dma_semaphore, #tpu.memory_space<semaphore_mem>>
        %dma_start3A_169 = arith.constant 0 : i32
        %dma_start3A_170 = tpu.memref_slice %arg7[%add3A_167, %dma_start3A_169] : memref<10240x16xf32, #tpu.memory_space<vmem_shared>> -> memref<128x16xf32, #tpu.memory_space<vmem_shared>>
        %dma_start3A_171 = arith.constant 0 : i32
        %dma_start3A_172 = tpu.memref_slice %arg7[%add3A_167, %dma_start3A_171] : memref<10240x16xf32, #tpu.memory_space<vmem_shared>> -> memref<128x16xf32, #tpu.memory_space<vmem_shared>>
        tpu.enqueue_dma source(%arg12 : memref<128x16xf32, #tpu.memory_space<vmem>>) target(%dma_start3A_172 : memref<128x16xf32, #tpu.memory_space<vmem_shared>>) target_semaphore(%run_scoped3A : memref<!tpu.dma_semaphore, #tpu.memory_space<semaphore_mem>>)
        %dma_wait3A_173 = arith.constant 0 : i32
        %dma_wait3A_174 = tpu.memref_slice %arg7[%add3A_167, %dma_wait3A_173] : memref<10240x16xf32, #tpu.memory_space<vmem_shared>> -> memref<128x16xf32, #tpu.memory_space<vmem_shared>>
        %dma_wait3A_175 = arith.constant 0 : i32
        %dma_wait3A_176 = tpu.memref_slice %arg7[%add3A_167, %dma_wait3A_175] : memref<10240x16xf32, #tpu.memory_space<vmem_shared>> -> memref<128x16xf32, #tpu.memory_space<vmem_shared>>
        tpu.wait_dma2 semaphore(%run_scoped3A : memref<!tpu.dma_semaphore, #tpu.memory_space<semaphore_mem>>) src(%arg12 : memref<128x16xf32, #tpu.memory_space<vmem>>) dst(%dma_wait3A_176 : memref<128x16xf32, #tpu.memory_space<vmem_shared>>)
        tpu.yield
      }) : () -> ()
      %scan3A_168 = arith.constant 0 : i32
      scf.yield %scan3A_168 : i32
    }
    %scan3A_18 = arith.constant 5 : i32
    %barrier3A = arith.constant 0 : index
    tpu.barrier barrier_id(%barrier3A)
    %dma_start3A = arith.constant 0 : i32
    %dma_start3A_19 = arith.constant 0 : i32
    %dma_start3A_20 = arith.constant 0 : i32
    %dma_start3A_21 = arith.constant 0 : i32
    %dma_start3A_22 = tpu.memref_slice %arg11[%dma_start3A_19, %dma_start3A_20, %dma_start3A_21] : memref<10x80x16xf32, #tpu.memory_space<vmem>> -> memref<1x80x16xf32, #tpu.memory_space<vmem>>
    %dma_start3A_23 = tpu.memref_squeeze %dma_start3A_22 : memref<1x80x16xf32, #tpu.memory_space<vmem>> -> memref<80x16xf32, #tpu.memory_space<vmem>>
    %dma_start3A_24 = arith.constant 0 : i32
    %dma_start3A_25 = tpu.memref_slice %arg9[%dma_start3A, %dma_start3A_24] : memref<125x80xi32, #tpu.memory_space<vmem>> -> memref<1x80xi32, #tpu.memory_space<vmem>>
    %dma_start3A_26 = tpu.memref_squeeze %dma_start3A_25 : memref<1x80xi32, #tpu.memory_space<vmem>> -> memref<80xi32, #tpu.memory_space<vmem>>
    %dma_start3A_27 = arith.constant 0 : i32
    %dma_start3A_28 = arith.constant 0 : i32
    %dma_start3A_29 = tpu.memref_slice %arg5[%dma_start3A_27, %dma_start3A_28] : memref<160000x16xf32, #tpu.memory_space<hbm>> -> memref<160000x16xf32, #tpu.memory_space<hbm>>
    tpu.enqueue_indirect_dma source(%dma_start3A_29 : memref<160000x16xf32, #tpu.memory_space<hbm>>) target(%dma_start3A_23 : memref<80x16xf32, #tpu.memory_space<vmem>>) offsets(%dma_start3A_26 : memref<80xi32, #tpu.memory_space<vmem>>) semaphore(%arg13 : memref<!tpu.dma_semaphore, #tpu.memory_space<semaphore_mem>>)
    %dma_start3A_30 = arith.constant 1 : i32
    %dma_start3A_31 = arith.constant 1 : i32
    %dma_start3A_32 = arith.constant 0 : i32
    %dma_start3A_33 = arith.constant 0 : i32
    %dma_start3A_34 = tpu.memref_slice %arg11[%dma_start3A_31, %dma_start3A_32, %dma_start3A_33] : memref<10x80x16xf32, #tpu.memory_space<vmem>> -> memref<1x80x16xf32, #tpu.memory_space<vmem>>
    %dma_start3A_35 = tpu.memref_squeeze %dma_start3A_34 : memref<1x80x16xf32, #tpu.memory_space<vmem>> -> memref<80x16xf32, #tpu.memory_space<vmem>>
    %dma_start3A_36 = arith.constant 0 : i32
    %dma_start3A_37 = tpu.memref_slice %arg9[%dma_start3A_30, %dma_start3A_36] : memref<125x80xi32, #tpu.memory_space<vmem>> -> memref<1x80xi32, #tpu.memory_space<vmem>>
    %dma_start3A_38 = tpu.memref_squeeze %dma_start3A_37 : memref<1x80xi32, #tpu.memory_space<vmem>> -> memref<80xi32, #tpu.memory_space<vmem>>
    %dma_start3A_39 = arith.constant 0 : i32
    %dma_start3A_40 = arith.constant 0 : i32
    %dma_start3A_41 = tpu.memref_slice %arg5[%dma_start3A_39, %dma_start3A_40] : memref<160000x16xf32, #tpu.memory_space<hbm>> -> memref<160000x16xf32, #tpu.memory_space<hbm>>
    tpu.enqueue_indirect_dma source(%dma_start3A_41 : memref<160000x16xf32, #tpu.memory_space<hbm>>) target(%dma_start3A_35 : memref<80x16xf32, #tpu.memory_space<vmem>>) offsets(%dma_start3A_38 : memref<80xi32, #tpu.memory_space<vmem>>) semaphore(%arg13 : memref<!tpu.dma_semaphore, #tpu.memory_space<semaphore_mem>>)
    %dma_start3A_42 = arith.constant 2 : i32
    %dma_start3A_43 = arith.constant 2 : i32
    %dma_start3A_44 = arith.constant 0 : i32
    %dma_start3A_45 = arith.constant 0 : i32
    %dma_start3A_46 = tpu.memref_slice %arg11[%dma_start3A_43, %dma_start3A_44, %dma_start3A_45] : memref<10x80x16xf32, #tpu.memory_space<vmem>> -> memref<1x80x16xf32, #tpu.memory_space<vmem>>
    %dma_start3A_47 = tpu.memref_squeeze %dma_start3A_46 : memref<1x80x16xf32, #tpu.memory_space<vmem>> -> memref<80x16xf32, #tpu.memory_space<vmem>>
    %dma_start3A_48 = arith.constant 0 : i32
    %dma_start3A_49 = tpu.memref_slice %arg9[%dma_start3A_42, %dma_start3A_48] : memref<125x80xi32, #tpu.memory_space<vmem>> -> memref<1x80xi32, #tpu.memory_space<vmem>>
    %dma_start3A_50 = tpu.memref_squeeze %dma_start3A_49 : memref<1x80xi32, #tpu.memory_space<vmem>> -> memref<80xi32, #tpu.memory_space<vmem>>
    %dma_start3A_51 = arith.constant 0 : i32
    %dma_start3A_52 = arith.constant 0 : i32
    %dma_start3A_53 = tpu.memref_slice %arg5[%dma_start3A_51, %dma_start3A_52] : memref<160000x16xf32, #tpu.memory_space<hbm>> -> memref<160000x16xf32, #tpu.memory_space<hbm>>
    tpu.enqueue_indirect_dma source(%dma_start3A_53 : memref<160000x16xf32, #tpu.memory_space<hbm>>) target(%dma_start3A_47 : memref<80x16xf32, #tpu.memory_space<vmem>>) offsets(%dma_start3A_50 : memref<80xi32, #tpu.memory_space<vmem>>) semaphore(%arg13 : memref<!tpu.dma_semaphore, #tpu.memory_space<semaphore_mem>>)
    %dma_start3A_54 = arith.constant 3 : i32
    %dma_start3A_55 = arith.constant 3 : i32
    %dma_start3A_56 = arith.constant 0 : i32
    %dma_start3A_57 = arith.constant 0 : i32
    %dma_start3A_58 = tpu.memref_slice %arg11[%dma_start3A_55, %dma_start3A_56, %dma_start3A_57] : memref<10x80x16xf32, #tpu.memory_space<vmem>> -> memref<1x80x16xf32, #tpu.memory_space<vmem>>
    %dma_start3A_59 = tpu.memref_squeeze %dma_start3A_58 : memref<1x80x16xf32, #tpu.memory_space<vmem>> -> memref<80x16xf32, #tpu.memory_space<vmem>>
    %dma_start3A_60 = arith.constant 0 : i32
    %dma_start3A_61 = tpu.memref_slice %arg9[%dma_start3A_54, %dma_start3A_60] : memref<125x80xi32, #tpu.memory_space<vmem>> -> memref<1x80xi32, #tpu.memory_space<vmem>>
    %dma_start3A_62 = tpu.memref_squeeze %dma_start3A_61 : memref<1x80xi32, #tpu.memory_space<vmem>> -> memref<80xi32, #tpu.memory_space<vmem>>
    %dma_start3A_63 = arith.constant 0 : i32
    %dma_start3A_64 = arith.constant 0 : i32
    %dma_start3A_65 = tpu.memref_slice %arg5[%dma_start3A_63, %dma_start3A_64] : memref<160000x16xf32, #tpu.memory_space<hbm>> -> memref<160000x16xf32, #tpu.memory_space<hbm>>
    tpu.enqueue_indirect_dma source(%dma_start3A_65 : memref<160000x16xf32, #tpu.memory_space<hbm>>) target(%dma_start3A_59 : memref<80x16xf32, #tpu.memory_space<vmem>>) offsets(%dma_start3A_62 : memref<80xi32, #tpu.memory_space<vmem>>) semaphore(%arg13 : memref<!tpu.dma_semaphore, #tpu.memory_space<semaphore_mem>>)
    %dma_start3A_66 = arith.constant 4 : i32
    %dma_start3A_67 = arith.constant 4 : i32
    %dma_start3A_68 = arith.constant 0 : i32
    %dma_start3A_69 = arith.constant 0 : i32
    %dma_start3A_70 = tpu.memref_slice %arg11[%dma_start3A_67, %dma_start3A_68, %dma_start3A_69] : memref<10x80x16xf32, #tpu.memory_space<vmem>> -> memref<1x80x16xf32, #tpu.memory_space<vmem>>
    %dma_start3A_71 = tpu.memref_squeeze %dma_start3A_70 : memref<1x80x16xf32, #tpu.memory_space<vmem>> -> memref<80x16xf32, #tpu.memory_space<vmem>>
    %dma_start3A_72 = arith.constant 0 : i32
    %dma_start3A_73 = tpu.memref_slice %arg9[%dma_start3A_66, %dma_start3A_72] : memref<125x80xi32, #tpu.memory_space<vmem>> -> memref<1x80xi32, #tpu.memory_space<vmem>>
    %dma_start3A_74 = tpu.memref_squeeze %dma_start3A_73 : memref<1x80xi32, #tpu.memory_space<vmem>> -> memref<80xi32, #tpu.memory_space<vmem>>
    %dma_start3A_75 = arith.constant 0 : i32
    %dma_start3A_76 = arith.constant 0 : i32
    %dma_start3A_77 = tpu.memref_slice %arg5[%dma_start3A_75, %dma_start3A_76] : memref<160000x16xf32, #tpu.memory_space<hbm>> -> memref<160000x16xf32, #tpu.memory_space<hbm>>
    tpu.enqueue_indirect_dma source(%dma_start3A_77 : memref<160000x16xf32, #tpu.memory_space<hbm>>) target(%dma_start3A_71 : memref<80x16xf32, #tpu.memory_space<vmem>>) offsets(%dma_start3A_74 : memref<80xi32, #tpu.memory_space<vmem>>) semaphore(%arg13 : memref<!tpu.dma_semaphore, #tpu.memory_space<semaphore_mem>>)
    %scan3A_78 = arith.constant 0 : i32
    %scan3A_79 = arith.constant 0 : i32
    %scan3A_80 = arith.constant 125 : i32
    %scan3A_81 = arith.addi %scan3A_79, %scan3A_80 : i32
    %scan3A_82 = arith.constant 1 : i32
    %scan3A_83 = scf.for %scan3A_161 = %scan3A_79 to %scan3A_81 step %scan3A_82 iter_args(%scan3A_162 = %scan3A_78) -> (i32)  : i32 {
      %rem3A_163 = arith.constant 10 : i32
      %rem3A_164 = arith.remsi %scan3A_161, %rem3A_163 : i32
      %dma_wait3A_165 = arith.constant 0 : i32
      %dma_wait3A_166 = arith.constant 0 : i32
      %dma_wait3A_167 = tpu.memref_slice %arg11[%rem3A_164, %dma_wait3A_165, %dma_wait3A_166] : memref<10x80x16xf32, #tpu.memory_space<vmem>> -> memref<1x80x16xf32, #tpu.memory_space<vmem>>
      %dma_wait3A_168 = tpu.memref_squeeze %dma_wait3A_167 : memref<1x80x16xf32, #tpu.memory_space<vmem>> -> memref<80x16xf32, #tpu.memory_space<vmem>>
      %dma_wait3A_169 = arith.constant 0 : i32
      %dma_wait3A_170 = tpu.memref_slice %arg9[%scan3A_161, %dma_wait3A_169] : memref<125x80xi32, #tpu.memory_space<vmem>> -> memref<1x80xi32, #tpu.memory_space<vmem>>
      %dma_wait3A_171 = tpu.memref_squeeze %dma_wait3A_170 : memref<1x80xi32, #tpu.memory_space<vmem>> -> memref<80xi32, #tpu.memory_space<vmem>>
      %dma_wait3A_172 = arith.constant 0 : i32
      %dma_wait3A_173 = arith.constant 0 : i32
      %dma_wait3A_174 = tpu.memref_slice %arg5[%dma_wait3A_172, %dma_wait3A_173] : memref<160000x16xf32, #tpu.memory_space<hbm>> -> memref<160000x16xf32, #tpu.memory_space<hbm>>
      tpu.wait_indirect_dma semaphore(%arg13 : memref<!tpu.dma_semaphore, #tpu.memory_space<semaphore_mem>>) src(%dma_wait3A_174 : memref<160000x16xf32, #tpu.memory_space<hbm>>) dst(%dma_wait3A_168 : memref<80x16xf32, #tpu.memory_space<vmem>>)
      %parallel_loop3A = arith.constant 0 : i32
      %parallel_loop3A_175 = arith.constant 5 : i32
      %parallel_loop3A_176 = arith.constant 1 : i32
      scf.for %parallel_loop3A_196 = %parallel_loop3A to %parallel_loop3A_175 step %parallel_loop3A_176  : i32 {
        %parallel_loop3A_197 = arith.constant 80 : i32
        %parallel_loop3A_198 = arith.muli %scan3A_161, %parallel_loop3A_197 : i32
        %parallel_loop3A_199 = arith.constant 16 : i32
        %parallel_loop3A_200 = arith.muli %parallel_loop3A_196, %parallel_loop3A_199 : i32
        %parallel_loop3A_201 = arith.addi %parallel_loop3A_198, %parallel_loop3A_200 : i32
        %parallel_loop3A_202 = arith.index_cast %parallel_loop3A_201 : i32 to index
        %parallel_loop3A_203 = tpu.vector_load %arg10[%parallel_loop3A_202] {strides = array<i32>} : memref<10000xf32, #tpu.memory_space<vmem>>, vector<16xf32>,
        %parallel_loop3A_204 = vector.shape_cast %parallel_loop3A_203 : vector<16xf32> to vector<16xf32>
        %parallel_loop3A_205 = arith.constant 16 : i32
        %parallel_loop3A_206 = arith.muli %parallel_loop3A_196, %parallel_loop3A_205 : i32
        %parallel_loop3A_207 = arith.constant 0 : i32
        %parallel_loop3A_208 = arith.addi %parallel_loop3A_206, %parallel_loop3A_207 : i32
        %parallel_loop3A_209 = vector.extract_strided_slice %parallel_loop3A_204 {offsets = [0], sizes = [1], strides = [1]} : vector<16xf32> to vector<1xf32>
        %parallel_loop3A_210 = vector.extract %parallel_loop3A_209[0] : f32 from vector<1xf32>
        %parallel_loop3A_211 = arith.index_cast %rem3A_164 : i32 to index
        %parallel_loop3A_212 = arith.index_cast %parallel_loop3A_208 : i32 to index
        %parallel_loop3A_213 = arith.constant 0 : index
        %parallel_loop3A_214 = tpu.vector_load %arg11[%parallel_loop3A_211, %parallel_loop3A_212, %parallel_loop3A_213] {strides = array<i32>} : memref<10x80x16xf32, #tpu.memory_space<vmem>>, vector<1x1x16xf32>,
        %parallel_loop3A_215 = vector.shape_cast %parallel_loop3A_214 : vector<1x1x16xf32> to vector<16xf32>
        %parallel_loop3A_216 = vector.broadcast %parallel_loop3A_210 : f32 to vector<16xf32>
        %parallel_loop3A_217 = arith.mulf %parallel_loop3A_215, %parallel_loop3A_216 : vector<16xf32>
        %parallel_loop3A_218 = arith.index_cast %rem3A_164 : i32 to index
        %parallel_loop3A_219 = arith.index_cast %parallel_loop3A_208 : i32 to index
        %parallel_loop3A_220 = arith.constant 0 : index
        %parallel_loop3A_221 = tpu.vector_load %arg11[%parallel_loop3A_218, %parallel_loop3A_219, %parallel_loop3A_220] {strides = array<i32>} : memref<10x80x16xf32, #tpu.memory_space<vmem>>, vector<1x1x16xf32>,
        %parallel_loop3A_222 = vector.shape_cast %parallel_loop3A_221 : vector<1x1x16xf32> to vector<16xf32>
        %parallel_loop3A_223 = vector.shape_cast %parallel_loop3A_217 : vector<16xf32> to vector<1x1x16xf32>
        tpu.vector_store %arg11[%parallel_loop3A_218, %parallel_loop3A_219, %parallel_loop3A_220], %parallel_loop3A_223 {strides = array<i32>} : memref<10x80x16xf32, #tpu.memory_space<vmem>>, vector<1x1x16xf32>,
        %parallel_loop3A_224 = arith.constant 16 : i32
        %parallel_loop3A_225 = arith.muli %parallel_loop3A_196, %parallel_loop3A_224 : i32
        %parallel_loop3A_226 = arith.constant 1 : i32
        %parallel_loop3A_227 = arith.addi %parallel_loop3A_225, %parallel_loop3A_226 : i32
        %parallel_loop3A_228 = vector.extract_strided_slice %parallel_loop3A_204 {offsets = [1], sizes = [1], strides = [1]} : vector<16xf32> to vector<1xf32>
        %parallel_loop3A_229 = vector.extract %parallel_loop3A_228[0] : f32 from vector<1xf32>
        %parallel_loop3A_230 = arith.index_cast %rem3A_164 : i32 to index
        %parallel_loop3A_231 = arith.index_cast %parallel_loop3A_227 : i32 to index
        %parallel_loop3A_232 = arith.constant 0 : index
        %parallel_loop3A_233 = tpu.vector_load %arg11[%parallel_loop3A_230, %parallel_loop3A_231, %parallel_loop3A_232] {strides = array<i32>} : memref<10x80x16xf32, #tpu.memory_space<vmem>>, vector<1x1x16xf32>,
        %parallel_loop3A_234 = vector.shape_cast %parallel_loop3A_233 : vector<1x1x16xf32> to vector<16xf32>
        %parallel_loop3A_235 = vector.broadcast %parallel_loop3A_229 : f32 to vector<16xf32>
        %parallel_loop3A_236 = arith.mulf %parallel_loop3A_234, %parallel_loop3A_235 : vector<16xf32>
        %parallel_loop3A_237 = arith.index_cast %rem3A_164 : i32 to index
        %parallel_loop3A_238 = arith.index_cast %parallel_loop3A_227 : i32 to index
        %parallel_loop3A_239 = arith.constant 0 : index
        %parallel_loop3A_240 = tpu.vector_load %arg11[%parallel_loop3A_237, %parallel_loop3A_238, %parallel_loop3A_239] {strides = array<i32>} : memref<10x80x16xf32, #tpu.memory_space<vmem>>, vector<1x1x16xf32>,
        %parallel_loop3A_241 = vector.shape_cast %parallel_loop3A_240 : vector<1x1x16xf32> to vector<16xf32>
        %parallel_loop3A_242 = vector.shape_cast %parallel_loop3A_236 : vector<16xf32> to vector<1x1x16xf32>
        tpu.vector_store %arg11[%parallel_loop3A_237, %parallel_loop3A_238, %parallel_loop3A_239], %parallel_loop3A_242 {strides = array<i32>} : memref<10x80x16xf32, #tpu.memory_space<vmem>>, vector<1x1x16xf32>,
        %parallel_loop3A_243 = arith.constant 16 : i32
        %parallel_loop3A_244 = arith.muli %parallel_loop3A_196, %parallel_loop3A_243 : i32
        %parallel_loop3A_245 = arith.constant 2 : i32
        %parallel_loop3A_246 = arith.addi %parallel_loop3A_244, %parallel_loop3A_245 : i32
        %parallel_loop3A_247 = vector.extract_strided_slice %parallel_loop3A_204 {offsets = [2], sizes = [1], strides = [1]} : vector<16xf32> to vector<1xf32>
        %parallel_loop3A_248 = vector.extract %parallel_loop3A_247[0] : f32 from vector<1xf32>
        %parallel_loop3A_249 = arith.index_cast %rem3A_164 : i32 to index
        %parallel_loop3A_250 = arith.index_cast %parallel_loop3A_246 : i32 to index
        %parallel_loop3A_251 = arith.constant 0 : index
        %parallel_loop3A_252 = tpu.vector_load %arg11[%parallel_loop3A_249, %parallel_loop3A_250, %parallel_loop3A_251] {strides = array<i32>} : memref<10x80x16xf32, #tpu.memory_space<vmem>>, vector<1x1x16xf32>,
        %parallel_loop3A_253 = vector.shape_cast %parallel_loop3A_252 : vector<1x1x16xf32> to vector<16xf32>
        %parallel_loop3A_254 = vector.broadcast %parallel_loop3A_248 : f32 to vector<16xf32>
        %parallel_loop3A_255 = arith.mulf %parallel_loop3A_253, %parallel_loop3A_254 : vector<16xf32>
        %parallel_loop3A_256 = arith.index_cast %rem3A_164 : i32 to index
        %parallel_loop3A_257 = arith.index_cast %parallel_loop3A_246 : i32 to index
        %parallel_loop3A_258 = arith.constant 0 : index
        %parallel_loop3A_259 = tpu.vector_load %arg11[%parallel_loop3A_256, %parallel_loop3A_257, %parallel_loop3A_258] {strides = array<i32>} : memref<10x80x16xf32, #tpu.memory_space<vmem>>, vector<1x1x16xf32>,
        %parallel_loop3A_260 = vector.shape_cast %parallel_loop3A_259 : vector<1x1x16xf32> to vector<16xf32>
        %parallel_loop3A_261 = vector.shape_cast %parallel_loop3A_255 : vector<16xf32> to vector<1x1x16xf32>
        tpu.vector_store %arg11[%parallel_loop3A_256, %parallel_loop3A_257, %parallel_loop3A_258], %parallel_loop3A_261 {strides = array<i32>} : memref<10x80x16xf32, #tpu.memory_space<vmem>>, vector<1x1x16xf32>,
        %parallel_loop3A_262 = arith.constant 16 : i32
        %parallel_loop3A_263 = arith.muli %parallel_loop3A_196, %parallel_loop3A_262 : i32
        %parallel_loop3A_264 = arith.constant 3 : i32
        %parallel_loop3A_265 = arith.addi %parallel_loop3A_263, %parallel_loop3A_264 : i32
        %parallel_loop3A_266 = vector.extract_strided_slice %parallel_loop3A_204 {offsets = [3], sizes = [1], strides = [1]} : vector<16xf32> to vector<1xf32>
        %parallel_loop3A_267 = vector.extract %parallel_loop3A_266[0] : f32 from vector<1xf32>
        %parallel_loop3A_268 = arith.index_cast %rem3A_164 : i32 to index
        %parallel_loop3A_269 = arith.index_cast %parallel_loop3A_265 : i32 to index
        %parallel_loop3A_270 = arith.constant 0 : index
        %parallel_loop3A_271 = tpu.vector_load %arg11[%parallel_loop3A_268, %parallel_loop3A_269, %parallel_loop3A_270] {strides = array<i32>} : memref<10x80x16xf32, #tpu.memory_space<vmem>>, vector<1x1x16xf32>,
        %parallel_loop3A_272 = vector.shape_cast %parallel_loop3A_271 : vector<1x1x16xf32> to vector<16xf32>
        %parallel_loop3A_273 = vector.broadcast %parallel_loop3A_267 : f32 to vector<16xf32>
        %parallel_loop3A_274 = arith.mulf %parallel_loop3A_272, %parallel_loop3A_273 : vector<16xf32>
        %parallel_loop3A_275 = arith.index_cast %rem3A_164 : i32 to index
        %parallel_loop3A_276 = arith.index_cast %parallel_loop3A_265 : i32 to index
        %parallel_loop3A_277 = arith.constant 0 : index
        %parallel_loop3A_278 = tpu.vector_load %arg11[%parallel_loop3A_275, %parallel_loop3A_276, %parallel_loop3A_277] {strides = array<i32>} : memref<10x80x16xf32, #tpu.memory_space<vmem>>, vector<1x1x16xf32>,
        %parallel_loop3A_279 = vector.shape_cast %parallel_loop3A_278 : vector<1x1x16xf32> to vector<16xf32>
        %parallel_loop3A_280 = vector.shape_cast %parallel_loop3A_274 : vector<16xf32> to vector<1x1x16xf32>
        tpu.vector_store %arg11[%parallel_loop3A_275, %parallel_loop3A_276, %parallel_loop3A_277], %parallel_loop3A_280 {strides = array<i32>} : memref<10x80x16xf32, #tpu.memory_space<vmem>>, vector<1x1x16xf32>,
        %parallel_loop3A_281 = arith.constant 16 : i32
        %parallel_loop3A_282 = arith.muli %parallel_loop3A_196, %parallel_loop3A_281 : i32
        %parallel_loop3A_283 = arith.constant 4 : i32
        %parallel_loop3A_284 = arith.addi %parallel_loop3A_282, %parallel_loop3A_283 : i32
        %parallel_loop3A_285 = vector.extract_strided_slice %parallel_loop3A_204 {offsets = [4], sizes = [1], strides = [1]} : vector<16xf32> to vector<1xf32>
        %parallel_loop3A_286 = vector.extract %parallel_loop3A_285[0] : f32 from vector<1xf32>
        %parallel_loop3A_287 = arith.index_cast %rem3A_164 : i32 to index
        %parallel_loop3A_288 = arith.index_cast %parallel_loop3A_284 : i32 to index
        %parallel_loop3A_289 = arith.constant 0 : index
        %parallel_loop3A_290 = tpu.vector_load %arg11[%parallel_loop3A_287, %parallel_loop3A_288, %parallel_loop3A_289] {strides = array<i32>} : memref<10x80x16xf32, #tpu.memory_space<vmem>>, vector<1x1x16xf32>,
        %parallel_loop3A_291 = vector.shape_cast %parallel_loop3A_290 : vector<1x1x16xf32> to vector<16xf32>
        %parallel_loop3A_292 = vector.broadcast %parallel_loop3A_286 : f32 to vector<16xf32>
        %parallel_loop3A_293 = arith.mulf %parallel_loop3A_291, %parallel_loop3A_292 : vector<16xf32>
        %parallel_loop3A_294 = arith.index_cast %rem3A_164 : i32 to index
        %parallel_loop3A_295 = arith.index_cast %parallel_loop3A_284 : i32 to index
        %parallel_loop3A_296 = arith.constant 0 : index
        %parallel_loop3A_297 = tpu.vector_load %arg11[%parallel_loop3A_294, %parallel_loop3A_295, %parallel_loop3A_296] {strides = array<i32>} : memref<10x80x16xf32, #tpu.memory_space<vmem>>, vector<1x1x16xf32>,
        %parallel_loop3A_298 = vector.shape_cast %parallel_loop3A_297 : vector<1x1x16xf32> to vector<16xf32>
        %parallel_loop3A_299 = vector.shape_cast %parallel_loop3A_293 : vector<16xf32> to vector<1x1x16xf32>
        tpu.vector_store %arg11[%parallel_loop3A_294, %parallel_loop3A_295, %parallel_loop3A_296], %parallel_loop3A_299 {strides = array<i32>} : memref<10x80x16xf32, #tpu.memory_space<vmem>>, vector<1x1x16xf32>,
        %parallel_loop3A_300 = arith.constant 16 : i32
        %parallel_loop3A_301 = arith.muli %parallel_loop3A_196, %parallel_loop3A_300 : i32
        %parallel_loop3A_302 = arith.constant 5 : i32
        %parallel_loop3A_303 = arith.addi %parallel_loop3A_301, %parallel_loop3A_302 : i32
        %parallel_loop3A_304 = vector.extract_strided_slice %parallel_loop3A_204 {offsets = [5], sizes = [1], strides = [1]} : vector<16xf32> to vector<1xf32>
        %parallel_loop3A_305 = vector.extract %parallel_loop3A_304[0] : f32 from vector<1xf32>
        %parallel_loop3A_306 = arith.index_cast %rem3A_164 : i32 to index
        %parallel_loop3A_307 = arith.index_cast %parallel_loop3A_303 : i32 to index
        %parallel_loop3A_308 = arith.constant 0 : index
        %parallel_loop3A_309 = tpu.vector_load %arg11[%parallel_loop3A_306, %parallel_loop3A_307, %parallel_loop3A_308] {strides = array<i32>} : memref<10x80x16xf32, #tpu.memory_space<vmem>>, vector<1x1x16xf32>,
        %parallel_loop3A_310 = vector.shape_cast %parallel_loop3A_309 : vector<1x1x16xf32> to vector<16xf32>
        %parallel_loop3A_311 = vector.broadcast %parallel_loop3A_305 : f32 to vector<16xf32>
        %parallel_loop3A_312 = arith.mulf %parallel_loop3A_310, %parallel_loop3A_311 : vector<16xf32>
        %parallel_loop3A_313 = arith.index_cast %rem3A_164 : i32 to index
        %parallel_loop3A_314 = arith.index_cast %parallel_loop3A_303 : i32 to index
        %parallel_loop3A_315 = arith.constant 0 : index
        %parallel_loop3A_316 = tpu.vector_load %arg11[%parallel_loop3A_313, %parallel_loop3A_314, %parallel_loop3A_315] {strides = array<i32>} : memref<10x80x16xf32, #tpu.memory_space<vmem>>, vector<1x1x16xf32>,
        %parallel_loop3A_317 = vector.shape_cast %parallel_loop3A_316 : vector<1x1x16xf32> to vector<16xf32>
        %parallel_loop3A_318 = vector.shape_cast %parallel_loop3A_312 : vector<16xf32> to vector<1x1x16xf32>
        tpu.vector_store %arg11[%parallel_loop3A_313, %parallel_loop3A_314, %parallel_loop3A_315], %parallel_loop3A_318 {strides = array<i32>} : memref<10x80x16xf32, #tpu.memory_space<vmem>>, vector<1x1x16xf32>,
        %parallel_loop3A_319 = arith.constant 16 : i32
        %parallel_loop3A_320 = arith.muli %parallel_loop3A_196, %parallel_loop3A_319 : i32
        %parallel_loop3A_321 = arith.constant 6 : i32
        %parallel_loop3A_322 = arith.addi %parallel_loop3A_320, %parallel_loop3A_321 : i32
        %parallel_loop3A_323 = vector.extract_strided_slice %parallel_loop3A_204 {offsets = [6], sizes = [1], strides = [1]} : vector<16xf32> to vector<1xf32>
        %parallel_loop3A_324 = vector.extract %parallel_loop3A_323[0] : f32 from vector<1xf32>
        %parallel_loop3A_325 = arith.index_cast %rem3A_164 : i32 to index
        %parallel_loop3A_326 = arith.index_cast %parallel_loop3A_322 : i32 to index
        %parallel_loop3A_327 = arith.constant 0 : index
        %parallel_loop3A_328 = tpu.vector_load %arg11[%parallel_loop3A_325, %parallel_loop3A_326, %parallel_loop3A_327] {strides = array<i32>} : memref<10x80x16xf32, #tpu.memory_space<vmem>>, vector<1x1x16xf32>,
        %parallel_loop3A_329 = vector.shape_cast %parallel_loop3A_328 : vector<1x1x16xf32> to vector<16xf32>
        %parallel_loop3A_330 = vector.broadcast %parallel_loop3A_324 : f32 to vector<16xf32>
        %parallel_loop3A_331 = arith.mulf %parallel_loop3A_329, %parallel_loop3A_330 : vector<16xf32>
        %parallel_loop3A_332 = arith.index_cast %rem3A_164 : i32 to index
        %parallel_loop3A_333 = arith.index_cast %parallel_loop3A_322 : i32 to index
        %parallel_loop3A_334 = arith.constant 0 : index
        %parallel_loop3A_335 = tpu.vector_load %arg11[%parallel_loop3A_332, %parallel_loop3A_333, %parallel_loop3A_334] {strides = array<i32>} : memref<10x80x16xf32, #tpu.memory_space<vmem>>, vector<1x1x16xf32>,
        %parallel_loop3A_336 = vector.shape_cast %parallel_loop3A_335 : vector<1x1x16xf32> to vector<16xf32>
        %parallel_loop3A_337 = vector.shape_cast %parallel_loop3A_331 : vector<16xf32> to vector<1x1x16xf32>
        tpu.vector_store %arg11[%parallel_loop3A_332, %parallel_loop3A_333, %parallel_loop3A_334], %parallel_loop3A_337 {strides = array<i32>} : memref<10x80x16xf32, #tpu.memory_space<vmem>>, vector<1x1x16xf32>,
        %parallel_loop3A_338 = arith.constant 16 : i32
        %parallel_loop3A_339 = arith.muli %parallel_loop3A_196, %parallel_loop3A_338 : i32
        %parallel_loop3A_340 = arith.constant 7 : i32
        %parallel_loop3A_341 = arith.addi %parallel_loop3A_339, %parallel_loop3A_340 : i32
        %parallel_loop3A_342 = vector.extract_strided_slice %parallel_loop3A_204 {offsets = [7], sizes = [1], strides = [1]} : vector<16xf32> to vector<1xf32>
        %parallel_loop3A_343 = vector.extract %parallel_loop3A_342[0] : f32 from vector<1xf32>
        %parallel_loop3A_344 = arith.index_cast %rem3A_164 : i32 to index
        %parallel_loop3A_345 = arith.index_cast %parallel_loop3A_341 : i32 to index
        %parallel_loop3A_346 = arith.constant 0 : index
        %parallel_loop3A_347 = tpu.vector_load %arg11[%parallel_loop3A_344, %parallel_loop3A_345, %parallel_loop3A_346] {strides = array<i32>} : memref<10x80x16xf32, #tpu.memory_space<vmem>>, vector<1x1x16xf32>,
        %parallel_loop3A_348 = vector.shape_cast %parallel_loop3A_347 : vector<1x1x16xf32> to vector<16xf32>
        %parallel_loop3A_349 = vector.broadcast %parallel_loop3A_343 : f32 to vector<16xf32>
        %parallel_loop3A_350 = arith.mulf %parallel_loop3A_348, %parallel_loop3A_349 : vector<16xf32>
        %parallel_loop3A_351 = arith.index_cast %rem3A_164 : i32 to index
        %parallel_loop3A_352 = arith.index_cast %parallel_loop3A_341 : i32 to index
        %parallel_loop3A_353 = arith.constant 0 : index
        %parallel_loop3A_354 = tpu.vector_load %arg11[%parallel_loop3A_351, %parallel_loop3A_352, %parallel_loop3A_353] {strides = array<i32>} : memref<10x80x16xf32, #tpu.memory_space<vmem>>, vector<1x1x16xf32>,
        %parallel_loop3A_355 = vector.shape_cast %parallel_loop3A_354 : vector<1x1x16xf32> to vector<16xf32>
        %parallel_loop3A_356 = vector.shape_cast %parallel_loop3A_350 : vector<16xf32> to vector<1x1x16xf32>
        tpu.vector_store %arg11[%parallel_loop3A_351, %parallel_loop3A_352, %parallel_loop3A_353], %parallel_loop3A_356 {strides = array<i32>} : memref<10x80x16xf32, #tpu.memory_space<vmem>>, vector<1x1x16xf32>,
        %parallel_loop3A_357 = arith.constant 16 : i32
        %parallel_loop3A_358 = arith.muli %parallel_loop3A_196, %parallel_loop3A_357 : i32
        %parallel_loop3A_359 = arith.constant 8 : i32
        %parallel_loop3A_360 = arith.addi %parallel_loop3A_358, %parallel_loop3A_359 : i32
        %parallel_loop3A_361 = vector.extract_strided_slice %parallel_loop3A_204 {offsets = [8], sizes = [1], strides = [1]} : vector<16xf32> to vector<1xf32>
        %parallel_loop3A_362 = vector.extract %parallel_loop3A_361[0] : f32 from vector<1xf32>
        %parallel_loop3A_363 = arith.index_cast %rem3A_164 : i32 to index
        %parallel_loop3A_364 = arith.index_cast %parallel_loop3A_360 : i32 to index
        %parallel_loop3A_365 = arith.constant 0 : index
        %parallel_loop3A_366 = tpu.vector_load %arg11[%parallel_loop3A_363, %parallel_loop3A_364, %parallel_loop3A_365] {strides = array<i32>} : memref<10x80x16xf32, #tpu.memory_space<vmem>>, vector<1x1x16xf32>,
        %parallel_loop3A_367 = vector.shape_cast %parallel_loop3A_366 : vector<1x1x16xf32> to vector<16xf32>
        %parallel_loop3A_368 = vector.broadcast %parallel_loop3A_362 : f32 to vector<16xf32>
        %parallel_loop3A_369 = arith.mulf %parallel_loop3A_367, %parallel_loop3A_368 : vector<16xf32>
        %parallel_loop3A_370 = arith.index_cast %rem3A_164 : i32 to index
        %parallel_loop3A_371 = arith.index_cast %parallel_loop3A_360 : i32 to index
        %parallel_loop3A_372 = arith.constant 0 : index
        %parallel_loop3A_373 = tpu.vector_load %arg11[%parallel_loop3A_370, %parallel_loop3A_371, %parallel_loop3A_372] {strides = array<i32>} : memref<10x80x16xf32, #tpu.memory_space<vmem>>, vector<1x1x16xf32>,
        %parallel_loop3A_374 = vector.shape_cast %parallel_loop3A_373 : vector<1x1x16xf32> to vector<16xf32>
        %parallel_loop3A_375 = vector.shape_cast %parallel_loop3A_369 : vector<16xf32> to vector<1x1x16xf32>
        tpu.vector_store %arg11[%parallel_loop3A_370, %parallel_loop3A_371, %parallel_loop3A_372], %parallel_loop3A_375 {strides = array<i32>} : memref<10x80x16xf32, #tpu.memory_space<vmem>>, vector<1x1x16xf32>,
        %parallel_loop3A_376 = arith.constant 16 : i32
        %parallel_loop3A_377 = arith.muli %parallel_loop3A_196, %parallel_loop3A_376 : i32
        %parallel_loop3A_378 = arith.constant 9 : i32
        %parallel_loop3A_379 = arith.addi %parallel_loop3A_377, %parallel_loop3A_378 : i32
        %parallel_loop3A_380 = vector.extract_strided_slice %parallel_loop3A_204 {offsets = [9], sizes = [1], strides = [1]} : vector<16xf32> to vector<1xf32>
        %parallel_loop3A_381 = vector.extract %parallel_loop3A_380[0] : f32 from vector<1xf32>
        %parallel_loop3A_382 = arith.index_cast %rem3A_164 : i32 to index
        %parallel_loop3A_383 = arith.index_cast %parallel_loop3A_379 : i32 to index
        %parallel_loop3A_384 = arith.constant 0 : index
        %parallel_loop3A_385 = tpu.vector_load %arg11[%parallel_loop3A_382, %parallel_loop3A_383, %parallel_loop3A_384] {strides = array<i32>} : memref<10x80x16xf32, #tpu.memory_space<vmem>>, vector<1x1x16xf32>,
        %parallel_loop3A_386 = vector.shape_cast %parallel_loop3A_385 : vector<1x1x16xf32> to vector<16xf32>
        %parallel_loop3A_387 = vector.broadcast %parallel_loop3A_381 : f32 to vector<16xf32>
        %parallel_loop3A_388 = arith.mulf %parallel_loop3A_386, %parallel_loop3A_387 : vector<16xf32>
        %parallel_loop3A_389 = arith.index_cast %rem3A_164 : i32 to index
        %parallel_loop3A_390 = arith.index_cast %parallel_loop3A_379 : i32 to index
        %parallel_loop3A_391 = arith.constant 0 : index
        %parallel_loop3A_392 = tpu.vector_load %arg11[%parallel_loop3A_389, %parallel_loop3A_390, %parallel_loop3A_391] {strides = array<i32>} : memref<10x80x16xf32, #tpu.memory_space<vmem>>, vector<1x1x16xf32>,
        %parallel_loop3A_393 = vector.shape_cast %parallel_loop3A_392 : vector<1x1x16xf32> to vector<16xf32>
        %parallel_loop3A_394 = vector.shape_cast %parallel_loop3A_388 : vector<16xf32> to vector<1x1x16xf32>
        tpu.vector_store %arg11[%parallel_loop3A_389, %parallel_loop3A_390, %parallel_loop3A_391], %parallel_loop3A_394 {strides = array<i32>} : memref<10x80x16xf32, #tpu.memory_space<vmem>>, vector<1x1x16xf32>,
        %parallel_loop3A_395 = arith.constant 16 : i32
        %parallel_loop3A_396 = arith.muli %parallel_loop3A_196, %parallel_loop3A_395 : i32
        %parallel_loop3A_397 = arith.constant 10 : i32
        %parallel_loop3A_398 = arith.addi %parallel_loop3A_396, %parallel_loop3A_397 : i32
        %parallel_loop3A_399 = vector.extract_strided_slice %parallel_loop3A_204 {offsets = [10], sizes = [1], strides = [1]} : vector<16xf32> to vector<1xf32>
        %parallel_loop3A_400 = vector.extract %parallel_loop3A_399[0] : f32 from vector<1xf32>
        %parallel_loop3A_401 = arith.index_cast %rem3A_164 : i32 to index
        %parallel_loop3A_402 = arith.index_cast %parallel_loop3A_398 : i32 to index
        %parallel_loop3A_403 = arith.constant 0 : index
        %parallel_loop3A_404 = tpu.vector_load %arg11[%parallel_loop3A_401, %parallel_loop3A_402, %parallel_loop3A_403] {strides = array<i32>} : memref<10x80x16xf32, #tpu.memory_space<vmem>>, vector<1x1x16xf32>,
        %parallel_loop3A_405 = vector.shape_cast %parallel_loop3A_404 : vector<1x1x16xf32> to vector<16xf32>
        %parallel_loop3A_406 = vector.broadcast %parallel_loop3A_400 : f32 to vector<16xf32>
        %parallel_loop3A_407 = arith.mulf %parallel_loop3A_405, %parallel_loop3A_406 : vector<16xf32>
        %parallel_loop3A_408 = arith.index_cast %rem3A_164 : i32 to index
        %parallel_loop3A_409 = arith.index_cast %parallel_loop3A_398 : i32 to index
        %parallel_loop3A_410 = arith.constant 0 : index
        %parallel_loop3A_411 = tpu.vector_load %arg11[%parallel_loop3A_408, %parallel_loop3A_409, %parallel_loop3A_410] {strides = array<i32>} : memref<10x80x16xf32, #tpu.memory_space<vmem>>, vector<1x1x16xf32>,
        %parallel_loop3A_412 = vector.shape_cast %parallel_loop3A_411 : vector<1x1x16xf32> to vector<16xf32>
        %parallel_loop3A_413 = vector.shape_cast %parallel_loop3A_407 : vector<16xf32> to vector<1x1x16xf32>
        tpu.vector_store %arg11[%parallel_loop3A_408, %parallel_loop3A_409, %parallel_loop3A_410], %parallel_loop3A_413 {strides = array<i32>} : memref<10x80x16xf32, #tpu.memory_space<vmem>>, vector<1x1x16xf32>,
        %parallel_loop3A_414 = arith.constant 16 : i32
        %parallel_loop3A_415 = arith.muli %parallel_loop3A_196, %parallel_loop3A_414 : i32
        %parallel_loop3A_416 = arith.constant 11 : i32
        %parallel_loop3A_417 = arith.addi %parallel_loop3A_415, %parallel_loop3A_416 : i32
        %parallel_loop3A_418 = vector.extract_strided_slice %parallel_loop3A_204 {offsets = [11], sizes = [1], strides = [1]} : vector<16xf32> to vector<1xf32>
        %parallel_loop3A_419 = vector.extract %parallel_loop3A_418[0] : f32 from vector<1xf32>
        %parallel_loop3A_420 = arith.index_cast %rem3A_164 : i32 to index
        %parallel_loop3A_421 = arith.index_cast %parallel_loop3A_417 : i32 to index
        %parallel_loop3A_422 = arith.constant 0 : index
        %parallel_loop3A_423 = tpu.vector_load %arg11[%parallel_loop3A_420, %parallel_loop3A_421, %parallel_loop3A_422] {strides = array<i32>} : memref<10x80x16xf32, #tpu.memory_space<vmem>>, vector<1x1x16xf32>,
        %parallel_loop3A_424 = vector.shape_cast %parallel_loop3A_423 : vector<1x1x16xf32> to vector<16xf32>
        %parallel_loop3A_425 = vector.broadcast %parallel_loop3A_419 : f32 to vector<16xf32>
        %parallel_loop3A_426 = arith.mulf %parallel_loop3A_424, %parallel_loop3A_425 : vector<16xf32>
        %parallel_loop3A_427 = arith.index_cast %rem3A_164 : i32 to index
        %parallel_loop3A_428 = arith.index_cast %parallel_loop3A_417 : i32 to index
        %parallel_loop3A_429 = arith.constant 0 : index
        %parallel_loop3A_430 = tpu.vector_load %arg11[%parallel_loop3A_427, %parallel_loop3A_428, %parallel_loop3A_429] {strides = array<i32>} : memref<10x80x16xf32, #tpu.memory_space<vmem>>, vector<1x1x16xf32>,
        %parallel_loop3A_431 = vector.shape_cast %parallel_loop3A_430 : vector<1x1x16xf32> to vector<16xf32>
        %parallel_loop3A_432 = vector.shape_cast %parallel_loop3A_426 : vector<16xf32> to vector<1x1x16xf32>
        tpu.vector_store %arg11[%parallel_loop3A_427, %parallel_loop3A_428, %parallel_loop3A_429], %parallel_loop3A_432 {strides = array<i32>} : memref<10x80x16xf32, #tpu.memory_space<vmem>>, vector<1x1x16xf32>,
        %parallel_loop3A_433 = arith.constant 16 : i32
        %parallel_loop3A_434 = arith.muli %parallel_loop3A_196, %parallel_loop3A_433 : i32
        %parallel_loop3A_435 = arith.constant 12 : i32
        %parallel_loop3A_436 = arith.addi %parallel_loop3A_434, %parallel_loop3A_435 : i32
        %parallel_loop3A_437 = vector.extract_strided_slice %parallel_loop3A_204 {offsets = [12], sizes = [1], strides = [1]} : vector<16xf32> to vector<1xf32>
        %parallel_loop3A_438 = vector.extract %parallel_loop3A_437[0] : f32 from vector<1xf32>
        %parallel_loop3A_439 = arith.index_cast %rem3A_164 : i32 to index
        %parallel_loop3A_440 = arith.index_cast %parallel_loop3A_436 : i32 to index
        %parallel_loop3A_441 = arith.constant 0 : index
        %parallel_loop3A_442 = tpu.vector_load %arg11[%parallel_loop3A_439, %parallel_loop3A_440, %parallel_loop3A_441] {strides = array<i32>} : memref<10x80x16xf32, #tpu.memory_space<vmem>>, vector<1x1x16xf32>,
        %parallel_loop3A_443 = vector.shape_cast %parallel_loop3A_442 : vector<1x1x16xf32> to vector<16xf32>
        %parallel_loop3A_444 = vector.broadcast %parallel_loop3A_438 : f32 to vector<16xf32>
        %parallel_loop3A_445 = arith.mulf %parallel_loop3A_443, %parallel_loop3A_444 : vector<16xf32>
        %parallel_loop3A_446 = arith.index_cast %rem3A_164 : i32 to index
        %parallel_loop3A_447 = arith.index_cast %parallel_loop3A_436 : i32 to index
        %parallel_loop3A_448 = arith.constant 0 : index
        %parallel_loop3A_449 = tpu.vector_load %arg11[%parallel_loop3A_446, %parallel_loop3A_447, %parallel_loop3A_448] {strides = array<i32>} : memref<10x80x16xf32, #tpu.memory_space<vmem>>, vector<1x1x16xf32>,
        %parallel_loop3A_450 = vector.shape_cast %parallel_loop3A_449 : vector<1x1x16xf32> to vector<16xf32>
        %parallel_loop3A_451 = vector.shape_cast %parallel_loop3A_445 : vector<16xf32> to vector<1x1x16xf32>
        tpu.vector_store %arg11[%parallel_loop3A_446, %parallel_loop3A_447, %parallel_loop3A_448], %parallel_loop3A_451 {strides = array<i32>} : memref<10x80x16xf32, #tpu.memory_space<vmem>>, vector<1x1x16xf32>,
        %parallel_loop3A_452 = arith.constant 16 : i32
        %parallel_loop3A_453 = arith.muli %parallel_loop3A_196, %parallel_loop3A_452 : i32
        %parallel_loop3A_454 = arith.constant 13 : i32
        %parallel_loop3A_455 = arith.addi %parallel_loop3A_453, %parallel_loop3A_454 : i32
        %parallel_loop3A_456 = vector.extract_strided_slice %parallel_loop3A_204 {offsets = [13], sizes = [1], strides = [1]} : vector<16xf32> to vector<1xf32>
        %parallel_loop3A_457 = vector.extract %parallel_loop3A_456[0] : f32 from vector<1xf32>
        %parallel_loop3A_458 = arith.index_cast %rem3A_164 : i32 to index
        %parallel_loop3A_459 = arith.index_cast %parallel_loop3A_455 : i32 to index
        %parallel_loop3A_460 = arith.constant 0 : index
        %parallel_loop3A_461 = tpu.vector_load %arg11[%parallel_loop3A_458, %parallel_loop3A_459, %parallel_loop3A_460] {strides = array<i32>} : memref<10x80x16xf32, #tpu.memory_space<vmem>>, vector<1x1x16xf32>,
        %parallel_loop3A_462 = vector.shape_cast %parallel_loop3A_461 : vector<1x1x16xf32> to vector<16xf32>
        %parallel_loop3A_463 = vector.broadcast %parallel_loop3A_457 : f32 to vector<16xf32>
        %parallel_loop3A_464 = arith.mulf %parallel_loop3A_462, %parallel_loop3A_463 : vector<16xf32>
        %parallel_loop3A_465 = arith.index_cast %rem3A_164 : i32 to index
        %parallel_loop3A_466 = arith.index_cast %parallel_loop3A_455 : i32 to index
        %parallel_loop3A_467 = arith.constant 0 : index
        %parallel_loop3A_468 = tpu.vector_load %arg11[%parallel_loop3A_465, %parallel_loop3A_466, %parallel_loop3A_467] {strides = array<i32>} : memref<10x80x16xf32, #tpu.memory_space<vmem>>, vector<1x1x16xf32>,
        %parallel_loop3A_469 = vector.shape_cast %parallel_loop3A_468 : vector<1x1x16xf32> to vector<16xf32>
        %parallel_loop3A_470 = vector.shape_cast %parallel_loop3A_464 : vector<16xf32> to vector<1x1x16xf32>
        tpu.vector_store %arg11[%parallel_loop3A_465, %parallel_loop3A_466, %parallel_loop3A_467], %parallel_loop3A_470 {strides = array<i32>} : memref<10x80x16xf32, #tpu.memory_space<vmem>>, vector<1x1x16xf32>,
        %parallel_loop3A_471 = arith.constant 16 : i32
        %parallel_loop3A_472 = arith.muli %parallel_loop3A_196, %parallel_loop3A_471 : i32
        %parallel_loop3A_473 = arith.constant 14 : i32
        %parallel_loop3A_474 = arith.addi %parallel_loop3A_472, %parallel_loop3A_473 : i32
        %parallel_loop3A_475 = vector.extract_strided_slice %parallel_loop3A_204 {offsets = [14], sizes = [1], strides = [1]} : vector<16xf32> to vector<1xf32>
        %parallel_loop3A_476 = vector.extract %parallel_loop3A_475[0] : f32 from vector<1xf32>
        %parallel_loop3A_477 = arith.index_cast %rem3A_164 : i32 to index
        %parallel_loop3A_478 = arith.index_cast %parallel_loop3A_474 : i32 to index
        %parallel_loop3A_479 = arith.constant 0 : index
        %parallel_loop3A_480 = tpu.vector_load %arg11[%parallel_loop3A_477, %parallel_loop3A_478, %parallel_loop3A_479] {strides = array<i32>} : memref<10x80x16xf32, #tpu.memory_space<vmem>>, vector<1x1x16xf32>,
        %parallel_loop3A_481 = vector.shape_cast %parallel_loop3A_480 : vector<1x1x16xf32> to vector<16xf32>
        %parallel_loop3A_482 = vector.broadcast %parallel_loop3A_476 : f32 to vector<16xf32>
        %parallel_loop3A_483 = arith.mulf %parallel_loop3A_481, %parallel_loop3A_482 : vector<16xf32>
        %parallel_loop3A_484 = arith.index_cast %rem3A_164 : i32 to index
        %parallel_loop3A_485 = arith.index_cast %parallel_loop3A_474 : i32 to index
        %parallel_loop3A_486 = arith.constant 0 : index
        %parallel_loop3A_487 = tpu.vector_load %arg11[%parallel_loop3A_484, %parallel_loop3A_485, %parallel_loop3A_486] {strides = array<i32>} : memref<10x80x16xf32, #tpu.memory_space<vmem>>, vector<1x1x16xf32>,
        %parallel_loop3A_488 = vector.shape_cast %parallel_loop3A_487 : vector<1x1x16xf32> to vector<16xf32>
        %parallel_loop3A_489 = vector.shape_cast %parallel_loop3A_483 : vector<16xf32> to vector<1x1x16xf32>
        tpu.vector_store %arg11[%parallel_loop3A_484, %parallel_loop3A_485, %parallel_loop3A_486], %parallel_loop3A_489 {strides = array<i32>} : memref<10x80x16xf32, #tpu.memory_space<vmem>>, vector<1x1x16xf32>,
        %parallel_loop3A_490 = arith.constant 16 : i32
        %parallel_loop3A_491 = arith.muli %parallel_loop3A_196, %parallel_loop3A_490 : i32
        %parallel_loop3A_492 = arith.constant 15 : i32
        %parallel_loop3A_493 = arith.addi %parallel_loop3A_491, %parallel_loop3A_492 : i32
        %parallel_loop3A_494 = vector.extract_strided_slice %parallel_loop3A_204 {offsets = [15], sizes = [1], strides = [1]} : vector<16xf32> to vector<1xf32>
        %parallel_loop3A_495 = vector.extract %parallel_loop3A_494[0] : f32 from vector<1xf32>
        %parallel_loop3A_496 = arith.index_cast %rem3A_164 : i32 to index
        %parallel_loop3A_497 = arith.index_cast %parallel_loop3A_493 : i32 to index
        %parallel_loop3A_498 = arith.constant 0 : index
        %parallel_loop3A_499 = tpu.vector_load %arg11[%parallel_loop3A_496, %parallel_loop3A_497, %parallel_loop3A_498] {strides = array<i32>} : memref<10x80x16xf32, #tpu.memory_space<vmem>>, vector<1x1x16xf32>,
        %parallel_loop3A_500 = vector.shape_cast %parallel_loop3A_499 : vector<1x1x16xf32> to vector<16xf32>
        %parallel_loop3A_501 = vector.broadcast %parallel_loop3A_495 : f32 to vector<16xf32>
        %parallel_loop3A_502 = arith.mulf %parallel_loop3A_500, %parallel_loop3A_501 : vector<16xf32>
        %parallel_loop3A_503 = arith.index_cast %rem3A_164 : i32 to index
        %parallel_loop3A_504 = arith.index_cast %parallel_loop3A_493 : i32 to index
        %parallel_loop3A_505 = arith.constant 0 : index
        %parallel_loop3A_506 = tpu.vector_load %arg11[%parallel_loop3A_503, %parallel_loop3A_504, %parallel_loop3A_505] {strides = array<i32>} : memref<10x80x16xf32, #tpu.memory_space<vmem>>, vector<1x1x16xf32>,
        %parallel_loop3A_507 = vector.shape_cast %parallel_loop3A_506 : vector<1x1x16xf32> to vector<16xf32>
        %parallel_loop3A_508 = vector.shape_cast %parallel_loop3A_502 : vector<16xf32> to vector<1x1x16xf32>
        tpu.vector_store %arg11[%parallel_loop3A_503, %parallel_loop3A_504, %parallel_loop3A_505], %parallel_loop3A_508 {strides = array<i32>} : memref<10x80x16xf32, #tpu.memory_space<vmem>>, vector<1x1x16xf32>,
      } {sc.loop_unroll_factor = 8 : i64, sc.parallel_access}
      %dma_start3A_177 = arith.constant 0 : i32
      %dma_start3A_178 = arith.constant 0 : i32
      %dma_start3A_179 = tpu.memref_slice %arg11[%rem3A_164, %dma_start3A_177, %dma_start3A_178] : memref<10x80x16xf32, #tpu.memory_space<vmem>> -> memref<1x80x16xf32, #tpu.memory_space<vmem>>
      %dma_start3A_180 = tpu.memref_squeeze %dma_start3A_179 : memref<1x80x16xf32, #tpu.memory_space<vmem>> -> memref<80x16xf32, #tpu.memory_space<vmem>>
      %dma_start3A_181 = arith.constant 0 : i32
      %dma_start3A_182 = tpu.memref_slice %arg8[%scan3A_161, %dma_start3A_181] : memref<125x80xi32, #tpu.memory_space<vmem>> -> memref<1x80xi32, #tpu.memory_space<vmem>>
      %dma_start3A_183 = tpu.memref_squeeze %dma_start3A_182 : memref<1x80xi32, #tpu.memory_space<vmem>> -> memref<80xi32, #tpu.memory_space<vmem>>
      %dma_start3A_184 = arith.constant 0 : i32
      %dma_start3A_185 = arith.constant 0 : i32
      %dma_start3A_186 = tpu.memref_slice %arg7[%dma_start3A_184, %dma_start3A_185] : memref<10240x16xf32, #tpu.memory_space<vmem_shared>> -> memref<10240x16xf32, #tpu.memory_space<vmem_shared>>
      tpu.enqueue_indirect_dma source(%dma_start3A_180 : memref<80x16xf32, #tpu.memory_space<vmem>>) target(%dma_start3A_186 : memref<10240x16xf32, #tpu.memory_space<vmem_shared>>) offsets(%dma_start3A_183 : memref<80xi32, #tpu.memory_space<vmem>>) semaphore(%arg14 : memref<!tpu.dma_semaphore, #tpu.memory_space<semaphore_mem>>) {add = true}
      %ge3A = arith.constant 5 : i32
      %ge3A_187 = arith.cmpi sge, %scan3A_161, %ge3A : i32
      %convert_element_type3A = arith.extui %ge3A_187 : i1 to i32
      %cond3A = arith.constant 0 : i32
      %cond3A_188 = arith.cmpi ne, %convert_element_type3A, %cond3A : i32
      scf.if %cond3A_188 {
        %sub3A = arith.constant 5 : i32
        %sub3A_196 = arith.subi %scan3A_161, %sub3A : i32
        %rem3A_197 = arith.constant 10 : i32
        %rem3A_198 = arith.remsi %sub3A_196, %rem3A_197 : i32
        %dma_wait3A_199 = arith.constant 0 : i32
        %dma_wait3A_200 = arith.constant 0 : i32
        %dma_wait3A_201 = tpu.memref_slice %arg11[%rem3A_198, %dma_wait3A_199, %dma_wait3A_200] : memref<10x80x16xf32, #tpu.memory_space<vmem>> -> memref<1x80x16xf32, #tpu.memory_space<vmem>>
        %dma_wait3A_202 = tpu.memref_squeeze %dma_wait3A_201 : memref<1x80x16xf32, #tpu.memory_space<vmem>> -> memref<80x16xf32, #tpu.memory_space<vmem>>
        %dma_wait3A_203 = arith.constant 0 : i32
        %dma_wait3A_204 = tpu.memref_slice %arg8[%sub3A_196, %dma_wait3A_203] : memref<125x80xi32, #tpu.memory_space<vmem>> -> memref<1x80xi32, #tpu.memory_space<vmem>>
        %dma_wait3A_205 = tpu.memref_squeeze %dma_wait3A_204 : memref<1x80xi32, #tpu.memory_space<vmem>> -> memref<80xi32, #tpu.memory_space<vmem>>
        %dma_wait3A_206 = arith.constant 0 : i32
        %dma_wait3A_207 = arith.constant 0 : i32
        %dma_wait3A_208 = tpu.memref_slice %arg7[%dma_wait3A_206, %dma_wait3A_207] : memref<10240x16xf32, #tpu.memory_space<vmem_shared>> -> memref<10240x16xf32, #tpu.memory_space<vmem_shared>>
        tpu.wait_indirect_dma semaphore(%arg14 : memref<!tpu.dma_semaphore, #tpu.memory_space<semaphore_mem>>) src(%dma_wait3A_202 : memref<80x16xf32, #tpu.memory_space<vmem>>) dst(%dma_wait3A_208 : memref<10240x16xf32, #tpu.memory_space<vmem_shared>>)
      } else {
      }
      %add3A_189 = arith.constant 5 : i32
      %add3A_190 = arith.addi %scan3A_161, %add3A_189 : i32
      %lt3A = arith.constant 125 : i32
      %lt3A_191 = arith.cmpi slt, %add3A_190, %lt3A : i32
      %convert_element_type3A_192 = arith.extui %lt3A_191 : i1 to i32
      %cond3A_193 = arith.constant 0 : i32
      %cond3A_194 = arith.cmpi ne, %convert_element_type3A_192, %cond3A_193 : i32
      scf.if %cond3A_194 {
        %add3A_196 = arith.constant 5 : i32
        %add3A_197 = arith.addi %scan3A_161, %add3A_196 : i32
        %rem3A_198 = arith.constant 10 : i32
        %rem3A_199 = arith.remsi %add3A_197, %rem3A_198 : i32
        %dma_start3A_200 = arith.constant 0 : i32
        %dma_start3A_201 = arith.constant 0 : i32
        %dma_start3A_202 = tpu.memref_slice %arg11[%rem3A_199, %dma_start3A_200, %dma_start3A_201] : memref<10x80x16xf32, #tpu.memory_space<vmem>> -> memref<1x80x16xf32, #tpu.memory_space<vmem>>
        %dma_start3A_203 = tpu.memref_squeeze %dma_start3A_202 : memref<1x80x16xf32, #tpu.memory_space<vmem>> -> memref<80x16xf32, #tpu.memory_space<vmem>>
        %dma_start3A_204 = arith.constant 0 : i32
        %dma_start3A_205 = tpu.memref_slice %arg9[%add3A_197, %dma_start3A_204] : memref<125x80xi32, #tpu.memory_space<vmem>> -> memref<1x80xi32, #tpu.memory_space<vmem>>
        %dma_start3A_206 = tpu.memref_squeeze %dma_start3A_205 : memref<1x80xi32, #tpu.memory_space<vmem>> -> memref<80xi32, #tpu.memory_space<vmem>>
        %dma_start3A_207 = arith.constant 0 : i32
        %dma_start3A_208 = arith.constant 0 : i32
        %dma_start3A_209 = tpu.memref_slice %arg5[%dma_start3A_207, %dma_start3A_208] : memref<160000x16xf32, #tpu.memory_space<hbm>> -> memref<160000x16xf32, #tpu.memory_space<hbm>>
        tpu.enqueue_indirect_dma source(%dma_start3A_209 : memref<160000x16xf32, #tpu.memory_space<hbm>>) target(%dma_start3A_203 : memref<80x16xf32, #tpu.memory_space<vmem>>) offsets(%dma_start3A_206 : memref<80xi32, #tpu.memory_space<vmem>>) semaphore(%arg13 : memref<!tpu.dma_semaphore, #tpu.memory_space<semaphore_mem>>)
      } else {
      }
      %scan3A_195 = arith.constant 0 : i32
      scf.yield %scan3A_195 : i32
    }
    %scan3A_84 = arith.constant 125 : i32
    %rem3A = arith.constant 120 : i32
    %rem3A_85 = arith.constant 10 : i32
    %rem3A_86 = arith.remsi %rem3A, %rem3A_85 : i32
    %dma_wait3A = arith.constant 120 : i32
    %dma_wait3A_87 = arith.constant 0 : i32
    %dma_wait3A_88 = arith.constant 0 : i32
    %dma_wait3A_89 = tpu.memref_slice %arg11[%rem3A_86, %dma_wait3A_87, %dma_wait3A_88] : memref<10x80x16xf32, #tpu.memory_space<vmem>> -> memref<1x80x16xf32, #tpu.memory_space<vmem>>
    %dma_wait3A_90 = tpu.memref_squeeze %dma_wait3A_89 : memref<1x80x16xf32, #tpu.memory_space<vmem>> -> memref<80x16xf32, #tpu.memory_space<vmem>>
    %dma_wait3A_91 = arith.constant 0 : i32
    %dma_wait3A_92 = tpu.memref_slice %arg8[%dma_wait3A, %dma_wait3A_91] : memref<125x80xi32, #tpu.memory_space<vmem>> -> memref<1x80xi32, #tpu.memory_space<vmem>>
    %dma_wait3A_93 = tpu.memref_squeeze %dma_wait3A_92 : memref<1x80xi32, #tpu.memory_space<vmem>> -> memref<80xi32, #tpu.memory_space<vmem>>
    %dma_wait3A_94 = arith.constant 0 : i32
    %dma_wait3A_95 = arith.constant 0 : i32
    %dma_wait3A_96 = tpu.memref_slice %arg7[%dma_wait3A_94, %dma_wait3A_95] : memref<10240x16xf32, #tpu.memory_space<vmem_shared>> -> memref<10240x16xf32, #tpu.memory_space<vmem_shared>>
    tpu.wait_indirect_dma semaphore(%arg14 : memref<!tpu.dma_semaphore, #tpu.memory_space<semaphore_mem>>) src(%dma_wait3A_90 : memref<80x16xf32, #tpu.memory_space<vmem>>) dst(%dma_wait3A_96 : memref<10240x16xf32, #tpu.memory_space<vmem_shared>>)
    %rem3A_97 = arith.constant 121 : i32
    %rem3A_98 = arith.constant 10 : i32
    %rem3A_99 = arith.remsi %rem3A_97, %rem3A_98 : i32
    %dma_wait3A_100 = arith.constant 121 : i32
    %dma_wait3A_101 = arith.constant 0 : i32
    %dma_wait3A_102 = arith.constant 0 : i32
    %dma_wait3A_103 = tpu.memref_slice %arg11[%rem3A_99, %dma_wait3A_101, %dma_wait3A_102] : memref<10x80x16xf32, #tpu.memory_space<vmem>> -> memref<1x80x16xf32, #tpu.memory_space<vmem>>
    %dma_wait3A_104 = tpu.memref_squeeze %dma_wait3A_103 : memref<1x80x16xf32, #tpu.memory_space<vmem>> -> memref<80x16xf32, #tpu.memory_space<vmem>>
    %dma_wait3A_105 = arith.constant 0 : i32
    %dma_wait3A_106 = tpu.memref_slice %arg8[%dma_wait3A_100, %dma_wait3A_105] : memref<125x80xi32, #tpu.memory_space<vmem>> -> memref<1x80xi32, #tpu.memory_space<vmem>>
    %dma_wait3A_107 = tpu.memref_squeeze %dma_wait3A_106 : memref<1x80xi32, #tpu.memory_space<vmem>> -> memref<80xi32, #tpu.memory_space<vmem>>
    %dma_wait3A_108 = arith.constant 0 : i32
    %dma_wait3A_109 = arith.constant 0 : i32
    %dma_wait3A_110 = tpu.memref_slice %arg7[%dma_wait3A_108, %dma_wait3A_109] : memref<10240x16xf32, #tpu.memory_space<vmem_shared>> -> memref<10240x16xf32, #tpu.memory_space<vmem_shared>>
    tpu.wait_indirect_dma semaphore(%arg14 : memref<!tpu.dma_semaphore, #tpu.memory_space<semaphore_mem>>) src(%dma_wait3A_104 : memref<80x16xf32, #tpu.memory_space<vmem>>) dst(%dma_wait3A_110 : memref<10240x16xf32, #tpu.memory_space<vmem_shared>>)
    %rem3A_111 = arith.constant 122 : i32
    %rem3A_112 = arith.constant 10 : i32
    %rem3A_113 = arith.remsi %rem3A_111, %rem3A_112 : i32
    %dma_wait3A_114 = arith.constant 122 : i32
    %dma_wait3A_115 = arith.constant 0 : i32
    %dma_wait3A_116 = arith.constant 0 : i32
    %dma_wait3A_117 = tpu.memref_slice %arg11[%rem3A_113, %dma_wait3A_115, %dma_wait3A_116] : memref<10x80x16xf32, #tpu.memory_space<vmem>> -> memref<1x80x16xf32, #tpu.memory_space<vmem>>
    %dma_wait3A_118 = tpu.memref_squeeze %dma_wait3A_117 : memref<1x80x16xf32, #tpu.memory_space<vmem>> -> memref<80x16xf32, #tpu.memory_space<vmem>>
    %dma_wait3A_119 = arith.constant 0 : i32
    %dma_wait3A_120 = tpu.memref_slice %arg8[%dma_wait3A_114, %dma_wait3A_119] : memref<125x80xi32, #tpu.memory_space<vmem>> -> memref<1x80xi32, #tpu.memory_space<vmem>>
    %dma_wait3A_121 = tpu.memref_squeeze %dma_wait3A_120 : memref<1x80xi32, #tpu.memory_space<vmem>> -> memref<80xi32, #tpu.memory_space<vmem>>
    %dma_wait3A_122 = arith.constant 0 : i32
    %dma_wait3A_123 = arith.constant 0 : i32
    %dma_wait3A_124 = tpu.memref_slice %arg7[%dma_wait3A_122, %dma_wait3A_123] : memref<10240x16xf32, #tpu.memory_space<vmem_shared>> -> memref<10240x16xf32, #tpu.memory_space<vmem_shared>>
    tpu.wait_indirect_dma semaphore(%arg14 : memref<!tpu.dma_semaphore, #tpu.memory_space<semaphore_mem>>) src(%dma_wait3A_118 : memref<80x16xf32, #tpu.memory_space<vmem>>) dst(%dma_wait3A_124 : memref<10240x16xf32, #tpu.memory_space<vmem_shared>>)
    %rem3A_125 = arith.constant 123 : i32
    %rem3A_126 = arith.constant 10 : i32
    %rem3A_127 = arith.remsi %rem3A_125, %rem3A_126 : i32
    %dma_wait3A_128 = arith.constant 123 : i32
    %dma_wait3A_129 = arith.constant 0 : i32
    %dma_wait3A_130 = arith.constant 0 : i32
    %dma_wait3A_131 = tpu.memref_slice %arg11[%rem3A_127, %dma_wait3A_129, %dma_wait3A_130] : memref<10x80x16xf32, #tpu.memory_space<vmem>> -> memref<1x80x16xf32, #tpu.memory_space<vmem>>
    %dma_wait3A_132 = tpu.memref_squeeze %dma_wait3A_131 : memref<1x80x16xf32, #tpu.memory_space<vmem>> -> memref<80x16xf32, #tpu.memory_space<vmem>>
    %dma_wait3A_133 = arith.constant 0 : i32
    %dma_wait3A_134 = tpu.memref_slice %arg8[%dma_wait3A_128, %dma_wait3A_133] : memref<125x80xi32, #tpu.memory_space<vmem>> -> memref<1x80xi32, #tpu.memory_space<vmem>>
    %dma_wait3A_135 = tpu.memref_squeeze %dma_wait3A_134 : memref<1x80xi32, #tpu.memory_space<vmem>> -> memref<80xi32, #tpu.memory_space<vmem>>
    %dma_wait3A_136 = arith.constant 0 : i32
    %dma_wait3A_137 = arith.constant 0 : i32
    %dma_wait3A_138 = tpu.memref_slice %arg7[%dma_wait3A_136, %dma_wait3A_137] : memref<10240x16xf32, #tpu.memory_space<vmem_shared>> -> memref<10240x16xf32, #tpu.memory_space<vmem_shared>>
    tpu.wait_indirect_dma semaphore(%arg14 : memref<!tpu.dma_semaphore, #tpu.memory_space<semaphore_mem>>) src(%dma_wait3A_132 : memref<80x16xf32, #tpu.memory_space<vmem>>) dst(%dma_wait3A_138 : memref<10240x16xf32, #tpu.memory_space<vmem_shared>>)
    %rem3A_139 = arith.constant 124 : i32
    %rem3A_140 = arith.constant 10 : i32
    %rem3A_141 = arith.remsi %rem3A_139, %rem3A_140 : i32
    %dma_wait3A_142 = arith.constant 124 : i32
    %dma_wait3A_143 = arith.constant 0 : i32
    %dma_wait3A_144 = arith.constant 0 : i32
    %dma_wait3A_145 = tpu.memref_slice %arg11[%rem3A_141, %dma_wait3A_143, %dma_wait3A_144] : memref<10x80x16xf32, #tpu.memory_space<vmem>> -> memref<1x80x16xf32, #tpu.memory_space<vmem>>
    %dma_wait3A_146 = tpu.memref_squeeze %dma_wait3A_145 : memref<1x80x16xf32, #tpu.memory_space<vmem>> -> memref<80x16xf32, #tpu.memory_space<vmem>>
    %dma_wait3A_147 = arith.constant 0 : i32
    %dma_wait3A_148 = tpu.memref_slice %arg8[%dma_wait3A_142, %dma_wait3A_147] : memref<125x80xi32, #tpu.memory_space<vmem>> -> memref<1x80xi32, #tpu.memory_space<vmem>>
    %dma_wait3A_149 = tpu.memref_squeeze %dma_wait3A_148 : memref<1x80xi32, #tpu.memory_space<vmem>> -> memref<80xi32, #tpu.memory_space<vmem>>
    %dma_wait3A_150 = arith.constant 0 : i32
    %dma_wait3A_151 = arith.constant 0 : i32
    %dma_wait3A_152 = tpu.memref_slice %arg7[%dma_wait3A_150, %dma_wait3A_151] : memref<10240x16xf32, #tpu.memory_space<vmem_shared>> -> memref<10240x16xf32, #tpu.memory_space<vmem_shared>>
    tpu.wait_indirect_dma semaphore(%arg14 : memref<!tpu.dma_semaphore, #tpu.memory_space<semaphore_mem>>) src(%dma_wait3A_146 : memref<80x16xf32, #tpu.memory_space<vmem>>) dst(%dma_wait3A_152 : memref<10240x16xf32, #tpu.memory_space<vmem_shared>>)
    %barrier3A_153 = arith.constant 0 : index
    tpu.barrier barrier_id(%barrier3A_153)
    %scan3A_154 = arith.constant 0 : i32
    %scan3A_155 = arith.constant 0 : i32
    %scan3A_156 = arith.constant 5 : i32
    %scan3A_157 = arith.addi %scan3A_155, %scan3A_156 : i32
    %scan3A_158 = arith.constant 1 : i32
    %scan3A_159 = scf.for %scan3A_161 = %scan3A_155 to %scan3A_157 step %scan3A_158 iter_args(%scan3A_162 = %scan3A_154) -> (i32)  : i32 {
      %mul3A_163 = arith.constant 640 : i32
      %mul3A_164 = arith.muli %arg1, %mul3A_163 : i32
      %mul3A_165 = arith.constant 128 : i32
      %mul3A_166 = arith.muli %scan3A_161, %mul3A_165 : i32
      %add3A_167 = arith.addi %mul3A_164, %mul3A_166 : i32
      "tpu.region"() ({
        %run_scoped3A = tpu.sem_alloc : memref<!tpu.dma_semaphore, #tpu.memory_space<semaphore_mem>>
        %dma_start3A_169 = arith.constant 0 : i32
        %dma_start3A_170 = tpu.memref_slice %arg7[%add3A_167, %dma_start3A_169] : memref<10240x16xf32, #tpu.memory_space<vmem_shared>> -> memref<128x16xf32, #tpu.memory_space<vmem_shared>>
        %dma_start3A_171 = arith.constant 0 : i32
        %dma_start3A_172 = tpu.memref_slice %arg7[%add3A_167, %dma_start3A_171] : memref<10240x16xf32, #tpu.memory_space<vmem_shared>> -> memref<128x16xf32, #tpu.memory_space<vmem_shared>>
        tpu.enqueue_dma source(%dma_start3A_172 : memref<128x16xf32, #tpu.memory_space<vmem_shared>>) target(%arg12 : memref<128x16xf32, #tpu.memory_space<vmem>>) target_semaphore(%run_scoped3A : memref<!tpu.dma_semaphore, #tpu.memory_space<semaphore_mem>>)
        %dma_wait3A_173 = arith.constant 0 : i32
        %dma_wait3A_174 = tpu.memref_slice %arg7[%add3A_167, %dma_wait3A_173] : memref<10240x16xf32, #tpu.memory_space<vmem_shared>> -> memref<128x16xf32, #tpu.memory_space<vmem_shared>>
        %dma_wait3A_175 = arith.constant 0 : i32
        %dma_wait3A_176 = tpu.memref_slice %arg7[%add3A_167, %dma_wait3A_175] : memref<10240x16xf32, #tpu.memory_space<vmem_shared>> -> memref<128x16xf32, #tpu.memory_space<vmem_shared>>
        tpu.wait_dma2 semaphore(%run_scoped3A : memref<!tpu.dma_semaphore, #tpu.memory_space<semaphore_mem>>) src(%dma_wait3A_176 : memref<128x16xf32, #tpu.memory_space<vmem_shared>>) dst(%arg12 : memref<128x16xf32, #tpu.memory_space<vmem>>)
        tpu.yield
      }) : () -> ()
      "tpu.region"() ({
        %run_scoped3A = tpu.sem_alloc : memref<!tpu.dma_semaphore, #tpu.memory_space<semaphore_mem>>
        %dma_start3A_169 = arith.constant 0 : i32
        %dma_start3A_170 = tpu.memref_slice %arg6[%arg0, %add3A_167, %dma_start3A_169] : memref<2x10240x16xf32, #tpu.memory_space<hbm>> -> memref<1x128x16xf32, #tpu.memory_space<hbm>>
        %dma_start3A_171 = tpu.memref_squeeze %dma_start3A_170 : memref<1x128x16xf32, #tpu.memory_space<hbm>> -> memref<128x16xf32, #tpu.memory_space<hbm>>
        %dma_start3A_172 = arith.constant 0 : i32
        %dma_start3A_173 = tpu.memref_slice %arg6[%arg0, %add3A_167, %dma_start3A_172] : memref<2x10240x16xf32, #tpu.memory_space<hbm>> -> memref<1x128x16xf32, #tpu.memory_space<hbm>>
        %dma_start3A_174 = tpu.memref_squeeze %dma_start3A_173 : memref<1x128x16xf32, #tpu.memory_space<hbm>> -> memref<128x16xf32, #tpu.memory_space<hbm>>
        tpu.enqueue_dma source(%arg12 : memref<128x16xf32, #tpu.memory_space<vmem>>) target(%dma_start3A_174 : memref<128x16xf32, #tpu.memory_space<hbm>>) target_semaphore(%run_scoped3A : memref<!tpu.dma_semaphore, #tpu.memory_space<semaphore_mem>>)
        %dma_wait3A_175 = arith.constant 0 : i32
        %dma_wait3A_176 = tpu.memref_slice %arg6[%arg0, %add3A_167, %dma_wait3A_175] : memref<2x10240x16xf32, #tpu.memory_space<hbm>> -> memref<1x128x16xf32, #tpu.memory_space<hbm>>
        %dma_wait3A_177 = tpu.memref_squeeze %dma_wait3A_176 : memref<1x128x16xf32, #tpu.memory_space<hbm>> -> memref<128x16xf32, #tpu.memory_space<hbm>>
        %dma_wait3A_178 = arith.constant 0 : i32
        %dma_wait3A_179 = tpu.memref_slice %arg6[%arg0, %add3A_167, %dma_wait3A_178] : memref<2x10240x16xf32, #tpu.memory_space<hbm>> -> memref<1x128x16xf32, #tpu.memory_space<hbm>>
        %dma_wait3A_180 = tpu.memref_squeeze %dma_wait3A_179 : memref<1x128x16xf32, #tpu.memory_space<hbm>> -> memref<128x16xf32, #tpu.memory_space<hbm>>
        tpu.wait_dma2 semaphore(%run_scoped3A : memref<!tpu.dma_semaphore, #tpu.memory_space<semaphore_mem>>) src(%arg12 : memref<128x16xf32, #tpu.memory_space<vmem>>) dst(%dma_wait3A_180 : memref<128x16xf32, #tpu.memory_space<hbm>>)
        tpu.yield
      }) : () -> ()
      %scan3A_168 = arith.constant 0 : i32
      scf.yield %scan3A_168 : i32
    }
    %scan3A_160 = arith.constant 5 : i32
    return
  }
}

#map = affine_map<(d0, d1) -> (0, 0)>
#map1 = affine_map<(d0, d1) -> (0)>
#map2 = affine_map<(d0, d1) -> (0, 0, 0)>
module attributes {stable_mosaic.version = 14 : i64} {
  func.func @_agg_body(%arg0: i32, %arg1: i32, %arg2: memref<4000x80xi32, #tpu.memory_space<hbm>>, %arg3: memref<4000x80xi32, #tpu.memory_space<hbm>>, %arg4: memref<320000xf32, #tpu.memory_space<hbm>>, %arg5: memref<160000x64xf32, #tpu.memory_space<hbm>>, %arg6: memref<2x10240x64xf32, #tpu.memory_space<hbm>>, %arg7: memref<10240x64xf32, #tpu.memory_space<vmem_shared>>, %arg8: memref<125x80xi32, #tpu.memory_space<vmem>>, %arg9: memref<125x80xi32, #tpu.memory_space<vmem>>, %arg10: memref<10000xf32, #tpu.memory_space<vmem>>, %arg11: memref<10x80x64xf32, #tpu.memory_space<vmem>>, %arg12: memref<128x64xf32, #tpu.memory_space<vmem>>, %arg13: memref<!tpu.dma_semaphore, #tpu.memory_space<semaphore_mem>>, %arg14: memref<!tpu.dma_semaphore, #tpu.memory_space<semaphore_mem>>) attributes {dimension_semantics = [#tpu.dimension_semantics<core_parallel>, #tpu.dimension_semantics<subcore_parallel>], iteration_bounds = array<i64: 2, 16>, scalar_prefetch = 0 : i64, scratch_operands = 8 : i64, tpu.core_type = #tpu.core_type<sc_vector_subcore>, window_params = [{transform_indices = #map}, {transform_indices = #map}, {transform_indices = #map1}, {transform_indices = #map}, {transform_indices = #map2}]} {
    %mul3A = arith.constant 16 : i32
    %mul3A_0 = arith.muli %arg0, %mul3A : i32
    %add3A = arith.addi %mul3A_0, %arg1 : i32
    %mul3A_1 = arith.constant 125 : i32
    %mul3A_2 = arith.muli %add3A, %mul3A_1 : i32
    "tpu.region"() ({
      %run_scoped3A = tpu.sem_alloc : memref<!tpu.dma_semaphore, #tpu.memory_space<semaphore_mem>>
      %dma_start3A_161 = arith.constant 0 : i32
      %dma_start3A_162 = tpu.memref_slice %arg2[%mul3A_2, %dma_start3A_161] : memref<4000x80xi32, #tpu.memory_space<hbm>> -> memref<125x80xi32, #tpu.memory_space<hbm>>
      %dma_start3A_163 = arith.constant 0 : i32
      %dma_start3A_164 = tpu.memref_slice %arg2[%mul3A_2, %dma_start3A_163] : memref<4000x80xi32, #tpu.memory_space<hbm>> -> memref<125x80xi32, #tpu.memory_space<hbm>>
      tpu.enqueue_dma source(%dma_start3A_164 : memref<125x80xi32, #tpu.memory_space<hbm>>) target(%arg8 : memref<125x80xi32, #tpu.memory_space<vmem>>) target_semaphore(%run_scoped3A : memref<!tpu.dma_semaphore, #tpu.memory_space<semaphore_mem>>)
      %dma_wait3A_165 = arith.constant 0 : i32
      %dma_wait3A_166 = tpu.memref_slice %arg2[%mul3A_2, %dma_wait3A_165] : memref<4000x80xi32, #tpu.memory_space<hbm>> -> memref<125x80xi32, #tpu.memory_space<hbm>>
      %dma_wait3A_167 = arith.constant 0 : i32
      %dma_wait3A_168 = tpu.memref_slice %arg2[%mul3A_2, %dma_wait3A_167] : memref<4000x80xi32, #tpu.memory_space<hbm>> -> memref<125x80xi32, #tpu.memory_space<hbm>>
      tpu.wait_dma2 semaphore(%run_scoped3A : memref<!tpu.dma_semaphore, #tpu.memory_space<semaphore_mem>>) src(%dma_wait3A_168 : memref<125x80xi32, #tpu.memory_space<hbm>>) dst(%arg8 : memref<125x80xi32, #tpu.memory_space<vmem>>)
      tpu.yield
    }) : () -> ()
    "tpu.region"() ({
      %run_scoped3A = tpu.sem_alloc : memref<!tpu.dma_semaphore, #tpu.memory_space<semaphore_mem>>
      %dma_start3A_161 = arith.constant 0 : i32
      %dma_start3A_162 = tpu.memref_slice %arg3[%mul3A_2, %dma_start3A_161] : memref<4000x80xi32, #tpu.memory_space<hbm>> -> memref<125x80xi32, #tpu.memory_space<hbm>>
      %dma_start3A_163 = arith.constant 0 : i32
      %dma_start3A_164 = tpu.memref_slice %arg3[%mul3A_2, %dma_start3A_163] : memref<4000x80xi32, #tpu.memory_space<hbm>> -> memref<125x80xi32, #tpu.memory_space<hbm>>
      tpu.enqueue_dma source(%dma_start3A_164 : memref<125x80xi32, #tpu.memory_space<hbm>>) target(%arg9 : memref<125x80xi32, #tpu.memory_space<vmem>>) target_semaphore(%run_scoped3A : memref<!tpu.dma_semaphore, #tpu.memory_space<semaphore_mem>>)
      %dma_wait3A_165 = arith.constant 0 : i32
      %dma_wait3A_166 = tpu.memref_slice %arg3[%mul3A_2, %dma_wait3A_165] : memref<4000x80xi32, #tpu.memory_space<hbm>> -> memref<125x80xi32, #tpu.memory_space<hbm>>
      %dma_wait3A_167 = arith.constant 0 : i32
      %dma_wait3A_168 = tpu.memref_slice %arg3[%mul3A_2, %dma_wait3A_167] : memref<4000x80xi32, #tpu.memory_space<hbm>> -> memref<125x80xi32, #tpu.memory_space<hbm>>
      tpu.wait_dma2 semaphore(%run_scoped3A : memref<!tpu.dma_semaphore, #tpu.memory_space<semaphore_mem>>) src(%dma_wait3A_168 : memref<125x80xi32, #tpu.memory_space<hbm>>) dst(%arg9 : memref<125x80xi32, #tpu.memory_space<vmem>>)
      tpu.yield
    }) : () -> ()
    %mul3A_3 = arith.constant 10000 : i32
    %mul3A_4 = arith.muli %add3A, %mul3A_3 : i32
    "tpu.region"() ({
      %run_scoped3A = tpu.sem_alloc : memref<!tpu.dma_semaphore, #tpu.memory_space<semaphore_mem>>
      %dma_start3A_161 = tpu.memref_slice %arg4[%mul3A_4] : memref<320000xf32, #tpu.memory_space<hbm>> -> memref<10000xf32, #tpu.memory_space<hbm>>
      %dma_start3A_162 = tpu.memref_slice %arg4[%mul3A_4] : memref<320000xf32, #tpu.memory_space<hbm>> -> memref<10000xf32, #tpu.memory_space<hbm>>
      tpu.enqueue_dma source(%dma_start3A_162 : memref<10000xf32, #tpu.memory_space<hbm>>) target(%arg10 : memref<10000xf32, #tpu.memory_space<vmem>>) target_semaphore(%run_scoped3A : memref<!tpu.dma_semaphore, #tpu.memory_space<semaphore_mem>>)
      %dma_wait3A_163 = tpu.memref_slice %arg4[%mul3A_4] : memref<320000xf32, #tpu.memory_space<hbm>> -> memref<10000xf32, #tpu.memory_space<hbm>>
      %dma_wait3A_164 = tpu.memref_slice %arg4[%mul3A_4] : memref<320000xf32, #tpu.memory_space<hbm>> -> memref<10000xf32, #tpu.memory_space<hbm>>
      tpu.wait_dma2 semaphore(%run_scoped3A : memref<!tpu.dma_semaphore, #tpu.memory_space<semaphore_mem>>) src(%dma_wait3A_164 : memref<10000xf32, #tpu.memory_space<hbm>>) dst(%arg10 : memref<10000xf32, #tpu.memory_space<vmem>>)
      tpu.yield
    }) : () -> ()
    %broadcast_in_dim3A = arith.constant 0.000000e+00 : f32
    %broadcast_in_dim3A_5 = vector.broadcast %broadcast_in_dim3A : f32 to vector<16xf32>
    %scan3A = arith.constant 0 : i32
    %scan3A_6 = arith.constant 0 : i32
    %scan3A_7 = arith.constant 128 : i32
    %scan3A_8 = arith.addi %scan3A_6, %scan3A_7 : i32
    %scan3A_9 = arith.constant 4 : i32
    %scan3A_10 = scf.for %scan3A_161 = %scan3A_6 to %scan3A_8 step %scan3A_9 iter_args(%scan3A_162 = %scan3A) -> (i32)  : i32 {
      %swap3A = arith.index_cast %scan3A_161 : i32 to index
      %swap3A_163 = arith.constant 0 : index
      %swap3A_164 = tpu.vector_load %arg12[%swap3A, %swap3A_163] {strides = array<i32>} : memref<128x64xf32, #tpu.memory_space<vmem>>, vector<1x16xf32>,
      %swap3A_165 = vector.shape_cast %swap3A_164 : vector<1x16xf32> to vector<16xf32>
      %swap3A_166 = vector.shape_cast %broadcast_in_dim3A_5 : vector<16xf32> to vector<1x16xf32>
      tpu.vector_store %arg12[%swap3A, %swap3A_163], %swap3A_166 {strides = array<i32>} : memref<128x64xf32, #tpu.memory_space<vmem>>, vector<1x16xf32>,
      %swap3A_167 = arith.index_cast %scan3A_161 : i32 to index
      %swap3A_168 = arith.constant 16 : index
      %swap3A_169 = tpu.vector_load %arg12[%swap3A_167, %swap3A_168] {strides = array<i32>} : memref<128x64xf32, #tpu.memory_space<vmem>>, vector<1x16xf32>,
      %swap3A_170 = vector.shape_cast %swap3A_169 : vector<1x16xf32> to vector<16xf32>
      %swap3A_171 = vector.shape_cast %broadcast_in_dim3A_5 : vector<16xf32> to vector<1x16xf32>
      tpu.vector_store %arg12[%swap3A_167, %swap3A_168], %swap3A_171 {strides = array<i32>} : memref<128x64xf32, #tpu.memory_space<vmem>>, vector<1x16xf32>,
      %swap3A_172 = arith.index_cast %scan3A_161 : i32 to index
      %swap3A_173 = arith.constant 32 : index
      %swap3A_174 = tpu.vector_load %arg12[%swap3A_172, %swap3A_173] {strides = array<i32>} : memref<128x64xf32, #tpu.memory_space<vmem>>, vector<1x16xf32>,
      %swap3A_175 = vector.shape_cast %swap3A_174 : vector<1x16xf32> to vector<16xf32>
      %swap3A_176 = vector.shape_cast %broadcast_in_dim3A_5 : vector<16xf32> to vector<1x16xf32>
      tpu.vector_store %arg12[%swap3A_172, %swap3A_173], %swap3A_176 {strides = array<i32>} : memref<128x64xf32, #tpu.memory_space<vmem>>, vector<1x16xf32>,
      %swap3A_177 = arith.index_cast %scan3A_161 : i32 to index
      %swap3A_178 = arith.constant 48 : index
      %swap3A_179 = tpu.vector_load %arg12[%swap3A_177, %swap3A_178] {strides = array<i32>} : memref<128x64xf32, #tpu.memory_space<vmem>>, vector<1x16xf32>,
      %swap3A_180 = vector.shape_cast %swap3A_179 : vector<1x16xf32> to vector<16xf32>
      %swap3A_181 = vector.shape_cast %broadcast_in_dim3A_5 : vector<16xf32> to vector<1x16xf32>
      tpu.vector_store %arg12[%swap3A_177, %swap3A_178], %swap3A_181 {strides = array<i32>} : memref<128x64xf32, #tpu.memory_space<vmem>>, vector<1x16xf32>,
      %scan3A_182 = arith.constant 0 : i32
      %scan3A_183 = arith.constant 1 : i32
      %scan3A_184 = arith.addi %scan3A_161, %scan3A_183 : i32
      %swap3A_185 = arith.index_cast %scan3A_184 : i32 to index
      %swap3A_186 = arith.constant 0 : index
      %swap3A_187 = tpu.vector_load %arg12[%swap3A_185, %swap3A_186] {strides = array<i32>} : memref<128x64xf32, #tpu.memory_space<vmem>>, vector<1x16xf32>,
      %swap3A_188 = vector.shape_cast %swap3A_187 : vector<1x16xf32> to vector<16xf32>
      %swap3A_189 = vector.shape_cast %broadcast_in_dim3A_5 : vector<16xf32> to vector<1x16xf32>
      tpu.vector_store %arg12[%swap3A_185, %swap3A_186], %swap3A_189 {strides = array<i32>} : memref<128x64xf32, #tpu.memory_space<vmem>>, vector<1x16xf32>,
      %swap3A_190 = arith.index_cast %scan3A_184 : i32 to index
      %swap3A_191 = arith.constant 16 : index
      %swap3A_192 = tpu.vector_load %arg12[%swap3A_190, %swap3A_191] {strides = array<i32>} : memref<128x64xf32, #tpu.memory_space<vmem>>, vector<1x16xf32>,
      %swap3A_193 = vector.shape_cast %swap3A_192 : vector<1x16xf32> to vector<16xf32>
      %swap3A_194 = vector.shape_cast %broadcast_in_dim3A_5 : vector<16xf32> to vector<1x16xf32>
      tpu.vector_store %arg12[%swap3A_190, %swap3A_191], %swap3A_194 {strides = array<i32>} : memref<128x64xf32, #tpu.memory_space<vmem>>, vector<1x16xf32>,
      %swap3A_195 = arith.index_cast %scan3A_184 : i32 to index
      %swap3A_196 = arith.constant 32 : index
      %swap3A_197 = tpu.vector_load %arg12[%swap3A_195, %swap3A_196] {strides = array<i32>} : memref<128x64xf32, #tpu.memory_space<vmem>>, vector<1x16xf32>,
      %swap3A_198 = vector.shape_cast %swap3A_197 : vector<1x16xf32> to vector<16xf32>
      %swap3A_199 = vector.shape_cast %broadcast_in_dim3A_5 : vector<16xf32> to vector<1x16xf32>
      tpu.vector_store %arg12[%swap3A_195, %swap3A_196], %swap3A_199 {strides = array<i32>} : memref<128x64xf32, #tpu.memory_space<vmem>>, vector<1x16xf32>,
      %swap3A_200 = arith.index_cast %scan3A_184 : i32 to index
      %swap3A_201 = arith.constant 48 : index
      %swap3A_202 = tpu.vector_load %arg12[%swap3A_200, %swap3A_201] {strides = array<i32>} : memref<128x64xf32, #tpu.memory_space<vmem>>, vector<1x16xf32>,
      %swap3A_203 = vector.shape_cast %swap3A_202 : vector<1x16xf32> to vector<16xf32>
      %swap3A_204 = vector.shape_cast %broadcast_in_dim3A_5 : vector<16xf32> to vector<1x16xf32>
      tpu.vector_store %arg12[%swap3A_200, %swap3A_201], %swap3A_204 {strides = array<i32>} : memref<128x64xf32, #tpu.memory_space<vmem>>, vector<1x16xf32>,
      %scan3A_205 = arith.constant 0 : i32
      %scan3A_206 = arith.constant 2 : i32
      %scan3A_207 = arith.addi %scan3A_161, %scan3A_206 : i32
      %swap3A_208 = arith.index_cast %scan3A_207 : i32 to index
      %swap3A_209 = arith.constant 0 : index
      %swap3A_210 = tpu.vector_load %arg12[%swap3A_208, %swap3A_209] {strides = array<i32>} : memref<128x64xf32, #tpu.memory_space<vmem>>, vector<1x16xf32>,
      %swap3A_211 = vector.shape_cast %swap3A_210 : vector<1x16xf32> to vector<16xf32>
      %swap3A_212 = vector.shape_cast %broadcast_in_dim3A_5 : vector<16xf32> to vector<1x16xf32>
      tpu.vector_store %arg12[%swap3A_208, %swap3A_209], %swap3A_212 {strides = array<i32>} : memref<128x64xf32, #tpu.memory_space<vmem>>, vector<1x16xf32>,
      %swap3A_213 = arith.index_cast %scan3A_207 : i32 to index
      %swap3A_214 = arith.constant 16 : index
      %swap3A_215 = tpu.vector_load %arg12[%swap3A_213, %swap3A_214] {strides = array<i32>} : memref<128x64xf32, #tpu.memory_space<vmem>>, vector<1x16xf32>,
      %swap3A_216 = vector.shape_cast %swap3A_215 : vector<1x16xf32> to vector<16xf32>
      %swap3A_217 = vector.shape_cast %broadcast_in_dim3A_5 : vector<16xf32> to vector<1x16xf32>
      tpu.vector_store %arg12[%swap3A_213, %swap3A_214], %swap3A_217 {strides = array<i32>} : memref<128x64xf32, #tpu.memory_space<vmem>>, vector<1x16xf32>,
      %swap3A_218 = arith.index_cast %scan3A_207 : i32 to index
      %swap3A_219 = arith.constant 32 : index
      %swap3A_220 = tpu.vector_load %arg12[%swap3A_218, %swap3A_219] {strides = array<i32>} : memref<128x64xf32, #tpu.memory_space<vmem>>, vector<1x16xf32>,
      %swap3A_221 = vector.shape_cast %swap3A_220 : vector<1x16xf32> to vector<16xf32>
      %swap3A_222 = vector.shape_cast %broadcast_in_dim3A_5 : vector<16xf32> to vector<1x16xf32>
      tpu.vector_store %arg12[%swap3A_218, %swap3A_219], %swap3A_222 {strides = array<i32>} : memref<128x64xf32, #tpu.memory_space<vmem>>, vector<1x16xf32>,
      %swap3A_223 = arith.index_cast %scan3A_207 : i32 to index
      %swap3A_224 = arith.constant 48 : index
      %swap3A_225 = tpu.vector_load %arg12[%swap3A_223, %swap3A_224] {strides = array<i32>} : memref<128x64xf32, #tpu.memory_space<vmem>>, vector<1x16xf32>,
      %swap3A_226 = vector.shape_cast %swap3A_225 : vector<1x16xf32> to vector<16xf32>
      %swap3A_227 = vector.shape_cast %broadcast_in_dim3A_5 : vector<16xf32> to vector<1x16xf32>
      tpu.vector_store %arg12[%swap3A_223, %swap3A_224], %swap3A_227 {strides = array<i32>} : memref<128x64xf32, #tpu.memory_space<vmem>>, vector<1x16xf32>,
      %scan3A_228 = arith.constant 0 : i32
      %scan3A_229 = arith.constant 3 : i32
      %scan3A_230 = arith.addi %scan3A_161, %scan3A_229 : i32
      %swap3A_231 = arith.index_cast %scan3A_230 : i32 to index
      %swap3A_232 = arith.constant 0 : index
      %swap3A_233 = tpu.vector_load %arg12[%swap3A_231, %swap3A_232] {strides = array<i32>} : memref<128x64xf32, #tpu.memory_space<vmem>>, vector<1x16xf32>,
      %swap3A_234 = vector.shape_cast %swap3A_233 : vector<1x16xf32> to vector<16xf32>
      %swap3A_235 = vector.shape_cast %broadcast_in_dim3A_5 : vector<16xf32> to vector<1x16xf32>
      tpu.vector_store %arg12[%swap3A_231, %swap3A_232], %swap3A_235 {strides = array<i32>} : memref<128x64xf32, #tpu.memory_space<vmem>>, vector<1x16xf32>,
      %swap3A_236 = arith.index_cast %scan3A_230 : i32 to index
      %swap3A_237 = arith.constant 16 : index
      %swap3A_238 = tpu.vector_load %arg12[%swap3A_236, %swap3A_237] {strides = array<i32>} : memref<128x64xf32, #tpu.memory_space<vmem>>, vector<1x16xf32>,
      %swap3A_239 = vector.shape_cast %swap3A_238 : vector<1x16xf32> to vector<16xf32>
      %swap3A_240 = vector.shape_cast %broadcast_in_dim3A_5 : vector<16xf32> to vector<1x16xf32>
      tpu.vector_store %arg12[%swap3A_236, %swap3A_237], %swap3A_240 {strides = array<i32>} : memref<128x64xf32, #tpu.memory_space<vmem>>, vector<1x16xf32>,
      %swap3A_241 = arith.index_cast %scan3A_230 : i32 to index
      %swap3A_242 = arith.constant 32 : index
      %swap3A_243 = tpu.vector_load %arg12[%swap3A_241, %swap3A_242] {strides = array<i32>} : memref<128x64xf32, #tpu.memory_space<vmem>>, vector<1x16xf32>,
      %swap3A_244 = vector.shape_cast %swap3A_243 : vector<1x16xf32> to vector<16xf32>
      %swap3A_245 = vector.shape_cast %broadcast_in_dim3A_5 : vector<16xf32> to vector<1x16xf32>
      tpu.vector_store %arg12[%swap3A_241, %swap3A_242], %swap3A_245 {strides = array<i32>} : memref<128x64xf32, #tpu.memory_space<vmem>>, vector<1x16xf32>,
      %swap3A_246 = arith.index_cast %scan3A_230 : i32 to index
      %swap3A_247 = arith.constant 48 : index
      %swap3A_248 = tpu.vector_load %arg12[%swap3A_246, %swap3A_247] {strides = array<i32>} : memref<128x64xf32, #tpu.memory_space<vmem>>, vector<1x16xf32>,
      %swap3A_249 = vector.shape_cast %swap3A_248 : vector<1x16xf32> to vector<16xf32>
      %swap3A_250 = vector.shape_cast %broadcast_in_dim3A_5 : vector<16xf32> to vector<1x16xf32>
      tpu.vector_store %arg12[%swap3A_246, %swap3A_247], %swap3A_250 {strides = array<i32>} : memref<128x64xf32, #tpu.memory_space<vmem>>, vector<1x16xf32>,
      %scan3A_251 = arith.constant 0 : i32
      scf.yield %scan3A_251 : i32
    }
    %scan3A_11 = arith.constant 128 : i32
    %scan3A_12 = arith.constant 0 : i32
    %scan3A_13 = arith.constant 0 : i32
    %scan3A_14 = arith.constant 5 : i32
    %scan3A_15 = arith.addi %scan3A_13, %scan3A_14 : i32
    %scan3A_16 = arith.constant 1 : i32
    %scan3A_17 = scf.for %scan3A_161 = %scan3A_13 to %scan3A_15 step %scan3A_16 iter_args(%scan3A_162 = %scan3A_12) -> (i32)  : i32 {
      %mul3A_163 = arith.constant 640 : i32
      %mul3A_164 = arith.muli %arg1, %mul3A_163 : i32
      %mul3A_165 = arith.constant 128 : i32
      %mul3A_166 = arith.muli %scan3A_161, %mul3A_165 : i32
      %add3A_167 = arith.addi %mul3A_164, %mul3A_166 : i32
      "tpu.region"() ({
        %run_scoped3A = tpu.sem_alloc : memref<!tpu.dma_semaphore, #tpu.memory_space<semaphore_mem>>
        %dma_start3A_169 = arith.constant 0 : i32
        %dma_start3A_170 = tpu.memref_slice %arg7[%add3A_167, %dma_start3A_169] : memref<10240x64xf32, #tpu.memory_space<vmem_shared>> -> memref<128x64xf32, #tpu.memory_space<vmem_shared>>
        %dma_start3A_171 = arith.constant 0 : i32
        %dma_start3A_172 = tpu.memref_slice %arg7[%add3A_167, %dma_start3A_171] : memref<10240x64xf32, #tpu.memory_space<vmem_shared>> -> memref<128x64xf32, #tpu.memory_space<vmem_shared>>
        tpu.enqueue_dma source(%arg12 : memref<128x64xf32, #tpu.memory_space<vmem>>) target(%dma_start3A_172 : memref<128x64xf32, #tpu.memory_space<vmem_shared>>) target_semaphore(%run_scoped3A : memref<!tpu.dma_semaphore, #tpu.memory_space<semaphore_mem>>)
        %dma_wait3A_173 = arith.constant 0 : i32
        %dma_wait3A_174 = tpu.memref_slice %arg7[%add3A_167, %dma_wait3A_173] : memref<10240x64xf32, #tpu.memory_space<vmem_shared>> -> memref<128x64xf32, #tpu.memory_space<vmem_shared>>
        %dma_wait3A_175 = arith.constant 0 : i32
        %dma_wait3A_176 = tpu.memref_slice %arg7[%add3A_167, %dma_wait3A_175] : memref<10240x64xf32, #tpu.memory_space<vmem_shared>> -> memref<128x64xf32, #tpu.memory_space<vmem_shared>>
        tpu.wait_dma2 semaphore(%run_scoped3A : memref<!tpu.dma_semaphore, #tpu.memory_space<semaphore_mem>>) src(%arg12 : memref<128x64xf32, #tpu.memory_space<vmem>>) dst(%dma_wait3A_176 : memref<128x64xf32, #tpu.memory_space<vmem_shared>>)
        tpu.yield
      }) : () -> ()
      %scan3A_168 = arith.constant 0 : i32
      scf.yield %scan3A_168 : i32
    }
    %scan3A_18 = arith.constant 5 : i32
    %barrier3A = arith.constant 0 : index
    tpu.barrier barrier_id(%barrier3A)
    %dma_start3A = arith.constant 0 : i32
    %dma_start3A_19 = arith.constant 0 : i32
    %dma_start3A_20 = arith.constant 0 : i32
    %dma_start3A_21 = arith.constant 0 : i32
    %dma_start3A_22 = tpu.memref_slice %arg11[%dma_start3A_19, %dma_start3A_20, %dma_start3A_21] : memref<10x80x64xf32, #tpu.memory_space<vmem>> -> memref<1x80x64xf32, #tpu.memory_space<vmem>>
    %dma_start3A_23 = tpu.memref_squeeze %dma_start3A_22 : memref<1x80x64xf32, #tpu.memory_space<vmem>> -> memref<80x64xf32, #tpu.memory_space<vmem>>
    %dma_start3A_24 = arith.constant 0 : i32
    %dma_start3A_25 = tpu.memref_slice %arg9[%dma_start3A, %dma_start3A_24] : memref<125x80xi32, #tpu.memory_space<vmem>> -> memref<1x80xi32, #tpu.memory_space<vmem>>
    %dma_start3A_26 = tpu.memref_squeeze %dma_start3A_25 : memref<1x80xi32, #tpu.memory_space<vmem>> -> memref<80xi32, #tpu.memory_space<vmem>>
    %dma_start3A_27 = arith.constant 0 : i32
    %dma_start3A_28 = arith.constant 0 : i32
    %dma_start3A_29 = tpu.memref_slice %arg5[%dma_start3A_27, %dma_start3A_28] : memref<160000x64xf32, #tpu.memory_space<hbm>> -> memref<160000x64xf32, #tpu.memory_space<hbm>>
    tpu.enqueue_indirect_dma source(%dma_start3A_29 : memref<160000x64xf32, #tpu.memory_space<hbm>>) target(%dma_start3A_23 : memref<80x64xf32, #tpu.memory_space<vmem>>) offsets(%dma_start3A_26 : memref<80xi32, #tpu.memory_space<vmem>>) semaphore(%arg13 : memref<!tpu.dma_semaphore, #tpu.memory_space<semaphore_mem>>)
    %dma_start3A_30 = arith.constant 1 : i32
    %dma_start3A_31 = arith.constant 1 : i32
    %dma_start3A_32 = arith.constant 0 : i32
    %dma_start3A_33 = arith.constant 0 : i32
    %dma_start3A_34 = tpu.memref_slice %arg11[%dma_start3A_31, %dma_start3A_32, %dma_start3A_33] : memref<10x80x64xf32, #tpu.memory_space<vmem>> -> memref<1x80x64xf32, #tpu.memory_space<vmem>>
    %dma_start3A_35 = tpu.memref_squeeze %dma_start3A_34 : memref<1x80x64xf32, #tpu.memory_space<vmem>> -> memref<80x64xf32, #tpu.memory_space<vmem>>
    %dma_start3A_36 = arith.constant 0 : i32
    %dma_start3A_37 = tpu.memref_slice %arg9[%dma_start3A_30, %dma_start3A_36] : memref<125x80xi32, #tpu.memory_space<vmem>> -> memref<1x80xi32, #tpu.memory_space<vmem>>
    %dma_start3A_38 = tpu.memref_squeeze %dma_start3A_37 : memref<1x80xi32, #tpu.memory_space<vmem>> -> memref<80xi32, #tpu.memory_space<vmem>>
    %dma_start3A_39 = arith.constant 0 : i32
    %dma_start3A_40 = arith.constant 0 : i32
    %dma_start3A_41 = tpu.memref_slice %arg5[%dma_start3A_39, %dma_start3A_40] : memref<160000x64xf32, #tpu.memory_space<hbm>> -> memref<160000x64xf32, #tpu.memory_space<hbm>>
    tpu.enqueue_indirect_dma source(%dma_start3A_41 : memref<160000x64xf32, #tpu.memory_space<hbm>>) target(%dma_start3A_35 : memref<80x64xf32, #tpu.memory_space<vmem>>) offsets(%dma_start3A_38 : memref<80xi32, #tpu.memory_space<vmem>>) semaphore(%arg13 : memref<!tpu.dma_semaphore, #tpu.memory_space<semaphore_mem>>)
    %dma_start3A_42 = arith.constant 2 : i32
    %dma_start3A_43 = arith.constant 2 : i32
    %dma_start3A_44 = arith.constant 0 : i32
    %dma_start3A_45 = arith.constant 0 : i32
    %dma_start3A_46 = tpu.memref_slice %arg11[%dma_start3A_43, %dma_start3A_44, %dma_start3A_45] : memref<10x80x64xf32, #tpu.memory_space<vmem>> -> memref<1x80x64xf32, #tpu.memory_space<vmem>>
    %dma_start3A_47 = tpu.memref_squeeze %dma_start3A_46 : memref<1x80x64xf32, #tpu.memory_space<vmem>> -> memref<80x64xf32, #tpu.memory_space<vmem>>
    %dma_start3A_48 = arith.constant 0 : i32
    %dma_start3A_49 = tpu.memref_slice %arg9[%dma_start3A_42, %dma_start3A_48] : memref<125x80xi32, #tpu.memory_space<vmem>> -> memref<1x80xi32, #tpu.memory_space<vmem>>
    %dma_start3A_50 = tpu.memref_squeeze %dma_start3A_49 : memref<1x80xi32, #tpu.memory_space<vmem>> -> memref<80xi32, #tpu.memory_space<vmem>>
    %dma_start3A_51 = arith.constant 0 : i32
    %dma_start3A_52 = arith.constant 0 : i32
    %dma_start3A_53 = tpu.memref_slice %arg5[%dma_start3A_51, %dma_start3A_52] : memref<160000x64xf32, #tpu.memory_space<hbm>> -> memref<160000x64xf32, #tpu.memory_space<hbm>>
    tpu.enqueue_indirect_dma source(%dma_start3A_53 : memref<160000x64xf32, #tpu.memory_space<hbm>>) target(%dma_start3A_47 : memref<80x64xf32, #tpu.memory_space<vmem>>) offsets(%dma_start3A_50 : memref<80xi32, #tpu.memory_space<vmem>>) semaphore(%arg13 : memref<!tpu.dma_semaphore, #tpu.memory_space<semaphore_mem>>)
    %dma_start3A_54 = arith.constant 3 : i32
    %dma_start3A_55 = arith.constant 3 : i32
    %dma_start3A_56 = arith.constant 0 : i32
    %dma_start3A_57 = arith.constant 0 : i32
    %dma_start3A_58 = tpu.memref_slice %arg11[%dma_start3A_55, %dma_start3A_56, %dma_start3A_57] : memref<10x80x64xf32, #tpu.memory_space<vmem>> -> memref<1x80x64xf32, #tpu.memory_space<vmem>>
    %dma_start3A_59 = tpu.memref_squeeze %dma_start3A_58 : memref<1x80x64xf32, #tpu.memory_space<vmem>> -> memref<80x64xf32, #tpu.memory_space<vmem>>
    %dma_start3A_60 = arith.constant 0 : i32
    %dma_start3A_61 = tpu.memref_slice %arg9[%dma_start3A_54, %dma_start3A_60] : memref<125x80xi32, #tpu.memory_space<vmem>> -> memref<1x80xi32, #tpu.memory_space<vmem>>
    %dma_start3A_62 = tpu.memref_squeeze %dma_start3A_61 : memref<1x80xi32, #tpu.memory_space<vmem>> -> memref<80xi32, #tpu.memory_space<vmem>>
    %dma_start3A_63 = arith.constant 0 : i32
    %dma_start3A_64 = arith.constant 0 : i32
    %dma_start3A_65 = tpu.memref_slice %arg5[%dma_start3A_63, %dma_start3A_64] : memref<160000x64xf32, #tpu.memory_space<hbm>> -> memref<160000x64xf32, #tpu.memory_space<hbm>>
    tpu.enqueue_indirect_dma source(%dma_start3A_65 : memref<160000x64xf32, #tpu.memory_space<hbm>>) target(%dma_start3A_59 : memref<80x64xf32, #tpu.memory_space<vmem>>) offsets(%dma_start3A_62 : memref<80xi32, #tpu.memory_space<vmem>>) semaphore(%arg13 : memref<!tpu.dma_semaphore, #tpu.memory_space<semaphore_mem>>)
    %dma_start3A_66 = arith.constant 4 : i32
    %dma_start3A_67 = arith.constant 4 : i32
    %dma_start3A_68 = arith.constant 0 : i32
    %dma_start3A_69 = arith.constant 0 : i32
    %dma_start3A_70 = tpu.memref_slice %arg11[%dma_start3A_67, %dma_start3A_68, %dma_start3A_69] : memref<10x80x64xf32, #tpu.memory_space<vmem>> -> memref<1x80x64xf32, #tpu.memory_space<vmem>>
    %dma_start3A_71 = tpu.memref_squeeze %dma_start3A_70 : memref<1x80x64xf32, #tpu.memory_space<vmem>> -> memref<80x64xf32, #tpu.memory_space<vmem>>
    %dma_start3A_72 = arith.constant 0 : i32
    %dma_start3A_73 = tpu.memref_slice %arg9[%dma_start3A_66, %dma_start3A_72] : memref<125x80xi32, #tpu.memory_space<vmem>> -> memref<1x80xi32, #tpu.memory_space<vmem>>
    %dma_start3A_74 = tpu.memref_squeeze %dma_start3A_73 : memref<1x80xi32, #tpu.memory_space<vmem>> -> memref<80xi32, #tpu.memory_space<vmem>>
    %dma_start3A_75 = arith.constant 0 : i32
    %dma_start3A_76 = arith.constant 0 : i32
    %dma_start3A_77 = tpu.memref_slice %arg5[%dma_start3A_75, %dma_start3A_76] : memref<160000x64xf32, #tpu.memory_space<hbm>> -> memref<160000x64xf32, #tpu.memory_space<hbm>>
    tpu.enqueue_indirect_dma source(%dma_start3A_77 : memref<160000x64xf32, #tpu.memory_space<hbm>>) target(%dma_start3A_71 : memref<80x64xf32, #tpu.memory_space<vmem>>) offsets(%dma_start3A_74 : memref<80xi32, #tpu.memory_space<vmem>>) semaphore(%arg13 : memref<!tpu.dma_semaphore, #tpu.memory_space<semaphore_mem>>)
    %scan3A_78 = arith.constant 0 : i32
    %scan3A_79 = arith.constant 0 : i32
    %scan3A_80 = arith.constant 125 : i32
    %scan3A_81 = arith.addi %scan3A_79, %scan3A_80 : i32
    %scan3A_82 = arith.constant 1 : i32
    %scan3A_83 = scf.for %scan3A_161 = %scan3A_79 to %scan3A_81 step %scan3A_82 iter_args(%scan3A_162 = %scan3A_78) -> (i32)  : i32 {
      %rem3A_163 = arith.constant 10 : i32
      %rem3A_164 = arith.remsi %scan3A_161, %rem3A_163 : i32
      %dma_wait3A_165 = arith.constant 0 : i32
      %dma_wait3A_166 = arith.constant 0 : i32
      %dma_wait3A_167 = tpu.memref_slice %arg11[%rem3A_164, %dma_wait3A_165, %dma_wait3A_166] : memref<10x80x64xf32, #tpu.memory_space<vmem>> -> memref<1x80x64xf32, #tpu.memory_space<vmem>>
      %dma_wait3A_168 = tpu.memref_squeeze %dma_wait3A_167 : memref<1x80x64xf32, #tpu.memory_space<vmem>> -> memref<80x64xf32, #tpu.memory_space<vmem>>
      %dma_wait3A_169 = arith.constant 0 : i32
      %dma_wait3A_170 = tpu.memref_slice %arg9[%scan3A_161, %dma_wait3A_169] : memref<125x80xi32, #tpu.memory_space<vmem>> -> memref<1x80xi32, #tpu.memory_space<vmem>>
      %dma_wait3A_171 = tpu.memref_squeeze %dma_wait3A_170 : memref<1x80xi32, #tpu.memory_space<vmem>> -> memref<80xi32, #tpu.memory_space<vmem>>
      %dma_wait3A_172 = arith.constant 0 : i32
      %dma_wait3A_173 = arith.constant 0 : i32
      %dma_wait3A_174 = tpu.memref_slice %arg5[%dma_wait3A_172, %dma_wait3A_173] : memref<160000x64xf32, #tpu.memory_space<hbm>> -> memref<160000x64xf32, #tpu.memory_space<hbm>>
      tpu.wait_indirect_dma semaphore(%arg13 : memref<!tpu.dma_semaphore, #tpu.memory_space<semaphore_mem>>) src(%dma_wait3A_174 : memref<160000x64xf32, #tpu.memory_space<hbm>>) dst(%dma_wait3A_168 : memref<80x64xf32, #tpu.memory_space<vmem>>)
      %parallel_loop3A = arith.constant 0 : i32
      %parallel_loop3A_175 = arith.constant 5 : i32
      %parallel_loop3A_176 = arith.constant 1 : i32
      scf.for %parallel_loop3A_196 = %parallel_loop3A to %parallel_loop3A_175 step %parallel_loop3A_176  : i32 {
        %parallel_loop3A_197 = arith.constant 80 : i32
        %parallel_loop3A_198 = arith.muli %scan3A_161, %parallel_loop3A_197 : i32
        %parallel_loop3A_199 = arith.constant 16 : i32
        %parallel_loop3A_200 = arith.muli %parallel_loop3A_196, %parallel_loop3A_199 : i32
        %parallel_loop3A_201 = arith.addi %parallel_loop3A_198, %parallel_loop3A_200 : i32
        %parallel_loop3A_202 = arith.index_cast %parallel_loop3A_201 : i32 to index
        %parallel_loop3A_203 = tpu.vector_load %arg10[%parallel_loop3A_202] {strides = array<i32>} : memref<10000xf32, #tpu.memory_space<vmem>>, vector<16xf32>,
        %parallel_loop3A_204 = vector.shape_cast %parallel_loop3A_203 : vector<16xf32> to vector<16xf32>
        %parallel_loop3A_205 = arith.constant 16 : i32
        %parallel_loop3A_206 = arith.muli %parallel_loop3A_196, %parallel_loop3A_205 : i32
        %parallel_loop3A_207 = arith.constant 0 : i32
        %parallel_loop3A_208 = arith.addi %parallel_loop3A_206, %parallel_loop3A_207 : i32
        %parallel_loop3A_209 = vector.extract_strided_slice %parallel_loop3A_204 {offsets = [0], sizes = [1], strides = [1]} : vector<16xf32> to vector<1xf32>
        %parallel_loop3A_210 = vector.extract %parallel_loop3A_209[0] : f32 from vector<1xf32>
        %parallel_loop3A_211 = arith.index_cast %rem3A_164 : i32 to index
        %parallel_loop3A_212 = arith.index_cast %parallel_loop3A_208 : i32 to index
        %parallel_loop3A_213 = arith.constant 0 : index
        %parallel_loop3A_214 = tpu.vector_load %arg11[%parallel_loop3A_211, %parallel_loop3A_212, %parallel_loop3A_213] {strides = array<i32>} : memref<10x80x64xf32, #tpu.memory_space<vmem>>, vector<1x1x16xf32>,
        %parallel_loop3A_215 = vector.shape_cast %parallel_loop3A_214 : vector<1x1x16xf32> to vector<16xf32>
        %parallel_loop3A_216 = vector.broadcast %parallel_loop3A_210 : f32 to vector<16xf32>
        %parallel_loop3A_217 = arith.mulf %parallel_loop3A_215, %parallel_loop3A_216 : vector<16xf32>
        %parallel_loop3A_218 = arith.index_cast %rem3A_164 : i32 to index
        %parallel_loop3A_219 = arith.index_cast %parallel_loop3A_208 : i32 to index
        %parallel_loop3A_220 = arith.constant 0 : index
        %parallel_loop3A_221 = tpu.vector_load %arg11[%parallel_loop3A_218, %parallel_loop3A_219, %parallel_loop3A_220] {strides = array<i32>} : memref<10x80x64xf32, #tpu.memory_space<vmem>>, vector<1x1x16xf32>,
        %parallel_loop3A_222 = vector.shape_cast %parallel_loop3A_221 : vector<1x1x16xf32> to vector<16xf32>
        %parallel_loop3A_223 = vector.shape_cast %parallel_loop3A_217 : vector<16xf32> to vector<1x1x16xf32>
        tpu.vector_store %arg11[%parallel_loop3A_218, %parallel_loop3A_219, %parallel_loop3A_220], %parallel_loop3A_223 {strides = array<i32>} : memref<10x80x64xf32, #tpu.memory_space<vmem>>, vector<1x1x16xf32>,
        %parallel_loop3A_224 = arith.index_cast %rem3A_164 : i32 to index
        %parallel_loop3A_225 = arith.index_cast %parallel_loop3A_208 : i32 to index
        %parallel_loop3A_226 = arith.constant 16 : index
        %parallel_loop3A_227 = tpu.vector_load %arg11[%parallel_loop3A_224, %parallel_loop3A_225, %parallel_loop3A_226] {strides = array<i32>} : memref<10x80x64xf32, #tpu.memory_space<vmem>>, vector<1x1x16xf32>,
        %parallel_loop3A_228 = vector.shape_cast %parallel_loop3A_227 : vector<1x1x16xf32> to vector<16xf32>
        %parallel_loop3A_229 = vector.broadcast %parallel_loop3A_210 : f32 to vector<16xf32>
        %parallel_loop3A_230 = arith.mulf %parallel_loop3A_228, %parallel_loop3A_229 : vector<16xf32>
        %parallel_loop3A_231 = arith.index_cast %rem3A_164 : i32 to index
        %parallel_loop3A_232 = arith.index_cast %parallel_loop3A_208 : i32 to index
        %parallel_loop3A_233 = arith.constant 16 : index
        %parallel_loop3A_234 = tpu.vector_load %arg11[%parallel_loop3A_231, %parallel_loop3A_232, %parallel_loop3A_233] {strides = array<i32>} : memref<10x80x64xf32, #tpu.memory_space<vmem>>, vector<1x1x16xf32>,
        %parallel_loop3A_235 = vector.shape_cast %parallel_loop3A_234 : vector<1x1x16xf32> to vector<16xf32>
        %parallel_loop3A_236 = vector.shape_cast %parallel_loop3A_230 : vector<16xf32> to vector<1x1x16xf32>
        tpu.vector_store %arg11[%parallel_loop3A_231, %parallel_loop3A_232, %parallel_loop3A_233], %parallel_loop3A_236 {strides = array<i32>} : memref<10x80x64xf32, #tpu.memory_space<vmem>>, vector<1x1x16xf32>,
        %parallel_loop3A_237 = arith.index_cast %rem3A_164 : i32 to index
        %parallel_loop3A_238 = arith.index_cast %parallel_loop3A_208 : i32 to index
        %parallel_loop3A_239 = arith.constant 32 : index
        %parallel_loop3A_240 = tpu.vector_load %arg11[%parallel_loop3A_237, %parallel_loop3A_238, %parallel_loop3A_239] {strides = array<i32>} : memref<10x80x64xf32, #tpu.memory_space<vmem>>, vector<1x1x16xf32>,
        %parallel_loop3A_241 = vector.shape_cast %parallel_loop3A_240 : vector<1x1x16xf32> to vector<16xf32>
        %parallel_loop3A_242 = vector.broadcast %parallel_loop3A_210 : f32 to vector<16xf32>
        %parallel_loop3A_243 = arith.mulf %parallel_loop3A_241, %parallel_loop3A_242 : vector<16xf32>
        %parallel_loop3A_244 = arith.index_cast %rem3A_164 : i32 to index
        %parallel_loop3A_245 = arith.index_cast %parallel_loop3A_208 : i32 to index
        %parallel_loop3A_246 = arith.constant 32 : index
        %parallel_loop3A_247 = tpu.vector_load %arg11[%parallel_loop3A_244, %parallel_loop3A_245, %parallel_loop3A_246] {strides = array<i32>} : memref<10x80x64xf32, #tpu.memory_space<vmem>>, vector<1x1x16xf32>,
        %parallel_loop3A_248 = vector.shape_cast %parallel_loop3A_247 : vector<1x1x16xf32> to vector<16xf32>
        %parallel_loop3A_249 = vector.shape_cast %parallel_loop3A_243 : vector<16xf32> to vector<1x1x16xf32>
        tpu.vector_store %arg11[%parallel_loop3A_244, %parallel_loop3A_245, %parallel_loop3A_246], %parallel_loop3A_249 {strides = array<i32>} : memref<10x80x64xf32, #tpu.memory_space<vmem>>, vector<1x1x16xf32>,
        %parallel_loop3A_250 = arith.index_cast %rem3A_164 : i32 to index
        %parallel_loop3A_251 = arith.index_cast %parallel_loop3A_208 : i32 to index
        %parallel_loop3A_252 = arith.constant 48 : index
        %parallel_loop3A_253 = tpu.vector_load %arg11[%parallel_loop3A_250, %parallel_loop3A_251, %parallel_loop3A_252] {strides = array<i32>} : memref<10x80x64xf32, #tpu.memory_space<vmem>>, vector<1x1x16xf32>,
        %parallel_loop3A_254 = vector.shape_cast %parallel_loop3A_253 : vector<1x1x16xf32> to vector<16xf32>
        %parallel_loop3A_255 = vector.broadcast %parallel_loop3A_210 : f32 to vector<16xf32>
        %parallel_loop3A_256 = arith.mulf %parallel_loop3A_254, %parallel_loop3A_255 : vector<16xf32>
        %parallel_loop3A_257 = arith.index_cast %rem3A_164 : i32 to index
        %parallel_loop3A_258 = arith.index_cast %parallel_loop3A_208 : i32 to index
        %parallel_loop3A_259 = arith.constant 48 : index
        %parallel_loop3A_260 = tpu.vector_load %arg11[%parallel_loop3A_257, %parallel_loop3A_258, %parallel_loop3A_259] {strides = array<i32>} : memref<10x80x64xf32, #tpu.memory_space<vmem>>, vector<1x1x16xf32>,
        %parallel_loop3A_261 = vector.shape_cast %parallel_loop3A_260 : vector<1x1x16xf32> to vector<16xf32>
        %parallel_loop3A_262 = vector.shape_cast %parallel_loop3A_256 : vector<16xf32> to vector<1x1x16xf32>
        tpu.vector_store %arg11[%parallel_loop3A_257, %parallel_loop3A_258, %parallel_loop3A_259], %parallel_loop3A_262 {strides = array<i32>} : memref<10x80x64xf32, #tpu.memory_space<vmem>>, vector<1x1x16xf32>,
        %parallel_loop3A_263 = arith.constant 16 : i32
        %parallel_loop3A_264 = arith.muli %parallel_loop3A_196, %parallel_loop3A_263 : i32
        %parallel_loop3A_265 = arith.constant 1 : i32
        %parallel_loop3A_266 = arith.addi %parallel_loop3A_264, %parallel_loop3A_265 : i32
        %parallel_loop3A_267 = vector.extract_strided_slice %parallel_loop3A_204 {offsets = [1], sizes = [1], strides = [1]} : vector<16xf32> to vector<1xf32>
        %parallel_loop3A_268 = vector.extract %parallel_loop3A_267[0] : f32 from vector<1xf32>
        %parallel_loop3A_269 = arith.index_cast %rem3A_164 : i32 to index
        %parallel_loop3A_270 = arith.index_cast %parallel_loop3A_266 : i32 to index
        %parallel_loop3A_271 = arith.constant 0 : index
        %parallel_loop3A_272 = tpu.vector_load %arg11[%parallel_loop3A_269, %parallel_loop3A_270, %parallel_loop3A_271] {strides = array<i32>} : memref<10x80x64xf32, #tpu.memory_space<vmem>>, vector<1x1x16xf32>,
        %parallel_loop3A_273 = vector.shape_cast %parallel_loop3A_272 : vector<1x1x16xf32> to vector<16xf32>
        %parallel_loop3A_274 = vector.broadcast %parallel_loop3A_268 : f32 to vector<16xf32>
        %parallel_loop3A_275 = arith.mulf %parallel_loop3A_273, %parallel_loop3A_274 : vector<16xf32>
        %parallel_loop3A_276 = arith.index_cast %rem3A_164 : i32 to index
        %parallel_loop3A_277 = arith.index_cast %parallel_loop3A_266 : i32 to index
        %parallel_loop3A_278 = arith.constant 0 : index
        %parallel_loop3A_279 = tpu.vector_load %arg11[%parallel_loop3A_276, %parallel_loop3A_277, %parallel_loop3A_278] {strides = array<i32>} : memref<10x80x64xf32, #tpu.memory_space<vmem>>, vector<1x1x16xf32>,
        %parallel_loop3A_280 = vector.shape_cast %parallel_loop3A_279 : vector<1x1x16xf32> to vector<16xf32>
        %parallel_loop3A_281 = vector.shape_cast %parallel_loop3A_275 : vector<16xf32> to vector<1x1x16xf32>
        tpu.vector_store %arg11[%parallel_loop3A_276, %parallel_loop3A_277, %parallel_loop3A_278], %parallel_loop3A_281 {strides = array<i32>} : memref<10x80x64xf32, #tpu.memory_space<vmem>>, vector<1x1x16xf32>,
        %parallel_loop3A_282 = arith.index_cast %rem3A_164 : i32 to index
        %parallel_loop3A_283 = arith.index_cast %parallel_loop3A_266 : i32 to index
        %parallel_loop3A_284 = arith.constant 16 : index
        %parallel_loop3A_285 = tpu.vector_load %arg11[%parallel_loop3A_282, %parallel_loop3A_283, %parallel_loop3A_284] {strides = array<i32>} : memref<10x80x64xf32, #tpu.memory_space<vmem>>, vector<1x1x16xf32>,
        %parallel_loop3A_286 = vector.shape_cast %parallel_loop3A_285 : vector<1x1x16xf32> to vector<16xf32>
        %parallel_loop3A_287 = vector.broadcast %parallel_loop3A_268 : f32 to vector<16xf32>
        %parallel_loop3A_288 = arith.mulf %parallel_loop3A_286, %parallel_loop3A_287 : vector<16xf32>
        %parallel_loop3A_289 = arith.index_cast %rem3A_164 : i32 to index
        %parallel_loop3A_290 = arith.index_cast %parallel_loop3A_266 : i32 to index
        %parallel_loop3A_291 = arith.constant 16 : index
        %parallel_loop3A_292 = tpu.vector_load %arg11[%parallel_loop3A_289, %parallel_loop3A_290, %parallel_loop3A_291] {strides = array<i32>} : memref<10x80x64xf32, #tpu.memory_space<vmem>>, vector<1x1x16xf32>,
        %parallel_loop3A_293 = vector.shape_cast %parallel_loop3A_292 : vector<1x1x16xf32> to vector<16xf32>
        %parallel_loop3A_294 = vector.shape_cast %parallel_loop3A_288 : vector<16xf32> to vector<1x1x16xf32>
        tpu.vector_store %arg11[%parallel_loop3A_289, %parallel_loop3A_290, %parallel_loop3A_291], %parallel_loop3A_294 {strides = array<i32>} : memref<10x80x64xf32, #tpu.memory_space<vmem>>, vector<1x1x16xf32>,
        %parallel_loop3A_295 = arith.index_cast %rem3A_164 : i32 to index
        %parallel_loop3A_296 = arith.index_cast %parallel_loop3A_266 : i32 to index
        %parallel_loop3A_297 = arith.constant 32 : index
        %parallel_loop3A_298 = tpu.vector_load %arg11[%parallel_loop3A_295, %parallel_loop3A_296, %parallel_loop3A_297] {strides = array<i32>} : memref<10x80x64xf32, #tpu.memory_space<vmem>>, vector<1x1x16xf32>,
        %parallel_loop3A_299 = vector.shape_cast %parallel_loop3A_298 : vector<1x1x16xf32> to vector<16xf32>
        %parallel_loop3A_300 = vector.broadcast %parallel_loop3A_268 : f32 to vector<16xf32>
        %parallel_loop3A_301 = arith.mulf %parallel_loop3A_299, %parallel_loop3A_300 : vector<16xf32>
        %parallel_loop3A_302 = arith.index_cast %rem3A_164 : i32 to index
        %parallel_loop3A_303 = arith.index_cast %parallel_loop3A_266 : i32 to index
        %parallel_loop3A_304 = arith.constant 32 : index
        %parallel_loop3A_305 = tpu.vector_load %arg11[%parallel_loop3A_302, %parallel_loop3A_303, %parallel_loop3A_304] {strides = array<i32>} : memref<10x80x64xf32, #tpu.memory_space<vmem>>, vector<1x1x16xf32>,
        %parallel_loop3A_306 = vector.shape_cast %parallel_loop3A_305 : vector<1x1x16xf32> to vector<16xf32>
        %parallel_loop3A_307 = vector.shape_cast %parallel_loop3A_301 : vector<16xf32> to vector<1x1x16xf32>
        tpu.vector_store %arg11[%parallel_loop3A_302, %parallel_loop3A_303, %parallel_loop3A_304], %parallel_loop3A_307 {strides = array<i32>} : memref<10x80x64xf32, #tpu.memory_space<vmem>>, vector<1x1x16xf32>,
        %parallel_loop3A_308 = arith.index_cast %rem3A_164 : i32 to index
        %parallel_loop3A_309 = arith.index_cast %parallel_loop3A_266 : i32 to index
        %parallel_loop3A_310 = arith.constant 48 : index
        %parallel_loop3A_311 = tpu.vector_load %arg11[%parallel_loop3A_308, %parallel_loop3A_309, %parallel_loop3A_310] {strides = array<i32>} : memref<10x80x64xf32, #tpu.memory_space<vmem>>, vector<1x1x16xf32>,
        %parallel_loop3A_312 = vector.shape_cast %parallel_loop3A_311 : vector<1x1x16xf32> to vector<16xf32>
        %parallel_loop3A_313 = vector.broadcast %parallel_loop3A_268 : f32 to vector<16xf32>
        %parallel_loop3A_314 = arith.mulf %parallel_loop3A_312, %parallel_loop3A_313 : vector<16xf32>
        %parallel_loop3A_315 = arith.index_cast %rem3A_164 : i32 to index
        %parallel_loop3A_316 = arith.index_cast %parallel_loop3A_266 : i32 to index
        %parallel_loop3A_317 = arith.constant 48 : index
        %parallel_loop3A_318 = tpu.vector_load %arg11[%parallel_loop3A_315, %parallel_loop3A_316, %parallel_loop3A_317] {strides = array<i32>} : memref<10x80x64xf32, #tpu.memory_space<vmem>>, vector<1x1x16xf32>,
        %parallel_loop3A_319 = vector.shape_cast %parallel_loop3A_318 : vector<1x1x16xf32> to vector<16xf32>
        %parallel_loop3A_320 = vector.shape_cast %parallel_loop3A_314 : vector<16xf32> to vector<1x1x16xf32>
        tpu.vector_store %arg11[%parallel_loop3A_315, %parallel_loop3A_316, %parallel_loop3A_317], %parallel_loop3A_320 {strides = array<i32>} : memref<10x80x64xf32, #tpu.memory_space<vmem>>, vector<1x1x16xf32>,
        %parallel_loop3A_321 = arith.constant 16 : i32
        %parallel_loop3A_322 = arith.muli %parallel_loop3A_196, %parallel_loop3A_321 : i32
        %parallel_loop3A_323 = arith.constant 2 : i32
        %parallel_loop3A_324 = arith.addi %parallel_loop3A_322, %parallel_loop3A_323 : i32
        %parallel_loop3A_325 = vector.extract_strided_slice %parallel_loop3A_204 {offsets = [2], sizes = [1], strides = [1]} : vector<16xf32> to vector<1xf32>
        %parallel_loop3A_326 = vector.extract %parallel_loop3A_325[0] : f32 from vector<1xf32>
        %parallel_loop3A_327 = arith.index_cast %rem3A_164 : i32 to index
        %parallel_loop3A_328 = arith.index_cast %parallel_loop3A_324 : i32 to index
        %parallel_loop3A_329 = arith.constant 0 : index
        %parallel_loop3A_330 = tpu.vector_load %arg11[%parallel_loop3A_327, %parallel_loop3A_328, %parallel_loop3A_329] {strides = array<i32>} : memref<10x80x64xf32, #tpu.memory_space<vmem>>, vector<1x1x16xf32>,
        %parallel_loop3A_331 = vector.shape_cast %parallel_loop3A_330 : vector<1x1x16xf32> to vector<16xf32>
        %parallel_loop3A_332 = vector.broadcast %parallel_loop3A_326 : f32 to vector<16xf32>
        %parallel_loop3A_333 = arith.mulf %parallel_loop3A_331, %parallel_loop3A_332 : vector<16xf32>
        %parallel_loop3A_334 = arith.index_cast %rem3A_164 : i32 to index
        %parallel_loop3A_335 = arith.index_cast %parallel_loop3A_324 : i32 to index
        %parallel_loop3A_336 = arith.constant 0 : index
        %parallel_loop3A_337 = tpu.vector_load %arg11[%parallel_loop3A_334, %parallel_loop3A_335, %parallel_loop3A_336] {strides = array<i32>} : memref<10x80x64xf32, #tpu.memory_space<vmem>>, vector<1x1x16xf32>,
        %parallel_loop3A_338 = vector.shape_cast %parallel_loop3A_337 : vector<1x1x16xf32> to vector<16xf32>
        %parallel_loop3A_339 = vector.shape_cast %parallel_loop3A_333 : vector<16xf32> to vector<1x1x16xf32>
        tpu.vector_store %arg11[%parallel_loop3A_334, %parallel_loop3A_335, %parallel_loop3A_336], %parallel_loop3A_339 {strides = array<i32>} : memref<10x80x64xf32, #tpu.memory_space<vmem>>, vector<1x1x16xf32>,
        %parallel_loop3A_340 = arith.index_cast %rem3A_164 : i32 to index
        %parallel_loop3A_341 = arith.index_cast %parallel_loop3A_324 : i32 to index
        %parallel_loop3A_342 = arith.constant 16 : index
        %parallel_loop3A_343 = tpu.vector_load %arg11[%parallel_loop3A_340, %parallel_loop3A_341, %parallel_loop3A_342] {strides = array<i32>} : memref<10x80x64xf32, #tpu.memory_space<vmem>>, vector<1x1x16xf32>,
        %parallel_loop3A_344 = vector.shape_cast %parallel_loop3A_343 : vector<1x1x16xf32> to vector<16xf32>
        %parallel_loop3A_345 = vector.broadcast %parallel_loop3A_326 : f32 to vector<16xf32>
        %parallel_loop3A_346 = arith.mulf %parallel_loop3A_344, %parallel_loop3A_345 : vector<16xf32>
        %parallel_loop3A_347 = arith.index_cast %rem3A_164 : i32 to index
        %parallel_loop3A_348 = arith.index_cast %parallel_loop3A_324 : i32 to index
        %parallel_loop3A_349 = arith.constant 16 : index
        %parallel_loop3A_350 = tpu.vector_load %arg11[%parallel_loop3A_347, %parallel_loop3A_348, %parallel_loop3A_349] {strides = array<i32>} : memref<10x80x64xf32, #tpu.memory_space<vmem>>, vector<1x1x16xf32>,
        %parallel_loop3A_351 = vector.shape_cast %parallel_loop3A_350 : vector<1x1x16xf32> to vector<16xf32>
        %parallel_loop3A_352 = vector.shape_cast %parallel_loop3A_346 : vector<16xf32> to vector<1x1x16xf32>
        tpu.vector_store %arg11[%parallel_loop3A_347, %parallel_loop3A_348, %parallel_loop3A_349], %parallel_loop3A_352 {strides = array<i32>} : memref<10x80x64xf32, #tpu.memory_space<vmem>>, vector<1x1x16xf32>,
        %parallel_loop3A_353 = arith.index_cast %rem3A_164 : i32 to index
        %parallel_loop3A_354 = arith.index_cast %parallel_loop3A_324 : i32 to index
        %parallel_loop3A_355 = arith.constant 32 : index
        %parallel_loop3A_356 = tpu.vector_load %arg11[%parallel_loop3A_353, %parallel_loop3A_354, %parallel_loop3A_355] {strides = array<i32>} : memref<10x80x64xf32, #tpu.memory_space<vmem>>, vector<1x1x16xf32>,
        %parallel_loop3A_357 = vector.shape_cast %parallel_loop3A_356 : vector<1x1x16xf32> to vector<16xf32>
        %parallel_loop3A_358 = vector.broadcast %parallel_loop3A_326 : f32 to vector<16xf32>
        %parallel_loop3A_359 = arith.mulf %parallel_loop3A_357, %parallel_loop3A_358 : vector<16xf32>
        %parallel_loop3A_360 = arith.index_cast %rem3A_164 : i32 to index
        %parallel_loop3A_361 = arith.index_cast %parallel_loop3A_324 : i32 to index
        %parallel_loop3A_362 = arith.constant 32 : index
        %parallel_loop3A_363 = tpu.vector_load %arg11[%parallel_loop3A_360, %parallel_loop3A_361, %parallel_loop3A_362] {strides = array<i32>} : memref<10x80x64xf32, #tpu.memory_space<vmem>>, vector<1x1x16xf32>,
        %parallel_loop3A_364 = vector.shape_cast %parallel_loop3A_363 : vector<1x1x16xf32> to vector<16xf32>
        %parallel_loop3A_365 = vector.shape_cast %parallel_loop3A_359 : vector<16xf32> to vector<1x1x16xf32>
        tpu.vector_store %arg11[%parallel_loop3A_360, %parallel_loop3A_361, %parallel_loop3A_362], %parallel_loop3A_365 {strides = array<i32>} : memref<10x80x64xf32, #tpu.memory_space<vmem>>, vector<1x1x16xf32>,
        %parallel_loop3A_366 = arith.index_cast %rem3A_164 : i32 to index
        %parallel_loop3A_367 = arith.index_cast %parallel_loop3A_324 : i32 to index
        %parallel_loop3A_368 = arith.constant 48 : index
        %parallel_loop3A_369 = tpu.vector_load %arg11[%parallel_loop3A_366, %parallel_loop3A_367, %parallel_loop3A_368] {strides = array<i32>} : memref<10x80x64xf32, #tpu.memory_space<vmem>>, vector<1x1x16xf32>,
        %parallel_loop3A_370 = vector.shape_cast %parallel_loop3A_369 : vector<1x1x16xf32> to vector<16xf32>
        %parallel_loop3A_371 = vector.broadcast %parallel_loop3A_326 : f32 to vector<16xf32>
        %parallel_loop3A_372 = arith.mulf %parallel_loop3A_370, %parallel_loop3A_371 : vector<16xf32>
        %parallel_loop3A_373 = arith.index_cast %rem3A_164 : i32 to index
        %parallel_loop3A_374 = arith.index_cast %parallel_loop3A_324 : i32 to index
        %parallel_loop3A_375 = arith.constant 48 : index
        %parallel_loop3A_376 = tpu.vector_load %arg11[%parallel_loop3A_373, %parallel_loop3A_374, %parallel_loop3A_375] {strides = array<i32>} : memref<10x80x64xf32, #tpu.memory_space<vmem>>, vector<1x1x16xf32>,
        %parallel_loop3A_377 = vector.shape_cast %parallel_loop3A_376 : vector<1x1x16xf32> to vector<16xf32>
        %parallel_loop3A_378 = vector.shape_cast %parallel_loop3A_372 : vector<16xf32> to vector<1x1x16xf32>
        tpu.vector_store %arg11[%parallel_loop3A_373, %parallel_loop3A_374, %parallel_loop3A_375], %parallel_loop3A_378 {strides = array<i32>} : memref<10x80x64xf32, #tpu.memory_space<vmem>>, vector<1x1x16xf32>,
        %parallel_loop3A_379 = arith.constant 16 : i32
        %parallel_loop3A_380 = arith.muli %parallel_loop3A_196, %parallel_loop3A_379 : i32
        %parallel_loop3A_381 = arith.constant 3 : i32
        %parallel_loop3A_382 = arith.addi %parallel_loop3A_380, %parallel_loop3A_381 : i32
        %parallel_loop3A_383 = vector.extract_strided_slice %parallel_loop3A_204 {offsets = [3], sizes = [1], strides = [1]} : vector<16xf32> to vector<1xf32>
        %parallel_loop3A_384 = vector.extract %parallel_loop3A_383[0] : f32 from vector<1xf32>
        %parallel_loop3A_385 = arith.index_cast %rem3A_164 : i32 to index
        %parallel_loop3A_386 = arith.index_cast %parallel_loop3A_382 : i32 to index
        %parallel_loop3A_387 = arith.constant 0 : index
        %parallel_loop3A_388 = tpu.vector_load %arg11[%parallel_loop3A_385, %parallel_loop3A_386, %parallel_loop3A_387] {strides = array<i32>} : memref<10x80x64xf32, #tpu.memory_space<vmem>>, vector<1x1x16xf32>,
        %parallel_loop3A_389 = vector.shape_cast %parallel_loop3A_388 : vector<1x1x16xf32> to vector<16xf32>
        %parallel_loop3A_390 = vector.broadcast %parallel_loop3A_384 : f32 to vector<16xf32>
        %parallel_loop3A_391 = arith.mulf %parallel_loop3A_389, %parallel_loop3A_390 : vector<16xf32>
        %parallel_loop3A_392 = arith.index_cast %rem3A_164 : i32 to index
        %parallel_loop3A_393 = arith.index_cast %parallel_loop3A_382 : i32 to index
        %parallel_loop3A_394 = arith.constant 0 : index
        %parallel_loop3A_395 = tpu.vector_load %arg11[%parallel_loop3A_392, %parallel_loop3A_393, %parallel_loop3A_394] {strides = array<i32>} : memref<10x80x64xf32, #tpu.memory_space<vmem>>, vector<1x1x16xf32>,
        %parallel_loop3A_396 = vector.shape_cast %parallel_loop3A_395 : vector<1x1x16xf32> to vector<16xf32>
        %parallel_loop3A_397 = vector.shape_cast %parallel_loop3A_391 : vector<16xf32> to vector<1x1x16xf32>
        tpu.vector_store %arg11[%parallel_loop3A_392, %parallel_loop3A_393, %parallel_loop3A_394], %parallel_loop3A_397 {strides = array<i32>} : memref<10x80x64xf32, #tpu.memory_space<vmem>>, vector<1x1x16xf32>,
        %parallel_loop3A_398 = arith.index_cast %rem3A_164 : i32 to index
        %parallel_loop3A_399 = arith.index_cast %parallel_loop3A_382 : i32 to index
        %parallel_loop3A_400 = arith.constant 16 : index
        %parallel_loop3A_401 = tpu.vector_load %arg11[%parallel_loop3A_398, %parallel_loop3A_399, %parallel_loop3A_400] {strides = array<i32>} : memref<10x80x64xf32, #tpu.memory_space<vmem>>, vector<1x1x16xf32>,
        %parallel_loop3A_402 = vector.shape_cast %parallel_loop3A_401 : vector<1x1x16xf32> to vector<16xf32>
        %parallel_loop3A_403 = vector.broadcast %parallel_loop3A_384 : f32 to vector<16xf32>
        %parallel_loop3A_404 = arith.mulf %parallel_loop3A_402, %parallel_loop3A_403 : vector<16xf32>
        %parallel_loop3A_405 = arith.index_cast %rem3A_164 : i32 to index
        %parallel_loop3A_406 = arith.index_cast %parallel_loop3A_382 : i32 to index
        %parallel_loop3A_407 = arith.constant 16 : index
        %parallel_loop3A_408 = tpu.vector_load %arg11[%parallel_loop3A_405, %parallel_loop3A_406, %parallel_loop3A_407] {strides = array<i32>} : memref<10x80x64xf32, #tpu.memory_space<vmem>>, vector<1x1x16xf32>,
        %parallel_loop3A_409 = vector.shape_cast %parallel_loop3A_408 : vector<1x1x16xf32> to vector<16xf32>
        %parallel_loop3A_410 = vector.shape_cast %parallel_loop3A_404 : vector<16xf32> to vector<1x1x16xf32>
        tpu.vector_store %arg11[%parallel_loop3A_405, %parallel_loop3A_406, %parallel_loop3A_407], %parallel_loop3A_410 {strides = array<i32>} : memref<10x80x64xf32, #tpu.memory_space<vmem>>, vector<1x1x16xf32>,
        %parallel_loop3A_411 = arith.index_cast %rem3A_164 : i32 to index
        %parallel_loop3A_412 = arith.index_cast %parallel_loop3A_382 : i32 to index
        %parallel_loop3A_413 = arith.constant 32 : index
        %parallel_loop3A_414 = tpu.vector_load %arg11[%parallel_loop3A_411, %parallel_loop3A_412, %parallel_loop3A_413] {strides = array<i32>} : memref<10x80x64xf32, #tpu.memory_space<vmem>>, vector<1x1x16xf32>,
        %parallel_loop3A_415 = vector.shape_cast %parallel_loop3A_414 : vector<1x1x16xf32> to vector<16xf32>
        %parallel_loop3A_416 = vector.broadcast %parallel_loop3A_384 : f32 to vector<16xf32>
        %parallel_loop3A_417 = arith.mulf %parallel_loop3A_415, %parallel_loop3A_416 : vector<16xf32>
        %parallel_loop3A_418 = arith.index_cast %rem3A_164 : i32 to index
        %parallel_loop3A_419 = arith.index_cast %parallel_loop3A_382 : i32 to index
        %parallel_loop3A_420 = arith.constant 32 : index
        %parallel_loop3A_421 = tpu.vector_load %arg11[%parallel_loop3A_418, %parallel_loop3A_419, %parallel_loop3A_420] {strides = array<i32>} : memref<10x80x64xf32, #tpu.memory_space<vmem>>, vector<1x1x16xf32>,
        %parallel_loop3A_422 = vector.shape_cast %parallel_loop3A_421 : vector<1x1x16xf32> to vector<16xf32>
        %parallel_loop3A_423 = vector.shape_cast %parallel_loop3A_417 : vector<16xf32> to vector<1x1x16xf32>
        tpu.vector_store %arg11[%parallel_loop3A_418, %parallel_loop3A_419, %parallel_loop3A_420], %parallel_loop3A_423 {strides = array<i32>} : memref<10x80x64xf32, #tpu.memory_space<vmem>>, vector<1x1x16xf32>,
        %parallel_loop3A_424 = arith.index_cast %rem3A_164 : i32 to index
        %parallel_loop3A_425 = arith.index_cast %parallel_loop3A_382 : i32 to index
        %parallel_loop3A_426 = arith.constant 48 : index
        %parallel_loop3A_427 = tpu.vector_load %arg11[%parallel_loop3A_424, %parallel_loop3A_425, %parallel_loop3A_426] {strides = array<i32>} : memref<10x80x64xf32, #tpu.memory_space<vmem>>, vector<1x1x16xf32>,
        %parallel_loop3A_428 = vector.shape_cast %parallel_loop3A_427 : vector<1x1x16xf32> to vector<16xf32>
        %parallel_loop3A_429 = vector.broadcast %parallel_loop3A_384 : f32 to vector<16xf32>
        %parallel_loop3A_430 = arith.mulf %parallel_loop3A_428, %parallel_loop3A_429 : vector<16xf32>
        %parallel_loop3A_431 = arith.index_cast %rem3A_164 : i32 to index
        %parallel_loop3A_432 = arith.index_cast %parallel_loop3A_382 : i32 to index
        %parallel_loop3A_433 = arith.constant 48 : index
        %parallel_loop3A_434 = tpu.vector_load %arg11[%parallel_loop3A_431, %parallel_loop3A_432, %parallel_loop3A_433] {strides = array<i32>} : memref<10x80x64xf32, #tpu.memory_space<vmem>>, vector<1x1x16xf32>,
        %parallel_loop3A_435 = vector.shape_cast %parallel_loop3A_434 : vector<1x1x16xf32> to vector<16xf32>
        %parallel_loop3A_436 = vector.shape_cast %parallel_loop3A_430 : vector<16xf32> to vector<1x1x16xf32>
        tpu.vector_store %arg11[%parallel_loop3A_431, %parallel_loop3A_432, %parallel_loop3A_433], %parallel_loop3A_436 {strides = array<i32>} : memref<10x80x64xf32, #tpu.memory_space<vmem>>, vector<1x1x16xf32>,
        %parallel_loop3A_437 = arith.constant 16 : i32
        %parallel_loop3A_438 = arith.muli %parallel_loop3A_196, %parallel_loop3A_437 : i32
        %parallel_loop3A_439 = arith.constant 4 : i32
        %parallel_loop3A_440 = arith.addi %parallel_loop3A_438, %parallel_loop3A_439 : i32
        %parallel_loop3A_441 = vector.extract_strided_slice %parallel_loop3A_204 {offsets = [4], sizes = [1], strides = [1]} : vector<16xf32> to vector<1xf32>
        %parallel_loop3A_442 = vector.extract %parallel_loop3A_441[0] : f32 from vector<1xf32>
        %parallel_loop3A_443 = arith.index_cast %rem3A_164 : i32 to index
        %parallel_loop3A_444 = arith.index_cast %parallel_loop3A_440 : i32 to index
        %parallel_loop3A_445 = arith.constant 0 : index
        %parallel_loop3A_446 = tpu.vector_load %arg11[%parallel_loop3A_443, %parallel_loop3A_444, %parallel_loop3A_445] {strides = array<i32>} : memref<10x80x64xf32, #tpu.memory_space<vmem>>, vector<1x1x16xf32>,
        %parallel_loop3A_447 = vector.shape_cast %parallel_loop3A_446 : vector<1x1x16xf32> to vector<16xf32>
        %parallel_loop3A_448 = vector.broadcast %parallel_loop3A_442 : f32 to vector<16xf32>
        %parallel_loop3A_449 = arith.mulf %parallel_loop3A_447, %parallel_loop3A_448 : vector<16xf32>
        %parallel_loop3A_450 = arith.index_cast %rem3A_164 : i32 to index
        %parallel_loop3A_451 = arith.index_cast %parallel_loop3A_440 : i32 to index
        %parallel_loop3A_452 = arith.constant 0 : index
        %parallel_loop3A_453 = tpu.vector_load %arg11[%parallel_loop3A_450, %parallel_loop3A_451, %parallel_loop3A_452] {strides = array<i32>} : memref<10x80x64xf32, #tpu.memory_space<vmem>>, vector<1x1x16xf32>,
        %parallel_loop3A_454 = vector.shape_cast %parallel_loop3A_453 : vector<1x1x16xf32> to vector<16xf32>
        %parallel_loop3A_455 = vector.shape_cast %parallel_loop3A_449 : vector<16xf32> to vector<1x1x16xf32>
        tpu.vector_store %arg11[%parallel_loop3A_450, %parallel_loop3A_451, %parallel_loop3A_452], %parallel_loop3A_455 {strides = array<i32>} : memref<10x80x64xf32, #tpu.memory_space<vmem>>, vector<1x1x16xf32>,
        %parallel_loop3A_456 = arith.index_cast %rem3A_164 : i32 to index
        %parallel_loop3A_457 = arith.index_cast %parallel_loop3A_440 : i32 to index
        %parallel_loop3A_458 = arith.constant 16 : index
        %parallel_loop3A_459 = tpu.vector_load %arg11[%parallel_loop3A_456, %parallel_loop3A_457, %parallel_loop3A_458] {strides = array<i32>} : memref<10x80x64xf32, #tpu.memory_space<vmem>>, vector<1x1x16xf32>,
        %parallel_loop3A_460 = vector.shape_cast %parallel_loop3A_459 : vector<1x1x16xf32> to vector<16xf32>
        %parallel_loop3A_461 = vector.broadcast %parallel_loop3A_442 : f32 to vector<16xf32>
        %parallel_loop3A_462 = arith.mulf %parallel_loop3A_460, %parallel_loop3A_461 : vector<16xf32>
        %parallel_loop3A_463 = arith.index_cast %rem3A_164 : i32 to index
        %parallel_loop3A_464 = arith.index_cast %parallel_loop3A_440 : i32 to index
        %parallel_loop3A_465 = arith.constant 16 : index
        %parallel_loop3A_466 = tpu.vector_load %arg11[%parallel_loop3A_463, %parallel_loop3A_464, %parallel_loop3A_465] {strides = array<i32>} : memref<10x80x64xf32, #tpu.memory_space<vmem>>, vector<1x1x16xf32>,
        %parallel_loop3A_467 = vector.shape_cast %parallel_loop3A_466 : vector<1x1x16xf32> to vector<16xf32>
        %parallel_loop3A_468 = vector.shape_cast %parallel_loop3A_462 : vector<16xf32> to vector<1x1x16xf32>
        tpu.vector_store %arg11[%parallel_loop3A_463, %parallel_loop3A_464, %parallel_loop3A_465], %parallel_loop3A_468 {strides = array<i32>} : memref<10x80x64xf32, #tpu.memory_space<vmem>>, vector<1x1x16xf32>,
        %parallel_loop3A_469 = arith.index_cast %rem3A_164 : i32 to index
        %parallel_loop3A_470 = arith.index_cast %parallel_loop3A_440 : i32 to index
        %parallel_loop3A_471 = arith.constant 32 : index
        %parallel_loop3A_472 = tpu.vector_load %arg11[%parallel_loop3A_469, %parallel_loop3A_470, %parallel_loop3A_471] {strides = array<i32>} : memref<10x80x64xf32, #tpu.memory_space<vmem>>, vector<1x1x16xf32>,
        %parallel_loop3A_473 = vector.shape_cast %parallel_loop3A_472 : vector<1x1x16xf32> to vector<16xf32>
        %parallel_loop3A_474 = vector.broadcast %parallel_loop3A_442 : f32 to vector<16xf32>
        %parallel_loop3A_475 = arith.mulf %parallel_loop3A_473, %parallel_loop3A_474 : vector<16xf32>
        %parallel_loop3A_476 = arith.index_cast %rem3A_164 : i32 to index
        %parallel_loop3A_477 = arith.index_cast %parallel_loop3A_440 : i32 to index
        %parallel_loop3A_478 = arith.constant 32 : index
        %parallel_loop3A_479 = tpu.vector_load %arg11[%parallel_loop3A_476, %parallel_loop3A_477, %parallel_loop3A_478] {strides = array<i32>} : memref<10x80x64xf32, #tpu.memory_space<vmem>>, vector<1x1x16xf32>,
        %parallel_loop3A_480 = vector.shape_cast %parallel_loop3A_479 : vector<1x1x16xf32> to vector<16xf32>
        %parallel_loop3A_481 = vector.shape_cast %parallel_loop3A_475 : vector<16xf32> to vector<1x1x16xf32>
        tpu.vector_store %arg11[%parallel_loop3A_476, %parallel_loop3A_477, %parallel_loop3A_478], %parallel_loop3A_481 {strides = array<i32>} : memref<10x80x64xf32, #tpu.memory_space<vmem>>, vector<1x1x16xf32>,
        %parallel_loop3A_482 = arith.index_cast %rem3A_164 : i32 to index
        %parallel_loop3A_483 = arith.index_cast %parallel_loop3A_440 : i32 to index
        %parallel_loop3A_484 = arith.constant 48 : index
        %parallel_loop3A_485 = tpu.vector_load %arg11[%parallel_loop3A_482, %parallel_loop3A_483, %parallel_loop3A_484] {strides = array<i32>} : memref<10x80x64xf32, #tpu.memory_space<vmem>>, vector<1x1x16xf32>,
        %parallel_loop3A_486 = vector.shape_cast %parallel_loop3A_485 : vector<1x1x16xf32> to vector<16xf32>
        %parallel_loop3A_487 = vector.broadcast %parallel_loop3A_442 : f32 to vector<16xf32>
        %parallel_loop3A_488 = arith.mulf %parallel_loop3A_486, %parallel_loop3A_487 : vector<16xf32>
        %parallel_loop3A_489 = arith.index_cast %rem3A_164 : i32 to index
        %parallel_loop3A_490 = arith.index_cast %parallel_loop3A_440 : i32 to index
        %parallel_loop3A_491 = arith.constant 48 : index
        %parallel_loop3A_492 = tpu.vector_load %arg11[%parallel_loop3A_489, %parallel_loop3A_490, %parallel_loop3A_491] {strides = array<i32>} : memref<10x80x64xf32, #tpu.memory_space<vmem>>, vector<1x1x16xf32>,
        %parallel_loop3A_493 = vector.shape_cast %parallel_loop3A_492 : vector<1x1x16xf32> to vector<16xf32>
        %parallel_loop3A_494 = vector.shape_cast %parallel_loop3A_488 : vector<16xf32> to vector<1x1x16xf32>
        tpu.vector_store %arg11[%parallel_loop3A_489, %parallel_loop3A_490, %parallel_loop3A_491], %parallel_loop3A_494 {strides = array<i32>} : memref<10x80x64xf32, #tpu.memory_space<vmem>>, vector<1x1x16xf32>,
        %parallel_loop3A_495 = arith.constant 16 : i32
        %parallel_loop3A_496 = arith.muli %parallel_loop3A_196, %parallel_loop3A_495 : i32
        %parallel_loop3A_497 = arith.constant 5 : i32
        %parallel_loop3A_498 = arith.addi %parallel_loop3A_496, %parallel_loop3A_497 : i32
        %parallel_loop3A_499 = vector.extract_strided_slice %parallel_loop3A_204 {offsets = [5], sizes = [1], strides = [1]} : vector<16xf32> to vector<1xf32>
        %parallel_loop3A_500 = vector.extract %parallel_loop3A_499[0] : f32 from vector<1xf32>
        %parallel_loop3A_501 = arith.index_cast %rem3A_164 : i32 to index
        %parallel_loop3A_502 = arith.index_cast %parallel_loop3A_498 : i32 to index
        %parallel_loop3A_503 = arith.constant 0 : index
        %parallel_loop3A_504 = tpu.vector_load %arg11[%parallel_loop3A_501, %parallel_loop3A_502, %parallel_loop3A_503] {strides = array<i32>} : memref<10x80x64xf32, #tpu.memory_space<vmem>>, vector<1x1x16xf32>,
        %parallel_loop3A_505 = vector.shape_cast %parallel_loop3A_504 : vector<1x1x16xf32> to vector<16xf32>
        %parallel_loop3A_506 = vector.broadcast %parallel_loop3A_500 : f32 to vector<16xf32>
        %parallel_loop3A_507 = arith.mulf %parallel_loop3A_505, %parallel_loop3A_506 : vector<16xf32>
        %parallel_loop3A_508 = arith.index_cast %rem3A_164 : i32 to index
        %parallel_loop3A_509 = arith.index_cast %parallel_loop3A_498 : i32 to index
        %parallel_loop3A_510 = arith.constant 0 : index
        %parallel_loop3A_511 = tpu.vector_load %arg11[%parallel_loop3A_508, %parallel_loop3A_509, %parallel_loop3A_510] {strides = array<i32>} : memref<10x80x64xf32, #tpu.memory_space<vmem>>, vector<1x1x16xf32>,
        %parallel_loop3A_512 = vector.shape_cast %parallel_loop3A_511 : vector<1x1x16xf32> to vector<16xf32>
        %parallel_loop3A_513 = vector.shape_cast %parallel_loop3A_507 : vector<16xf32> to vector<1x1x16xf32>
        tpu.vector_store %arg11[%parallel_loop3A_508, %parallel_loop3A_509, %parallel_loop3A_510], %parallel_loop3A_513 {strides = array<i32>} : memref<10x80x64xf32, #tpu.memory_space<vmem>>, vector<1x1x16xf32>,
        %parallel_loop3A_514 = arith.index_cast %rem3A_164 : i32 to index
        %parallel_loop3A_515 = arith.index_cast %parallel_loop3A_498 : i32 to index
        %parallel_loop3A_516 = arith.constant 16 : index
        %parallel_loop3A_517 = tpu.vector_load %arg11[%parallel_loop3A_514, %parallel_loop3A_515, %parallel_loop3A_516] {strides = array<i32>} : memref<10x80x64xf32, #tpu.memory_space<vmem>>, vector<1x1x16xf32>,
        %parallel_loop3A_518 = vector.shape_cast %parallel_loop3A_517 : vector<1x1x16xf32> to vector<16xf32>
        %parallel_loop3A_519 = vector.broadcast %parallel_loop3A_500 : f32 to vector<16xf32>
        %parallel_loop3A_520 = arith.mulf %parallel_loop3A_518, %parallel_loop3A_519 : vector<16xf32>
        %parallel_loop3A_521 = arith.index_cast %rem3A_164 : i32 to index
        %parallel_loop3A_522 = arith.index_cast %parallel_loop3A_498 : i32 to index
        %parallel_loop3A_523 = arith.constant 16 : index
        %parallel_loop3A_524 = tpu.vector_load %arg11[%parallel_loop3A_521, %parallel_loop3A_522, %parallel_loop3A_523] {strides = array<i32>} : memref<10x80x64xf32, #tpu.memory_space<vmem>>, vector<1x1x16xf32>,
        %parallel_loop3A_525 = vector.shape_cast %parallel_loop3A_524 : vector<1x1x16xf32> to vector<16xf32>
        %parallel_loop3A_526 = vector.shape_cast %parallel_loop3A_520 : vector<16xf32> to vector<1x1x16xf32>
        tpu.vector_store %arg11[%parallel_loop3A_521, %parallel_loop3A_522, %parallel_loop3A_523], %parallel_loop3A_526 {strides = array<i32>} : memref<10x80x64xf32, #tpu.memory_space<vmem>>, vector<1x1x16xf32>,
        %parallel_loop3A_527 = arith.index_cast %rem3A_164 : i32 to index
        %parallel_loop3A_528 = arith.index_cast %parallel_loop3A_498 : i32 to index
        %parallel_loop3A_529 = arith.constant 32 : index
        %parallel_loop3A_530 = tpu.vector_load %arg11[%parallel_loop3A_527, %parallel_loop3A_528, %parallel_loop3A_529] {strides = array<i32>} : memref<10x80x64xf32, #tpu.memory_space<vmem>>, vector<1x1x16xf32>,
        %parallel_loop3A_531 = vector.shape_cast %parallel_loop3A_530 : vector<1x1x16xf32> to vector<16xf32>
        %parallel_loop3A_532 = vector.broadcast %parallel_loop3A_500 : f32 to vector<16xf32>
        %parallel_loop3A_533 = arith.mulf %parallel_loop3A_531, %parallel_loop3A_532 : vector<16xf32>
        %parallel_loop3A_534 = arith.index_cast %rem3A_164 : i32 to index
        %parallel_loop3A_535 = arith.index_cast %parallel_loop3A_498 : i32 to index
        %parallel_loop3A_536 = arith.constant 32 : index
        %parallel_loop3A_537 = tpu.vector_load %arg11[%parallel_loop3A_534, %parallel_loop3A_535, %parallel_loop3A_536] {strides = array<i32>} : memref<10x80x64xf32, #tpu.memory_space<vmem>>, vector<1x1x16xf32>,
        %parallel_loop3A_538 = vector.shape_cast %parallel_loop3A_537 : vector<1x1x16xf32> to vector<16xf32>
        %parallel_loop3A_539 = vector.shape_cast %parallel_loop3A_533 : vector<16xf32> to vector<1x1x16xf32>
        tpu.vector_store %arg11[%parallel_loop3A_534, %parallel_loop3A_535, %parallel_loop3A_536], %parallel_loop3A_539 {strides = array<i32>} : memref<10x80x64xf32, #tpu.memory_space<vmem>>, vector<1x1x16xf32>,
        %parallel_loop3A_540 = arith.index_cast %rem3A_164 : i32 to index
        %parallel_loop3A_541 = arith.index_cast %parallel_loop3A_498 : i32 to index
        %parallel_loop3A_542 = arith.constant 48 : index
        %parallel_loop3A_543 = tpu.vector_load %arg11[%parallel_loop3A_540, %parallel_loop3A_541, %parallel_loop3A_542] {strides = array<i32>} : memref<10x80x64xf32, #tpu.memory_space<vmem>>, vector<1x1x16xf32>,
        %parallel_loop3A_544 = vector.shape_cast %parallel_loop3A_543 : vector<1x1x16xf32> to vector<16xf32>
        %parallel_loop3A_545 = vector.broadcast %parallel_loop3A_500 : f32 to vector<16xf32>
        %parallel_loop3A_546 = arith.mulf %parallel_loop3A_544, %parallel_loop3A_545 : vector<16xf32>
        %parallel_loop3A_547 = arith.index_cast %rem3A_164 : i32 to index
        %parallel_loop3A_548 = arith.index_cast %parallel_loop3A_498 : i32 to index
        %parallel_loop3A_549 = arith.constant 48 : index
        %parallel_loop3A_550 = tpu.vector_load %arg11[%parallel_loop3A_547, %parallel_loop3A_548, %parallel_loop3A_549] {strides = array<i32>} : memref<10x80x64xf32, #tpu.memory_space<vmem>>, vector<1x1x16xf32>,
        %parallel_loop3A_551 = vector.shape_cast %parallel_loop3A_550 : vector<1x1x16xf32> to vector<16xf32>
        %parallel_loop3A_552 = vector.shape_cast %parallel_loop3A_546 : vector<16xf32> to vector<1x1x16xf32>
        tpu.vector_store %arg11[%parallel_loop3A_547, %parallel_loop3A_548, %parallel_loop3A_549], %parallel_loop3A_552 {strides = array<i32>} : memref<10x80x64xf32, #tpu.memory_space<vmem>>, vector<1x1x16xf32>,
        %parallel_loop3A_553 = arith.constant 16 : i32
        %parallel_loop3A_554 = arith.muli %parallel_loop3A_196, %parallel_loop3A_553 : i32
        %parallel_loop3A_555 = arith.constant 6 : i32
        %parallel_loop3A_556 = arith.addi %parallel_loop3A_554, %parallel_loop3A_555 : i32
        %parallel_loop3A_557 = vector.extract_strided_slice %parallel_loop3A_204 {offsets = [6], sizes = [1], strides = [1]} : vector<16xf32> to vector<1xf32>
        %parallel_loop3A_558 = vector.extract %parallel_loop3A_557[0] : f32 from vector<1xf32>
        %parallel_loop3A_559 = arith.index_cast %rem3A_164 : i32 to index
        %parallel_loop3A_560 = arith.index_cast %parallel_loop3A_556 : i32 to index
        %parallel_loop3A_561 = arith.constant 0 : index
        %parallel_loop3A_562 = tpu.vector_load %arg11[%parallel_loop3A_559, %parallel_loop3A_560, %parallel_loop3A_561] {strides = array<i32>} : memref<10x80x64xf32, #tpu.memory_space<vmem>>, vector<1x1x16xf32>,
        %parallel_loop3A_563 = vector.shape_cast %parallel_loop3A_562 : vector<1x1x16xf32> to vector<16xf32>
        %parallel_loop3A_564 = vector.broadcast %parallel_loop3A_558 : f32 to vector<16xf32>
        %parallel_loop3A_565 = arith.mulf %parallel_loop3A_563, %parallel_loop3A_564 : vector<16xf32>
        %parallel_loop3A_566 = arith.index_cast %rem3A_164 : i32 to index
        %parallel_loop3A_567 = arith.index_cast %parallel_loop3A_556 : i32 to index
        %parallel_loop3A_568 = arith.constant 0 : index
        %parallel_loop3A_569 = tpu.vector_load %arg11[%parallel_loop3A_566, %parallel_loop3A_567, %parallel_loop3A_568] {strides = array<i32>} : memref<10x80x64xf32, #tpu.memory_space<vmem>>, vector<1x1x16xf32>,
        %parallel_loop3A_570 = vector.shape_cast %parallel_loop3A_569 : vector<1x1x16xf32> to vector<16xf32>
        %parallel_loop3A_571 = vector.shape_cast %parallel_loop3A_565 : vector<16xf32> to vector<1x1x16xf32>
        tpu.vector_store %arg11[%parallel_loop3A_566, %parallel_loop3A_567, %parallel_loop3A_568], %parallel_loop3A_571 {strides = array<i32>} : memref<10x80x64xf32, #tpu.memory_space<vmem>>, vector<1x1x16xf32>,
        %parallel_loop3A_572 = arith.index_cast %rem3A_164 : i32 to index
        %parallel_loop3A_573 = arith.index_cast %parallel_loop3A_556 : i32 to index
        %parallel_loop3A_574 = arith.constant 16 : index
        %parallel_loop3A_575 = tpu.vector_load %arg11[%parallel_loop3A_572, %parallel_loop3A_573, %parallel_loop3A_574] {strides = array<i32>} : memref<10x80x64xf32, #tpu.memory_space<vmem>>, vector<1x1x16xf32>,
        %parallel_loop3A_576 = vector.shape_cast %parallel_loop3A_575 : vector<1x1x16xf32> to vector<16xf32>
        %parallel_loop3A_577 = vector.broadcast %parallel_loop3A_558 : f32 to vector<16xf32>
        %parallel_loop3A_578 = arith.mulf %parallel_loop3A_576, %parallel_loop3A_577 : vector<16xf32>
        %parallel_loop3A_579 = arith.index_cast %rem3A_164 : i32 to index
        %parallel_loop3A_580 = arith.index_cast %parallel_loop3A_556 : i32 to index
        %parallel_loop3A_581 = arith.constant 16 : index
        %parallel_loop3A_582 = tpu.vector_load %arg11[%parallel_loop3A_579, %parallel_loop3A_580, %parallel_loop3A_581] {strides = array<i32>} : memref<10x80x64xf32, #tpu.memory_space<vmem>>, vector<1x1x16xf32>,
        %parallel_loop3A_583 = vector.shape_cast %parallel_loop3A_582 : vector<1x1x16xf32> to vector<16xf32>
        %parallel_loop3A_584 = vector.shape_cast %parallel_loop3A_578 : vector<16xf32> to vector<1x1x16xf32>
        tpu.vector_store %arg11[%parallel_loop3A_579, %parallel_loop3A_580, %parallel_loop3A_581], %parallel_loop3A_584 {strides = array<i32>} : memref<10x80x64xf32, #tpu.memory_space<vmem>>, vector<1x1x16xf32>,
        %parallel_loop3A_585 = arith.index_cast %rem3A_164 : i32 to index
        %parallel_loop3A_586 = arith.index_cast %parallel_loop3A_556 : i32 to index
        %parallel_loop3A_587 = arith.constant 32 : index
        %parallel_loop3A_588 = tpu.vector_load %arg11[%parallel_loop3A_585, %parallel_loop3A_586, %parallel_loop3A_587] {strides = array<i32>} : memref<10x80x64xf32, #tpu.memory_space<vmem>>, vector<1x1x16xf32>,
        %parallel_loop3A_589 = vector.shape_cast %parallel_loop3A_588 : vector<1x1x16xf32> to vector<16xf32>
        %parallel_loop3A_590 = vector.broadcast %parallel_loop3A_558 : f32 to vector<16xf32>
        %parallel_loop3A_591 = arith.mulf %parallel_loop3A_589, %parallel_loop3A_590 : vector<16xf32>
        %parallel_loop3A_592 = arith.index_cast %rem3A_164 : i32 to index
        %parallel_loop3A_593 = arith.index_cast %parallel_loop3A_556 : i32 to index
        %parallel_loop3A_594 = arith.constant 32 : index
        %parallel_loop3A_595 = tpu.vector_load %arg11[%parallel_loop3A_592, %parallel_loop3A_593, %parallel_loop3A_594] {strides = array<i32>} : memref<10x80x64xf32, #tpu.memory_space<vmem>>, vector<1x1x16xf32>,
        %parallel_loop3A_596 = vector.shape_cast %parallel_loop3A_595 : vector<1x1x16xf32> to vector<16xf32>
        %parallel_loop3A_597 = vector.shape_cast %parallel_loop3A_591 : vector<16xf32> to vector<1x1x16xf32>
        tpu.vector_store %arg11[%parallel_loop3A_592, %parallel_loop3A_593, %parallel_loop3A_594], %parallel_loop3A_597 {strides = array<i32>} : memref<10x80x64xf32, #tpu.memory_space<vmem>>, vector<1x1x16xf32>,
        %parallel_loop3A_598 = arith.index_cast %rem3A_164 : i32 to index
        %parallel_loop3A_599 = arith.index_cast %parallel_loop3A_556 : i32 to index
        %parallel_loop3A_600 = arith.constant 48 : index
        %parallel_loop3A_601 = tpu.vector_load %arg11[%parallel_loop3A_598, %parallel_loop3A_599, %parallel_loop3A_600] {strides = array<i32>} : memref<10x80x64xf32, #tpu.memory_space<vmem>>, vector<1x1x16xf32>,
        %parallel_loop3A_602 = vector.shape_cast %parallel_loop3A_601 : vector<1x1x16xf32> to vector<16xf32>
        %parallel_loop3A_603 = vector.broadcast %parallel_loop3A_558 : f32 to vector<16xf32>
        %parallel_loop3A_604 = arith.mulf %parallel_loop3A_602, %parallel_loop3A_603 : vector<16xf32>
        %parallel_loop3A_605 = arith.index_cast %rem3A_164 : i32 to index
        %parallel_loop3A_606 = arith.index_cast %parallel_loop3A_556 : i32 to index
        %parallel_loop3A_607 = arith.constant 48 : index
        %parallel_loop3A_608 = tpu.vector_load %arg11[%parallel_loop3A_605, %parallel_loop3A_606, %parallel_loop3A_607] {strides = array<i32>} : memref<10x80x64xf32, #tpu.memory_space<vmem>>, vector<1x1x16xf32>,
        %parallel_loop3A_609 = vector.shape_cast %parallel_loop3A_608 : vector<1x1x16xf32> to vector<16xf32>
        %parallel_loop3A_610 = vector.shape_cast %parallel_loop3A_604 : vector<16xf32> to vector<1x1x16xf32>
        tpu.vector_store %arg11[%parallel_loop3A_605, %parallel_loop3A_606, %parallel_loop3A_607], %parallel_loop3A_610 {strides = array<i32>} : memref<10x80x64xf32, #tpu.memory_space<vmem>>, vector<1x1x16xf32>,
        %parallel_loop3A_611 = arith.constant 16 : i32
        %parallel_loop3A_612 = arith.muli %parallel_loop3A_196, %parallel_loop3A_611 : i32
        %parallel_loop3A_613 = arith.constant 7 : i32
        %parallel_loop3A_614 = arith.addi %parallel_loop3A_612, %parallel_loop3A_613 : i32
        %parallel_loop3A_615 = vector.extract_strided_slice %parallel_loop3A_204 {offsets = [7], sizes = [1], strides = [1]} : vector<16xf32> to vector<1xf32>
        %parallel_loop3A_616 = vector.extract %parallel_loop3A_615[0] : f32 from vector<1xf32>
        %parallel_loop3A_617 = arith.index_cast %rem3A_164 : i32 to index
        %parallel_loop3A_618 = arith.index_cast %parallel_loop3A_614 : i32 to index
        %parallel_loop3A_619 = arith.constant 0 : index
        %parallel_loop3A_620 = tpu.vector_load %arg11[%parallel_loop3A_617, %parallel_loop3A_618, %parallel_loop3A_619] {strides = array<i32>} : memref<10x80x64xf32, #tpu.memory_space<vmem>>, vector<1x1x16xf32>,
        %parallel_loop3A_621 = vector.shape_cast %parallel_loop3A_620 : vector<1x1x16xf32> to vector<16xf32>
        %parallel_loop3A_622 = vector.broadcast %parallel_loop3A_616 : f32 to vector<16xf32>
        %parallel_loop3A_623 = arith.mulf %parallel_loop3A_621, %parallel_loop3A_622 : vector<16xf32>
        %parallel_loop3A_624 = arith.index_cast %rem3A_164 : i32 to index
        %parallel_loop3A_625 = arith.index_cast %parallel_loop3A_614 : i32 to index
        %parallel_loop3A_626 = arith.constant 0 : index
        %parallel_loop3A_627 = tpu.vector_load %arg11[%parallel_loop3A_624, %parallel_loop3A_625, %parallel_loop3A_626] {strides = array<i32>} : memref<10x80x64xf32, #tpu.memory_space<vmem>>, vector<1x1x16xf32>,
        %parallel_loop3A_628 = vector.shape_cast %parallel_loop3A_627 : vector<1x1x16xf32> to vector<16xf32>
        %parallel_loop3A_629 = vector.shape_cast %parallel_loop3A_623 : vector<16xf32> to vector<1x1x16xf32>
        tpu.vector_store %arg11[%parallel_loop3A_624, %parallel_loop3A_625, %parallel_loop3A_626], %parallel_loop3A_629 {strides = array<i32>} : memref<10x80x64xf32, #tpu.memory_space<vmem>>, vector<1x1x16xf32>,
        %parallel_loop3A_630 = arith.index_cast %rem3A_164 : i32 to index
        %parallel_loop3A_631 = arith.index_cast %parallel_loop3A_614 : i32 to index
        %parallel_loop3A_632 = arith.constant 16 : index
        %parallel_loop3A_633 = tpu.vector_load %arg11[%parallel_loop3A_630, %parallel_loop3A_631, %parallel_loop3A_632] {strides = array<i32>} : memref<10x80x64xf32, #tpu.memory_space<vmem>>, vector<1x1x16xf32>,
        %parallel_loop3A_634 = vector.shape_cast %parallel_loop3A_633 : vector<1x1x16xf32> to vector<16xf32>
        %parallel_loop3A_635 = vector.broadcast %parallel_loop3A_616 : f32 to vector<16xf32>
        %parallel_loop3A_636 = arith.mulf %parallel_loop3A_634, %parallel_loop3A_635 : vector<16xf32>
        %parallel_loop3A_637 = arith.index_cast %rem3A_164 : i32 to index
        %parallel_loop3A_638 = arith.index_cast %parallel_loop3A_614 : i32 to index
        %parallel_loop3A_639 = arith.constant 16 : index
        %parallel_loop3A_640 = tpu.vector_load %arg11[%parallel_loop3A_637, %parallel_loop3A_638, %parallel_loop3A_639] {strides = array<i32>} : memref<10x80x64xf32, #tpu.memory_space<vmem>>, vector<1x1x16xf32>,
        %parallel_loop3A_641 = vector.shape_cast %parallel_loop3A_640 : vector<1x1x16xf32> to vector<16xf32>
        %parallel_loop3A_642 = vector.shape_cast %parallel_loop3A_636 : vector<16xf32> to vector<1x1x16xf32>
        tpu.vector_store %arg11[%parallel_loop3A_637, %parallel_loop3A_638, %parallel_loop3A_639], %parallel_loop3A_642 {strides = array<i32>} : memref<10x80x64xf32, #tpu.memory_space<vmem>>, vector<1x1x16xf32>,
        %parallel_loop3A_643 = arith.index_cast %rem3A_164 : i32 to index
        %parallel_loop3A_644 = arith.index_cast %parallel_loop3A_614 : i32 to index
        %parallel_loop3A_645 = arith.constant 32 : index
        %parallel_loop3A_646 = tpu.vector_load %arg11[%parallel_loop3A_643, %parallel_loop3A_644, %parallel_loop3A_645] {strides = array<i32>} : memref<10x80x64xf32, #tpu.memory_space<vmem>>, vector<1x1x16xf32>,
        %parallel_loop3A_647 = vector.shape_cast %parallel_loop3A_646 : vector<1x1x16xf32> to vector<16xf32>
        %parallel_loop3A_648 = vector.broadcast %parallel_loop3A_616 : f32 to vector<16xf32>
        %parallel_loop3A_649 = arith.mulf %parallel_loop3A_647, %parallel_loop3A_648 : vector<16xf32>
        %parallel_loop3A_650 = arith.index_cast %rem3A_164 : i32 to index
        %parallel_loop3A_651 = arith.index_cast %parallel_loop3A_614 : i32 to index
        %parallel_loop3A_652 = arith.constant 32 : index
        %parallel_loop3A_653 = tpu.vector_load %arg11[%parallel_loop3A_650, %parallel_loop3A_651, %parallel_loop3A_652] {strides = array<i32>} : memref<10x80x64xf32, #tpu.memory_space<vmem>>, vector<1x1x16xf32>,
        %parallel_loop3A_654 = vector.shape_cast %parallel_loop3A_653 : vector<1x1x16xf32> to vector<16xf32>
        %parallel_loop3A_655 = vector.shape_cast %parallel_loop3A_649 : vector<16xf32> to vector<1x1x16xf32>
        tpu.vector_store %arg11[%parallel_loop3A_650, %parallel_loop3A_651, %parallel_loop3A_652], %parallel_loop3A_655 {strides = array<i32>} : memref<10x80x64xf32, #tpu.memory_space<vmem>>, vector<1x1x16xf32>,
        %parallel_loop3A_656 = arith.index_cast %rem3A_164 : i32 to index
        %parallel_loop3A_657 = arith.index_cast %parallel_loop3A_614 : i32 to index
        %parallel_loop3A_658 = arith.constant 48 : index
        %parallel_loop3A_659 = tpu.vector_load %arg11[%parallel_loop3A_656, %parallel_loop3A_657, %parallel_loop3A_658] {strides = array<i32>} : memref<10x80x64xf32, #tpu.memory_space<vmem>>, vector<1x1x16xf32>,
        %parallel_loop3A_660 = vector.shape_cast %parallel_loop3A_659 : vector<1x1x16xf32> to vector<16xf32>
        %parallel_loop3A_661 = vector.broadcast %parallel_loop3A_616 : f32 to vector<16xf32>
        %parallel_loop3A_662 = arith.mulf %parallel_loop3A_660, %parallel_loop3A_661 : vector<16xf32>
        %parallel_loop3A_663 = arith.index_cast %rem3A_164 : i32 to index
        %parallel_loop3A_664 = arith.index_cast %parallel_loop3A_614 : i32 to index
        %parallel_loop3A_665 = arith.constant 48 : index
        %parallel_loop3A_666 = tpu.vector_load %arg11[%parallel_loop3A_663, %parallel_loop3A_664, %parallel_loop3A_665] {strides = array<i32>} : memref<10x80x64xf32, #tpu.memory_space<vmem>>, vector<1x1x16xf32>,
        %parallel_loop3A_667 = vector.shape_cast %parallel_loop3A_666 : vector<1x1x16xf32> to vector<16xf32>
        %parallel_loop3A_668 = vector.shape_cast %parallel_loop3A_662 : vector<16xf32> to vector<1x1x16xf32>
        tpu.vector_store %arg11[%parallel_loop3A_663, %parallel_loop3A_664, %parallel_loop3A_665], %parallel_loop3A_668 {strides = array<i32>} : memref<10x80x64xf32, #tpu.memory_space<vmem>>, vector<1x1x16xf32>,
        %parallel_loop3A_669 = arith.constant 16 : i32
        %parallel_loop3A_670 = arith.muli %parallel_loop3A_196, %parallel_loop3A_669 : i32
        %parallel_loop3A_671 = arith.constant 8 : i32
        %parallel_loop3A_672 = arith.addi %parallel_loop3A_670, %parallel_loop3A_671 : i32
        %parallel_loop3A_673 = vector.extract_strided_slice %parallel_loop3A_204 {offsets = [8], sizes = [1], strides = [1]} : vector<16xf32> to vector<1xf32>
        %parallel_loop3A_674 = vector.extract %parallel_loop3A_673[0] : f32 from vector<1xf32>
        %parallel_loop3A_675 = arith.index_cast %rem3A_164 : i32 to index
        %parallel_loop3A_676 = arith.index_cast %parallel_loop3A_672 : i32 to index
        %parallel_loop3A_677 = arith.constant 0 : index
        %parallel_loop3A_678 = tpu.vector_load %arg11[%parallel_loop3A_675, %parallel_loop3A_676, %parallel_loop3A_677] {strides = array<i32>} : memref<10x80x64xf32, #tpu.memory_space<vmem>>, vector<1x1x16xf32>,
        %parallel_loop3A_679 = vector.shape_cast %parallel_loop3A_678 : vector<1x1x16xf32> to vector<16xf32>
        %parallel_loop3A_680 = vector.broadcast %parallel_loop3A_674 : f32 to vector<16xf32>
        %parallel_loop3A_681 = arith.mulf %parallel_loop3A_679, %parallel_loop3A_680 : vector<16xf32>
        %parallel_loop3A_682 = arith.index_cast %rem3A_164 : i32 to index
        %parallel_loop3A_683 = arith.index_cast %parallel_loop3A_672 : i32 to index
        %parallel_loop3A_684 = arith.constant 0 : index
        %parallel_loop3A_685 = tpu.vector_load %arg11[%parallel_loop3A_682, %parallel_loop3A_683, %parallel_loop3A_684] {strides = array<i32>} : memref<10x80x64xf32, #tpu.memory_space<vmem>>, vector<1x1x16xf32>,
        %parallel_loop3A_686 = vector.shape_cast %parallel_loop3A_685 : vector<1x1x16xf32> to vector<16xf32>
        %parallel_loop3A_687 = vector.shape_cast %parallel_loop3A_681 : vector<16xf32> to vector<1x1x16xf32>
        tpu.vector_store %arg11[%parallel_loop3A_682, %parallel_loop3A_683, %parallel_loop3A_684], %parallel_loop3A_687 {strides = array<i32>} : memref<10x80x64xf32, #tpu.memory_space<vmem>>, vector<1x1x16xf32>,
        %parallel_loop3A_688 = arith.index_cast %rem3A_164 : i32 to index
        %parallel_loop3A_689 = arith.index_cast %parallel_loop3A_672 : i32 to index
        %parallel_loop3A_690 = arith.constant 16 : index
        %parallel_loop3A_691 = tpu.vector_load %arg11[%parallel_loop3A_688, %parallel_loop3A_689, %parallel_loop3A_690] {strides = array<i32>} : memref<10x80x64xf32, #tpu.memory_space<vmem>>, vector<1x1x16xf32>,
        %parallel_loop3A_692 = vector.shape_cast %parallel_loop3A_691 : vector<1x1x16xf32> to vector<16xf32>
        %parallel_loop3A_693 = vector.broadcast %parallel_loop3A_674 : f32 to vector<16xf32>
        %parallel_loop3A_694 = arith.mulf %parallel_loop3A_692, %parallel_loop3A_693 : vector<16xf32>
        %parallel_loop3A_695 = arith.index_cast %rem3A_164 : i32 to index
        %parallel_loop3A_696 = arith.index_cast %parallel_loop3A_672 : i32 to index
        %parallel_loop3A_697 = arith.constant 16 : index
        %parallel_loop3A_698 = tpu.vector_load %arg11[%parallel_loop3A_695, %parallel_loop3A_696, %parallel_loop3A_697] {strides = array<i32>} : memref<10x80x64xf32, #tpu.memory_space<vmem>>, vector<1x1x16xf32>,
        %parallel_loop3A_699 = vector.shape_cast %parallel_loop3A_698 : vector<1x1x16xf32> to vector<16xf32>
        %parallel_loop3A_700 = vector.shape_cast %parallel_loop3A_694 : vector<16xf32> to vector<1x1x16xf32>
        tpu.vector_store %arg11[%parallel_loop3A_695, %parallel_loop3A_696, %parallel_loop3A_697], %parallel_loop3A_700 {strides = array<i32>} : memref<10x80x64xf32, #tpu.memory_space<vmem>>, vector<1x1x16xf32>,
        %parallel_loop3A_701 = arith.index_cast %rem3A_164 : i32 to index
        %parallel_loop3A_702 = arith.index_cast %parallel_loop3A_672 : i32 to index
        %parallel_loop3A_703 = arith.constant 32 : index
        %parallel_loop3A_704 = tpu.vector_load %arg11[%parallel_loop3A_701, %parallel_loop3A_702, %parallel_loop3A_703] {strides = array<i32>} : memref<10x80x64xf32, #tpu.memory_space<vmem>>, vector<1x1x16xf32>,
        %parallel_loop3A_705 = vector.shape_cast %parallel_loop3A_704 : vector<1x1x16xf32> to vector<16xf32>
        %parallel_loop3A_706 = vector.broadcast %parallel_loop3A_674 : f32 to vector<16xf32>
        %parallel_loop3A_707 = arith.mulf %parallel_loop3A_705, %parallel_loop3A_706 : vector<16xf32>
        %parallel_loop3A_708 = arith.index_cast %rem3A_164 : i32 to index
        %parallel_loop3A_709 = arith.index_cast %parallel_loop3A_672 : i32 to index
        %parallel_loop3A_710 = arith.constant 32 : index
        %parallel_loop3A_711 = tpu.vector_load %arg11[%parallel_loop3A_708, %parallel_loop3A_709, %parallel_loop3A_710] {strides = array<i32>} : memref<10x80x64xf32, #tpu.memory_space<vmem>>, vector<1x1x16xf32>,
        %parallel_loop3A_712 = vector.shape_cast %parallel_loop3A_711 : vector<1x1x16xf32> to vector<16xf32>
        %parallel_loop3A_713 = vector.shape_cast %parallel_loop3A_707 : vector<16xf32> to vector<1x1x16xf32>
        tpu.vector_store %arg11[%parallel_loop3A_708, %parallel_loop3A_709, %parallel_loop3A_710], %parallel_loop3A_713 {strides = array<i32>} : memref<10x80x64xf32, #tpu.memory_space<vmem>>, vector<1x1x16xf32>,
        %parallel_loop3A_714 = arith.index_cast %rem3A_164 : i32 to index
        %parallel_loop3A_715 = arith.index_cast %parallel_loop3A_672 : i32 to index
        %parallel_loop3A_716 = arith.constant 48 : index
        %parallel_loop3A_717 = tpu.vector_load %arg11[%parallel_loop3A_714, %parallel_loop3A_715, %parallel_loop3A_716] {strides = array<i32>} : memref<10x80x64xf32, #tpu.memory_space<vmem>>, vector<1x1x16xf32>,
        %parallel_loop3A_718 = vector.shape_cast %parallel_loop3A_717 : vector<1x1x16xf32> to vector<16xf32>
        %parallel_loop3A_719 = vector.broadcast %parallel_loop3A_674 : f32 to vector<16xf32>
        %parallel_loop3A_720 = arith.mulf %parallel_loop3A_718, %parallel_loop3A_719 : vector<16xf32>
        %parallel_loop3A_721 = arith.index_cast %rem3A_164 : i32 to index
        %parallel_loop3A_722 = arith.index_cast %parallel_loop3A_672 : i32 to index
        %parallel_loop3A_723 = arith.constant 48 : index
        %parallel_loop3A_724 = tpu.vector_load %arg11[%parallel_loop3A_721, %parallel_loop3A_722, %parallel_loop3A_723] {strides = array<i32>} : memref<10x80x64xf32, #tpu.memory_space<vmem>>, vector<1x1x16xf32>,
        %parallel_loop3A_725 = vector.shape_cast %parallel_loop3A_724 : vector<1x1x16xf32> to vector<16xf32>
        %parallel_loop3A_726 = vector.shape_cast %parallel_loop3A_720 : vector<16xf32> to vector<1x1x16xf32>
        tpu.vector_store %arg11[%parallel_loop3A_721, %parallel_loop3A_722, %parallel_loop3A_723], %parallel_loop3A_726 {strides = array<i32>} : memref<10x80x64xf32, #tpu.memory_space<vmem>>, vector<1x1x16xf32>,
        %parallel_loop3A_727 = arith.constant 16 : i32
        %parallel_loop3A_728 = arith.muli %parallel_loop3A_196, %parallel_loop3A_727 : i32
        %parallel_loop3A_729 = arith.constant 9 : i32
        %parallel_loop3A_730 = arith.addi %parallel_loop3A_728, %parallel_loop3A_729 : i32
        %parallel_loop3A_731 = vector.extract_strided_slice %parallel_loop3A_204 {offsets = [9], sizes = [1], strides = [1]} : vector<16xf32> to vector<1xf32>
        %parallel_loop3A_732 = vector.extract %parallel_loop3A_731[0] : f32 from vector<1xf32>
        %parallel_loop3A_733 = arith.index_cast %rem3A_164 : i32 to index
        %parallel_loop3A_734 = arith.index_cast %parallel_loop3A_730 : i32 to index
        %parallel_loop3A_735 = arith.constant 0 : index
        %parallel_loop3A_736 = tpu.vector_load %arg11[%parallel_loop3A_733, %parallel_loop3A_734, %parallel_loop3A_735] {strides = array<i32>} : memref<10x80x64xf32, #tpu.memory_space<vmem>>, vector<1x1x16xf32>,
        %parallel_loop3A_737 = vector.shape_cast %parallel_loop3A_736 : vector<1x1x16xf32> to vector<16xf32>
        %parallel_loop3A_738 = vector.broadcast %parallel_loop3A_732 : f32 to vector<16xf32>
        %parallel_loop3A_739 = arith.mulf %parallel_loop3A_737, %parallel_loop3A_738 : vector<16xf32>
        %parallel_loop3A_740 = arith.index_cast %rem3A_164 : i32 to index
        %parallel_loop3A_741 = arith.index_cast %parallel_loop3A_730 : i32 to index
        %parallel_loop3A_742 = arith.constant 0 : index
        %parallel_loop3A_743 = tpu.vector_load %arg11[%parallel_loop3A_740, %parallel_loop3A_741, %parallel_loop3A_742] {strides = array<i32>} : memref<10x80x64xf32, #tpu.memory_space<vmem>>, vector<1x1x16xf32>,
        %parallel_loop3A_744 = vector.shape_cast %parallel_loop3A_743 : vector<1x1x16xf32> to vector<16xf32>
        %parallel_loop3A_745 = vector.shape_cast %parallel_loop3A_739 : vector<16xf32> to vector<1x1x16xf32>
        tpu.vector_store %arg11[%parallel_loop3A_740, %parallel_loop3A_741, %parallel_loop3A_742], %parallel_loop3A_745 {strides = array<i32>} : memref<10x80x64xf32, #tpu.memory_space<vmem>>, vector<1x1x16xf32>,
        %parallel_loop3A_746 = arith.index_cast %rem3A_164 : i32 to index
        %parallel_loop3A_747 = arith.index_cast %parallel_loop3A_730 : i32 to index
        %parallel_loop3A_748 = arith.constant 16 : index
        %parallel_loop3A_749 = tpu.vector_load %arg11[%parallel_loop3A_746, %parallel_loop3A_747, %parallel_loop3A_748] {strides = array<i32>} : memref<10x80x64xf32, #tpu.memory_space<vmem>>, vector<1x1x16xf32>,
        %parallel_loop3A_750 = vector.shape_cast %parallel_loop3A_749 : vector<1x1x16xf32> to vector<16xf32>
        %parallel_loop3A_751 = vector.broadcast %parallel_loop3A_732 : f32 to vector<16xf32>
        %parallel_loop3A_752 = arith.mulf %parallel_loop3A_750, %parallel_loop3A_751 : vector<16xf32>
        %parallel_loop3A_753 = arith.index_cast %rem3A_164 : i32 to index
        %parallel_loop3A_754 = arith.index_cast %parallel_loop3A_730 : i32 to index
        %parallel_loop3A_755 = arith.constant 16 : index
        %parallel_loop3A_756 = tpu.vector_load %arg11[%parallel_loop3A_753, %parallel_loop3A_754, %parallel_loop3A_755] {strides = array<i32>} : memref<10x80x64xf32, #tpu.memory_space<vmem>>, vector<1x1x16xf32>,
        %parallel_loop3A_757 = vector.shape_cast %parallel_loop3A_756 : vector<1x1x16xf32> to vector<16xf32>
        %parallel_loop3A_758 = vector.shape_cast %parallel_loop3A_752 : vector<16xf32> to vector<1x1x16xf32>
        tpu.vector_store %arg11[%parallel_loop3A_753, %parallel_loop3A_754, %parallel_loop3A_755], %parallel_loop3A_758 {strides = array<i32>} : memref<10x80x64xf32, #tpu.memory_space<vmem>>, vector<1x1x16xf32>,
        %parallel_loop3A_759 = arith.index_cast %rem3A_164 : i32 to index
        %parallel_loop3A_760 = arith.index_cast %parallel_loop3A_730 : i32 to index
        %parallel_loop3A_761 = arith.constant 32 : index
        %parallel_loop3A_762 = tpu.vector_load %arg11[%parallel_loop3A_759, %parallel_loop3A_760, %parallel_loop3A_761] {strides = array<i32>} : memref<10x80x64xf32, #tpu.memory_space<vmem>>, vector<1x1x16xf32>,
        %parallel_loop3A_763 = vector.shape_cast %parallel_loop3A_762 : vector<1x1x16xf32> to vector<16xf32>
        %parallel_loop3A_764 = vector.broadcast %parallel_loop3A_732 : f32 to vector<16xf32>
        %parallel_loop3A_765 = arith.mulf %parallel_loop3A_763, %parallel_loop3A_764 : vector<16xf32>
        %parallel_loop3A_766 = arith.index_cast %rem3A_164 : i32 to index
        %parallel_loop3A_767 = arith.index_cast %parallel_loop3A_730 : i32 to index
        %parallel_loop3A_768 = arith.constant 32 : index
        %parallel_loop3A_769 = tpu.vector_load %arg11[%parallel_loop3A_766, %parallel_loop3A_767, %parallel_loop3A_768] {strides = array<i32>} : memref<10x80x64xf32, #tpu.memory_space<vmem>>, vector<1x1x16xf32>,
        %parallel_loop3A_770 = vector.shape_cast %parallel_loop3A_769 : vector<1x1x16xf32> to vector<16xf32>
        %parallel_loop3A_771 = vector.shape_cast %parallel_loop3A_765 : vector<16xf32> to vector<1x1x16xf32>
        tpu.vector_store %arg11[%parallel_loop3A_766, %parallel_loop3A_767, %parallel_loop3A_768], %parallel_loop3A_771 {strides = array<i32>} : memref<10x80x64xf32, #tpu.memory_space<vmem>>, vector<1x1x16xf32>,
        %parallel_loop3A_772 = arith.index_cast %rem3A_164 : i32 to index
        %parallel_loop3A_773 = arith.index_cast %parallel_loop3A_730 : i32 to index
        %parallel_loop3A_774 = arith.constant 48 : index
        %parallel_loop3A_775 = tpu.vector_load %arg11[%parallel_loop3A_772, %parallel_loop3A_773, %parallel_loop3A_774] {strides = array<i32>} : memref<10x80x64xf32, #tpu.memory_space<vmem>>, vector<1x1x16xf32>,
        %parallel_loop3A_776 = vector.shape_cast %parallel_loop3A_775 : vector<1x1x16xf32> to vector<16xf32>
        %parallel_loop3A_777 = vector.broadcast %parallel_loop3A_732 : f32 to vector<16xf32>
        %parallel_loop3A_778 = arith.mulf %parallel_loop3A_776, %parallel_loop3A_777 : vector<16xf32>
        %parallel_loop3A_779 = arith.index_cast %rem3A_164 : i32 to index
        %parallel_loop3A_780 = arith.index_cast %parallel_loop3A_730 : i32 to index
        %parallel_loop3A_781 = arith.constant 48 : index
        %parallel_loop3A_782 = tpu.vector_load %arg11[%parallel_loop3A_779, %parallel_loop3A_780, %parallel_loop3A_781] {strides = array<i32>} : memref<10x80x64xf32, #tpu.memory_space<vmem>>, vector<1x1x16xf32>,
        %parallel_loop3A_783 = vector.shape_cast %parallel_loop3A_782 : vector<1x1x16xf32> to vector<16xf32>
        %parallel_loop3A_784 = vector.shape_cast %parallel_loop3A_778 : vector<16xf32> to vector<1x1x16xf32>
        tpu.vector_store %arg11[%parallel_loop3A_779, %parallel_loop3A_780, %parallel_loop3A_781], %parallel_loop3A_784 {strides = array<i32>} : memref<10x80x64xf32, #tpu.memory_space<vmem>>, vector<1x1x16xf32>,
        %parallel_loop3A_785 = arith.constant 16 : i32
        %parallel_loop3A_786 = arith.muli %parallel_loop3A_196, %parallel_loop3A_785 : i32
        %parallel_loop3A_787 = arith.constant 10 : i32
        %parallel_loop3A_788 = arith.addi %parallel_loop3A_786, %parallel_loop3A_787 : i32
        %parallel_loop3A_789 = vector.extract_strided_slice %parallel_loop3A_204 {offsets = [10], sizes = [1], strides = [1]} : vector<16xf32> to vector<1xf32>
        %parallel_loop3A_790 = vector.extract %parallel_loop3A_789[0] : f32 from vector<1xf32>
        %parallel_loop3A_791 = arith.index_cast %rem3A_164 : i32 to index
        %parallel_loop3A_792 = arith.index_cast %parallel_loop3A_788 : i32 to index
        %parallel_loop3A_793 = arith.constant 0 : index
        %parallel_loop3A_794 = tpu.vector_load %arg11[%parallel_loop3A_791, %parallel_loop3A_792, %parallel_loop3A_793] {strides = array<i32>} : memref<10x80x64xf32, #tpu.memory_space<vmem>>, vector<1x1x16xf32>,
        %parallel_loop3A_795 = vector.shape_cast %parallel_loop3A_794 : vector<1x1x16xf32> to vector<16xf32>
        %parallel_loop3A_796 = vector.broadcast %parallel_loop3A_790 : f32 to vector<16xf32>
        %parallel_loop3A_797 = arith.mulf %parallel_loop3A_795, %parallel_loop3A_796 : vector<16xf32>
        %parallel_loop3A_798 = arith.index_cast %rem3A_164 : i32 to index
        %parallel_loop3A_799 = arith.index_cast %parallel_loop3A_788 : i32 to index
        %parallel_loop3A_800 = arith.constant 0 : index
        %parallel_loop3A_801 = tpu.vector_load %arg11[%parallel_loop3A_798, %parallel_loop3A_799, %parallel_loop3A_800] {strides = array<i32>} : memref<10x80x64xf32, #tpu.memory_space<vmem>>, vector<1x1x16xf32>,
        %parallel_loop3A_802 = vector.shape_cast %parallel_loop3A_801 : vector<1x1x16xf32> to vector<16xf32>
        %parallel_loop3A_803 = vector.shape_cast %parallel_loop3A_797 : vector<16xf32> to vector<1x1x16xf32>
        tpu.vector_store %arg11[%parallel_loop3A_798, %parallel_loop3A_799, %parallel_loop3A_800], %parallel_loop3A_803 {strides = array<i32>} : memref<10x80x64xf32, #tpu.memory_space<vmem>>, vector<1x1x16xf32>,
        %parallel_loop3A_804 = arith.index_cast %rem3A_164 : i32 to index
        %parallel_loop3A_805 = arith.index_cast %parallel_loop3A_788 : i32 to index
        %parallel_loop3A_806 = arith.constant 16 : index
        %parallel_loop3A_807 = tpu.vector_load %arg11[%parallel_loop3A_804, %parallel_loop3A_805, %parallel_loop3A_806] {strides = array<i32>} : memref<10x80x64xf32, #tpu.memory_space<vmem>>, vector<1x1x16xf32>,
        %parallel_loop3A_808 = vector.shape_cast %parallel_loop3A_807 : vector<1x1x16xf32> to vector<16xf32>
        %parallel_loop3A_809 = vector.broadcast %parallel_loop3A_790 : f32 to vector<16xf32>
        %parallel_loop3A_810 = arith.mulf %parallel_loop3A_808, %parallel_loop3A_809 : vector<16xf32>
        %parallel_loop3A_811 = arith.index_cast %rem3A_164 : i32 to index
        %parallel_loop3A_812 = arith.index_cast %parallel_loop3A_788 : i32 to index
        %parallel_loop3A_813 = arith.constant 16 : index
        %parallel_loop3A_814 = tpu.vector_load %arg11[%parallel_loop3A_811, %parallel_loop3A_812, %parallel_loop3A_813] {strides = array<i32>} : memref<10x80x64xf32, #tpu.memory_space<vmem>>, vector<1x1x16xf32>,
        %parallel_loop3A_815 = vector.shape_cast %parallel_loop3A_814 : vector<1x1x16xf32> to vector<16xf32>
        %parallel_loop3A_816 = vector.shape_cast %parallel_loop3A_810 : vector<16xf32> to vector<1x1x16xf32>
        tpu.vector_store %arg11[%parallel_loop3A_811, %parallel_loop3A_812, %parallel_loop3A_813], %parallel_loop3A_816 {strides = array<i32>} : memref<10x80x64xf32, #tpu.memory_space<vmem>>, vector<1x1x16xf32>,
        %parallel_loop3A_817 = arith.index_cast %rem3A_164 : i32 to index
        %parallel_loop3A_818 = arith.index_cast %parallel_loop3A_788 : i32 to index
        %parallel_loop3A_819 = arith.constant 32 : index
        %parallel_loop3A_820 = tpu.vector_load %arg11[%parallel_loop3A_817, %parallel_loop3A_818, %parallel_loop3A_819] {strides = array<i32>} : memref<10x80x64xf32, #tpu.memory_space<vmem>>, vector<1x1x16xf32>,
        %parallel_loop3A_821 = vector.shape_cast %parallel_loop3A_820 : vector<1x1x16xf32> to vector<16xf32>
        %parallel_loop3A_822 = vector.broadcast %parallel_loop3A_790 : f32 to vector<16xf32>
        %parallel_loop3A_823 = arith.mulf %parallel_loop3A_821, %parallel_loop3A_822 : vector<16xf32>
        %parallel_loop3A_824 = arith.index_cast %rem3A_164 : i32 to index
        %parallel_loop3A_825 = arith.index_cast %parallel_loop3A_788 : i32 to index
        %parallel_loop3A_826 = arith.constant 32 : index
        %parallel_loop3A_827 = tpu.vector_load %arg11[%parallel_loop3A_824, %parallel_loop3A_825, %parallel_loop3A_826] {strides = array<i32>} : memref<10x80x64xf32, #tpu.memory_space<vmem>>, vector<1x1x16xf32>,
        %parallel_loop3A_828 = vector.shape_cast %parallel_loop3A_827 : vector<1x1x16xf32> to vector<16xf32>
        %parallel_loop3A_829 = vector.shape_cast %parallel_loop3A_823 : vector<16xf32> to vector<1x1x16xf32>
        tpu.vector_store %arg11[%parallel_loop3A_824, %parallel_loop3A_825, %parallel_loop3A_826], %parallel_loop3A_829 {strides = array<i32>} : memref<10x80x64xf32, #tpu.memory_space<vmem>>, vector<1x1x16xf32>,
        %parallel_loop3A_830 = arith.index_cast %rem3A_164 : i32 to index
        %parallel_loop3A_831 = arith.index_cast %parallel_loop3A_788 : i32 to index
        %parallel_loop3A_832 = arith.constant 48 : index
        %parallel_loop3A_833 = tpu.vector_load %arg11[%parallel_loop3A_830, %parallel_loop3A_831, %parallel_loop3A_832] {strides = array<i32>} : memref<10x80x64xf32, #tpu.memory_space<vmem>>, vector<1x1x16xf32>,
        %parallel_loop3A_834 = vector.shape_cast %parallel_loop3A_833 : vector<1x1x16xf32> to vector<16xf32>
        %parallel_loop3A_835 = vector.broadcast %parallel_loop3A_790 : f32 to vector<16xf32>
        %parallel_loop3A_836 = arith.mulf %parallel_loop3A_834, %parallel_loop3A_835 : vector<16xf32>
        %parallel_loop3A_837 = arith.index_cast %rem3A_164 : i32 to index
        %parallel_loop3A_838 = arith.index_cast %parallel_loop3A_788 : i32 to index
        %parallel_loop3A_839 = arith.constant 48 : index
        %parallel_loop3A_840 = tpu.vector_load %arg11[%parallel_loop3A_837, %parallel_loop3A_838, %parallel_loop3A_839] {strides = array<i32>} : memref<10x80x64xf32, #tpu.memory_space<vmem>>, vector<1x1x16xf32>,
        %parallel_loop3A_841 = vector.shape_cast %parallel_loop3A_840 : vector<1x1x16xf32> to vector<16xf32>
        %parallel_loop3A_842 = vector.shape_cast %parallel_loop3A_836 : vector<16xf32> to vector<1x1x16xf32>
        tpu.vector_store %arg11[%parallel_loop3A_837, %parallel_loop3A_838, %parallel_loop3A_839], %parallel_loop3A_842 {strides = array<i32>} : memref<10x80x64xf32, #tpu.memory_space<vmem>>, vector<1x1x16xf32>,
        %parallel_loop3A_843 = arith.constant 16 : i32
        %parallel_loop3A_844 = arith.muli %parallel_loop3A_196, %parallel_loop3A_843 : i32
        %parallel_loop3A_845 = arith.constant 11 : i32
        %parallel_loop3A_846 = arith.addi %parallel_loop3A_844, %parallel_loop3A_845 : i32
        %parallel_loop3A_847 = vector.extract_strided_slice %parallel_loop3A_204 {offsets = [11], sizes = [1], strides = [1]} : vector<16xf32> to vector<1xf32>
        %parallel_loop3A_848 = vector.extract %parallel_loop3A_847[0] : f32 from vector<1xf32>
        %parallel_loop3A_849 = arith.index_cast %rem3A_164 : i32 to index
        %parallel_loop3A_850 = arith.index_cast %parallel_loop3A_846 : i32 to index
        %parallel_loop3A_851 = arith.constant 0 : index
        %parallel_loop3A_852 = tpu.vector_load %arg11[%parallel_loop3A_849, %parallel_loop3A_850, %parallel_loop3A_851] {strides = array<i32>} : memref<10x80x64xf32, #tpu.memory_space<vmem>>, vector<1x1x16xf32>,
        %parallel_loop3A_853 = vector.shape_cast %parallel_loop3A_852 : vector<1x1x16xf32> to vector<16xf32>
        %parallel_loop3A_854 = vector.broadcast %parallel_loop3A_848 : f32 to vector<16xf32>
        %parallel_loop3A_855 = arith.mulf %parallel_loop3A_853, %parallel_loop3A_854 : vector<16xf32>
        %parallel_loop3A_856 = arith.index_cast %rem3A_164 : i32 to index
        %parallel_loop3A_857 = arith.index_cast %parallel_loop3A_846 : i32 to index
        %parallel_loop3A_858 = arith.constant 0 : index
        %parallel_loop3A_859 = tpu.vector_load %arg11[%parallel_loop3A_856, %parallel_loop3A_857, %parallel_loop3A_858] {strides = array<i32>} : memref<10x80x64xf32, #tpu.memory_space<vmem>>, vector<1x1x16xf32>,
        %parallel_loop3A_860 = vector.shape_cast %parallel_loop3A_859 : vector<1x1x16xf32> to vector<16xf32>
        %parallel_loop3A_861 = vector.shape_cast %parallel_loop3A_855 : vector<16xf32> to vector<1x1x16xf32>
        tpu.vector_store %arg11[%parallel_loop3A_856, %parallel_loop3A_857, %parallel_loop3A_858], %parallel_loop3A_861 {strides = array<i32>} : memref<10x80x64xf32, #tpu.memory_space<vmem>>, vector<1x1x16xf32>,
        %parallel_loop3A_862 = arith.index_cast %rem3A_164 : i32 to index
        %parallel_loop3A_863 = arith.index_cast %parallel_loop3A_846 : i32 to index
        %parallel_loop3A_864 = arith.constant 16 : index
        %parallel_loop3A_865 = tpu.vector_load %arg11[%parallel_loop3A_862, %parallel_loop3A_863, %parallel_loop3A_864] {strides = array<i32>} : memref<10x80x64xf32, #tpu.memory_space<vmem>>, vector<1x1x16xf32>,
        %parallel_loop3A_866 = vector.shape_cast %parallel_loop3A_865 : vector<1x1x16xf32> to vector<16xf32>
        %parallel_loop3A_867 = vector.broadcast %parallel_loop3A_848 : f32 to vector<16xf32>
        %parallel_loop3A_868 = arith.mulf %parallel_loop3A_866, %parallel_loop3A_867 : vector<16xf32>
        %parallel_loop3A_869 = arith.index_cast %rem3A_164 : i32 to index
        %parallel_loop3A_870 = arith.index_cast %parallel_loop3A_846 : i32 to index
        %parallel_loop3A_871 = arith.constant 16 : index
        %parallel_loop3A_872 = tpu.vector_load %arg11[%parallel_loop3A_869, %parallel_loop3A_870, %parallel_loop3A_871] {strides = array<i32>} : memref<10x80x64xf32, #tpu.memory_space<vmem>>, vector<1x1x16xf32>,
        %parallel_loop3A_873 = vector.shape_cast %parallel_loop3A_872 : vector<1x1x16xf32> to vector<16xf32>
        %parallel_loop3A_874 = vector.shape_cast %parallel_loop3A_868 : vector<16xf32> to vector<1x1x16xf32>
        tpu.vector_store %arg11[%parallel_loop3A_869, %parallel_loop3A_870, %parallel_loop3A_871], %parallel_loop3A_874 {strides = array<i32>} : memref<10x80x64xf32, #tpu.memory_space<vmem>>, vector<1x1x16xf32>,
        %parallel_loop3A_875 = arith.index_cast %rem3A_164 : i32 to index
        %parallel_loop3A_876 = arith.index_cast %parallel_loop3A_846 : i32 to index
        %parallel_loop3A_877 = arith.constant 32 : index
        %parallel_loop3A_878 = tpu.vector_load %arg11[%parallel_loop3A_875, %parallel_loop3A_876, %parallel_loop3A_877] {strides = array<i32>} : memref<10x80x64xf32, #tpu.memory_space<vmem>>, vector<1x1x16xf32>,
        %parallel_loop3A_879 = vector.shape_cast %parallel_loop3A_878 : vector<1x1x16xf32> to vector<16xf32>
        %parallel_loop3A_880 = vector.broadcast %parallel_loop3A_848 : f32 to vector<16xf32>
        %parallel_loop3A_881 = arith.mulf %parallel_loop3A_879, %parallel_loop3A_880 : vector<16xf32>
        %parallel_loop3A_882 = arith.index_cast %rem3A_164 : i32 to index
        %parallel_loop3A_883 = arith.index_cast %parallel_loop3A_846 : i32 to index
        %parallel_loop3A_884 = arith.constant 32 : index
        %parallel_loop3A_885 = tpu.vector_load %arg11[%parallel_loop3A_882, %parallel_loop3A_883, %parallel_loop3A_884] {strides = array<i32>} : memref<10x80x64xf32, #tpu.memory_space<vmem>>, vector<1x1x16xf32>,
        %parallel_loop3A_886 = vector.shape_cast %parallel_loop3A_885 : vector<1x1x16xf32> to vector<16xf32>
        %parallel_loop3A_887 = vector.shape_cast %parallel_loop3A_881 : vector<16xf32> to vector<1x1x16xf32>
        tpu.vector_store %arg11[%parallel_loop3A_882, %parallel_loop3A_883, %parallel_loop3A_884], %parallel_loop3A_887 {strides = array<i32>} : memref<10x80x64xf32, #tpu.memory_space<vmem>>, vector<1x1x16xf32>,
        %parallel_loop3A_888 = arith.index_cast %rem3A_164 : i32 to index
        %parallel_loop3A_889 = arith.index_cast %parallel_loop3A_846 : i32 to index
        %parallel_loop3A_890 = arith.constant 48 : index
        %parallel_loop3A_891 = tpu.vector_load %arg11[%parallel_loop3A_888, %parallel_loop3A_889, %parallel_loop3A_890] {strides = array<i32>} : memref<10x80x64xf32, #tpu.memory_space<vmem>>, vector<1x1x16xf32>,
        %parallel_loop3A_892 = vector.shape_cast %parallel_loop3A_891 : vector<1x1x16xf32> to vector<16xf32>
        %parallel_loop3A_893 = vector.broadcast %parallel_loop3A_848 : f32 to vector<16xf32>
        %parallel_loop3A_894 = arith.mulf %parallel_loop3A_892, %parallel_loop3A_893 : vector<16xf32>
        %parallel_loop3A_895 = arith.index_cast %rem3A_164 : i32 to index
        %parallel_loop3A_896 = arith.index_cast %parallel_loop3A_846 : i32 to index
        %parallel_loop3A_897 = arith.constant 48 : index
        %parallel_loop3A_898 = tpu.vector_load %arg11[%parallel_loop3A_895, %parallel_loop3A_896, %parallel_loop3A_897] {strides = array<i32>} : memref<10x80x64xf32, #tpu.memory_space<vmem>>, vector<1x1x16xf32>,
        %parallel_loop3A_899 = vector.shape_cast %parallel_loop3A_898 : vector<1x1x16xf32> to vector<16xf32>
        %parallel_loop3A_900 = vector.shape_cast %parallel_loop3A_894 : vector<16xf32> to vector<1x1x16xf32>
        tpu.vector_store %arg11[%parallel_loop3A_895, %parallel_loop3A_896, %parallel_loop3A_897], %parallel_loop3A_900 {strides = array<i32>} : memref<10x80x64xf32, #tpu.memory_space<vmem>>, vector<1x1x16xf32>,
        %parallel_loop3A_901 = arith.constant 16 : i32
        %parallel_loop3A_902 = arith.muli %parallel_loop3A_196, %parallel_loop3A_901 : i32
        %parallel_loop3A_903 = arith.constant 12 : i32
        %parallel_loop3A_904 = arith.addi %parallel_loop3A_902, %parallel_loop3A_903 : i32
        %parallel_loop3A_905 = vector.extract_strided_slice %parallel_loop3A_204 {offsets = [12], sizes = [1], strides = [1]} : vector<16xf32> to vector<1xf32>
        %parallel_loop3A_906 = vector.extract %parallel_loop3A_905[0] : f32 from vector<1xf32>
        %parallel_loop3A_907 = arith.index_cast %rem3A_164 : i32 to index
        %parallel_loop3A_908 = arith.index_cast %parallel_loop3A_904 : i32 to index
        %parallel_loop3A_909 = arith.constant 0 : index
        %parallel_loop3A_910 = tpu.vector_load %arg11[%parallel_loop3A_907, %parallel_loop3A_908, %parallel_loop3A_909] {strides = array<i32>} : memref<10x80x64xf32, #tpu.memory_space<vmem>>, vector<1x1x16xf32>,
        %parallel_loop3A_911 = vector.shape_cast %parallel_loop3A_910 : vector<1x1x16xf32> to vector<16xf32>
        %parallel_loop3A_912 = vector.broadcast %parallel_loop3A_906 : f32 to vector<16xf32>
        %parallel_loop3A_913 = arith.mulf %parallel_loop3A_911, %parallel_loop3A_912 : vector<16xf32>
        %parallel_loop3A_914 = arith.index_cast %rem3A_164 : i32 to index
        %parallel_loop3A_915 = arith.index_cast %parallel_loop3A_904 : i32 to index
        %parallel_loop3A_916 = arith.constant 0 : index
        %parallel_loop3A_917 = tpu.vector_load %arg11[%parallel_loop3A_914, %parallel_loop3A_915, %parallel_loop3A_916] {strides = array<i32>} : memref<10x80x64xf32, #tpu.memory_space<vmem>>, vector<1x1x16xf32>,
        %parallel_loop3A_918 = vector.shape_cast %parallel_loop3A_917 : vector<1x1x16xf32> to vector<16xf32>
        %parallel_loop3A_919 = vector.shape_cast %parallel_loop3A_913 : vector<16xf32> to vector<1x1x16xf32>
        tpu.vector_store %arg11[%parallel_loop3A_914, %parallel_loop3A_915, %parallel_loop3A_916], %parallel_loop3A_919 {strides = array<i32>} : memref<10x80x64xf32, #tpu.memory_space<vmem>>, vector<1x1x16xf32>,
        %parallel_loop3A_920 = arith.index_cast %rem3A_164 : i32 to index
        %parallel_loop3A_921 = arith.index_cast %parallel_loop3A_904 : i32 to index
        %parallel_loop3A_922 = arith.constant 16 : index
        %parallel_loop3A_923 = tpu.vector_load %arg11[%parallel_loop3A_920, %parallel_loop3A_921, %parallel_loop3A_922] {strides = array<i32>} : memref<10x80x64xf32, #tpu.memory_space<vmem>>, vector<1x1x16xf32>,
        %parallel_loop3A_924 = vector.shape_cast %parallel_loop3A_923 : vector<1x1x16xf32> to vector<16xf32>
        %parallel_loop3A_925 = vector.broadcast %parallel_loop3A_906 : f32 to vector<16xf32>
        %parallel_loop3A_926 = arith.mulf %parallel_loop3A_924, %parallel_loop3A_925 : vector<16xf32>
        %parallel_loop3A_927 = arith.index_cast %rem3A_164 : i32 to index
        %parallel_loop3A_928 = arith.index_cast %parallel_loop3A_904 : i32 to index
        %parallel_loop3A_929 = arith.constant 16 : index
        %parallel_loop3A_930 = tpu.vector_load %arg11[%parallel_loop3A_927, %parallel_loop3A_928, %parallel_loop3A_929] {strides = array<i32>} : memref<10x80x64xf32, #tpu.memory_space<vmem>>, vector<1x1x16xf32>,
        %parallel_loop3A_931 = vector.shape_cast %parallel_loop3A_930 : vector<1x1x16xf32> to vector<16xf32>
        %parallel_loop3A_932 = vector.shape_cast %parallel_loop3A_926 : vector<16xf32> to vector<1x1x16xf32>
        tpu.vector_store %arg11[%parallel_loop3A_927, %parallel_loop3A_928, %parallel_loop3A_929], %parallel_loop3A_932 {strides = array<i32>} : memref<10x80x64xf32, #tpu.memory_space<vmem>>, vector<1x1x16xf32>,
        %parallel_loop3A_933 = arith.index_cast %rem3A_164 : i32 to index
        %parallel_loop3A_934 = arith.index_cast %parallel_loop3A_904 : i32 to index
        %parallel_loop3A_935 = arith.constant 32 : index
        %parallel_loop3A_936 = tpu.vector_load %arg11[%parallel_loop3A_933, %parallel_loop3A_934, %parallel_loop3A_935] {strides = array<i32>} : memref<10x80x64xf32, #tpu.memory_space<vmem>>, vector<1x1x16xf32>,
        %parallel_loop3A_937 = vector.shape_cast %parallel_loop3A_936 : vector<1x1x16xf32> to vector<16xf32>
        %parallel_loop3A_938 = vector.broadcast %parallel_loop3A_906 : f32 to vector<16xf32>
        %parallel_loop3A_939 = arith.mulf %parallel_loop3A_937, %parallel_loop3A_938 : vector<16xf32>
        %parallel_loop3A_940 = arith.index_cast %rem3A_164 : i32 to index
        %parallel_loop3A_941 = arith.index_cast %parallel_loop3A_904 : i32 to index
        %parallel_loop3A_942 = arith.constant 32 : index
        %parallel_loop3A_943 = tpu.vector_load %arg11[%parallel_loop3A_940, %parallel_loop3A_941, %parallel_loop3A_942] {strides = array<i32>} : memref<10x80x64xf32, #tpu.memory_space<vmem>>, vector<1x1x16xf32>,
        %parallel_loop3A_944 = vector.shape_cast %parallel_loop3A_943 : vector<1x1x16xf32> to vector<16xf32>
        %parallel_loop3A_945 = vector.shape_cast %parallel_loop3A_939 : vector<16xf32> to vector<1x1x16xf32>
        tpu.vector_store %arg11[%parallel_loop3A_940, %parallel_loop3A_941, %parallel_loop3A_942], %parallel_loop3A_945 {strides = array<i32>} : memref<10x80x64xf32, #tpu.memory_space<vmem>>, vector<1x1x16xf32>,
        %parallel_loop3A_946 = arith.index_cast %rem3A_164 : i32 to index
        %parallel_loop3A_947 = arith.index_cast %parallel_loop3A_904 : i32 to index
        %parallel_loop3A_948 = arith.constant 48 : index
        %parallel_loop3A_949 = tpu.vector_load %arg11[%parallel_loop3A_946, %parallel_loop3A_947, %parallel_loop3A_948] {strides = array<i32>} : memref<10x80x64xf32, #tpu.memory_space<vmem>>, vector<1x1x16xf32>,
        %parallel_loop3A_950 = vector.shape_cast %parallel_loop3A_949 : vector<1x1x16xf32> to vector<16xf32>
        %parallel_loop3A_951 = vector.broadcast %parallel_loop3A_906 : f32 to vector<16xf32>
        %parallel_loop3A_952 = arith.mulf %parallel_loop3A_950, %parallel_loop3A_951 : vector<16xf32>
        %parallel_loop3A_953 = arith.index_cast %rem3A_164 : i32 to index
        %parallel_loop3A_954 = arith.index_cast %parallel_loop3A_904 : i32 to index
        %parallel_loop3A_955 = arith.constant 48 : index
        %parallel_loop3A_956 = tpu.vector_load %arg11[%parallel_loop3A_953, %parallel_loop3A_954, %parallel_loop3A_955] {strides = array<i32>} : memref<10x80x64xf32, #tpu.memory_space<vmem>>, vector<1x1x16xf32>,
        %parallel_loop3A_957 = vector.shape_cast %parallel_loop3A_956 : vector<1x1x16xf32> to vector<16xf32>
        %parallel_loop3A_958 = vector.shape_cast %parallel_loop3A_952 : vector<16xf32> to vector<1x1x16xf32>
        tpu.vector_store %arg11[%parallel_loop3A_953, %parallel_loop3A_954, %parallel_loop3A_955], %parallel_loop3A_958 {strides = array<i32>} : memref<10x80x64xf32, #tpu.memory_space<vmem>>, vector<1x1x16xf32>,
        %parallel_loop3A_959 = arith.constant 16 : i32
        %parallel_loop3A_960 = arith.muli %parallel_loop3A_196, %parallel_loop3A_959 : i32
        %parallel_loop3A_961 = arith.constant 13 : i32
        %parallel_loop3A_962 = arith.addi %parallel_loop3A_960, %parallel_loop3A_961 : i32
        %parallel_loop3A_963 = vector.extract_strided_slice %parallel_loop3A_204 {offsets = [13], sizes = [1], strides = [1]} : vector<16xf32> to vector<1xf32>
        %parallel_loop3A_964 = vector.extract %parallel_loop3A_963[0] : f32 from vector<1xf32>
        %parallel_loop3A_965 = arith.index_cast %rem3A_164 : i32 to index
        %parallel_loop3A_966 = arith.index_cast %parallel_loop3A_962 : i32 to index
        %parallel_loop3A_967 = arith.constant 0 : index
        %parallel_loop3A_968 = tpu.vector_load %arg11[%parallel_loop3A_965, %parallel_loop3A_966, %parallel_loop3A_967] {strides = array<i32>} : memref<10x80x64xf32, #tpu.memory_space<vmem>>, vector<1x1x16xf32>,
        %parallel_loop3A_969 = vector.shape_cast %parallel_loop3A_968 : vector<1x1x16xf32> to vector<16xf32>
        %parallel_loop3A_970 = vector.broadcast %parallel_loop3A_964 : f32 to vector<16xf32>
        %parallel_loop3A_971 = arith.mulf %parallel_loop3A_969, %parallel_loop3A_970 : vector<16xf32>
        %parallel_loop3A_972 = arith.index_cast %rem3A_164 : i32 to index
        %parallel_loop3A_973 = arith.index_cast %parallel_loop3A_962 : i32 to index
        %parallel_loop3A_974 = arith.constant 0 : index
        %parallel_loop3A_975 = tpu.vector_load %arg11[%parallel_loop3A_972, %parallel_loop3A_973, %parallel_loop3A_974] {strides = array<i32>} : memref<10x80x64xf32, #tpu.memory_space<vmem>>, vector<1x1x16xf32>,
        %parallel_loop3A_976 = vector.shape_cast %parallel_loop3A_975 : vector<1x1x16xf32> to vector<16xf32>
        %parallel_loop3A_977 = vector.shape_cast %parallel_loop3A_971 : vector<16xf32> to vector<1x1x16xf32>
        tpu.vector_store %arg11[%parallel_loop3A_972, %parallel_loop3A_973, %parallel_loop3A_974], %parallel_loop3A_977 {strides = array<i32>} : memref<10x80x64xf32, #tpu.memory_space<vmem>>, vector<1x1x16xf32>,
        %parallel_loop3A_978 = arith.index_cast %rem3A_164 : i32 to index
        %parallel_loop3A_979 = arith.index_cast %parallel_loop3A_962 : i32 to index
        %parallel_loop3A_980 = arith.constant 16 : index
        %parallel_loop3A_981 = tpu.vector_load %arg11[%parallel_loop3A_978, %parallel_loop3A_979, %parallel_loop3A_980] {strides = array<i32>} : memref<10x80x64xf32, #tpu.memory_space<vmem>>, vector<1x1x16xf32>,
        %parallel_loop3A_982 = vector.shape_cast %parallel_loop3A_981 : vector<1x1x16xf32> to vector<16xf32>
        %parallel_loop3A_983 = vector.broadcast %parallel_loop3A_964 : f32 to vector<16xf32>
        %parallel_loop3A_984 = arith.mulf %parallel_loop3A_982, %parallel_loop3A_983 : vector<16xf32>
        %parallel_loop3A_985 = arith.index_cast %rem3A_164 : i32 to index
        %parallel_loop3A_986 = arith.index_cast %parallel_loop3A_962 : i32 to index
        %parallel_loop3A_987 = arith.constant 16 : index
        %parallel_loop3A_988 = tpu.vector_load %arg11[%parallel_loop3A_985, %parallel_loop3A_986, %parallel_loop3A_987] {strides = array<i32>} : memref<10x80x64xf32, #tpu.memory_space<vmem>>, vector<1x1x16xf32>,
        %parallel_loop3A_989 = vector.shape_cast %parallel_loop3A_988 : vector<1x1x16xf32> to vector<16xf32>
        %parallel_loop3A_990 = vector.shape_cast %parallel_loop3A_984 : vector<16xf32> to vector<1x1x16xf32>
        tpu.vector_store %arg11[%parallel_loop3A_985, %parallel_loop3A_986, %parallel_loop3A_987], %parallel_loop3A_990 {strides = array<i32>} : memref<10x80x64xf32, #tpu.memory_space<vmem>>, vector<1x1x16xf32>,
        %parallel_loop3A_991 = arith.index_cast %rem3A_164 : i32 to index
        %parallel_loop3A_992 = arith.index_cast %parallel_loop3A_962 : i32 to index
        %parallel_loop3A_993 = arith.constant 32 : index
        %parallel_loop3A_994 = tpu.vector_load %arg11[%parallel_loop3A_991, %parallel_loop3A_992, %parallel_loop3A_993] {strides = array<i32>} : memref<10x80x64xf32, #tpu.memory_space<vmem>>, vector<1x1x16xf32>,
        %parallel_loop3A_995 = vector.shape_cast %parallel_loop3A_994 : vector<1x1x16xf32> to vector<16xf32>
        %parallel_loop3A_996 = vector.broadcast %parallel_loop3A_964 : f32 to vector<16xf32>
        %parallel_loop3A_997 = arith.mulf %parallel_loop3A_995, %parallel_loop3A_996 : vector<16xf32>
        %parallel_loop3A_998 = arith.index_cast %rem3A_164 : i32 to index
        %parallel_loop3A_999 = arith.index_cast %parallel_loop3A_962 : i32 to index
        %parallel_loop3A_1000 = arith.constant 32 : index
        %parallel_loop3A_1001 = tpu.vector_load %arg11[%parallel_loop3A_998, %parallel_loop3A_999, %parallel_loop3A_1000] {strides = array<i32>} : memref<10x80x64xf32, #tpu.memory_space<vmem>>, vector<1x1x16xf32>,
        %parallel_loop3A_1002 = vector.shape_cast %parallel_loop3A_1001 : vector<1x1x16xf32> to vector<16xf32>
        %parallel_loop3A_1003 = vector.shape_cast %parallel_loop3A_997 : vector<16xf32> to vector<1x1x16xf32>
        tpu.vector_store %arg11[%parallel_loop3A_998, %parallel_loop3A_999, %parallel_loop3A_1000], %parallel_loop3A_1003 {strides = array<i32>} : memref<10x80x64xf32, #tpu.memory_space<vmem>>, vector<1x1x16xf32>,
        %parallel_loop3A_1004 = arith.index_cast %rem3A_164 : i32 to index
        %parallel_loop3A_1005 = arith.index_cast %parallel_loop3A_962 : i32 to index
        %parallel_loop3A_1006 = arith.constant 48 : index
        %parallel_loop3A_1007 = tpu.vector_load %arg11[%parallel_loop3A_1004, %parallel_loop3A_1005, %parallel_loop3A_1006] {strides = array<i32>} : memref<10x80x64xf32, #tpu.memory_space<vmem>>, vector<1x1x16xf32>,
        %parallel_loop3A_1008 = vector.shape_cast %parallel_loop3A_1007 : vector<1x1x16xf32> to vector<16xf32>
        %parallel_loop3A_1009 = vector.broadcast %parallel_loop3A_964 : f32 to vector<16xf32>
        %parallel_loop3A_1010 = arith.mulf %parallel_loop3A_1008, %parallel_loop3A_1009 : vector<16xf32>
        %parallel_loop3A_1011 = arith.index_cast %rem3A_164 : i32 to index
        %parallel_loop3A_1012 = arith.index_cast %parallel_loop3A_962 : i32 to index
        %parallel_loop3A_1013 = arith.constant 48 : index
        %parallel_loop3A_1014 = tpu.vector_load %arg11[%parallel_loop3A_1011, %parallel_loop3A_1012, %parallel_loop3A_1013] {strides = array<i32>} : memref<10x80x64xf32, #tpu.memory_space<vmem>>, vector<1x1x16xf32>,
        %parallel_loop3A_1015 = vector.shape_cast %parallel_loop3A_1014 : vector<1x1x16xf32> to vector<16xf32>
        %parallel_loop3A_1016 = vector.shape_cast %parallel_loop3A_1010 : vector<16xf32> to vector<1x1x16xf32>
        tpu.vector_store %arg11[%parallel_loop3A_1011, %parallel_loop3A_1012, %parallel_loop3A_1013], %parallel_loop3A_1016 {strides = array<i32>} : memref<10x80x64xf32, #tpu.memory_space<vmem>>, vector<1x1x16xf32>,
        %parallel_loop3A_1017 = arith.constant 16 : i32
        %parallel_loop3A_1018 = arith.muli %parallel_loop3A_196, %parallel_loop3A_1017 : i32
        %parallel_loop3A_1019 = arith.constant 14 : i32
        %parallel_loop3A_1020 = arith.addi %parallel_loop3A_1018, %parallel_loop3A_1019 : i32
        %parallel_loop3A_1021 = vector.extract_strided_slice %parallel_loop3A_204 {offsets = [14], sizes = [1], strides = [1]} : vector<16xf32> to vector<1xf32>
        %parallel_loop3A_1022 = vector.extract %parallel_loop3A_1021[0] : f32 from vector<1xf32>
        %parallel_loop3A_1023 = arith.index_cast %rem3A_164 : i32 to index
        %parallel_loop3A_1024 = arith.index_cast %parallel_loop3A_1020 : i32 to index
        %parallel_loop3A_1025 = arith.constant 0 : index
        %parallel_loop3A_1026 = tpu.vector_load %arg11[%parallel_loop3A_1023, %parallel_loop3A_1024, %parallel_loop3A_1025] {strides = array<i32>} : memref<10x80x64xf32, #tpu.memory_space<vmem>>, vector<1x1x16xf32>,
        %parallel_loop3A_1027 = vector.shape_cast %parallel_loop3A_1026 : vector<1x1x16xf32> to vector<16xf32>
        %parallel_loop3A_1028 = vector.broadcast %parallel_loop3A_1022 : f32 to vector<16xf32>
        %parallel_loop3A_1029 = arith.mulf %parallel_loop3A_1027, %parallel_loop3A_1028 : vector<16xf32>
        %parallel_loop3A_1030 = arith.index_cast %rem3A_164 : i32 to index
        %parallel_loop3A_1031 = arith.index_cast %parallel_loop3A_1020 : i32 to index
        %parallel_loop3A_1032 = arith.constant 0 : index
        %parallel_loop3A_1033 = tpu.vector_load %arg11[%parallel_loop3A_1030, %parallel_loop3A_1031, %parallel_loop3A_1032] {strides = array<i32>} : memref<10x80x64xf32, #tpu.memory_space<vmem>>, vector<1x1x16xf32>,
        %parallel_loop3A_1034 = vector.shape_cast %parallel_loop3A_1033 : vector<1x1x16xf32> to vector<16xf32>
        %parallel_loop3A_1035 = vector.shape_cast %parallel_loop3A_1029 : vector<16xf32> to vector<1x1x16xf32>
        tpu.vector_store %arg11[%parallel_loop3A_1030, %parallel_loop3A_1031, %parallel_loop3A_1032], %parallel_loop3A_1035 {strides = array<i32>} : memref<10x80x64xf32, #tpu.memory_space<vmem>>, vector<1x1x16xf32>,
        %parallel_loop3A_1036 = arith.index_cast %rem3A_164 : i32 to index
        %parallel_loop3A_1037 = arith.index_cast %parallel_loop3A_1020 : i32 to index
        %parallel_loop3A_1038 = arith.constant 16 : index
        %parallel_loop3A_1039 = tpu.vector_load %arg11[%parallel_loop3A_1036, %parallel_loop3A_1037, %parallel_loop3A_1038] {strides = array<i32>} : memref<10x80x64xf32, #tpu.memory_space<vmem>>, vector<1x1x16xf32>,
        %parallel_loop3A_1040 = vector.shape_cast %parallel_loop3A_1039 : vector<1x1x16xf32> to vector<16xf32>
        %parallel_loop3A_1041 = vector.broadcast %parallel_loop3A_1022 : f32 to vector<16xf32>
        %parallel_loop3A_1042 = arith.mulf %parallel_loop3A_1040, %parallel_loop3A_1041 : vector<16xf32>
        %parallel_loop3A_1043 = arith.index_cast %rem3A_164 : i32 to index
        %parallel_loop3A_1044 = arith.index_cast %parallel_loop3A_1020 : i32 to index
        %parallel_loop3A_1045 = arith.constant 16 : index
        %parallel_loop3A_1046 = tpu.vector_load %arg11[%parallel_loop3A_1043, %parallel_loop3A_1044, %parallel_loop3A_1045] {strides = array<i32>} : memref<10x80x64xf32, #tpu.memory_space<vmem>>, vector<1x1x16xf32>,
        %parallel_loop3A_1047 = vector.shape_cast %parallel_loop3A_1046 : vector<1x1x16xf32> to vector<16xf32>
        %parallel_loop3A_1048 = vector.shape_cast %parallel_loop3A_1042 : vector<16xf32> to vector<1x1x16xf32>
        tpu.vector_store %arg11[%parallel_loop3A_1043, %parallel_loop3A_1044, %parallel_loop3A_1045], %parallel_loop3A_1048 {strides = array<i32>} : memref<10x80x64xf32, #tpu.memory_space<vmem>>, vector<1x1x16xf32>,
        %parallel_loop3A_1049 = arith.index_cast %rem3A_164 : i32 to index
        %parallel_loop3A_1050 = arith.index_cast %parallel_loop3A_1020 : i32 to index
        %parallel_loop3A_1051 = arith.constant 32 : index
        %parallel_loop3A_1052 = tpu.vector_load %arg11[%parallel_loop3A_1049, %parallel_loop3A_1050, %parallel_loop3A_1051] {strides = array<i32>} : memref<10x80x64xf32, #tpu.memory_space<vmem>>, vector<1x1x16xf32>,
        %parallel_loop3A_1053 = vector.shape_cast %parallel_loop3A_1052 : vector<1x1x16xf32> to vector<16xf32>
        %parallel_loop3A_1054 = vector.broadcast %parallel_loop3A_1022 : f32 to vector<16xf32>
        %parallel_loop3A_1055 = arith.mulf %parallel_loop3A_1053, %parallel_loop3A_1054 : vector<16xf32>
        %parallel_loop3A_1056 = arith.index_cast %rem3A_164 : i32 to index
        %parallel_loop3A_1057 = arith.index_cast %parallel_loop3A_1020 : i32 to index
        %parallel_loop3A_1058 = arith.constant 32 : index
        %parallel_loop3A_1059 = tpu.vector_load %arg11[%parallel_loop3A_1056, %parallel_loop3A_1057, %parallel_loop3A_1058] {strides = array<i32>} : memref<10x80x64xf32, #tpu.memory_space<vmem>>, vector<1x1x16xf32>,
        %parallel_loop3A_1060 = vector.shape_cast %parallel_loop3A_1059 : vector<1x1x16xf32> to vector<16xf32>
        %parallel_loop3A_1061 = vector.shape_cast %parallel_loop3A_1055 : vector<16xf32> to vector<1x1x16xf32>
        tpu.vector_store %arg11[%parallel_loop3A_1056, %parallel_loop3A_1057, %parallel_loop3A_1058], %parallel_loop3A_1061 {strides = array<i32>} : memref<10x80x64xf32, #tpu.memory_space<vmem>>, vector<1x1x16xf32>,
        %parallel_loop3A_1062 = arith.index_cast %rem3A_164 : i32 to index
        %parallel_loop3A_1063 = arith.index_cast %parallel_loop3A_1020 : i32 to index
        %parallel_loop3A_1064 = arith.constant 48 : index
        %parallel_loop3A_1065 = tpu.vector_load %arg11[%parallel_loop3A_1062, %parallel_loop3A_1063, %parallel_loop3A_1064] {strides = array<i32>} : memref<10x80x64xf32, #tpu.memory_space<vmem>>, vector<1x1x16xf32>,
        %parallel_loop3A_1066 = vector.shape_cast %parallel_loop3A_1065 : vector<1x1x16xf32> to vector<16xf32>
        %parallel_loop3A_1067 = vector.broadcast %parallel_loop3A_1022 : f32 to vector<16xf32>
        %parallel_loop3A_1068 = arith.mulf %parallel_loop3A_1066, %parallel_loop3A_1067 : vector<16xf32>
        %parallel_loop3A_1069 = arith.index_cast %rem3A_164 : i32 to index
        %parallel_loop3A_1070 = arith.index_cast %parallel_loop3A_1020 : i32 to index
        %parallel_loop3A_1071 = arith.constant 48 : index
        %parallel_loop3A_1072 = tpu.vector_load %arg11[%parallel_loop3A_1069, %parallel_loop3A_1070, %parallel_loop3A_1071] {strides = array<i32>} : memref<10x80x64xf32, #tpu.memory_space<vmem>>, vector<1x1x16xf32>,
        %parallel_loop3A_1073 = vector.shape_cast %parallel_loop3A_1072 : vector<1x1x16xf32> to vector<16xf32>
        %parallel_loop3A_1074 = vector.shape_cast %parallel_loop3A_1068 : vector<16xf32> to vector<1x1x16xf32>
        tpu.vector_store %arg11[%parallel_loop3A_1069, %parallel_loop3A_1070, %parallel_loop3A_1071], %parallel_loop3A_1074 {strides = array<i32>} : memref<10x80x64xf32, #tpu.memory_space<vmem>>, vector<1x1x16xf32>,
        %parallel_loop3A_1075 = arith.constant 16 : i32
        %parallel_loop3A_1076 = arith.muli %parallel_loop3A_196, %parallel_loop3A_1075 : i32
        %parallel_loop3A_1077 = arith.constant 15 : i32
        %parallel_loop3A_1078 = arith.addi %parallel_loop3A_1076, %parallel_loop3A_1077 : i32
        %parallel_loop3A_1079 = vector.extract_strided_slice %parallel_loop3A_204 {offsets = [15], sizes = [1], strides = [1]} : vector<16xf32> to vector<1xf32>
        %parallel_loop3A_1080 = vector.extract %parallel_loop3A_1079[0] : f32 from vector<1xf32>
        %parallel_loop3A_1081 = arith.index_cast %rem3A_164 : i32 to index
        %parallel_loop3A_1082 = arith.index_cast %parallel_loop3A_1078 : i32 to index
        %parallel_loop3A_1083 = arith.constant 0 : index
        %parallel_loop3A_1084 = tpu.vector_load %arg11[%parallel_loop3A_1081, %parallel_loop3A_1082, %parallel_loop3A_1083] {strides = array<i32>} : memref<10x80x64xf32, #tpu.memory_space<vmem>>, vector<1x1x16xf32>,
        %parallel_loop3A_1085 = vector.shape_cast %parallel_loop3A_1084 : vector<1x1x16xf32> to vector<16xf32>
        %parallel_loop3A_1086 = vector.broadcast %parallel_loop3A_1080 : f32 to vector<16xf32>
        %parallel_loop3A_1087 = arith.mulf %parallel_loop3A_1085, %parallel_loop3A_1086 : vector<16xf32>
        %parallel_loop3A_1088 = arith.index_cast %rem3A_164 : i32 to index
        %parallel_loop3A_1089 = arith.index_cast %parallel_loop3A_1078 : i32 to index
        %parallel_loop3A_1090 = arith.constant 0 : index
        %parallel_loop3A_1091 = tpu.vector_load %arg11[%parallel_loop3A_1088, %parallel_loop3A_1089, %parallel_loop3A_1090] {strides = array<i32>} : memref<10x80x64xf32, #tpu.memory_space<vmem>>, vector<1x1x16xf32>,
        %parallel_loop3A_1092 = vector.shape_cast %parallel_loop3A_1091 : vector<1x1x16xf32> to vector<16xf32>
        %parallel_loop3A_1093 = vector.shape_cast %parallel_loop3A_1087 : vector<16xf32> to vector<1x1x16xf32>
        tpu.vector_store %arg11[%parallel_loop3A_1088, %parallel_loop3A_1089, %parallel_loop3A_1090], %parallel_loop3A_1093 {strides = array<i32>} : memref<10x80x64xf32, #tpu.memory_space<vmem>>, vector<1x1x16xf32>,
        %parallel_loop3A_1094 = arith.index_cast %rem3A_164 : i32 to index
        %parallel_loop3A_1095 = arith.index_cast %parallel_loop3A_1078 : i32 to index
        %parallel_loop3A_1096 = arith.constant 16 : index
        %parallel_loop3A_1097 = tpu.vector_load %arg11[%parallel_loop3A_1094, %parallel_loop3A_1095, %parallel_loop3A_1096] {strides = array<i32>} : memref<10x80x64xf32, #tpu.memory_space<vmem>>, vector<1x1x16xf32>,
        %parallel_loop3A_1098 = vector.shape_cast %parallel_loop3A_1097 : vector<1x1x16xf32> to vector<16xf32>
        %parallel_loop3A_1099 = vector.broadcast %parallel_loop3A_1080 : f32 to vector<16xf32>
        %parallel_loop3A_1100 = arith.mulf %parallel_loop3A_1098, %parallel_loop3A_1099 : vector<16xf32>
        %parallel_loop3A_1101 = arith.index_cast %rem3A_164 : i32 to index
        %parallel_loop3A_1102 = arith.index_cast %parallel_loop3A_1078 : i32 to index
        %parallel_loop3A_1103 = arith.constant 16 : index
        %parallel_loop3A_1104 = tpu.vector_load %arg11[%parallel_loop3A_1101, %parallel_loop3A_1102, %parallel_loop3A_1103] {strides = array<i32>} : memref<10x80x64xf32, #tpu.memory_space<vmem>>, vector<1x1x16xf32>,
        %parallel_loop3A_1105 = vector.shape_cast %parallel_loop3A_1104 : vector<1x1x16xf32> to vector<16xf32>
        %parallel_loop3A_1106 = vector.shape_cast %parallel_loop3A_1100 : vector<16xf32> to vector<1x1x16xf32>
        tpu.vector_store %arg11[%parallel_loop3A_1101, %parallel_loop3A_1102, %parallel_loop3A_1103], %parallel_loop3A_1106 {strides = array<i32>} : memref<10x80x64xf32, #tpu.memory_space<vmem>>, vector<1x1x16xf32>,
        %parallel_loop3A_1107 = arith.index_cast %rem3A_164 : i32 to index
        %parallel_loop3A_1108 = arith.index_cast %parallel_loop3A_1078 : i32 to index
        %parallel_loop3A_1109 = arith.constant 32 : index
        %parallel_loop3A_1110 = tpu.vector_load %arg11[%parallel_loop3A_1107, %parallel_loop3A_1108, %parallel_loop3A_1109] {strides = array<i32>} : memref<10x80x64xf32, #tpu.memory_space<vmem>>, vector<1x1x16xf32>,
        %parallel_loop3A_1111 = vector.shape_cast %parallel_loop3A_1110 : vector<1x1x16xf32> to vector<16xf32>
        %parallel_loop3A_1112 = vector.broadcast %parallel_loop3A_1080 : f32 to vector<16xf32>
        %parallel_loop3A_1113 = arith.mulf %parallel_loop3A_1111, %parallel_loop3A_1112 : vector<16xf32>
        %parallel_loop3A_1114 = arith.index_cast %rem3A_164 : i32 to index
        %parallel_loop3A_1115 = arith.index_cast %parallel_loop3A_1078 : i32 to index
        %parallel_loop3A_1116 = arith.constant 32 : index
        %parallel_loop3A_1117 = tpu.vector_load %arg11[%parallel_loop3A_1114, %parallel_loop3A_1115, %parallel_loop3A_1116] {strides = array<i32>} : memref<10x80x64xf32, #tpu.memory_space<vmem>>, vector<1x1x16xf32>,
        %parallel_loop3A_1118 = vector.shape_cast %parallel_loop3A_1117 : vector<1x1x16xf32> to vector<16xf32>
        %parallel_loop3A_1119 = vector.shape_cast %parallel_loop3A_1113 : vector<16xf32> to vector<1x1x16xf32>
        tpu.vector_store %arg11[%parallel_loop3A_1114, %parallel_loop3A_1115, %parallel_loop3A_1116], %parallel_loop3A_1119 {strides = array<i32>} : memref<10x80x64xf32, #tpu.memory_space<vmem>>, vector<1x1x16xf32>,
        %parallel_loop3A_1120 = arith.index_cast %rem3A_164 : i32 to index
        %parallel_loop3A_1121 = arith.index_cast %parallel_loop3A_1078 : i32 to index
        %parallel_loop3A_1122 = arith.constant 48 : index
        %parallel_loop3A_1123 = tpu.vector_load %arg11[%parallel_loop3A_1120, %parallel_loop3A_1121, %parallel_loop3A_1122] {strides = array<i32>} : memref<10x80x64xf32, #tpu.memory_space<vmem>>, vector<1x1x16xf32>,
        %parallel_loop3A_1124 = vector.shape_cast %parallel_loop3A_1123 : vector<1x1x16xf32> to vector<16xf32>
        %parallel_loop3A_1125 = vector.broadcast %parallel_loop3A_1080 : f32 to vector<16xf32>
        %parallel_loop3A_1126 = arith.mulf %parallel_loop3A_1124, %parallel_loop3A_1125 : vector<16xf32>
        %parallel_loop3A_1127 = arith.index_cast %rem3A_164 : i32 to index
        %parallel_loop3A_1128 = arith.index_cast %parallel_loop3A_1078 : i32 to index
        %parallel_loop3A_1129 = arith.constant 48 : index
        %parallel_loop3A_1130 = tpu.vector_load %arg11[%parallel_loop3A_1127, %parallel_loop3A_1128, %parallel_loop3A_1129] {strides = array<i32>} : memref<10x80x64xf32, #tpu.memory_space<vmem>>, vector<1x1x16xf32>,
        %parallel_loop3A_1131 = vector.shape_cast %parallel_loop3A_1130 : vector<1x1x16xf32> to vector<16xf32>
        %parallel_loop3A_1132 = vector.shape_cast %parallel_loop3A_1126 : vector<16xf32> to vector<1x1x16xf32>
        tpu.vector_store %arg11[%parallel_loop3A_1127, %parallel_loop3A_1128, %parallel_loop3A_1129], %parallel_loop3A_1132 {strides = array<i32>} : memref<10x80x64xf32, #tpu.memory_space<vmem>>, vector<1x1x16xf32>,
      } {sc.loop_unroll_factor = 8 : i64, sc.parallel_access}
      %dma_start3A_177 = arith.constant 0 : i32
      %dma_start3A_178 = arith.constant 0 : i32
      %dma_start3A_179 = tpu.memref_slice %arg11[%rem3A_164, %dma_start3A_177, %dma_start3A_178] : memref<10x80x64xf32, #tpu.memory_space<vmem>> -> memref<1x80x64xf32, #tpu.memory_space<vmem>>
      %dma_start3A_180 = tpu.memref_squeeze %dma_start3A_179 : memref<1x80x64xf32, #tpu.memory_space<vmem>> -> memref<80x64xf32, #tpu.memory_space<vmem>>
      %dma_start3A_181 = arith.constant 0 : i32
      %dma_start3A_182 = tpu.memref_slice %arg8[%scan3A_161, %dma_start3A_181] : memref<125x80xi32, #tpu.memory_space<vmem>> -> memref<1x80xi32, #tpu.memory_space<vmem>>
      %dma_start3A_183 = tpu.memref_squeeze %dma_start3A_182 : memref<1x80xi32, #tpu.memory_space<vmem>> -> memref<80xi32, #tpu.memory_space<vmem>>
      %dma_start3A_184 = arith.constant 0 : i32
      %dma_start3A_185 = arith.constant 0 : i32
      %dma_start3A_186 = tpu.memref_slice %arg7[%dma_start3A_184, %dma_start3A_185] : memref<10240x64xf32, #tpu.memory_space<vmem_shared>> -> memref<10240x64xf32, #tpu.memory_space<vmem_shared>>
      tpu.enqueue_indirect_dma source(%dma_start3A_180 : memref<80x64xf32, #tpu.memory_space<vmem>>) target(%dma_start3A_186 : memref<10240x64xf32, #tpu.memory_space<vmem_shared>>) offsets(%dma_start3A_183 : memref<80xi32, #tpu.memory_space<vmem>>) semaphore(%arg14 : memref<!tpu.dma_semaphore, #tpu.memory_space<semaphore_mem>>) {add = true}
      %ge3A = arith.constant 5 : i32
      %ge3A_187 = arith.cmpi sge, %scan3A_161, %ge3A : i32
      %convert_element_type3A = arith.extui %ge3A_187 : i1 to i32
      %cond3A = arith.constant 0 : i32
      %cond3A_188 = arith.cmpi ne, %convert_element_type3A, %cond3A : i32
      scf.if %cond3A_188 {
        %sub3A = arith.constant 5 : i32
        %sub3A_196 = arith.subi %scan3A_161, %sub3A : i32
        %rem3A_197 = arith.constant 10 : i32
        %rem3A_198 = arith.remsi %sub3A_196, %rem3A_197 : i32
        %dma_wait3A_199 = arith.constant 0 : i32
        %dma_wait3A_200 = arith.constant 0 : i32
        %dma_wait3A_201 = tpu.memref_slice %arg11[%rem3A_198, %dma_wait3A_199, %dma_wait3A_200] : memref<10x80x64xf32, #tpu.memory_space<vmem>> -> memref<1x80x64xf32, #tpu.memory_space<vmem>>
        %dma_wait3A_202 = tpu.memref_squeeze %dma_wait3A_201 : memref<1x80x64xf32, #tpu.memory_space<vmem>> -> memref<80x64xf32, #tpu.memory_space<vmem>>
        %dma_wait3A_203 = arith.constant 0 : i32
        %dma_wait3A_204 = tpu.memref_slice %arg8[%sub3A_196, %dma_wait3A_203] : memref<125x80xi32, #tpu.memory_space<vmem>> -> memref<1x80xi32, #tpu.memory_space<vmem>>
        %dma_wait3A_205 = tpu.memref_squeeze %dma_wait3A_204 : memref<1x80xi32, #tpu.memory_space<vmem>> -> memref<80xi32, #tpu.memory_space<vmem>>
        %dma_wait3A_206 = arith.constant 0 : i32
        %dma_wait3A_207 = arith.constant 0 : i32
        %dma_wait3A_208 = tpu.memref_slice %arg7[%dma_wait3A_206, %dma_wait3A_207] : memref<10240x64xf32, #tpu.memory_space<vmem_shared>> -> memref<10240x64xf32, #tpu.memory_space<vmem_shared>>
        tpu.wait_indirect_dma semaphore(%arg14 : memref<!tpu.dma_semaphore, #tpu.memory_space<semaphore_mem>>) src(%dma_wait3A_202 : memref<80x64xf32, #tpu.memory_space<vmem>>) dst(%dma_wait3A_208 : memref<10240x64xf32, #tpu.memory_space<vmem_shared>>)
      } else {
      }
      %add3A_189 = arith.constant 5 : i32
      %add3A_190 = arith.addi %scan3A_161, %add3A_189 : i32
      %lt3A = arith.constant 125 : i32
      %lt3A_191 = arith.cmpi slt, %add3A_190, %lt3A : i32
      %convert_element_type3A_192 = arith.extui %lt3A_191 : i1 to i32
      %cond3A_193 = arith.constant 0 : i32
      %cond3A_194 = arith.cmpi ne, %convert_element_type3A_192, %cond3A_193 : i32
      scf.if %cond3A_194 {
        %add3A_196 = arith.constant 5 : i32
        %add3A_197 = arith.addi %scan3A_161, %add3A_196 : i32
        %rem3A_198 = arith.constant 10 : i32
        %rem3A_199 = arith.remsi %add3A_197, %rem3A_198 : i32
        %dma_start3A_200 = arith.constant 0 : i32
        %dma_start3A_201 = arith.constant 0 : i32
        %dma_start3A_202 = tpu.memref_slice %arg11[%rem3A_199, %dma_start3A_200, %dma_start3A_201] : memref<10x80x64xf32, #tpu.memory_space<vmem>> -> memref<1x80x64xf32, #tpu.memory_space<vmem>>
        %dma_start3A_203 = tpu.memref_squeeze %dma_start3A_202 : memref<1x80x64xf32, #tpu.memory_space<vmem>> -> memref<80x64xf32, #tpu.memory_space<vmem>>
        %dma_start3A_204 = arith.constant 0 : i32
        %dma_start3A_205 = tpu.memref_slice %arg9[%add3A_197, %dma_start3A_204] : memref<125x80xi32, #tpu.memory_space<vmem>> -> memref<1x80xi32, #tpu.memory_space<vmem>>
        %dma_start3A_206 = tpu.memref_squeeze %dma_start3A_205 : memref<1x80xi32, #tpu.memory_space<vmem>> -> memref<80xi32, #tpu.memory_space<vmem>>
        %dma_start3A_207 = arith.constant 0 : i32
        %dma_start3A_208 = arith.constant 0 : i32
        %dma_start3A_209 = tpu.memref_slice %arg5[%dma_start3A_207, %dma_start3A_208] : memref<160000x64xf32, #tpu.memory_space<hbm>> -> memref<160000x64xf32, #tpu.memory_space<hbm>>
        tpu.enqueue_indirect_dma source(%dma_start3A_209 : memref<160000x64xf32, #tpu.memory_space<hbm>>) target(%dma_start3A_203 : memref<80x64xf32, #tpu.memory_space<vmem>>) offsets(%dma_start3A_206 : memref<80xi32, #tpu.memory_space<vmem>>) semaphore(%arg13 : memref<!tpu.dma_semaphore, #tpu.memory_space<semaphore_mem>>)
      } else {
      }
      %scan3A_195 = arith.constant 0 : i32
      scf.yield %scan3A_195 : i32
    }
    %scan3A_84 = arith.constant 125 : i32
    %rem3A = arith.constant 120 : i32
    %rem3A_85 = arith.constant 10 : i32
    %rem3A_86 = arith.remsi %rem3A, %rem3A_85 : i32
    %dma_wait3A = arith.constant 120 : i32
    %dma_wait3A_87 = arith.constant 0 : i32
    %dma_wait3A_88 = arith.constant 0 : i32
    %dma_wait3A_89 = tpu.memref_slice %arg11[%rem3A_86, %dma_wait3A_87, %dma_wait3A_88] : memref<10x80x64xf32, #tpu.memory_space<vmem>> -> memref<1x80x64xf32, #tpu.memory_space<vmem>>
    %dma_wait3A_90 = tpu.memref_squeeze %dma_wait3A_89 : memref<1x80x64xf32, #tpu.memory_space<vmem>> -> memref<80x64xf32, #tpu.memory_space<vmem>>
    %dma_wait3A_91 = arith.constant 0 : i32
    %dma_wait3A_92 = tpu.memref_slice %arg8[%dma_wait3A, %dma_wait3A_91] : memref<125x80xi32, #tpu.memory_space<vmem>> -> memref<1x80xi32, #tpu.memory_space<vmem>>
    %dma_wait3A_93 = tpu.memref_squeeze %dma_wait3A_92 : memref<1x80xi32, #tpu.memory_space<vmem>> -> memref<80xi32, #tpu.memory_space<vmem>>
    %dma_wait3A_94 = arith.constant 0 : i32
    %dma_wait3A_95 = arith.constant 0 : i32
    %dma_wait3A_96 = tpu.memref_slice %arg7[%dma_wait3A_94, %dma_wait3A_95] : memref<10240x64xf32, #tpu.memory_space<vmem_shared>> -> memref<10240x64xf32, #tpu.memory_space<vmem_shared>>
    tpu.wait_indirect_dma semaphore(%arg14 : memref<!tpu.dma_semaphore, #tpu.memory_space<semaphore_mem>>) src(%dma_wait3A_90 : memref<80x64xf32, #tpu.memory_space<vmem>>) dst(%dma_wait3A_96 : memref<10240x64xf32, #tpu.memory_space<vmem_shared>>)
    %rem3A_97 = arith.constant 121 : i32
    %rem3A_98 = arith.constant 10 : i32
    %rem3A_99 = arith.remsi %rem3A_97, %rem3A_98 : i32
    %dma_wait3A_100 = arith.constant 121 : i32
    %dma_wait3A_101 = arith.constant 0 : i32
    %dma_wait3A_102 = arith.constant 0 : i32
    %dma_wait3A_103 = tpu.memref_slice %arg11[%rem3A_99, %dma_wait3A_101, %dma_wait3A_102] : memref<10x80x64xf32, #tpu.memory_space<vmem>> -> memref<1x80x64xf32, #tpu.memory_space<vmem>>
    %dma_wait3A_104 = tpu.memref_squeeze %dma_wait3A_103 : memref<1x80x64xf32, #tpu.memory_space<vmem>> -> memref<80x64xf32, #tpu.memory_space<vmem>>
    %dma_wait3A_105 = arith.constant 0 : i32
    %dma_wait3A_106 = tpu.memref_slice %arg8[%dma_wait3A_100, %dma_wait3A_105] : memref<125x80xi32, #tpu.memory_space<vmem>> -> memref<1x80xi32, #tpu.memory_space<vmem>>
    %dma_wait3A_107 = tpu.memref_squeeze %dma_wait3A_106 : memref<1x80xi32, #tpu.memory_space<vmem>> -> memref<80xi32, #tpu.memory_space<vmem>>
    %dma_wait3A_108 = arith.constant 0 : i32
    %dma_wait3A_109 = arith.constant 0 : i32
    %dma_wait3A_110 = tpu.memref_slice %arg7[%dma_wait3A_108, %dma_wait3A_109] : memref<10240x64xf32, #tpu.memory_space<vmem_shared>> -> memref<10240x64xf32, #tpu.memory_space<vmem_shared>>
    tpu.wait_indirect_dma semaphore(%arg14 : memref<!tpu.dma_semaphore, #tpu.memory_space<semaphore_mem>>) src(%dma_wait3A_104 : memref<80x64xf32, #tpu.memory_space<vmem>>) dst(%dma_wait3A_110 : memref<10240x64xf32, #tpu.memory_space<vmem_shared>>)
    %rem3A_111 = arith.constant 122 : i32
    %rem3A_112 = arith.constant 10 : i32
    %rem3A_113 = arith.remsi %rem3A_111, %rem3A_112 : i32
    %dma_wait3A_114 = arith.constant 122 : i32
    %dma_wait3A_115 = arith.constant 0 : i32
    %dma_wait3A_116 = arith.constant 0 : i32
    %dma_wait3A_117 = tpu.memref_slice %arg11[%rem3A_113, %dma_wait3A_115, %dma_wait3A_116] : memref<10x80x64xf32, #tpu.memory_space<vmem>> -> memref<1x80x64xf32, #tpu.memory_space<vmem>>
    %dma_wait3A_118 = tpu.memref_squeeze %dma_wait3A_117 : memref<1x80x64xf32, #tpu.memory_space<vmem>> -> memref<80x64xf32, #tpu.memory_space<vmem>>
    %dma_wait3A_119 = arith.constant 0 : i32
    %dma_wait3A_120 = tpu.memref_slice %arg8[%dma_wait3A_114, %dma_wait3A_119] : memref<125x80xi32, #tpu.memory_space<vmem>> -> memref<1x80xi32, #tpu.memory_space<vmem>>
    %dma_wait3A_121 = tpu.memref_squeeze %dma_wait3A_120 : memref<1x80xi32, #tpu.memory_space<vmem>> -> memref<80xi32, #tpu.memory_space<vmem>>
    %dma_wait3A_122 = arith.constant 0 : i32
    %dma_wait3A_123 = arith.constant 0 : i32
    %dma_wait3A_124 = tpu.memref_slice %arg7[%dma_wait3A_122, %dma_wait3A_123] : memref<10240x64xf32, #tpu.memory_space<vmem_shared>> -> memref<10240x64xf32, #tpu.memory_space<vmem_shared>>
    tpu.wait_indirect_dma semaphore(%arg14 : memref<!tpu.dma_semaphore, #tpu.memory_space<semaphore_mem>>) src(%dma_wait3A_118 : memref<80x64xf32, #tpu.memory_space<vmem>>) dst(%dma_wait3A_124 : memref<10240x64xf32, #tpu.memory_space<vmem_shared>>)
    %rem3A_125 = arith.constant 123 : i32
    %rem3A_126 = arith.constant 10 : i32
    %rem3A_127 = arith.remsi %rem3A_125, %rem3A_126 : i32
    %dma_wait3A_128 = arith.constant 123 : i32
    %dma_wait3A_129 = arith.constant 0 : i32
    %dma_wait3A_130 = arith.constant 0 : i32
    %dma_wait3A_131 = tpu.memref_slice %arg11[%rem3A_127, %dma_wait3A_129, %dma_wait3A_130] : memref<10x80x64xf32, #tpu.memory_space<vmem>> -> memref<1x80x64xf32, #tpu.memory_space<vmem>>
    %dma_wait3A_132 = tpu.memref_squeeze %dma_wait3A_131 : memref<1x80x64xf32, #tpu.memory_space<vmem>> -> memref<80x64xf32, #tpu.memory_space<vmem>>
    %dma_wait3A_133 = arith.constant 0 : i32
    %dma_wait3A_134 = tpu.memref_slice %arg8[%dma_wait3A_128, %dma_wait3A_133] : memref<125x80xi32, #tpu.memory_space<vmem>> -> memref<1x80xi32, #tpu.memory_space<vmem>>
    %dma_wait3A_135 = tpu.memref_squeeze %dma_wait3A_134 : memref<1x80xi32, #tpu.memory_space<vmem>> -> memref<80xi32, #tpu.memory_space<vmem>>
    %dma_wait3A_136 = arith.constant 0 : i32
    %dma_wait3A_137 = arith.constant 0 : i32
    %dma_wait3A_138 = tpu.memref_slice %arg7[%dma_wait3A_136, %dma_wait3A_137] : memref<10240x64xf32, #tpu.memory_space<vmem_shared>> -> memref<10240x64xf32, #tpu.memory_space<vmem_shared>>
    tpu.wait_indirect_dma semaphore(%arg14 : memref<!tpu.dma_semaphore, #tpu.memory_space<semaphore_mem>>) src(%dma_wait3A_132 : memref<80x64xf32, #tpu.memory_space<vmem>>) dst(%dma_wait3A_138 : memref<10240x64xf32, #tpu.memory_space<vmem_shared>>)
    %rem3A_139 = arith.constant 124 : i32
    %rem3A_140 = arith.constant 10 : i32
    %rem3A_141 = arith.remsi %rem3A_139, %rem3A_140 : i32
    %dma_wait3A_142 = arith.constant 124 : i32
    %dma_wait3A_143 = arith.constant 0 : i32
    %dma_wait3A_144 = arith.constant 0 : i32
    %dma_wait3A_145 = tpu.memref_slice %arg11[%rem3A_141, %dma_wait3A_143, %dma_wait3A_144] : memref<10x80x64xf32, #tpu.memory_space<vmem>> -> memref<1x80x64xf32, #tpu.memory_space<vmem>>
    %dma_wait3A_146 = tpu.memref_squeeze %dma_wait3A_145 : memref<1x80x64xf32, #tpu.memory_space<vmem>> -> memref<80x64xf32, #tpu.memory_space<vmem>>
    %dma_wait3A_147 = arith.constant 0 : i32
    %dma_wait3A_148 = tpu.memref_slice %arg8[%dma_wait3A_142, %dma_wait3A_147] : memref<125x80xi32, #tpu.memory_space<vmem>> -> memref<1x80xi32, #tpu.memory_space<vmem>>
    %dma_wait3A_149 = tpu.memref_squeeze %dma_wait3A_148 : memref<1x80xi32, #tpu.memory_space<vmem>> -> memref<80xi32, #tpu.memory_space<vmem>>
    %dma_wait3A_150 = arith.constant 0 : i32
    %dma_wait3A_151 = arith.constant 0 : i32
    %dma_wait3A_152 = tpu.memref_slice %arg7[%dma_wait3A_150, %dma_wait3A_151] : memref<10240x64xf32, #tpu.memory_space<vmem_shared>> -> memref<10240x64xf32, #tpu.memory_space<vmem_shared>>
    tpu.wait_indirect_dma semaphore(%arg14 : memref<!tpu.dma_semaphore, #tpu.memory_space<semaphore_mem>>) src(%dma_wait3A_146 : memref<80x64xf32, #tpu.memory_space<vmem>>) dst(%dma_wait3A_152 : memref<10240x64xf32, #tpu.memory_space<vmem_shared>>)
    %barrier3A_153 = arith.constant 0 : index
    tpu.barrier barrier_id(%barrier3A_153)
    %scan3A_154 = arith.constant 0 : i32
    %scan3A_155 = arith.constant 0 : i32
    %scan3A_156 = arith.constant 5 : i32
    %scan3A_157 = arith.addi %scan3A_155, %scan3A_156 : i32
    %scan3A_158 = arith.constant 1 : i32
    %scan3A_159 = scf.for %scan3A_161 = %scan3A_155 to %scan3A_157 step %scan3A_158 iter_args(%scan3A_162 = %scan3A_154) -> (i32)  : i32 {
      %mul3A_163 = arith.constant 640 : i32
      %mul3A_164 = arith.muli %arg1, %mul3A_163 : i32
      %mul3A_165 = arith.constant 128 : i32
      %mul3A_166 = arith.muli %scan3A_161, %mul3A_165 : i32
      %add3A_167 = arith.addi %mul3A_164, %mul3A_166 : i32
      "tpu.region"() ({
        %run_scoped3A = tpu.sem_alloc : memref<!tpu.dma_semaphore, #tpu.memory_space<semaphore_mem>>
        %dma_start3A_169 = arith.constant 0 : i32
        %dma_start3A_170 = tpu.memref_slice %arg7[%add3A_167, %dma_start3A_169] : memref<10240x64xf32, #tpu.memory_space<vmem_shared>> -> memref<128x64xf32, #tpu.memory_space<vmem_shared>>
        %dma_start3A_171 = arith.constant 0 : i32
        %dma_start3A_172 = tpu.memref_slice %arg7[%add3A_167, %dma_start3A_171] : memref<10240x64xf32, #tpu.memory_space<vmem_shared>> -> memref<128x64xf32, #tpu.memory_space<vmem_shared>>
        tpu.enqueue_dma source(%dma_start3A_172 : memref<128x64xf32, #tpu.memory_space<vmem_shared>>) target(%arg12 : memref<128x64xf32, #tpu.memory_space<vmem>>) target_semaphore(%run_scoped3A : memref<!tpu.dma_semaphore, #tpu.memory_space<semaphore_mem>>)
        %dma_wait3A_173 = arith.constant 0 : i32
        %dma_wait3A_174 = tpu.memref_slice %arg7[%add3A_167, %dma_wait3A_173] : memref<10240x64xf32, #tpu.memory_space<vmem_shared>> -> memref<128x64xf32, #tpu.memory_space<vmem_shared>>
        %dma_wait3A_175 = arith.constant 0 : i32
        %dma_wait3A_176 = tpu.memref_slice %arg7[%add3A_167, %dma_wait3A_175] : memref<10240x64xf32, #tpu.memory_space<vmem_shared>> -> memref<128x64xf32, #tpu.memory_space<vmem_shared>>
        tpu.wait_dma2 semaphore(%run_scoped3A : memref<!tpu.dma_semaphore, #tpu.memory_space<semaphore_mem>>) src(%dma_wait3A_176 : memref<128x64xf32, #tpu.memory_space<vmem_shared>>) dst(%arg12 : memref<128x64xf32, #tpu.memory_space<vmem>>)
        tpu.yield
      }) : () -> ()
      "tpu.region"() ({
        %run_scoped3A = tpu.sem_alloc : memref<!tpu.dma_semaphore, #tpu.memory_space<semaphore_mem>>
        %dma_start3A_169 = arith.constant 0 : i32
        %dma_start3A_170 = tpu.memref_slice %arg6[%arg0, %add3A_167, %dma_start3A_169] : memref<2x10240x64xf32, #tpu.memory_space<hbm>> -> memref<1x128x64xf32, #tpu.memory_space<hbm>>
        %dma_start3A_171 = tpu.memref_squeeze %dma_start3A_170 : memref<1x128x64xf32, #tpu.memory_space<hbm>> -> memref<128x64xf32, #tpu.memory_space<hbm>>
        %dma_start3A_172 = arith.constant 0 : i32
        %dma_start3A_173 = tpu.memref_slice %arg6[%arg0, %add3A_167, %dma_start3A_172] : memref<2x10240x64xf32, #tpu.memory_space<hbm>> -> memref<1x128x64xf32, #tpu.memory_space<hbm>>
        %dma_start3A_174 = tpu.memref_squeeze %dma_start3A_173 : memref<1x128x64xf32, #tpu.memory_space<hbm>> -> memref<128x64xf32, #tpu.memory_space<hbm>>
        tpu.enqueue_dma source(%arg12 : memref<128x64xf32, #tpu.memory_space<vmem>>) target(%dma_start3A_174 : memref<128x64xf32, #tpu.memory_space<hbm>>) target_semaphore(%run_scoped3A : memref<!tpu.dma_semaphore, #tpu.memory_space<semaphore_mem>>)
        %dma_wait3A_175 = arith.constant 0 : i32
        %dma_wait3A_176 = tpu.memref_slice %arg6[%arg0, %add3A_167, %dma_wait3A_175] : memref<2x10240x64xf32, #tpu.memory_space<hbm>> -> memref<1x128x64xf32, #tpu.memory_space<hbm>>
        %dma_wait3A_177 = tpu.memref_squeeze %dma_wait3A_176 : memref<1x128x64xf32, #tpu.memory_space<hbm>> -> memref<128x64xf32, #tpu.memory_space<hbm>>
        %dma_wait3A_178 = arith.constant 0 : i32
        %dma_wait3A_179 = tpu.memref_slice %arg6[%arg0, %add3A_167, %dma_wait3A_178] : memref<2x10240x64xf32, #tpu.memory_space<hbm>> -> memref<1x128x64xf32, #tpu.memory_space<hbm>>
        %dma_wait3A_180 = tpu.memref_squeeze %dma_wait3A_179 : memref<1x128x64xf32, #tpu.memory_space<hbm>> -> memref<128x64xf32, #tpu.memory_space<hbm>>
        tpu.wait_dma2 semaphore(%run_scoped3A : memref<!tpu.dma_semaphore, #tpu.memory_space<semaphore_mem>>) src(%arg12 : memref<128x64xf32, #tpu.memory_space<vmem>>) dst(%dma_wait3A_180 : memref<128x64xf32, #tpu.memory_space<hbm>>)
        tpu.yield
      }) : () -> ()
      %scan3A_168 = arith.constant 0 : i32
      scf.yield %scan3A_168 : i32
    }
    %scan3A_160 = arith.constant 5 : i32
    return
  }
}

module attributes {stable_mosaic.version = 14 : i64} {
  func.func @_mm_body(%arg0: i32, %arg1: memref<5000x256xf32, #tpu.memory_space<vmem>>, %arg2: memref<1x256x128xf32, #tpu.memory_space<vmem>>, %arg3: memref<1x5000x128xf32, #tpu.memory_space<vmem>>, %arg4: memref<5000x128xf32, #tpu.memory_space<vmem>>) attributes {dimension_semantics = [#tpu.dimension_semantics<arbitrary>], iteration_bounds = array<i64: 17>, scalar_prefetch = 0 : i64, scratch_operands = 0 : i64, tpu.core_type = #tpu.core_type<tc>, window_params = [{pipeline_mode = #tpu.pipeline_mode<synchronous>, transform_indices = @transform_0, window_bounds = array<i64: 5000, 256>}, {transform_indices = @transform_1, window_bounds = array<i64: 1, 256, 128>}, {transform_indices = @transform_2, window_bounds = array<i64: 1, 5000, 128>}, {pipeline_mode = #tpu.pipeline_mode<synchronous>, transform_indices = @transform_3, window_bounds = array<i64: 5000, 128>}]} {
    %get3A = arith.constant 0 : index
    %get3A_0 = arith.constant 0 : index
    %get3A_1 = vector.load %arg1[%get3A, %get3A_0] : memref<5000x256xf32, #tpu.memory_space<vmem>>, vector<5000x256xf32>
    %get3A_2 = arith.constant 0 : index
    %get3A_3 = arith.constant 0 : index
    %get3A_4 = arith.constant 0 : index
    %get3A_5 = vector.load %arg2[%get3A_2, %get3A_3, %get3A_4] : memref<1x256x128xf32, #tpu.memory_space<vmem>>, vector<1x256x128xf32>
    %get3A_6 = vector.shape_cast %get3A_5 : vector<1x256x128xf32> to vector<256x128xf32>
    %dot_general3A = arith.constant dense<0.000000e+00> : vector<5000x128xf32>
    %dot_general3A_7 = tpu.matmul %get3A_1, %get3A_6, %dot_general3A {dimension_numbers = #tpu.dot_dimension_numbers<[1], [0], [0], [1], [0, 0, 1, 1], [], []>, transpose_lhs_hint = false} : vector<5000x256xf32>, vector<256x128xf32>, vector<5000x128xf32> -> vector<5000x128xf32>
    %lt3A = arith.constant 16 : i32
    %lt3A_8 = arith.cmpi slt, %arg0, %lt3A : i32
    %convert_element_type3A = arith.extui %lt3A_8 : i1 to i32
    %cond3A = arith.constant 0 : i32
    %cond3A_9 = arith.cmpi ne, %convert_element_type3A, %cond3A : i32
    scf.if %cond3A_9 {
      %swap3A = arith.constant 0 : index
      %swap3A_14 = arith.constant 0 : index
      %swap3A_15 = arith.constant 0 : index
      %swap3A_16 = vector.load %arg3[%swap3A, %swap3A_14, %swap3A_15] : memref<1x5000x128xf32, #tpu.memory_space<vmem>>, vector<1x5000x128xf32>
      %swap3A_17 = vector.shape_cast %swap3A_16 : vector<1x5000x128xf32> to vector<5000x128xf32>
      %swap3A_18 = vector.shape_cast %dot_general3A_7 : vector<5000x128xf32> to vector<1x5000x128xf32>
      tpu.vector_store %arg3[%swap3A, %swap3A_14, %swap3A_15], %swap3A_18 {strides = array<i32>} : memref<1x5000x128xf32, #tpu.memory_space<vmem>>, vector<1x5000x128xf32>,
    } else {
    }
    %eq3A = arith.constant 16 : i32
    %eq3A_10 = arith.cmpi eq, %arg0, %eq3A : i32
    %convert_element_type3A_11 = arith.extui %eq3A_10 : i1 to i32
    %cond3A_12 = arith.constant 0 : i32
    %cond3A_13 = arith.cmpi ne, %convert_element_type3A_11, %cond3A_12 : i32
    scf.if %cond3A_13 {
      %swap3A = arith.constant 0 : index
      %swap3A_14 = arith.constant 0 : index
      %swap3A_15 = vector.load %arg4[%swap3A, %swap3A_14] : memref<5000x128xf32, #tpu.memory_space<vmem>>, vector<5000x128xf32>
      tpu.vector_store %arg4[%swap3A, %swap3A_14], %dot_general3A_7 {strides = array<i32>} : memref<5000x128xf32, #tpu.memory_space<vmem>>, vector<5000x128xf32>,
    } else {
    }
    return
  }
  func.func @transform_0(%arg0: i32) -> (i32, i32) {
    %c0_i32 = arith.constant 0 : i32
    %c0_i32_0 = arith.constant 0 : i32
    %c0_i32_1 = arith.constant 0 : i32
    return %c0_i32, %c0_i32_0 : i32, i32
  }
  func.func @transform_1(%arg0: i32) -> (i32, i32, i32) {
    %c0_i32 = arith.constant 0 : i32
    %c0_i32_0 = arith.constant 0 : i32
    %c0_i32_1 = arith.constant 0 : i32
    return %arg0, %c0_i32, %c0_i32_0 : i32, i32, i32
  }
  func.func @transform_2(%arg0: i32) -> (i32, i32, i32) {
    %min3A = arith.constant 15 : i32
    %min3A_0 = arith.minsi %arg0, %min3A : i32
    %c0_i32 = arith.constant 0 : i32
    %c0_i32_1 = arith.constant 0 : i32
    %c0_i32_2 = arith.constant 0 : i32
    return %min3A_0, %c0_i32, %c0_i32_1 : i32, i32, i32
  }
  func.func @transform_3(%arg0: i32) -> (i32, i32) {
    %c0_i32 = arith.constant 0 : i32
    %c0_i32_0 = arith.constant 0 : i32
    %c0_i32_1 = arith.constant 0 : i32
    return %c0_i32, %c0_i32_0 : i32, i32
  }
}

module attributes {stable_mosaic.version = 14 : i64} {
  func.func @_combine_relu_body(%arg0: memref<2x5120x128xf32, #tpu.memory_space<vmem>>, %arg1: memref<5000x128xf32, #tpu.memory_space<vmem>>, %arg2: memref<1x128xf32, #tpu.memory_space<vmem>>, %arg3: memref<1250x512xf32, #tpu.memory_space<vmem>>) attributes {dimension_semantics = [], scalar_prefetch = 0 : i64, scratch_operands = 0 : i64, tpu.core_type = #tpu.core_type<tc>} {
    %get3A = arith.constant 0 : index
    %get3A_0 = arith.constant 0 : index
    %get3A_1 = arith.constant 0 : index
    %get3A_2 = vector.load %arg0[%get3A, %get3A_0, %get3A_1] : memref<2x5120x128xf32, #tpu.memory_space<vmem>>, vector<1x5000x128xf32>
    %get3A_3 = vector.shape_cast %get3A_2 : vector<1x5000x128xf32> to vector<5000x128xf32>
    %get3A_4 = arith.constant 1 : index
    %get3A_5 = arith.constant 0 : index
    %get3A_6 = arith.constant 0 : index
    %get3A_7 = vector.load %arg0[%get3A_4, %get3A_5, %get3A_6] : memref<2x5120x128xf32, #tpu.memory_space<vmem>>, vector<1x5000x128xf32>
    %get3A_8 = vector.shape_cast %get3A_7 : vector<1x5000x128xf32> to vector<5000x128xf32>
    %add3A = arith.addf %get3A_3, %get3A_8 : vector<5000x128xf32>
    %get3A_9 = arith.constant 0 : index
    %get3A_10 = arith.constant 0 : index
    %get3A_11 = vector.load %arg1[%get3A_9, %get3A_10] : memref<5000x128xf32, #tpu.memory_space<vmem>>, vector<5000x128xf32>
    %add3A_12 = arith.addf %add3A, %get3A_11 : vector<5000x128xf32>
    %get3A_13 = arith.constant 0 : index
    %get3A_14 = arith.constant 0 : index
    %get3A_15 = vector.load %arg2[%get3A_13, %get3A_14] : memref<1x128xf32, #tpu.memory_space<vmem>>, vector<1x128xf32>
    %add3A_16 = vector.broadcast %get3A_15 : vector<1x128xf32> to vector<5000x128xf32>
    %add3A_17 = arith.addf %add3A_12, %add3A_16 : vector<5000x128xf32>
    %max3A = arith.constant 0.000000e+00 : f32
    %max3A_18 = vector.broadcast %max3A : f32 to vector<5000x128xf32>
    %max3A_19 = arith.maximumf %add3A_17, %max3A_18 : vector<5000x128xf32>
    %reshape3A = vector.shape_cast %max3A_19 : vector<5000x128xf32> to vector<1250x512xf32>
    %swap3A = arith.constant 0 : index
    %swap3A_20 = arith.constant 0 : index
    %swap3A_21 = vector.load %arg3[%swap3A, %swap3A_20] : memref<1250x512xf32, #tpu.memory_space<vmem>>, vector<1250x512xf32>
    tpu.vector_store %arg3[%swap3A, %swap3A_20], %reshape3A {strides = array<i32>} : memref<1250x512xf32, #tpu.memory_space<vmem>>, vector<1250x512xf32>,
    return
  }
}

module attributes {stable_mosaic.version = 14 : i64} {
  func.func @_mm1_body(%arg0: memref<1250x512xf32, #tpu.memory_space<vmem>>, %arg1: memref<17x512x128xf32, #tpu.memory_space<vmem>>, %arg2: memref<16x1250x128xf32, #tpu.memory_space<vmem>>, %arg3: memref<1250x128xf32, #tpu.memory_space<vmem>>) attributes {dimension_semantics = [], scalar_prefetch = 0 : i64, scratch_operands = 0 : i64, tpu.core_type = #tpu.core_type<tc>} {
    %get3A = arith.constant 0 : index
    %get3A_0 = arith.constant 0 : index
    %get3A_1 = vector.load %arg0[%get3A, %get3A_0] : memref<1250x512xf32, #tpu.memory_space<vmem>>, vector<1250x512xf32>
    %get3A_2 = arith.constant 0 : index
    %get3A_3 = arith.constant 0 : index
    %get3A_4 = arith.constant 0 : index
    %get3A_5 = vector.load %arg1[%get3A_2, %get3A_3, %get3A_4] : memref<17x512x128xf32, #tpu.memory_space<vmem>>, vector<1x512x128xf32>
    %get3A_6 = vector.shape_cast %get3A_5 : vector<1x512x128xf32> to vector<512x128xf32>
    %dot_general3A = arith.constant dense<0.000000e+00> : vector<1250x128xf32>
    %dot_general3A_7 = tpu.matmul %get3A_1, %get3A_6, %dot_general3A {dimension_numbers = #tpu.dot_dimension_numbers<[1], [0], [0], [1], [0, 0, 1, 1], [], []>, transpose_lhs_hint = false} : vector<1250x512xf32>, vector<512x128xf32>, vector<1250x128xf32> -> vector<1250x128xf32>
    %swap3A = arith.constant 0 : index
    %swap3A_8 = arith.constant 0 : index
    %swap3A_9 = arith.constant 0 : index
    %swap3A_10 = vector.load %arg2[%swap3A, %swap3A_8, %swap3A_9] : memref<16x1250x128xf32, #tpu.memory_space<vmem>>, vector<1x1250x128xf32>
    %swap3A_11 = vector.shape_cast %swap3A_10 : vector<1x1250x128xf32> to vector<1250x128xf32>
    %swap3A_12 = vector.shape_cast %dot_general3A_7 : vector<1250x128xf32> to vector<1x1250x128xf32>
    tpu.vector_store %arg2[%swap3A, %swap3A_8, %swap3A_9], %swap3A_12 {strides = array<i32>} : memref<16x1250x128xf32, #tpu.memory_space<vmem>>, vector<1x1250x128xf32>,
    %get3A_13 = arith.constant 0 : index
    %get3A_14 = arith.constant 0 : index
    %get3A_15 = vector.load %arg0[%get3A_13, %get3A_14] : memref<1250x512xf32, #tpu.memory_space<vmem>>, vector<1250x512xf32>
    %get3A_16 = arith.constant 1 : index
    %get3A_17 = arith.constant 0 : index
    %get3A_18 = arith.constant 0 : index
    %get3A_19 = vector.load %arg1[%get3A_16, %get3A_17, %get3A_18] : memref<17x512x128xf32, #tpu.memory_space<vmem>>, vector<1x512x128xf32>
    %get3A_20 = vector.shape_cast %get3A_19 : vector<1x512x128xf32> to vector<512x128xf32>
    %dot_general3A_21 = arith.constant dense<0.000000e+00> : vector<1250x128xf32>
    %dot_general3A_22 = tpu.matmul %get3A_15, %get3A_20, %dot_general3A_21 {dimension_numbers = #tpu.dot_dimension_numbers<[1], [0], [0], [1], [0, 0, 1, 1], [], []>, transpose_lhs_hint = false} : vector<1250x512xf32>, vector<512x128xf32>, vector<1250x128xf32> -> vector<1250x128xf32>
    %swap3A_23 = arith.constant 1 : index
    %swap3A_24 = arith.constant 0 : index
    %swap3A_25 = arith.constant 0 : index
    %swap3A_26 = vector.load %arg2[%swap3A_23, %swap3A_24, %swap3A_25] : memref<16x1250x128xf32, #tpu.memory_space<vmem>>, vector<1x1250x128xf32>
    %swap3A_27 = vector.shape_cast %swap3A_26 : vector<1x1250x128xf32> to vector<1250x128xf32>
    %swap3A_28 = vector.shape_cast %dot_general3A_22 : vector<1250x128xf32> to vector<1x1250x128xf32>
    tpu.vector_store %arg2[%swap3A_23, %swap3A_24, %swap3A_25], %swap3A_28 {strides = array<i32>} : memref<16x1250x128xf32, #tpu.memory_space<vmem>>, vector<1x1250x128xf32>,
    %get3A_29 = arith.constant 0 : index
    %get3A_30 = arith.constant 0 : index
    %get3A_31 = vector.load %arg0[%get3A_29, %get3A_30] : memref<1250x512xf32, #tpu.memory_space<vmem>>, vector<1250x512xf32>
    %get3A_32 = arith.constant 2 : index
    %get3A_33 = arith.constant 0 : index
    %get3A_34 = arith.constant 0 : index
    %get3A_35 = vector.load %arg1[%get3A_32, %get3A_33, %get3A_34] : memref<17x512x128xf32, #tpu.memory_space<vmem>>, vector<1x512x128xf32>
    %get3A_36 = vector.shape_cast %get3A_35 : vector<1x512x128xf32> to vector<512x128xf32>
    %dot_general3A_37 = arith.constant dense<0.000000e+00> : vector<1250x128xf32>
    %dot_general3A_38 = tpu.matmul %get3A_31, %get3A_36, %dot_general3A_37 {dimension_numbers = #tpu.dot_dimension_numbers<[1], [0], [0], [1], [0, 0, 1, 1], [], []>, transpose_lhs_hint = false} : vector<1250x512xf32>, vector<512x128xf32>, vector<1250x128xf32> -> vector<1250x128xf32>
    %swap3A_39 = arith.constant 2 : index
    %swap3A_40 = arith.constant 0 : index
    %swap3A_41 = arith.constant 0 : index
    %swap3A_42 = vector.load %arg2[%swap3A_39, %swap3A_40, %swap3A_41] : memref<16x1250x128xf32, #tpu.memory_space<vmem>>, vector<1x1250x128xf32>
    %swap3A_43 = vector.shape_cast %swap3A_42 : vector<1x1250x128xf32> to vector<1250x128xf32>
    %swap3A_44 = vector.shape_cast %dot_general3A_38 : vector<1250x128xf32> to vector<1x1250x128xf32>
    tpu.vector_store %arg2[%swap3A_39, %swap3A_40, %swap3A_41], %swap3A_44 {strides = array<i32>} : memref<16x1250x128xf32, #tpu.memory_space<vmem>>, vector<1x1250x128xf32>,
    %get3A_45 = arith.constant 0 : index
    %get3A_46 = arith.constant 0 : index
    %get3A_47 = vector.load %arg0[%get3A_45, %get3A_46] : memref<1250x512xf32, #tpu.memory_space<vmem>>, vector<1250x512xf32>
    %get3A_48 = arith.constant 3 : index
    %get3A_49 = arith.constant 0 : index
    %get3A_50 = arith.constant 0 : index
    %get3A_51 = vector.load %arg1[%get3A_48, %get3A_49, %get3A_50] : memref<17x512x128xf32, #tpu.memory_space<vmem>>, vector<1x512x128xf32>
    %get3A_52 = vector.shape_cast %get3A_51 : vector<1x512x128xf32> to vector<512x128xf32>
    %dot_general3A_53 = arith.constant dense<0.000000e+00> : vector<1250x128xf32>
    %dot_general3A_54 = tpu.matmul %get3A_47, %get3A_52, %dot_general3A_53 {dimension_numbers = #tpu.dot_dimension_numbers<[1], [0], [0], [1], [0, 0, 1, 1], [], []>, transpose_lhs_hint = false} : vector<1250x512xf32>, vector<512x128xf32>, vector<1250x128xf32> -> vector<1250x128xf32>
    %swap3A_55 = arith.constant 3 : index
    %swap3A_56 = arith.constant 0 : index
    %swap3A_57 = arith.constant 0 : index
    %swap3A_58 = vector.load %arg2[%swap3A_55, %swap3A_56, %swap3A_57] : memref<16x1250x128xf32, #tpu.memory_space<vmem>>, vector<1x1250x128xf32>
    %swap3A_59 = vector.shape_cast %swap3A_58 : vector<1x1250x128xf32> to vector<1250x128xf32>
    %swap3A_60 = vector.shape_cast %dot_general3A_54 : vector<1250x128xf32> to vector<1x1250x128xf32>
    tpu.vector_store %arg2[%swap3A_55, %swap3A_56, %swap3A_57], %swap3A_60 {strides = array<i32>} : memref<16x1250x128xf32, #tpu.memory_space<vmem>>, vector<1x1250x128xf32>,
    %get3A_61 = arith.constant 0 : index
    %get3A_62 = arith.constant 0 : index
    %get3A_63 = vector.load %arg0[%get3A_61, %get3A_62] : memref<1250x512xf32, #tpu.memory_space<vmem>>, vector<1250x512xf32>
    %get3A_64 = arith.constant 4 : index
    %get3A_65 = arith.constant 0 : index
    %get3A_66 = arith.constant 0 : index
    %get3A_67 = vector.load %arg1[%get3A_64, %get3A_65, %get3A_66] : memref<17x512x128xf32, #tpu.memory_space<vmem>>, vector<1x512x128xf32>
    %get3A_68 = vector.shape_cast %get3A_67 : vector<1x512x128xf32> to vector<512x128xf32>
    %dot_general3A_69 = arith.constant dense<0.000000e+00> : vector<1250x128xf32>
    %dot_general3A_70 = tpu.matmul %get3A_63, %get3A_68, %dot_general3A_69 {dimension_numbers = #tpu.dot_dimension_numbers<[1], [0], [0], [1], [0, 0, 1, 1], [], []>, transpose_lhs_hint = false} : vector<1250x512xf32>, vector<512x128xf32>, vector<1250x128xf32> -> vector<1250x128xf32>
    %swap3A_71 = arith.constant 4 : index
    %swap3A_72 = arith.constant 0 : index
    %swap3A_73 = arith.constant 0 : index
    %swap3A_74 = vector.load %arg2[%swap3A_71, %swap3A_72, %swap3A_73] : memref<16x1250x128xf32, #tpu.memory_space<vmem>>, vector<1x1250x128xf32>
    %swap3A_75 = vector.shape_cast %swap3A_74 : vector<1x1250x128xf32> to vector<1250x128xf32>
    %swap3A_76 = vector.shape_cast %dot_general3A_70 : vector<1250x128xf32> to vector<1x1250x128xf32>
    tpu.vector_store %arg2[%swap3A_71, %swap3A_72, %swap3A_73], %swap3A_76 {strides = array<i32>} : memref<16x1250x128xf32, #tpu.memory_space<vmem>>, vector<1x1250x128xf32>,
    %get3A_77 = arith.constant 0 : index
    %get3A_78 = arith.constant 0 : index
    %get3A_79 = vector.load %arg0[%get3A_77, %get3A_78] : memref<1250x512xf32, #tpu.memory_space<vmem>>, vector<1250x512xf32>
    %get3A_80 = arith.constant 5 : index
    %get3A_81 = arith.constant 0 : index
    %get3A_82 = arith.constant 0 : index
    %get3A_83 = vector.load %arg1[%get3A_80, %get3A_81, %get3A_82] : memref<17x512x128xf32, #tpu.memory_space<vmem>>, vector<1x512x128xf32>
    %get3A_84 = vector.shape_cast %get3A_83 : vector<1x512x128xf32> to vector<512x128xf32>
    %dot_general3A_85 = arith.constant dense<0.000000e+00> : vector<1250x128xf32>
    %dot_general3A_86 = tpu.matmul %get3A_79, %get3A_84, %dot_general3A_85 {dimension_numbers = #tpu.dot_dimension_numbers<[1], [0], [0], [1], [0, 0, 1, 1], [], []>, transpose_lhs_hint = false} : vector<1250x512xf32>, vector<512x128xf32>, vector<1250x128xf32> -> vector<1250x128xf32>
    %swap3A_87 = arith.constant 5 : index
    %swap3A_88 = arith.constant 0 : index
    %swap3A_89 = arith.constant 0 : index
    %swap3A_90 = vector.load %arg2[%swap3A_87, %swap3A_88, %swap3A_89] : memref<16x1250x128xf32, #tpu.memory_space<vmem>>, vector<1x1250x128xf32>
    %swap3A_91 = vector.shape_cast %swap3A_90 : vector<1x1250x128xf32> to vector<1250x128xf32>
    %swap3A_92 = vector.shape_cast %dot_general3A_86 : vector<1250x128xf32> to vector<1x1250x128xf32>
    tpu.vector_store %arg2[%swap3A_87, %swap3A_88, %swap3A_89], %swap3A_92 {strides = array<i32>} : memref<16x1250x128xf32, #tpu.memory_space<vmem>>, vector<1x1250x128xf32>,
    %get3A_93 = arith.constant 0 : index
    %get3A_94 = arith.constant 0 : index
    %get3A_95 = vector.load %arg0[%get3A_93, %get3A_94] : memref<1250x512xf32, #tpu.memory_space<vmem>>, vector<1250x512xf32>
    %get3A_96 = arith.constant 6 : index
    %get3A_97 = arith.constant 0 : index
    %get3A_98 = arith.constant 0 : index
    %get3A_99 = vector.load %arg1[%get3A_96, %get3A_97, %get3A_98] : memref<17x512x128xf32, #tpu.memory_space<vmem>>, vector<1x512x128xf32>
    %get3A_100 = vector.shape_cast %get3A_99 : vector<1x512x128xf32> to vector<512x128xf32>
    %dot_general3A_101 = arith.constant dense<0.000000e+00> : vector<1250x128xf32>
    %dot_general3A_102 = tpu.matmul %get3A_95, %get3A_100, %dot_general3A_101 {dimension_numbers = #tpu.dot_dimension_numbers<[1], [0], [0], [1], [0, 0, 1, 1], [], []>, transpose_lhs_hint = false} : vector<1250x512xf32>, vector<512x128xf32>, vector<1250x128xf32> -> vector<1250x128xf32>
    %swap3A_103 = arith.constant 6 : index
    %swap3A_104 = arith.constant 0 : index
    %swap3A_105 = arith.constant 0 : index
    %swap3A_106 = vector.load %arg2[%swap3A_103, %swap3A_104, %swap3A_105] : memref<16x1250x128xf32, #tpu.memory_space<vmem>>, vector<1x1250x128xf32>
    %swap3A_107 = vector.shape_cast %swap3A_106 : vector<1x1250x128xf32> to vector<1250x128xf32>
    %swap3A_108 = vector.shape_cast %dot_general3A_102 : vector<1250x128xf32> to vector<1x1250x128xf32>
    tpu.vector_store %arg2[%swap3A_103, %swap3A_104, %swap3A_105], %swap3A_108 {strides = array<i32>} : memref<16x1250x128xf32, #tpu.memory_space<vmem>>, vector<1x1250x128xf32>,
    %get3A_109 = arith.constant 0 : index
    %get3A_110 = arith.constant 0 : index
    %get3A_111 = vector.load %arg0[%get3A_109, %get3A_110] : memref<1250x512xf32, #tpu.memory_space<vmem>>, vector<1250x512xf32>
    %get3A_112 = arith.constant 7 : index
    %get3A_113 = arith.constant 0 : index
    %get3A_114 = arith.constant 0 : index
    %get3A_115 = vector.load %arg1[%get3A_112, %get3A_113, %get3A_114] : memref<17x512x128xf32, #tpu.memory_space<vmem>>, vector<1x512x128xf32>
    %get3A_116 = vector.shape_cast %get3A_115 : vector<1x512x128xf32> to vector<512x128xf32>
    %dot_general3A_117 = arith.constant dense<0.000000e+00> : vector<1250x128xf32>
    %dot_general3A_118 = tpu.matmul %get3A_111, %get3A_116, %dot_general3A_117 {dimension_numbers = #tpu.dot_dimension_numbers<[1], [0], [0], [1], [0, 0, 1, 1], [], []>, transpose_lhs_hint = false} : vector<1250x512xf32>, vector<512x128xf32>, vector<1250x128xf32> -> vector<1250x128xf32>
    %swap3A_119 = arith.constant 7 : index
    %swap3A_120 = arith.constant 0 : index
    %swap3A_121 = arith.constant 0 : index
    %swap3A_122 = vector.load %arg2[%swap3A_119, %swap3A_120, %swap3A_121] : memref<16x1250x128xf32, #tpu.memory_space<vmem>>, vector<1x1250x128xf32>
    %swap3A_123 = vector.shape_cast %swap3A_122 : vector<1x1250x128xf32> to vector<1250x128xf32>
    %swap3A_124 = vector.shape_cast %dot_general3A_118 : vector<1250x128xf32> to vector<1x1250x128xf32>
    tpu.vector_store %arg2[%swap3A_119, %swap3A_120, %swap3A_121], %swap3A_124 {strides = array<i32>} : memref<16x1250x128xf32, #tpu.memory_space<vmem>>, vector<1x1250x128xf32>,
    %get3A_125 = arith.constant 0 : index
    %get3A_126 = arith.constant 0 : index
    %get3A_127 = vector.load %arg0[%get3A_125, %get3A_126] : memref<1250x512xf32, #tpu.memory_space<vmem>>, vector<1250x512xf32>
    %get3A_128 = arith.constant 8 : index
    %get3A_129 = arith.constant 0 : index
    %get3A_130 = arith.constant 0 : index
    %get3A_131 = vector.load %arg1[%get3A_128, %get3A_129, %get3A_130] : memref<17x512x128xf32, #tpu.memory_space<vmem>>, vector<1x512x128xf32>
    %get3A_132 = vector.shape_cast %get3A_131 : vector<1x512x128xf32> to vector<512x128xf32>
    %dot_general3A_133 = arith.constant dense<0.000000e+00> : vector<1250x128xf32>
    %dot_general3A_134 = tpu.matmul %get3A_127, %get3A_132, %dot_general3A_133 {dimension_numbers = #tpu.dot_dimension_numbers<[1], [0], [0], [1], [0, 0, 1, 1], [], []>, transpose_lhs_hint = false} : vector<1250x512xf32>, vector<512x128xf32>, vector<1250x128xf32> -> vector<1250x128xf32>
    %swap3A_135 = arith.constant 8 : index
    %swap3A_136 = arith.constant 0 : index
    %swap3A_137 = arith.constant 0 : index
    %swap3A_138 = vector.load %arg2[%swap3A_135, %swap3A_136, %swap3A_137] : memref<16x1250x128xf32, #tpu.memory_space<vmem>>, vector<1x1250x128xf32>
    %swap3A_139 = vector.shape_cast %swap3A_138 : vector<1x1250x128xf32> to vector<1250x128xf32>
    %swap3A_140 = vector.shape_cast %dot_general3A_134 : vector<1250x128xf32> to vector<1x1250x128xf32>
    tpu.vector_store %arg2[%swap3A_135, %swap3A_136, %swap3A_137], %swap3A_140 {strides = array<i32>} : memref<16x1250x128xf32, #tpu.memory_space<vmem>>, vector<1x1250x128xf32>,
    %get3A_141 = arith.constant 0 : index
    %get3A_142 = arith.constant 0 : index
    %get3A_143 = vector.load %arg0[%get3A_141, %get3A_142] : memref<1250x512xf32, #tpu.memory_space<vmem>>, vector<1250x512xf32>
    %get3A_144 = arith.constant 9 : index
    %get3A_145 = arith.constant 0 : index
    %get3A_146 = arith.constant 0 : index
    %get3A_147 = vector.load %arg1[%get3A_144, %get3A_145, %get3A_146] : memref<17x512x128xf32, #tpu.memory_space<vmem>>, vector<1x512x128xf32>
    %get3A_148 = vector.shape_cast %get3A_147 : vector<1x512x128xf32> to vector<512x128xf32>
    %dot_general3A_149 = arith.constant dense<0.000000e+00> : vector<1250x128xf32>
    %dot_general3A_150 = tpu.matmul %get3A_143, %get3A_148, %dot_general3A_149 {dimension_numbers = #tpu.dot_dimension_numbers<[1], [0], [0], [1], [0, 0, 1, 1], [], []>, transpose_lhs_hint = false} : vector<1250x512xf32>, vector<512x128xf32>, vector<1250x128xf32> -> vector<1250x128xf32>
    %swap3A_151 = arith.constant 9 : index
    %swap3A_152 = arith.constant 0 : index
    %swap3A_153 = arith.constant 0 : index
    %swap3A_154 = vector.load %arg2[%swap3A_151, %swap3A_152, %swap3A_153] : memref<16x1250x128xf32, #tpu.memory_space<vmem>>, vector<1x1250x128xf32>
    %swap3A_155 = vector.shape_cast %swap3A_154 : vector<1x1250x128xf32> to vector<1250x128xf32>
    %swap3A_156 = vector.shape_cast %dot_general3A_150 : vector<1250x128xf32> to vector<1x1250x128xf32>
    tpu.vector_store %arg2[%swap3A_151, %swap3A_152, %swap3A_153], %swap3A_156 {strides = array<i32>} : memref<16x1250x128xf32, #tpu.memory_space<vmem>>, vector<1x1250x128xf32>,
    %get3A_157 = arith.constant 0 : index
    %get3A_158 = arith.constant 0 : index
    %get3A_159 = vector.load %arg0[%get3A_157, %get3A_158] : memref<1250x512xf32, #tpu.memory_space<vmem>>, vector<1250x512xf32>
    %get3A_160 = arith.constant 10 : index
    %get3A_161 = arith.constant 0 : index
    %get3A_162 = arith.constant 0 : index
    %get3A_163 = vector.load %arg1[%get3A_160, %get3A_161, %get3A_162] : memref<17x512x128xf32, #tpu.memory_space<vmem>>, vector<1x512x128xf32>
    %get3A_164 = vector.shape_cast %get3A_163 : vector<1x512x128xf32> to vector<512x128xf32>
    %dot_general3A_165 = arith.constant dense<0.000000e+00> : vector<1250x128xf32>
    %dot_general3A_166 = tpu.matmul %get3A_159, %get3A_164, %dot_general3A_165 {dimension_numbers = #tpu.dot_dimension_numbers<[1], [0], [0], [1], [0, 0, 1, 1], [], []>, transpose_lhs_hint = false} : vector<1250x512xf32>, vector<512x128xf32>, vector<1250x128xf32> -> vector<1250x128xf32>
    %swap3A_167 = arith.constant 10 : index
    %swap3A_168 = arith.constant 0 : index
    %swap3A_169 = arith.constant 0 : index
    %swap3A_170 = vector.load %arg2[%swap3A_167, %swap3A_168, %swap3A_169] : memref<16x1250x128xf32, #tpu.memory_space<vmem>>, vector<1x1250x128xf32>
    %swap3A_171 = vector.shape_cast %swap3A_170 : vector<1x1250x128xf32> to vector<1250x128xf32>
    %swap3A_172 = vector.shape_cast %dot_general3A_166 : vector<1250x128xf32> to vector<1x1250x128xf32>
    tpu.vector_store %arg2[%swap3A_167, %swap3A_168, %swap3A_169], %swap3A_172 {strides = array<i32>} : memref<16x1250x128xf32, #tpu.memory_space<vmem>>, vector<1x1250x128xf32>,
    %get3A_173 = arith.constant 0 : index
    %get3A_174 = arith.constant 0 : index
    %get3A_175 = vector.load %arg0[%get3A_173, %get3A_174] : memref<1250x512xf32, #tpu.memory_space<vmem>>, vector<1250x512xf32>
    %get3A_176 = arith.constant 11 : index
    %get3A_177 = arith.constant 0 : index
    %get3A_178 = arith.constant 0 : index
    %get3A_179 = vector.load %arg1[%get3A_176, %get3A_177, %get3A_178] : memref<17x512x128xf32, #tpu.memory_space<vmem>>, vector<1x512x128xf32>
    %get3A_180 = vector.shape_cast %get3A_179 : vector<1x512x128xf32> to vector<512x128xf32>
    %dot_general3A_181 = arith.constant dense<0.000000e+00> : vector<1250x128xf32>
    %dot_general3A_182 = tpu.matmul %get3A_175, %get3A_180, %dot_general3A_181 {dimension_numbers = #tpu.dot_dimension_numbers<[1], [0], [0], [1], [0, 0, 1, 1], [], []>, transpose_lhs_hint = false} : vector<1250x512xf32>, vector<512x128xf32>, vector<1250x128xf32> -> vector<1250x128xf32>
    %swap3A_183 = arith.constant 11 : index
    %swap3A_184 = arith.constant 0 : index
    %swap3A_185 = arith.constant 0 : index
    %swap3A_186 = vector.load %arg2[%swap3A_183, %swap3A_184, %swap3A_185] : memref<16x1250x128xf32, #tpu.memory_space<vmem>>, vector<1x1250x128xf32>
    %swap3A_187 = vector.shape_cast %swap3A_186 : vector<1x1250x128xf32> to vector<1250x128xf32>
    %swap3A_188 = vector.shape_cast %dot_general3A_182 : vector<1250x128xf32> to vector<1x1250x128xf32>
    tpu.vector_store %arg2[%swap3A_183, %swap3A_184, %swap3A_185], %swap3A_188 {strides = array<i32>} : memref<16x1250x128xf32, #tpu.memory_space<vmem>>, vector<1x1250x128xf32>,
    %get3A_189 = arith.constant 0 : index
    %get3A_190 = arith.constant 0 : index
    %get3A_191 = vector.load %arg0[%get3A_189, %get3A_190] : memref<1250x512xf32, #tpu.memory_space<vmem>>, vector<1250x512xf32>
    %get3A_192 = arith.constant 12 : index
    %get3A_193 = arith.constant 0 : index
    %get3A_194 = arith.constant 0 : index
    %get3A_195 = vector.load %arg1[%get3A_192, %get3A_193, %get3A_194] : memref<17x512x128xf32, #tpu.memory_space<vmem>>, vector<1x512x128xf32>
    %get3A_196 = vector.shape_cast %get3A_195 : vector<1x512x128xf32> to vector<512x128xf32>
    %dot_general3A_197 = arith.constant dense<0.000000e+00> : vector<1250x128xf32>
    %dot_general3A_198 = tpu.matmul %get3A_191, %get3A_196, %dot_general3A_197 {dimension_numbers = #tpu.dot_dimension_numbers<[1], [0], [0], [1], [0, 0, 1, 1], [], []>, transpose_lhs_hint = false} : vector<1250x512xf32>, vector<512x128xf32>, vector<1250x128xf32> -> vector<1250x128xf32>
    %swap3A_199 = arith.constant 12 : index
    %swap3A_200 = arith.constant 0 : index
    %swap3A_201 = arith.constant 0 : index
    %swap3A_202 = vector.load %arg2[%swap3A_199, %swap3A_200, %swap3A_201] : memref<16x1250x128xf32, #tpu.memory_space<vmem>>, vector<1x1250x128xf32>
    %swap3A_203 = vector.shape_cast %swap3A_202 : vector<1x1250x128xf32> to vector<1250x128xf32>
    %swap3A_204 = vector.shape_cast %dot_general3A_198 : vector<1250x128xf32> to vector<1x1250x128xf32>
    tpu.vector_store %arg2[%swap3A_199, %swap3A_200, %swap3A_201], %swap3A_204 {strides = array<i32>} : memref<16x1250x128xf32, #tpu.memory_space<vmem>>, vector<1x1250x128xf32>,
    %get3A_205 = arith.constant 0 : index
    %get3A_206 = arith.constant 0 : index
    %get3A_207 = vector.load %arg0[%get3A_205, %get3A_206] : memref<1250x512xf32, #tpu.memory_space<vmem>>, vector<1250x512xf32>
    %get3A_208 = arith.constant 13 : index
    %get3A_209 = arith.constant 0 : index
    %get3A_210 = arith.constant 0 : index
    %get3A_211 = vector.load %arg1[%get3A_208, %get3A_209, %get3A_210] : memref<17x512x128xf32, #tpu.memory_space<vmem>>, vector<1x512x128xf32>
    %get3A_212 = vector.shape_cast %get3A_211 : vector<1x512x128xf32> to vector<512x128xf32>
    %dot_general3A_213 = arith.constant dense<0.000000e+00> : vector<1250x128xf32>
    %dot_general3A_214 = tpu.matmul %get3A_207, %get3A_212, %dot_general3A_213 {dimension_numbers = #tpu.dot_dimension_numbers<[1], [0], [0], [1], [0, 0, 1, 1], [], []>, transpose_lhs_hint = false} : vector<1250x512xf32>, vector<512x128xf32>, vector<1250x128xf32> -> vector<1250x128xf32>
    %swap3A_215 = arith.constant 13 : index
    %swap3A_216 = arith.constant 0 : index
    %swap3A_217 = arith.constant 0 : index
    %swap3A_218 = vector.load %arg2[%swap3A_215, %swap3A_216, %swap3A_217] : memref<16x1250x128xf32, #tpu.memory_space<vmem>>, vector<1x1250x128xf32>
    %swap3A_219 = vector.shape_cast %swap3A_218 : vector<1x1250x128xf32> to vector<1250x128xf32>
    %swap3A_220 = vector.shape_cast %dot_general3A_214 : vector<1250x128xf32> to vector<1x1250x128xf32>
    tpu.vector_store %arg2[%swap3A_215, %swap3A_216, %swap3A_217], %swap3A_220 {strides = array<i32>} : memref<16x1250x128xf32, #tpu.memory_space<vmem>>, vector<1x1250x128xf32>,
    %get3A_221 = arith.constant 0 : index
    %get3A_222 = arith.constant 0 : index
    %get3A_223 = vector.load %arg0[%get3A_221, %get3A_222] : memref<1250x512xf32, #tpu.memory_space<vmem>>, vector<1250x512xf32>
    %get3A_224 = arith.constant 14 : index
    %get3A_225 = arith.constant 0 : index
    %get3A_226 = arith.constant 0 : index
    %get3A_227 = vector.load %arg1[%get3A_224, %get3A_225, %get3A_226] : memref<17x512x128xf32, #tpu.memory_space<vmem>>, vector<1x512x128xf32>
    %get3A_228 = vector.shape_cast %get3A_227 : vector<1x512x128xf32> to vector<512x128xf32>
    %dot_general3A_229 = arith.constant dense<0.000000e+00> : vector<1250x128xf32>
    %dot_general3A_230 = tpu.matmul %get3A_223, %get3A_228, %dot_general3A_229 {dimension_numbers = #tpu.dot_dimension_numbers<[1], [0], [0], [1], [0, 0, 1, 1], [], []>, transpose_lhs_hint = false} : vector<1250x512xf32>, vector<512x128xf32>, vector<1250x128xf32> -> vector<1250x128xf32>
    %swap3A_231 = arith.constant 14 : index
    %swap3A_232 = arith.constant 0 : index
    %swap3A_233 = arith.constant 0 : index
    %swap3A_234 = vector.load %arg2[%swap3A_231, %swap3A_232, %swap3A_233] : memref<16x1250x128xf32, #tpu.memory_space<vmem>>, vector<1x1250x128xf32>
    %swap3A_235 = vector.shape_cast %swap3A_234 : vector<1x1250x128xf32> to vector<1250x128xf32>
    %swap3A_236 = vector.shape_cast %dot_general3A_230 : vector<1250x128xf32> to vector<1x1250x128xf32>
    tpu.vector_store %arg2[%swap3A_231, %swap3A_232, %swap3A_233], %swap3A_236 {strides = array<i32>} : memref<16x1250x128xf32, #tpu.memory_space<vmem>>, vector<1x1250x128xf32>,
    %get3A_237 = arith.constant 0 : index
    %get3A_238 = arith.constant 0 : index
    %get3A_239 = vector.load %arg0[%get3A_237, %get3A_238] : memref<1250x512xf32, #tpu.memory_space<vmem>>, vector<1250x512xf32>
    %get3A_240 = arith.constant 15 : index
    %get3A_241 = arith.constant 0 : index
    %get3A_242 = arith.constant 0 : index
    %get3A_243 = vector.load %arg1[%get3A_240, %get3A_241, %get3A_242] : memref<17x512x128xf32, #tpu.memory_space<vmem>>, vector<1x512x128xf32>
    %get3A_244 = vector.shape_cast %get3A_243 : vector<1x512x128xf32> to vector<512x128xf32>
    %dot_general3A_245 = arith.constant dense<0.000000e+00> : vector<1250x128xf32>
    %dot_general3A_246 = tpu.matmul %get3A_239, %get3A_244, %dot_general3A_245 {dimension_numbers = #tpu.dot_dimension_numbers<[1], [0], [0], [1], [0, 0, 1, 1], [], []>, transpose_lhs_hint = false} : vector<1250x512xf32>, vector<512x128xf32>, vector<1250x128xf32> -> vector<1250x128xf32>
    %swap3A_247 = arith.constant 15 : index
    %swap3A_248 = arith.constant 0 : index
    %swap3A_249 = arith.constant 0 : index
    %swap3A_250 = vector.load %arg2[%swap3A_247, %swap3A_248, %swap3A_249] : memref<16x1250x128xf32, #tpu.memory_space<vmem>>, vector<1x1250x128xf32>
    %swap3A_251 = vector.shape_cast %swap3A_250 : vector<1x1250x128xf32> to vector<1250x128xf32>
    %swap3A_252 = vector.shape_cast %dot_general3A_246 : vector<1250x128xf32> to vector<1x1250x128xf32>
    tpu.vector_store %arg2[%swap3A_247, %swap3A_248, %swap3A_249], %swap3A_252 {strides = array<i32>} : memref<16x1250x128xf32, #tpu.memory_space<vmem>>, vector<1x1250x128xf32>,
    %get3A_253 = arith.constant 0 : index
    %get3A_254 = arith.constant 0 : index
    %get3A_255 = vector.load %arg0[%get3A_253, %get3A_254] : memref<1250x512xf32, #tpu.memory_space<vmem>>, vector<1250x512xf32>
    %get3A_256 = arith.constant 16 : index
    %get3A_257 = arith.constant 0 : index
    %get3A_258 = arith.constant 0 : index
    %get3A_259 = vector.load %arg1[%get3A_256, %get3A_257, %get3A_258] : memref<17x512x128xf32, #tpu.memory_space<vmem>>, vector<1x512x128xf32>
    %get3A_260 = vector.shape_cast %get3A_259 : vector<1x512x128xf32> to vector<512x128xf32>
    %dot_general3A_261 = arith.constant dense<0.000000e+00> : vector<1250x128xf32>
    %dot_general3A_262 = tpu.matmul %get3A_255, %get3A_260, %dot_general3A_261 {dimension_numbers = #tpu.dot_dimension_numbers<[1], [0], [0], [1], [0, 0, 1, 1], [], []>, transpose_lhs_hint = false} : vector<1250x512xf32>, vector<512x128xf32>, vector<1250x128xf32> -> vector<1250x128xf32>
    %swap3A_263 = arith.constant 0 : index
    %swap3A_264 = arith.constant 0 : index
    %swap3A_265 = vector.load %arg3[%swap3A_263, %swap3A_264] : memref<1250x128xf32, #tpu.memory_space<vmem>>, vector<1250x128xf32>
    tpu.vector_store %arg3[%swap3A_263, %swap3A_264], %dot_general3A_262 {strides = array<i32>} : memref<1250x128xf32, #tpu.memory_space<vmem>>, vector<1250x128xf32>,
    return
  }
}

module attributes {stable_mosaic.version = 14 : i64} {
  func.func @_combine_sigmoid_body(%arg0: memref<2x1280x128xf32, #tpu.memory_space<vmem>>, %arg1: memref<1250x128xf32, #tpu.memory_space<vmem>>, %arg2: memref<1x128xf32, #tpu.memory_space<vmem>>, %arg3: memref<1250x128xf32, #tpu.memory_space<vmem>>) attributes {dimension_semantics = [], scalar_prefetch = 0 : i64, scratch_operands = 0 : i64, tpu.core_type = #tpu.core_type<tc>} {
    %get3A = arith.constant 0 : index
    %get3A_0 = arith.constant 0 : index
    %get3A_1 = arith.constant 0 : index
    %get3A_2 = vector.load %arg0[%get3A, %get3A_0, %get3A_1] : memref<2x1280x128xf32, #tpu.memory_space<vmem>>, vector<1x1250x128xf32>
    %get3A_3 = vector.shape_cast %get3A_2 : vector<1x1250x128xf32> to vector<1250x128xf32>
    %get3A_4 = arith.constant 1 : index
    %get3A_5 = arith.constant 0 : index
    %get3A_6 = arith.constant 0 : index
    %get3A_7 = vector.load %arg0[%get3A_4, %get3A_5, %get3A_6] : memref<2x1280x128xf32, #tpu.memory_space<vmem>>, vector<1x1250x128xf32>
    %get3A_8 = vector.shape_cast %get3A_7 : vector<1x1250x128xf32> to vector<1250x128xf32>
    %add3A = arith.addf %get3A_3, %get3A_8 : vector<1250x128xf32>
    %get3A_9 = arith.constant 0 : index
    %get3A_10 = arith.constant 0 : index
    %get3A_11 = vector.load %arg1[%get3A_9, %get3A_10] : memref<1250x128xf32, #tpu.memory_space<vmem>>, vector<1250x128xf32>
    %add3A_12 = arith.addf %add3A, %get3A_11 : vector<1250x128xf32>
    %get3A_13 = arith.constant 0 : index
    %get3A_14 = arith.constant 0 : index
    %get3A_15 = vector.load %arg2[%get3A_13, %get3A_14] : memref<1x128xf32, #tpu.memory_space<vmem>>, vector<1x128xf32>
    %add3A_16 = vector.broadcast %get3A_15 : vector<1x128xf32> to vector<1250x128xf32>
    %add3A_17 = arith.addf %add3A_12, %add3A_16 : vector<1250x128xf32>
    %logistic3A = arith.negf %add3A_17 : vector<1250x128xf32>
    %logistic3A_18 = math.exp %logistic3A : vector<1250x128xf32>
    %logistic3A_19 = arith.constant 1.000000e+00 : f32
    %logistic3A_20 = vector.broadcast %logistic3A_19 : f32 to vector<1250x128xf32>
    %logistic3A_21 = arith.addf %logistic3A_20, %logistic3A_18 : vector<1250x128xf32>
    %logistic3A_22 = arith.divf %logistic3A_20, %logistic3A_21 : vector<1250x128xf32>
    %swap3A = arith.constant 0 : index
    %swap3A_23 = arith.constant 0 : index
    %swap3A_24 = vector.load %arg3[%swap3A, %swap3A_23] : memref<1250x128xf32, #tpu.memory_space<vmem>>, vector<1250x128xf32>
    tpu.vector_store %arg3[%swap3A, %swap3A_23], %logistic3A_22 {strides = array<i32>} : memref<1250x128xf32, #tpu.memory_space<vmem>>, vector<1250x128xf32>,
    return
  }
}

</mosaic_0001>

<sc_bundles>
// kernel: kernel.12.cloned.1.call-start
scs
__scs_entry_jumppad:
0x0: {  	(pc) =	sbr.rel $0x88, $3  }
0x1: {  	(tag) =	ssettag $0x0;
	lr =	simm.s32 $0x1  }
0x2: {  	[smem:$0x3F98] =	sst lr;
	_ =	strace $0xD0000000  }
0x3: {  	_ = 	snop  }
0x4: {  	_ = 	snop  }
0x5: {  	_ = 	snop  }
0x6: {  	_ = 	snop  }
0x7: {  	_ = 	snop  }
__scs_overlays_trampoline_lowered:
0x8: {  	[smem:$0x3FA7] =	sst s0  }
0x9: {  	[smem:$0x3FA8] =	sst s1  }
0xa: {  	[smem:$0x3FA9] =	sst s2  }
0xb: {  	[smem:$0x3FAA] =	sst s3  }
0xc: {  	[smem:$0x3FAB] =	sst s4  }
0xd: {  	[smem:$0x3FAC] =	sst s5  }
0xe: {  	[smem:$0x3FAD] =	sst s6  }
0xf: {  	[smem:$0x3FAE] =	sst s7  }
0x10: {  	[smem:$0x3FAF] =	sst s8  }
0x11: {  	[smem:$0x3FB0] =	sst s9;
	s0 =	simm.s32 @!p0 $0x0  }
0x12: {  	s1 =	sld [smem:$0x3F96];
	s0 =	simm.s32 @p0 $0x1  }
0x13: {  	[smem:$0x3FB1] =	sst s0;
	s0 =	simm.s32 @!p1 $0x0  }
0x14: {  	s2 =	sld [smem:$0x3F95];
	s0 =	simm.s32 @p1 $0x1  }
0x15: {  	[smem:$0x3FB2] =	sst s0;
	s0 =	simm.s32 @!p2 $0x0  }
0x16: {  	s3 =	sld [smem:$0x3FDB];
	s0 =	simm.s32 @p2 $0x1  }
0x17: {  	s4 =	simm.s32 $0x1BF5;
	[smem:$0x3FB4] =	sst s0  }
0x18: {  	s0 =	sld [smem:$0x3F97];
	_ =	swait.ge [sflag:s4], $0x0  }
0x19: {  	s7 =	sld [smem:$0x3F98]  }
0x1a: {  	s8 =	sadd.s32 $0xFFFFE003, lr  }
0x1b: {  	s9 =	sadd.s32 $0xFFFFFEF7, lr;
	s5 =	simm.s32 $0xFFFFFFFF;
	p2 =	slt.u32 s8, $0xFFFFF086  }
0x1c: {  	p1 =	slt.u32 s9, $0xF7A;
	s5 =	simm.s32 @!p2 $0x0  }
0x1d: {  	s5 =	simm.s32 @p1 $0x1;
	p0 =	seq.s32 s7, s2  }
0x1e: {  	s7 =	smul.u32 @!p0 $0xF7A, s2;
	p2 =	seq.s32 @!p0 s5, $0x0  }
0x1f: {  	s9 =	smul.u32 $0xF7A, s1;
	s8 =	simm.s32 @!p0 $0x1BF5;
	p2 =	por !p2, p0  }
0x20: {  	[sflag:s8] =	ssyncset.s32 @!p0 $0xFFFFF086;
	s6 =	sadd.s32 @!p0 s3, s7;
	s7 =	simm.s32 @!p0 $0x108  }
0x21: {  	s3 =	sadd.s32 s3, s9;
	s6 =	sadd.s32 @!p0 $0x88, s6;
	s7 =	simm.s32 @p2 $0x1082  }
0x22: {  	[simem:s7], [sflag:s8] =	dma.local @!p0 [hbm:s6], $0xF7A  }
0x23: {  	s9 =	sor.u32 $0xD0000000, s2;
	s6 =	simm.s32 $0x108;
	_ =	swait.ge @!p0 [sflag:s8], $0x0  }
0x24: {  	s3 =	sadd.s32 $0x88, s3;
	s6 =	simm.s32 @!p1 $0x1082;
	[sflag:s4] =	ssyncset.s32 $0xFFFFF086  }
0x25: {  	[simem:s6], [sflag:s4] =	dma.local [hbm:s3], $0xF7A  }
0x26: {  	[smem:$0x3F98] =	sst s1;
	(tag) =	ssettag s2;
	_ =	strace s9  }
0x27: {  	s1 =	sld [smem:$0x3FA8]  }
0x28: {  	s2 =	sld [smem:$0x3FA9]  }
0x29: {  	s4 =	sld [smem:$0x3FAB]  }
0x2a: {  	p0 =	seq.s32 s5, $0x0;
	s5 =	sld [smem:$0x3FAC]  }
0x2b: {  	s6 =	sld [smem:$0x3FAD]  }
0x2c: {  	s7 =	sld [smem:$0x3FAE]  }
0x2d: {  	s3 =	simm.s32 $0x108;
	s8 =	sld [smem:$0x3FAF]  }
0x2e: {  	s3 =	simm.s32 @!p0 $0x1082;
	s9 =	sld [smem:$0x3FB0]  }
0x2f: {  	lr =	sadd.s32 s0, s3;
	s0 =	sld [smem:$0x3FA7]  }
0x30: {  	s3 =	sld [smem:$0x3FAA]  }
0x31: {  	[smem:$0x3FB3] =	sst s10  }
0x32: {  	s10 =	sld [smem:$0x3FB1];
	_ =	sdelay $0x3  }
0x33: {  	p0 =	seq.s32 s10, $0x1;
	s10 =	sld [smem:$0x3FB3];
	_ =	sdelay $0x3  }
0x34: {  	[smem:$0x3FB3] =	sst s10  }
0x35: {  	s10 =	sld [smem:$0x3FB2];
	_ =	sdelay $0x3  }
0x36: {  	p1 =	seq.s32 s10, $0x1;
	s10 =	sld [smem:$0x3FB3];
	_ =	sdelay $0x3  }
0x37: {  	[smem:$0x3FB3] =	sst s10  }
0x38: {  	s10 =	sld [smem:$0x3FB4]  }
0x39: {  	_ = 	snop;
	(pc) =	sbr.ind lr, $3  }
0x3a: {  	_ = 	snop  }
0x3b: {  	_ = 	snop  }
0x3c: {  	p2 =	seq.s32 s10, $0x1;
	s10 =	sld [smem:$0x3FB3]  }
0x3d: {  	_ =	shalt  }
0x3e: {  	_ =	shalt  }
0x3f: {  	_ =	shalt  }
0x40: {  	_ =	shalt  }
0x41: {  	_ =	shalt  }
0x42: {  	_ =	shalt  }
0x43: {  	_ =	shalt  }
0x44: {  	_ =	shalt  }
0x45: {  	_ =	shalt  }
0x46: {  	_ =	shalt  }
0x47: {  	_ =	shalt  }
0x48: {  	_ =	shalt  }
0x49: {  	_ =	shalt  }
0x4a: {  	_ =	shalt  }
0x4b: {  	_ =	shalt  }
0x4c: {  	_ =	shalt  }
0x4d: {  	_ =	shalt  }
0x4e: {  	_ =	shalt  }
0x4f: {  	_ =	shalt  }
0x50: {  	_ =	shalt  }
0x51: {  	_ =	shalt  }
0x52: {  	_ =	shalt  }
0x53: {  	_ =	shalt  }
0x54: {  	_ =	shalt  }
0x55: {  	_ =	shalt  }
0x56: {  	_ =	shalt  }
0x57: {  	_ =	shalt  }
0x58: {  	_ =	shalt  }
0x59: {  	_ =	shalt  }
0x5a: {  	_ =	shalt  }
0x5b: {  	_ =	shalt  }
0x5c: {  	_ =	shalt  }
0x5d: {  	_ =	shalt  }
0x5e: {  	_ =	shalt  }
0x5f: {  	_ =	shalt  }
0x60: {  	_ =	shalt  }
0x61: {  	_ =	shalt  }
0x62: {  	_ =	shalt  }
0x63: {  	_ =	shalt  }
0x64: {  	_ =	shalt  }
0x65: {  	_ =	shalt  }
0x66: {  	_ =	shalt  }
0x67: {  	_ =	shalt  }
0x68: {  	_ =	shalt  }
0x69: {  	_ =	shalt  }
0x6a: {  	_ =	shalt  }
0x6b: {  	_ =	shalt  }
0x6c: {  	_ =	shalt  }
0x6d: {  	_ =	shalt  }
0x6e: {  	_ =	shalt  }
0x6f: {  	_ =	shalt  }
0x70: {  	_ =	shalt  }
0x71: {  	_ =	shalt  }
0x72: {  	_ =	shalt  }
0x73: {  	_ =	shalt  }
0x74: {  	_ =	shalt  }
0x75: {  	_ =	shalt  }
0x76: {  	_ =	shalt  }
0x77: {  	_ =	shalt  }
0x78: {  	_ =	shalt  }
0x79: {  	_ =	shalt  }
0x7a: {  	_ =	shalt  }
0x7b: {  	_ =	shalt  }
0x7c: {  	_ =	shalt  }
0x7d: {  	_ =	shalt  }
0x7e: {  	_ =	shalt  }
0x7f: {  	_ =	shalt  }
0x80: {  	_ =	shalt  }
0x81: {  	_ =	shalt  }
0x82: {  	_ =	shalt  }
0x83: {  	_ =	shalt  }
0x84: {  	_ =	shalt  }
0x85: {  	_ =	shalt  }
0x86: {  	_ =	shalt  }
0x87: {  	_ =	shalt  }
.Lfunc_end0:
.L_simem_size_0:
called_computation.1_lowered:
.L_overlay_start_0:
0x88: {  	s2 =	sld [smem:$0x3FD9]  }
0x89: {  	s3 =	sld [smem:$0x3FFE];
	_ =	sdelay $0x1  }
0x8a: {  	s1 =	srdreg.scid  }
0x8b: {  	s0 =	sand.u32 $0x1, s1  }
0x8c: {  	s16 =	sshll.u32 s0, $0xA;
	s2 =	sadd.s32 s3, s2  }
0x8d: {  	s2 =	sadd.s32 s2, s16  }
0x8e: {  	[smem:$0x3FBF] =	sst s2  }
0x8f: {  	_ = 	snop  }
0x90: {  	(tm) =	ssettm $0x1  }
0x91: {  	s17 =	sld [smem:$0x3FFB];
	_ =	sdelay $0x3  }
0x92: {  	_ =	strace s17  }
0x93: {  	s2 =	sld [smem:$0x3FFC];
	_ =	sdelay $0x3  }
0x94: {  	_ =	strace s2  }
0x95: {  	s2 =	sld [smem:$0x3FFD];
	_ =	sdelay $0x3  }
0x96: {  	_ =	strace s2  }
0x97: {  	_ =	strace $0x8FFFFFFF  }
0x98: {  	s18 =	sld [smem:$0x3FDB];
	_ =	sdelay $0x1  }
0x99: {  	s19 =	simm.s32 $_scs_section_size  }
0x9a: {  	s4 =	simm.s32 $_size__tile_overlayer_lowered;
	s5 =	simm.s32 $_tile_overlayer_lowered  }
0x9b: {  	s22 =	simm.s32 $0x1BFF;
	s21 =	sshll.u32 s5, $0x1;
	s2 =	sadd.s32 s19, s18  }
0x9c: {  	s6 =	simm.s32 $0x0;
	s20 =	sshll.u32 s4, $0x1;
	s4 =	sadd.s32 s21, s2  }
0x9d: {  	[timem:s6], [sflag:s22] =	dma.local [hbm:s4], s20  }
0x9e: {  	_ =	swait.ge [sflag:s22], s20  }
0x9f: {  	s3 =	ssub.s32 $0x0, s20;
	[sflag:s22] =	ssyncset.done $0x0  }
0xa0: {  	[sflag:s22] =	ssyncadd.s32 s3;
	_ =	sdelay $0x1  }
0xa1: {  	s23 =	simm.s32 $0x1B8B  }
0xa2: {  	_ =	swait.ge [sflag:s23], $0x1  }
0xa3: {  	[sflag:s23] =	ssyncset.done $0x0  }
0xa4: {  	s25 =	simm.s32 $0x1B8E;
	s24 =	sld [smem:$0x3FFE];
	[sflag:s23] =	ssyncadd.s32 $0xFFFFFFFF  }
0xa5: {  	s26 =	simm.s32 $execute0_lowered;
	[smem:$0x3FD2] =	sst s25  }
0xa6: {  	s4 =	sshll.u32 s26, $0x1;
	_ =	strace $0x80000049;
	[dreg:$0x1] =	wrdreg $0xFFFFFFFF  }
0xa7: {  	s28 =	simm.s32 $_size_execute0_lowered;
	s2 =	sadd.s32 s2, s4;
	[dreg:$0x0] =	wrdreg $0x0  }
0xa8: {  	s4 =	sshll.u32 s28, $0x1;
	[dreg:$0x2] =	wrdreg s2  }
0xa9: {  	[dreg:$0x3] =	wrdreg s4  }
0xaa: {  	[dreg:$0x4] =	wrdreg $0xC0  }
0xab: {  	_ =	task [dreg:s6], $0x5FFFF  }
0xac: {  	[dreg:$0x1] =	wrdreg $0xFFFFFFFF  }
0xad: {  	[dreg:$0x0] =	wrdreg $0x60  }
0xae: {  	[dreg:$0x2] =	wrdreg s24  }
0xaf: {  	[dreg:$0x3] =	wrdreg $0x0  }
0xb0: {  	[dreg:$0x4] =	wrdreg $0x9  }
0xb1: {  	_ =	task.clear_ibuf [dreg:s6], $0x5FFFF;
	_ =	strace $0x90000049  }
0xb2: {  	s29 =	simm.s32 $0x9;
	_ =	strace $0x8000004B  }
0xb3: {  	_ =	swait.ge [sflag:s29], $0x1  }
0xb4: {  	[sflag:s29] =	ssyncadd.s32 $0xFFFFFFFF  }
0xb5: {  	_ =	strace $0x9000004B  }
0xb6: {  	_ =	sfence  }
0xb7: {  	s30 =	sld [smem:$0x0];
	_ =	sdelay $0x2  }
0xb8: {  	s31 =	sshll.u32 s1, $0xD;
	s1 =	sshrl.u32 s1, $0x2  }
0xb9: {  	s3 =	sand.u32 $0x4000, s31;
	s1 =	sadd.s32 s1, s30  }
0xba: {  	s0 =	sor.u32 s3, s0;
	s1 =	sshll.u32 s1, $0x11  }
0xbb: {  	s0 =	sor.u32 s1, s0  }
0xbc: {  	s0 =	sadd.s32 $0x8F2B, s0  }
0xbd: {  	[sflag:s0] =	ssyncadd.remote.s32 $0x1  }
0xbe: {  	_ =	sfence.sel $0xFFFF  }
0xbf: {  	[dreg:$0x0] =	wrdreg $0xFFFFFFFF;
	(pc) =	sbr.abs _section_cstart, $3  }
0xc0: {  	[dreg:$0x1] =	wrdreg $0xFFFFFFFF  }
0xc1: {  	_ =	task.clear_ibuf [dreg:s6], $0x2FFFF;
	_ =	strace $0x9FFFFFFF  }
0xc2: {  	(tm) =	ssettm $0x7FFFFFFF  }
0xc3: {  	_ =	shalt  }
tec
execute0_lowered:
.L_overlay_start_1:
0x0: {  	(tag) =	ssettag $0x1  }
0x1: {  	s0 =	srdreg.scid;
	s1 =	rddreg [dreg:$0x0]  }
0x2: {  	s2 =	rddreg [dreg:$0x1];
	s8 =	stileid.u32;
	s3 =	simm.s32 $0x0  }
0x3: {  	s29 =	simm.s32 $0x1DD30;
	s30 =	simm.s32 $0x50;
	s28 =	simm.s32 $0x1  }
0x4: {  	s31 =	simm.s32 $0x2;
	s0 =	sand.u32 $0x1, s0;
	s14 =	smul.u32 $0x28000, s8  }
0x5: {  	[smem:$0x7FF] =	sst s3;
	s19 =	smul.u32 $0xA000, s8;
	s4 =	sshll.u32 s0, $0x4  }
0x6: {  	_ =	strace $0x8000004A;
	s5 =	ssub.s32 $0x2, s0;
	s0 =	smul.u32 $0xA0000, s0  }
0x7: {  	s4 =	sor.u32 s8, s4;
	s7 =	sshrl.u32 s5, $0x1;
	s16 =	sshrl.u32 s14, $0x2  }
0x8: {  	s17 =	sadd.s32 s19, s2;
	s20 =	sadd.s32 $0x2000, s19;
	s22 =	sadd.s32 $0x4000, s19  }
0x9: {  	s24 =	sadd.s32 $0x6000, s19;
	s25 =	sadd.s32 $0x8000, s19;
	s4 =	smul.u32 $0x4E2, s4  }
0xa: {  	s5 =	ssub.s32 s5, s7;
	s8 =	sadd.s32 s16, s2;
	[dreg:$0x6] =	wrdreg s17  }
0xb: {  	s18 =	sadd.s32 s0, s19;
	s21 =	sadd.s32 s0, s20;
	s16 =	sadd.s32 s20, s2  }
0xc: {  	s23 =	sadd.s32 s0, s22;
	s26 =	sadd.s32 s0, s24;
	s0 =	sadd.s32 s0, s25  }
0xd: {  	s20 =	sadd.s32 s24, s2;
	s10 =	smax.u32 s5, $0x1;
	s11 =	sadd.s32 $0x2000, s8  }
0xe: {  	s12 =	sadd.s32 $0x4000, s8;
	s13 =	sadd.s32 $0x6000, s8;
	s5 =	sshrl.u32 s18, $0x3  }
0xf: {  	s14 =	sadd.s32 $0x8000, s8;
	s18 =	sadd.s32 s22, s2;
	s0 =	sshrl.u32 s0, $0x3  }
0x10: {  	s22 =	sadd.s32 s25, s2;
	s25 =	simm.s32 $0x3;
	s6 =	sadd.s32 s4, s1  }
0x11: {  	s4 =	sadd.s32 $0x33C00, s1;
	s1 =	sadd.s32 $0x16C400, s1;
	s9 =	sadd.s32 $0x29E00, s6  }
0x12: {  	s15 =	sadd.s32 $0x20000, s6;
	s6 =	sadd.s32 $0x16200, s6;
	[dreg:$0x3] =	wrdreg s9  }
0x13: {  	[dreg:$0x4] =	wrdreg s15;
	s15 =	sadd.s32 s1, s5;
	s5 =	sshrl.u32 s21, $0x3  }
0x14: {  	[dreg:$0x5] =	wrdreg s6;
	s17 =	sadd.s32 s1, s5;
	s5 =	sshrl.u32 s23, $0x3  }
0x15: {  	s23 =	sadd.s32 s1, s0;
	s19 =	sadd.s32 s1, s5;
	s5 =	sshrl.u32 s26, $0x3  }
0x16: {  	v0 =	vimm.f32 $0.0e+00;
	s0 =	simm.s32 $0x0;
	s26 =	simm.s32 $0xC710;
	s21 =	sadd.s32 s1, s5  }
.LBB2_1:
0x17: {  	s1 =	rddreg [dreg:$0x3];
	s5 =	simm.s32 $0xA000  }
0x18: {  	[tilespmem:s5], [sflag:$0x3] =	stream.linear.gather [hbm4b:s1+s3], $0x2710, $0x38;
	[tilespmem:$0x1FD30] =	vst v63  }
0x19: {  	_ =	swait.ge [sflag:s25], $0x2710  }
0x1a: {  	[sflag:s25] =	ssyncset.done $0x0  }
0x1b: {  	s7 =	rddreg [dreg:$0x4];
	[sflag:s25] =	ssyncadd.s32 $0xFFFFD8F0  }
0x1c: {  	[tilespmem:s26], [sflag:$0x3] =	stream.linear.gather [hbm4b:s7+s3], $0x2710, $0x38;
	[tilespmem:$0x1FD30] =	vst v63  }
0x1d: {  	_ =	swait.ge [sflag:s25], $0x2710  }
0x1e: {  	[sflag:s25] =	ssyncset.done $0x0  }
0x1f: {  	s24 =	simm.s32 $0xEE20;
	s9 =	rddreg [dreg:$0x5];
	[sflag:s25] =	ssyncadd.s32 $0xFFFFD8F0  }
0x20: {  	[tilespmem:s24], [sflag:$0x3] =	stream.linear.gather [hbm4b:s9+s3], $0x2710, $0x38;
	[tilespmem:$0x1FD30] =	vst v63  }
0x21: {  	_ =	swait.ge [sflag:s25], $0x2710  }
0x22: {  	[sflag:s25] =	ssyncset.done $0x0  }
0x23: {  	s1 =	simm.s32 $0x1DDB0;
	[sflag:s25] =	ssyncadd.s32 $0xFFFFD8F0  }
0x24: {  	[tilespmem:s1+$0xFFFFFF80] =	vst v0  }
0x25: {  	[tilespmem:s1+$0x70] =	vst v0  }
0x26: {  	[tilespmem:s1+$0x60] =	vst v0  }
0x27: {  	[tilespmem:s1+$0x50] =	vst v0  }
0x28: {  	[tilespmem:s1+$0x40] =	vst v0  }
0x29: {  	[tilespmem:s1+$0x30] =	vst v0  }
0x2a: {  	[tilespmem:s1+$0x20] =	vst v0  }
0x2b: {  	[tilespmem:s1+$0x10] =	vst v0  }
0x2c: {  	[tilespmem:s1+$0x0] =	vst v0  }
0x2d: {  	[tilespmem:s1+$0xFFFFFFF0] =	vst v0  }
0x2e: {  	[tilespmem:s1+$0xFFFFFFE0] =	vst v0  }
0x2f: {  	[tilespmem:s1+$0xFFFFFFD0] =	vst v0  }
0x30: {  	[tilespmem:s1+$0xFFFFFFC0] =	vst v0  }
0x31: {  	[tilespmem:s1+$0xFFFFFFB0] =	vst v0  }
0x32: {  	s5 =	simm.s32 $0x0;
	[tilespmem:s1+$0xFFFFFFA0] =	vst v0  }
.LBB2_2:
0x33: {  	s5 =	sadd.s32 $0x4, s5;
	[tilespmem:s1+$0xFFFFFF90] =	vst v0;
	s1 =	sadd.s32 $0x100, s1  }
0x34: {  	[tilespmem:s1+$0xFFFFFF80] =	vst v0;
	p0 =	slt.u32 s5, $0x7C  }
0x35: {  	[tilespmem:s1+$0x70] =	vst v0  }
0x36: {  	[tilespmem:s1+$0x60] =	vst v0  }
0x37: {  	[tilespmem:s1+$0x50] =	vst v0  }
0x38: {  	[tilespmem:s1+$0x40] =	vst v0  }
0x39: {  	[tilespmem:s1+$0x30] =	vst v0  }
0x3a: {  	[tilespmem:s1+$0x20] =	vst v0  }
0x3b: {  	[tilespmem:s1+$0x10] =	vst v0  }
0x3c: {  	[tilespmem:s1+$0x0] =	vst v0  }
0x3d: {  	[tilespmem:s1+$0xFFFFFFF0] =	vst v0  }
.Ltmp0:
0x3e: {  	[tilespmem:s1+$0xFFFFFFE0] =	vst v0;
	(pc) =	sbr.rel @p0 .LBB2_2-.Ltmp0, $4  }
0x3f: {  	[tilespmem:s1+$0xFFFFFFD0] =	vst v0  }
0x40: {  	[tilespmem:s1+$0xFFFFFFC0] =	vst v0  }
0x41: {  	[tilespmem:s1+$0xFFFFFFB0] =	vst v0  }
0x42: {  	[tilespmem:s1+$0xFFFFFFA0] =	vst v0  }
0x43: {  	[tilespmem:s1+$0xFFFFFF90] =	vst v0  }
0x44: {  	[spmem:s8] =	stream.linear.scatter [tilespmem:s29], [sflag:$0x3], $0x2000, $0x38;
	[tilespmem:$0x1FD30] =	vst v63  }
0x45: {  	_ =	swait.ge [sflag:s25], $0x2000  }
0x46: {  	[sflag:s25] =	ssyncset.done $0x0  }
0x47: {  	[sflag:s25] =	ssyncadd.s32 $0xFFFFE000  }
0x48: {  	[spmem:s11] =	stream.linear.scatter [tilespmem:s29], [sflag:$0x3], $0x2000, $0x38;
	[tilespmem:$0x1FD30] =	vst v63  }
0x49: {  	_ =	swait.ge [sflag:s25], $0x2000  }
0x4a: {  	[sflag:s25] =	ssyncset.done $0x0  }
0x4b: {  	[sflag:s25] =	ssyncadd.s32 $0xFFFFE000  }
0x4c: {  	[spmem:s12] =	stream.linear.scatter [tilespmem:s29], [sflag:$0x3], $0x2000, $0x38;
	[tilespmem:$0x1FD30] =	vst v63  }
0x4d: {  	_ =	swait.ge [sflag:s25], $0x2000  }
0x4e: {  	[sflag:s25] =	ssyncset.done $0x0  }
0x4f: {  	[sflag:s25] =	ssyncadd.s32 $0xFFFFE000  }
0x50: {  	[spmem:s13] =	stream.linear.scatter [tilespmem:s29], [sflag:$0x3], $0x2000, $0x38;
	[tilespmem:$0x1FD30] =	vst v63  }
0x51: {  	_ =	swait.ge [sflag:s25], $0x2000  }
0x52: {  	[sflag:s25] =	ssyncset.done $0x0  }
0x53: {  	[sflag:s25] =	ssyncadd.s32 $0xFFFFE000  }
0x54: {  	[spmem:s14] =	stream.linear.scatter [tilespmem:s29], [sflag:$0x3], $0x2000, $0x38;
	[tilespmem:$0x1FD30] =	vst v63  }
0x55: {  	_ =	swait.ge [sflag:s25], $0x2000  }
0x56: {  	[sflag:s25] =	ssyncset.done $0x0  }
0x57: {  	[sflag:s25] =	ssyncadd.s32 $0xFFFFE000  }
0x58: {  	s6 =	simm.s32 $0x11530;
	[bflag:$0x0] =	sbarrier.arrive $0xFFFF  }
0x59: {  	[tilespmem:s6], [sflag:$0x1] =	stream.indirect.gather [hbm4b:s4+s30], $0x40, s26, s30, $0xb8;
	[tilespmem:$0x1FD30] =	vst v63  }
0x5a: {  	s7 =	simm.s32 $0xC760;
	s5 =	simm.s32 $0x12930  }
0x5b: {  	[tilespmem:s5], [sflag:$0x1] =	stream.indirect.gather [hbm4b:s4+s30], $0x40, s7, s30, $0xb8;
	[tilespmem:$0x1FD30] =	vst v63  }
0x5c: {  	s9 =	simm.s32 $0xC7B0;
	s24 =	simm.s32 $0x13D30  }
0x5d: {  	[tilespmem:s24], [sflag:$0x1] =	stream.indirect.gather [hbm4b:s4+s30], $0x40, s9, s30, $0xb8;
	[tilespmem:$0x1FD30] =	vst v63  }
0x5e: {  	s6 =	simm.s32 $0xC800;
	s7 =	simm.s32 $0x15130  }
0x5f: {  	[tilespmem:s7], [sflag:$0x1] =	stream.indirect.gather [hbm4b:s4+s30], $0x40, s6, s30, $0xb8;
	[tilespmem:$0x1FD30] =	vst v63  }
0x60: {  	s1 =	simm.s32 $0x0;
	s9 =	simm.s32 $0xC850;
	s24 =	simm.s32 $0x16530  }
0x61: {  	[tilespmem:s24], [sflag:$0x1] =	stream.indirect.gather [hbm4b:s4+s30], $0x40, s9, s30, $0xb8;
	[tilespmem:$0x1FD30] =	vst v63  }
0x62: {  	s5 =	simm.s32 $0xA000;
	s6 =	simm.s32 $0xEE40;
	s24 =	simm.s32 $0xC8A0  }
.LBB2_4:
0x63: {  	s7 =	smul.u32 $0xCD, s1;
	_ =	sdelay $0x1  }
0x64: {  	s7 =	sshrl.u32 s7, $0xB  }
0x65: {  	s7 =	sand.u32 $0x1F, s7  }
0x66: {  	s7 =	smul.u32 $0xA, s7;
	_ =	sdelay $0x1  }
0x67: {  	s7 =	ssub.s32 s1, s7  }
0x68: {  	_ =	swait.ge [sflag:s28], $0x1400;
	s7 =	sand.u32 $0xFF, s7  }
0x69: {  	[sflag:s28] =	ssyncset.done $0x0;
	s7 =	smul.u32 $0x5000, s7  }
0x6a: {  	[sflag:s28] =	ssyncadd.s32 $0xFFFFEC00  }
0x6b: {  	v2 =	vld [tilespmem:s6+$0xFFFFFFE0];
	s7 =	sshrl.u32 s7, $0x2  }
0x6c: {  	v1 =	vld [tilespmem:s7+$0x11530]  }
0x6d: {  	v3 =	vld [tilespmem:s7+$0x11540]  }
0x6e: {  	v4 =	vld [tilespmem:s7+$0x11550]  }
0x6f: {  	v5 =	vld [tilespmem:s7+$0x11560]  }
0x70: {  	v6 =	vbroadcast v2, $0x0;
	v7 =	vld [tilespmem:s7+$0x11570]  }
0x71: {  	v8 =	vld [tilespmem:s7+$0x11580]  }
0x72: {  	v9 =	vld [tilespmem:s7+$0x11590];
	v1 =	vmul.f32 v6, v1  }
0x73: {  	v10 =	vld [tilespmem:s7+$0x115A0];
	v3 =	vmul.f32 v3, v6  }
0x74: {  	v26 =	vbroadcast v2, $0x1;
	v11 =	vld [tilespmem:s7+$0x115B0];
	[tilespmem:s7+$0x11530] =	vst v1;
	v1 =	vmul.f32 v4, v6  }
0x75: {  	v27 =	vld [tilespmem:s7+$0x115C0];
	[tilespmem:s7+$0x11540] =	vst v3;
	v3 =	vmul.f32 v5, v6  }
0x76: {  	v28 =	vld [tilespmem:s7+$0x115D0];
	[tilespmem:s7+$0x11550] =	vst v1;
	v1 =	vmul.f32 v7, v26  }
0x77: {  	v29 =	vld [tilespmem:s7+$0x115E0];
	[tilespmem:s7+$0x11560] =	vst v3;
	v3 =	vmul.f32 v8, v26  }
0x78: {  	v30 =	vbroadcast v2, $0x2;
	v31 =	vld [tilespmem:s7+$0x115F0];
	[tilespmem:s7+$0x11570] =	vst v1;
	v1 =	vmul.f32 v9, v26  }
0x79: {  	v32 =	vld [tilespmem:s7+$0x11600];
	[tilespmem:s7+$0x11580] =	vst v3;
	v3 =	vmul.f32 v10, v26  }
0x7a: {  	v33 =	vld [tilespmem:s7+$0x11610];
	[tilespmem:s7+$0x11590] =	vst v1;
	v1 =	vmul.f32 v11, v30  }
0x7b: {  	v34 =	vld [tilespmem:s7+$0x11620];
	[tilespmem:s7+$0x115A0] =	vst v3;
	v3 =	vmul.f32 v27, v30  }
0x7c: {  	v35 =	vbroadcast v2, $0x3;
	v36 =	vld [tilespmem:s7+$0x11630];
	[tilespmem:s7+$0x115B0] =	vst v1;
	v1 =	vmul.f32 v28, v30  }
0x7d: {  	v37 =	vld [tilespmem:s7+$0x11640];
	[tilespmem:s7+$0x115C0] =	vst v3;
	v3 =	vmul.f32 v29, v30  }
0x7e: {  	v38 =	vld [tilespmem:s7+$0x11650];
	[tilespmem:s7+$0x115D0] =	vst v1;
	v1 =	vmul.f32 v31, v35  }
0x7f: {  	v39 =	vld [tilespmem:s7+$0x11660];
	[tilespmem:s7+$0x115E0] =	vst v3;
	v3 =	vmul.f32 v32, v35  }
0x80: {  	v40 =	vbroadcast v2, $0x4;
	v41 =	vld [tilespmem:s7+$0x11670];
	[tilespmem:s7+$0x115F0] =	vst v1;
	v1 =	vmul.f32 v33, v35  }
0x81: {  	v42 =	vld [tilespmem:s7+$0x11680];
	[tilespmem:s7+$0x11600] =	vst v3;
	v3 =	vmul.f32 v34, v35  }
0x82: {  	v43 =	vld [tilespmem:s7+$0x11690];
	[tilespmem:s7+$0x11610] =	vst v1;
	v1 =	vmul.f32 v36, v40  }
0x83: {  	v44 =	vld [tilespmem:s7+$0x116A0];
	[tilespmem:s7+$0x11620] =	vst v3;
	v3 =	vmul.f32 v37, v40  }
0x84: {  	v45 =	vbroadcast v2, $0x5;
	v46 =	vld [tilespmem:s7+$0x116B0];
	[tilespmem:s7+$0x11630] =	vst v1;
	v1 =	vmul.f32 v38, v40  }
0x85: {  	v47 =	vld [tilespmem:s7+$0x116C0];
	[tilespmem:s7+$0x11640] =	vst v3;
	v3 =	vmul.f32 v39, v40  }
0x86: {  	v48 =	vld [tilespmem:s7+$0x116D0];
	[tilespmem:s7+$0x11650] =	vst v1;
	v1 =	vmul.f32 v41, v45  }
0x87: {  	v49 =	vld [tilespmem:s7+$0x116E0];
	[tilespmem:s7+$0x11660] =	vst v3;
	v3 =	vmul.f32 v42, v45  }
0x88: {  	v50 =	vbroadcast v2, $0x6;
	v51 =	vld [tilespmem:s7+$0x116F0];
	[tilespmem:s7+$0x11670] =	vst v1;
	v1 =	vmul.f32 v43, v45  }
0x89: {  	v52 =	vld [tilespmem:s7+$0x11700];
	[tilespmem:s7+$0x11680] =	vst v3;
	v3 =	vmul.f32 v44, v45  }
0x8a: {  	v53 =	vld [tilespmem:s7+$0x11710];
	[tilespmem:s7+$0x11690] =	vst v1;
	v1 =	vmul.f32 v46, v50  }
0x8b: {  	v54 =	vld [tilespmem:s7+$0x11720];
	[tilespmem:s7+$0x116A0] =	vst v3;
	v3 =	vmul.f32 v47, v50  }
0x8c: {  	v55 =	vbroadcast v2, $0x7;
	v56 =	vld [tilespmem:s7+$0x11730];
	[tilespmem:s7+$0x116B0] =	vst v1;
	v1 =	vmul.f32 v48, v50  }
0x8d: {  	v57 =	vld [tilespmem:s7+$0x11740];
	[tilespmem:s7+$0x116C0] =	vst v3;
	v3 =	vmul.f32 v49, v50  }
0x8e: {  	v58 =	vld [tilespmem:s7+$0x11750];
	[tilespmem:s7+$0x116D0] =	vst v1;
	v1 =	vmul.f32 v51, v55  }
0x8f: {  	v59 =	vld [tilespmem:s7+$0x11760];
	[tilespmem:s7+$0x116E0] =	vst v3;
	v3 =	vmul.f32 v52, v55  }
0x90: {  	v60 =	vbroadcast v2, $0x8;
	v61 =	vld [tilespmem:s7+$0x11770];
	[tilespmem:s7+$0x116F0] =	vst v1;
	v1 =	vmul.f32 v53, v55  }
0x91: {  	v62 =	vld [tilespmem:s7+$0x11780];
	[tilespmem:s7+$0x11700] =	vst v3;
	v3 =	vmul.f32 v54, v55  }
0x92: {  	v63 =	vld [tilespmem:s7+$0x11790];
	[tilespmem:s7+$0x11710] =	vst v1;
	v1 =	vmul.f32 v56, v60  }
0x93: {  	v12 =	vld [tilespmem:s7+$0x117A0];
	[tilespmem:s7+$0x11720] =	vst v3;
	v3 =	vmul.f32 v57, v60  }
0x94: {  	v13 =	vbroadcast v2, $0x9;
	v14 =	vld [tilespmem:s7+$0x117B0];
	[tilespmem:s7+$0x11730] =	vst v1;
	v1 =	vmul.f32 v58, v60  }
0x95: {  	v15 =	vld [tilespmem:s7+$0x117C0];
	[tilespmem:s7+$0x11740] =	vst v3;
	v3 =	vmul.f32 v59, v60  }
0x96: {  	v16 =	vld [tilespmem:s7+$0x117D0];
	[tilespmem:s7+$0x11750] =	vst v1;
	v1 =	vmul.f32 v61, v13  }
0x97: {  	v17 =	vld [tilespmem:s7+$0x117E0];
	[tilespmem:s7+$0x11760] =	vst v3;
	v3 =	vmul.f32 v62, v13  }
0x98: {  	v18 =	vbroadcast v2, $0xA;
	v19 =	vld [tilespmem:s7+$0x117F0];
	[tilespmem:s7+$0x11770] =	vst v1;
	v1 =	vmul.f32 v63, v13  }
0x99: {  	v20 =	vld [tilespmem:s7+$0x11800];
	[tilespmem:s7+$0x11780] =	vst v3;
	v3 =	vmul.f32 v12, v13  }
0x9a: {  	v21 =	vld [tilespmem:s7+$0x11810];
	[tilespmem:s7+$0x11790] =	vst v1;
	v1 =	vmul.f32 v14, v18  }
0x9b: {  	v22 =	vld [tilespmem:s7+$0x11820];
	[tilespmem:s7+$0x117A0] =	vst v3;
	v3 =	vmul.f32 v15, v18  }
0x9c: {  	v23 =	vbroadcast v2, $0xB;
	v24 =	vld [tilespmem:s7+$0x11830];
	[tilespmem:s7+$0x117B0] =	vst v1;
	v1 =	vmul.f32 v16, v18  }
0x9d: {  	v25 =	vld [tilespmem:s7+$0x11840];
	[tilespmem:s7+$0x117C0] =	vst v3;
	v3 =	vmul.f32 v17, v18  }
0x9e: {  	v26 =	vld [tilespmem:s7+$0x11850];
	[tilespmem:s7+$0x117D0] =	vst v1;
	v1 =	vmul.f32 v19, v23  }
0x9f: {  	v27 =	vld [tilespmem:s7+$0x11860];
	[tilespmem:s7+$0x117E0] =	vst v3;
	v3 =	vmul.f32 v20, v23  }
0xa0: {  	v28 =	vbroadcast v2, $0xC;
	v29 =	vld [tilespmem:s7+$0x11870];
	[tilespmem:s7+$0x117F0] =	vst v1;
	v1 =	vmul.f32 v21, v23  }
0xa1: {  	v30 =	vld [tilespmem:s7+$0x11880];
	[tilespmem:s7+$0x11800] =	vst v3;
	v3 =	vmul.f32 v22, v23  }
0xa2: {  	v31 =	vld [tilespmem:s7+$0x11890];
	[tilespmem:s7+$0x11810] =	vst v1;
	v1 =	vmul.f32 v24, v28  }
0xa3: {  	v32 =	vld [tilespmem:s7+$0x118A0];
	[tilespmem:s7+$0x11820] =	vst v3;
	v3 =	vmul.f32 v25, v28  }
0xa4: {  	v33 =	vbroadcast v2, $0xD;
	v34 =	vld [tilespmem:s7+$0x118B0];
	[tilespmem:s7+$0x11830] =	vst v1;
	v1 =	vmul.f32 v26, v28  }
0xa5: {  	v35 =	vld [tilespmem:s7+$0x118C0];
	[tilespmem:s7+$0x11840] =	vst v3;
	v3 =	vmul.f32 v27, v28  }
0xa6: {  	v36 =	vld [tilespmem:s7+$0x118D0];
	[tilespmem:s7+$0x11850] =	vst v1;
	v1 =	vmul.f32 v29, v33  }
0xa7: {  	v37 =	vld [tilespmem:s7+$0x118E0];
	[tilespmem:s7+$0x11860] =	vst v3;
	v3 =	vmul.f32 v30, v33  }
0xa8: {  	v38 =	vbroadcast v2, $0xE;
	v39 =	vld [tilespmem:s7+$0x118F0];
	[tilespmem:s7+$0x11870] =	vst v1;
	v1 =	vmul.f32 v31, v33  }
0xa9: {  	v40 =	vld [tilespmem:s7+$0x11900];
	[tilespmem:s7+$0x11880] =	vst v3;
	v3 =	vmul.f32 v32, v33  }
0xaa: {  	v41 =	vmul.f32 v34, v38;
	v42 =	vld [tilespmem:s7+$0x11910];
	[tilespmem:s7+$0x11890] =	vst v1  }
0xab: {  	[tilespmem:s7+$0x118A0] =	vst v3;
	v3 =	vmul.f32 v35, v38;
	v1 =	vld [tilespmem:s6+$0xFFFFFFF0]  }
0xac: {  	v2 =	vbroadcast v2, $0xF;
	[tilespmem:s7+$0x118B0] =	vst v41;
	v43 =	vmul.f32 v36, v38;
	v44 =	vld [tilespmem:s7+$0x11920]  }
0xad: {  	v45 =	vld [tilespmem:s7+$0x11930];
	[tilespmem:s7+$0x118C0] =	vst v3;
	v3 =	vmul.f32 v37, v38  }
0xae: {  	[tilespmem:s7+$0x118D0] =	vst v43;
	v46 =	vmul.f32 v39, v2;
	v47 =	vld [tilespmem:s7+$0x11940]  }
0xaf: {  	v48 =	vld [tilespmem:s7+$0x11950];
	[tilespmem:s7+$0x118E0] =	vst v3;
	v3 =	vmul.f32 v40, v2  }
0xb0: {  	[tilespmem:s7+$0x118F0] =	vst v46;
	v49 =	vmul.f32 v42, v2;
	v51 =	vld [tilespmem:s7+$0x11960];
	v50 =	vbroadcast v1, $0x0  }
0xb1: {  	v2 =	vmul.f32 v44, v2;
	[tilespmem:s7+$0x11900] =	vst v3;
	v3 =	vld [tilespmem:s7+$0x11970]  }
0xb2: {  	[tilespmem:s7+$0x11910] =	vst v49;
	v53 =	vld [tilespmem:s7+$0x11980];
	v52 =	vmul.f32 v50, v45  }
0xb3: {  	v54 =	vld [tilespmem:s7+$0x11990];
	[tilespmem:s7+$0x11920] =	vst v2;
	v2 =	vmul.f32 v47, v50  }
0xb4: {  	v56 =	vld [tilespmem:s7+$0x119A0];
	v55 =	vbroadcast v1, $0x1;
	v4 =	vmul.f32 v48, v50;
	[tilespmem:s7+$0x11930] =	vst v52  }
0xb5: {  	v57 =	vld [tilespmem:s7+$0x119B0];
	[tilespmem:s7+$0x11940] =	vst v2;
	v2 =	vmul.f32 v51, v50  }
0xb6: {  	[tilespmem:s7+$0x11950] =	vst v4;
	v3 =	vmul.f32 v3, v55  }
0xb7: {  	[tilespmem:s7+$0x11960] =	vst v2;
	v2 =	vmul.f32 v53, v55  }
0xb8: {  	v58 =	vbroadcast v1, $0x2;
	[tilespmem:s7+$0x11970] =	vst v3;
	v3 =	vmul.f32 v54, v55  }
0xb9: {  	[tilespmem:s7+$0x11980] =	vst v2;
	v2 =	vmul.f32 v56, v55  }
0xba: {  	[tilespmem:s7+$0x11990] =	vst v3;
	v3 =	vmul.f32 v57, v58  }
0xbb: {  	[tilespmem:s7+$0x119A0] =	vst v2  }
0xbc: {  	v2 =	vld [tilespmem:s7+$0x119C0];
	[tilespmem:s7+$0x119B0] =	vst v3  }
0xbd: {  	v3 =	vld [tilespmem:s7+$0x119D0]  }
0xbe: {  	v59 =	vld [tilespmem:s7+$0x119E0]  }
0xbf: {  	v60 =	vld [tilespmem:s7+$0x119F0]  }
0xc0: {  	v61 =	vld [tilespmem:s7+$0x11A00]  }
0xc1: {  	v62 =	vld [tilespmem:s7+$0x11A10]  }
0xc2: {  	v63 =	vld [tilespmem:s7+$0x11A20]  }
0xc3: {  	v16 =	vld [tilespmem:s7+$0x11A30]  }
0xc4: {  	v17 =	vld [tilespmem:s7+$0x11A40];
	v2 =	vmul.f32 v2, v58  }
0xc5: {  	v12 =	vbroadcast v1, $0x3;
	v13 =	vld [tilespmem:s7+$0x11A50];
	v3 =	vmul.f32 v3, v58  }
0xc6: {  	v18 =	vld [tilespmem:s7+$0x11A60];
	[tilespmem:s7+$0x119C0] =	vst v2;
	v2 =	vmul.f32 v59, v58  }
0xc7: {  	v19 =	vld [tilespmem:s7+$0x11A70];
	[tilespmem:s7+$0x119D0] =	vst v3;
	v3 =	vmul.f32 v60, v12  }
0xc8: {  	v20 =	vld [tilespmem:s7+$0x11A80];
	[tilespmem:s7+$0x119E0] =	vst v2;
	v2 =	vmul.f32 v61, v12  }
0xc9: {  	v21 =	vbroadcast v1, $0x4;
	v22 =	vld [tilespmem:s7+$0x11A90];
	[tilespmem:s7+$0x119F0] =	vst v3;
	v3 =	vmul.f32 v62, v12  }
0xca: {  	v23 =	vld [tilespmem:s7+$0x11AA0];
	[tilespmem:s7+$0x11A00] =	vst v2;
	v2 =	vmul.f32 v63, v12  }
0xcb: {  	v24 =	vld [tilespmem:s7+$0x11AB0];
	[tilespmem:s7+$0x11A10] =	vst v3;
	v3 =	vmul.f32 v16, v21  }
0xcc: {  	v25 =	vld [tilespmem:s7+$0x11AC0];
	[tilespmem:s7+$0x11A20] =	vst v2;
	v2 =	vmul.f32 v17, v21  }
0xcd: {  	v26 =	vbroadcast v1, $0x5;
	v63 =	vld [tilespmem:s7+$0x11CA0];
	[tilespmem:s7+$0x11A30] =	vst v3;
	v3 =	vmul.f32 v13, v21  }
0xce: {  	v27 =	vld [tilespmem:s7+$0x11AD0];
	[tilespmem:s7+$0x11A40] =	vst v2;
	v2 =	vmul.f32 v18, v21  }
0xcf: {  	v28 =	vld [tilespmem:s7+$0x11AE0];
	[tilespmem:s7+$0x11A50] =	vst v3;
	v3 =	vmul.f32 v19, v26  }
0xd0: {  	v29 =	vld [tilespmem:s7+$0x11AF0];
	v18 =	vbroadcast v1, $0xD;
	[tilespmem:s7+$0x11A60] =	vst v2;
	v2 =	vmul.f32 v20, v26  }
0xd1: {  	v31 =	vbroadcast v1, $0x6;
	v30 =	vld [tilespmem:s7+$0x11B00];
	[tilespmem:s7+$0x11A70] =	vst v3;
	v3 =	vmul.f32 v22, v26  }
0xd2: {  	v32 =	vld [tilespmem:s7+$0x11B10];
	v9 =	vmul.f32 v63, v18;
	[tilespmem:s7+$0x11A80] =	vst v2  }
0xd3: {  	v33 =	vld [tilespmem:s7+$0x11B20];
	[tilespmem:s7+$0x11A90] =	vst v3;
	v3 =	vmul.f32 v24, v31  }
0xd4: {  	v34 =	vld [tilespmem:s7+$0x11B30];
	v2 =	vmul.f32 v23, v26;
	[tilespmem:s7+$0x11CA0] =	vst v9  }
0xd5: {  	v36 =	vbroadcast v1, $0x7;
	v35 =	vld [tilespmem:s7+$0x11B40];
	[tilespmem:s7+$0x11AB0] =	vst v3;
	v3 =	vmul.f32 v27, v31  }
0xd6: {  	v37 =	vld [tilespmem:s7+$0x11B50];
	[tilespmem:s7+$0x11AA0] =	vst v2;
	v2 =	vmul.f32 v25, v31  }
0xd7: {  	v38 =	vld [tilespmem:s7+$0x11B60];
	[tilespmem:s7+$0x11AD0] =	vst v3;
	v3 =	vmul.f32 v29, v36  }
0xd8: {  	v39 =	vld [tilespmem:s7+$0x11B70];
	[tilespmem:s7+$0x11AC0] =	vst v2;
	v2 =	vmul.f32 v28, v31  }
0xd9: {  	v41 =	vbroadcast v1, $0x8;
	v40 =	vld [tilespmem:s7+$0x11B80];
	[tilespmem:s7+$0x11AF0] =	vst v3;
	v3 =	vmul.f32 v32, v36  }
0xda: {  	v42 =	vld [tilespmem:s7+$0x11B90];
	[tilespmem:s7+$0x11AE0] =	vst v2;
	v2 =	vmul.f32 v30, v36  }
0xdb: {  	v43 =	vld [tilespmem:s7+$0x11BA0];
	[tilespmem:s7+$0x11B10] =	vst v3;
	v3 =	vmul.f32 v34, v41  }
0xdc: {  	v44 =	vld [tilespmem:s7+$0x11BB0];
	[tilespmem:s7+$0x11B00] =	vst v2;
	v2 =	vmul.f32 v33, v36  }
0xdd: {  	v46 =	vbroadcast v1, $0x9;
	v45 =	vld [tilespmem:s7+$0x11BC0];
	[tilespmem:s7+$0x11B30] =	vst v3;
	v3 =	vmul.f32 v37, v41  }
0xde: {  	v47 =	vld [tilespmem:s7+$0x11BD0];
	[tilespmem:s7+$0x11B20] =	vst v2;
	v2 =	vmul.f32 v35, v41  }
0xdf: {  	v48 =	vld [tilespmem:s7+$0x11BE0];
	[tilespmem:s7+$0x11B50] =	vst v3;
	v3 =	vmul.f32 v39, v46  }
0xe0: {  	v49 =	vld [tilespmem:s7+$0x11BF0];
	[tilespmem:s7+$0x11B40] =	vst v2;
	v2 =	vmul.f32 v38, v41  }
0xe1: {  	v51 =	vbroadcast v1, $0xA;
	v50 =	vld [tilespmem:s7+$0x11C00];
	[tilespmem:s7+$0x11B70] =	vst v3;
	v3 =	vmul.f32 v42, v46  }
0xe2: {  	v52 =	vld [tilespmem:s7+$0x11C10];
	[tilespmem:s7+$0x11B60] =	vst v2;
	v2 =	vmul.f32 v40, v46  }
0xe3: {  	v53 =	vld [tilespmem:s7+$0x11C20];
	[tilespmem:s7+$0x11B90] =	vst v3;
	v3 =	vmul.f32 v44, v51  }
0xe4: {  	v54 =	vld [tilespmem:s7+$0x11C30];
	[tilespmem:s7+$0x11B80] =	vst v2;
	v2 =	vmul.f32 v43, v46  }
0xe5: {  	v56 =	vbroadcast v1, $0xB;
	v55 =	vld [tilespmem:s7+$0x11C40];
	[tilespmem:s7+$0x11BB0] =	vst v3;
	v3 =	vmul.f32 v47, v51  }
0xe6: {  	v57 =	vld [tilespmem:s7+$0x11C50];
	[tilespmem:s7+$0x11BA0] =	vst v2;
	v2 =	vmul.f32 v45, v51  }
0xe7: {  	v14 =	vld [tilespmem:s7+$0x12170];
	[tilespmem:s7+$0x11BD0] =	vst v3;
	v3 =	vmul.f32 v49, v56  }
0xe8: {  	v58 =	vld [tilespmem:s7+$0x11C60];
	[tilespmem:s7+$0x11BC0] =	vst v2;
	v2 =	vmul.f32 v48, v51  }
0xe9: {  	v59 =	vld [tilespmem:s7+$0x11C70];
	v61 =	vbroadcast v1, $0xC;
	[tilespmem:s7+$0x11BF0] =	vst v3;
	v3 =	vmul.f32 v52, v56  }
0xea: {  	v60 =	vld [tilespmem:s7+$0x11C80];
	[tilespmem:s7+$0x11BE0] =	vst v2;
	v2 =	vmul.f32 v50, v56  }
0xeb: {  	v62 =	vld [tilespmem:s7+$0x11C90];
	[tilespmem:s7+$0x11C10] =	vst v3;
	v3 =	vmul.f32 v54, v61  }
0xec: {  	v16 =	vld [tilespmem:s7+$0x11CB0];
	[tilespmem:s7+$0x11C00] =	vst v2;
	v2 =	vmul.f32 v53, v56  }
0xed: {  	v17 =	vld [tilespmem:s7+$0x11CC0];
	[tilespmem:s7+$0x11C30] =	vst v3;
	v3 =	vmul.f32 v57, v61  }
0xee: {  	v21 =	vld [tilespmem:s7+$0x11CF0];
	[tilespmem:s7+$0x11C20] =	vst v2;
	v2 =	vmul.f32 v55, v61  }
0xef: {  	v19 =	vld [tilespmem:s7+$0x11CD0];
	[tilespmem:s7+$0x11C50] =	vst v3;
	v3 =	vmul.f32 v59, v18  }
0xf0: {  	v20 =	vld [tilespmem:s7+$0x11CE0];
	[tilespmem:s7+$0x11C40] =	vst v2;
	v2 =	vmul.f32 v58, v61  }
0xf1: {  	v22 =	vld [tilespmem:s7+$0x11D00];
	v23 =	vbroadcast v1, $0xE;
	[tilespmem:s7+$0x11C70] =	vst v3;
	v3 =	vmul.f32 v62, v18  }
0xf2: {  	v24 =	vld [tilespmem:s7+$0x11D10];
	[tilespmem:s7+$0x11C60] =	vst v2;
	v2 =	vmul.f32 v60, v18  }
0xf3: {  	v25 =	vld [tilespmem:s7+$0x11D20];
	[tilespmem:s7+$0x11C90] =	vst v3;
	v3 =	vmul.f32 v16, v23  }
0xf4: {  	v26 =	vmul.f32 v17, v23;
	[tilespmem:s7+$0x11C80] =	vst v2;
	v2 =	vld [tilespmem:s6+$0x0]  }
0xf5: {  	v1 =	vbroadcast v1, $0xF;
	v17 =	vld [tilespmem:s7+$0x11F10];
	[tilespmem:s7+$0x11CB0] =	vst v3;
	v3 =	vmul.f32 v19, v23  }
0xf6: {  	v4 =	vmul.f32 v20, v23;
	v27 =	vld [tilespmem:s7+$0x11D30];
	[tilespmem:s7+$0x11CC0] =	vst v26  }
0xf7: {  	v28 =	vld [tilespmem:s7+$0x11D40];
	[tilespmem:s7+$0x11CD0] =	vst v3;
	v3 =	vmul.f32 v21, v1  }
0xf8: {  	[tilespmem:s7+$0x11CE0] =	vst v4;
	v31 =	vmul.f32 v22, v1;
	v29 =	vld [tilespmem:s7+$0x11D50]  }
0xf9: {  	v30 =	vld [tilespmem:s7+$0x11D60];
	v33 =	vbroadcast v2, $0x0;
	[tilespmem:s7+$0x11CF0] =	vst v3;
	v3 =	vmul.f32 v24, v1  }
0xfa: {  	[tilespmem:s7+$0x11D00] =	vst v31;
	v32 =	vld [tilespmem:s7+$0x11D70];
	v1 =	vmul.f32 v25, v1  }
0xfb: {  	v34 =	vld [tilespmem:s7+$0x11D80];
	[tilespmem:s7+$0x11D10] =	vst v3;
	v3 =	vmul.f32 v33, v27  }
0xfc: {  	v35 =	vld [tilespmem:s7+$0x11D90];
	[tilespmem:s7+$0x11D20] =	vst v1;
	v1 =	vmul.f32 v28, v33  }
0xfd: {  	v36 =	vld [tilespmem:s7+$0x11DA0];
	v38 =	vbroadcast v2, $0x1;
	[tilespmem:s7+$0x11D30] =	vst v3;
	v3 =	vmul.f32 v29, v33  }
0xfe: {  	v37 =	vld [tilespmem:s7+$0x11DB0];
	[tilespmem:s7+$0x11D40] =	vst v1;
	v1 =	vmul.f32 v30, v33  }
0xff: {  	v39 =	vld [tilespmem:s7+$0x11DC0];
	[tilespmem:s7+$0x11D50] =	vst v3;
	v3 =	vmul.f32 v32, v38  }
0x100: {  	v40 =	vld [tilespmem:s7+$0x11DD0];
	[tilespmem:s7+$0x11D60] =	vst v1;
	v1 =	vmul.f32 v34, v38  }
0x101: {  	v41 =	vld [tilespmem:s7+$0x11DE0];
	v43 =	vbroadcast v2, $0x2;
	[tilespmem:s7+$0x11D70] =	vst v3;
	v3 =	vmul.f32 v35, v38  }
0x102: {  	v42 =	vld [tilespmem:s7+$0x11DF0];
	[tilespmem:s7+$0x11D80] =	vst v1;
	v1 =	vmul.f32 v36, v38  }
0x103: {  	v44 =	vld [tilespmem:s7+$0x11E00];
	[tilespmem:s7+$0x11D90] =	vst v3;
	v3 =	vmul.f32 v37, v43  }
0x104: {  	v45 =	vld [tilespmem:s7+$0x11E10];
	[tilespmem:s7+$0x11DA0] =	vst v1;
	v1 =	vmul.f32 v39, v43  }
0x105: {  	v46 =	vld [tilespmem:s7+$0x11E20];
	v48 =	vbroadcast v2, $0x3;
	[tilespmem:s7+$0x11DB0] =	vst v3;
	v3 =	vmul.f32 v40, v43  }
0x106: {  	v47 =	vld [tilespmem:s7+$0x11E30];
	[tilespmem:s7+$0x11DC0] =	vst v1;
	v1 =	vmul.f32 v41, v43  }
0x107: {  	v49 =	vld [tilespmem:s7+$0x11E40];
	[tilespmem:s7+$0x11DD0] =	vst v3;
	v3 =	vmul.f32 v42, v48  }
0x108: {  	v50 =	vld [tilespmem:s7+$0x11E50];
	[tilespmem:s7+$0x11DE0] =	vst v1;
	v1 =	vmul.f32 v44, v48  }
0x109: {  	v51 =	vld [tilespmem:s7+$0x11E60];
	v53 =	vbroadcast v2, $0x4;
	[tilespmem:s7+$0x11DF0] =	vst v3;
	v3 =	vmul.f32 v45, v48  }
0x10a: {  	v52 =	vld [tilespmem:s7+$0x11E70];
	[tilespmem:s7+$0x11E00] =	vst v1;
	v1 =	vmul.f32 v46, v48  }
0x10b: {  	v54 =	vld [tilespmem:s7+$0x11E80];
	[tilespmem:s7+$0x11E10] =	vst v3;
	v3 =	vmul.f32 v47, v53  }
0x10c: {  	v55 =	vld [tilespmem:s7+$0x11E90];
	[tilespmem:s7+$0x11E20] =	vst v1;
	v1 =	vmul.f32 v49, v53  }
0x10d: {  	v56 =	vld [tilespmem:s7+$0x11EA0];
	v58 =	vbroadcast v2, $0x5;
	[tilespmem:s7+$0x11E30] =	vst v3;
	v3 =	vmul.f32 v50, v53  }
0x10e: {  	v57 =	vld [tilespmem:s7+$0x11EB0];
	[tilespmem:s7+$0x11E40] =	vst v1;
	v1 =	vmul.f32 v51, v53  }
0x10f: {  	v59 =	vld [tilespmem:s7+$0x11EC0];
	[tilespmem:s7+$0x11E50] =	vst v3;
	v3 =	vmul.f32 v52, v58  }
0x110: {  	v60 =	vld [tilespmem:s7+$0x11ED0];
	[tilespmem:s7+$0x11E60] =	vst v1;
	v1 =	vmul.f32 v54, v58  }
0x111: {  	v61 =	vld [tilespmem:s7+$0x11EE0];
	v63 =	vbroadcast v2, $0x6;
	[tilespmem:s7+$0x11E70] =	vst v3;
	v3 =	vmul.f32 v55, v58  }
0x112: {  	v62 =	vld [tilespmem:s7+$0x11EF0];
	[tilespmem:s7+$0x11E80] =	vst v1;
	v1 =	vmul.f32 v56, v58  }
0x113: {  	v16 =	vld [tilespmem:s7+$0x11F00];
	[tilespmem:s7+$0x11E90] =	vst v3;
	v3 =	vmul.f32 v57, v63  }
0x114: {  	v26 =	vld [tilespmem:s7+$0x11F80];
	[tilespmem:s7+$0x11EA0] =	vst v1;
	v1 =	vmul.f32 v59, v63  }
0x115: {  	v18 =	vld [tilespmem:s7+$0x11F20];
	v20 =	vbroadcast v2, $0x7;
	[tilespmem:s7+$0x11EB0] =	vst v3;
	v3 =	vmul.f32 v60, v63  }
0x116: {  	v19 =	vld [tilespmem:s7+$0x11F30];
	[tilespmem:s7+$0x11EC0] =	vst v1;
	v1 =	vmul.f32 v61, v63  }
0x117: {  	v21 =	vld [tilespmem:s7+$0x11F40];
	[tilespmem:s7+$0x11ED0] =	vst v3;
	v3 =	vmul.f32 v62, v20  }
0x118: {  	v22 =	vld [tilespmem:s7+$0x11F50];
	[tilespmem:s7+$0x11EE0] =	vst v1;
	v1 =	vmul.f32 v16, v20  }
0x119: {  	v23 =	vld [tilespmem:s7+$0x11F60];
	v25 =	vbroadcast v2, $0x8;
	[tilespmem:s7+$0x11EF0] =	vst v3;
	v3 =	vmul.f32 v17, v20  }
0x11a: {  	v24 =	vld [tilespmem:s7+$0x11F70];
	[tilespmem:s7+$0x11F00] =	vst v1;
	v1 =	vmul.f32 v18, v20  }
0x11b: {  	v31 =	vld [tilespmem:s7+$0x11FC0];
	[tilespmem:s7+$0x11F10] =	vst v3;
	v3 =	vmul.f32 v19, v25  }
0x11c: {  	v27 =	vld [tilespmem:s7+$0x11F90];
	[tilespmem:s7+$0x11F20] =	vst v1;
	v1 =	vmul.f32 v21, v25  }
0x11d: {  	v28 =	vld [tilespmem:s7+$0x11FA0];
	v30 =	vbroadcast v2, $0x9;
	[tilespmem:s7+$0x11F30] =	vst v3;
	v3 =	vmul.f32 v22, v25  }
0x11e: {  	v29 =	vld [tilespmem:s7+$0x11FB0];
	[tilespmem:s7+$0x11F40] =	vst v1;
	v1 =	vmul.f32 v23, v25  }
0x11f: {  	v33 =	vld [tilespmem:s7+$0x11FE0];
	[tilespmem:s7+$0x11F50] =	vst v3;
	v3 =	vmul.f32 v24, v30  }
0x120: {  	v32 =	vld [tilespmem:s7+$0x11FD0];
	[tilespmem:s7+$0x11F60] =	vst v1;
	v1 =	vmul.f32 v26, v30  }
0x121: {  	v34 =	vld [tilespmem:s7+$0x11FF0];
	v35 =	vbroadcast v2, $0xA;
	[tilespmem:s7+$0x11F70] =	vst v3;
	v3 =	vmul.f32 v27, v30  }
0x122: {  	v36 =	vld [tilespmem:s7+$0x12000];
	[tilespmem:s7+$0x11F80] =	vst v1;
	v1 =	vmul.f32 v28, v30  }
0x123: {  	v38 =	vld [tilespmem:s7+$0x12020];
	[tilespmem:s7+$0x11F90] =	vst v3;
	v3 =	vmul.f32 v29, v35  }
0x124: {  	v37 =	vld [tilespmem:s7+$0x12010];
	[tilespmem:s7+$0x11FA0] =	vst v1;
	v1 =	vmul.f32 v31, v35  }
0x125: {  	v39 =	vld [tilespmem:s7+$0x12030];
	v40 =	vbroadcast v2, $0xB;
	[tilespmem:s7+$0x11FB0] =	vst v3;
	v3 =	vmul.f32 v32, v35  }
0x126: {  	v41 =	vld [tilespmem:s7+$0x12040];
	[tilespmem:s7+$0x11FC0] =	vst v1;
	v1 =	vmul.f32 v33, v35  }
0x127: {  	v43 =	vld [tilespmem:s7+$0x12060];
	[tilespmem:s7+$0x11FD0] =	vst v3;
	v3 =	vmul.f32 v34, v40  }
0x128: {  	v42 =	vld [tilespmem:s7+$0x12050];
	[tilespmem:s7+$0x11FE0] =	vst v1;
	v1 =	vmul.f32 v36, v40  }
0x129: {  	v44 =	vld [tilespmem:s7+$0x12070];
	v45 =	vbroadcast v2, $0xC;
	[tilespmem:s7+$0x11FF0] =	vst v3;
	v3 =	vmul.f32 v37, v40  }
0x12a: {  	v46 =	vld [tilespmem:s7+$0x12080];
	[tilespmem:s7+$0x12000] =	vst v1;
	v1 =	vmul.f32 v38, v40  }
0x12b: {  	v48 =	vld [tilespmem:s7+$0x120A0];
	[tilespmem:s7+$0x12010] =	vst v3;
	v3 =	vmul.f32 v39, v45  }
0x12c: {  	v47 =	vld [tilespmem:s7+$0x12090];
	[tilespmem:s7+$0x12020] =	vst v1;
	v1 =	vmul.f32 v41, v45  }
0x12d: {  	v49 =	vld [tilespmem:s7+$0x120B0];
	v50 =	vbroadcast v2, $0xD;
	[tilespmem:s7+$0x12030] =	vst v3;
	v3 =	vmul.f32 v42, v45  }
0x12e: {  	v51 =	vld [tilespmem:s7+$0x120C0];
	[tilespmem:s7+$0x12040] =	vst v1;
	v1 =	vmul.f32 v43, v45  }
0x12f: {  	v53 =	vld [tilespmem:s7+$0x120E0];
	[tilespmem:s7+$0x12050] =	vst v3;
	v3 =	vmul.f32 v44, v50  }
0x130: {  	v52 =	vld [tilespmem:s7+$0x120D0];
	[tilespmem:s7+$0x12060] =	vst v1;
	v1 =	vmul.f32 v46, v50  }
0x131: {  	v54 =	vld [tilespmem:s7+$0x120F0];
	v55 =	vbroadcast v2, $0xE;
	[tilespmem:s7+$0x12070] =	vst v3;
	v3 =	vmul.f32 v47, v50  }
0x132: {  	v56 =	vld [tilespmem:s7+$0x12100];
	[tilespmem:s7+$0x12080] =	vst v1;
	v1 =	vmul.f32 v48, v50  }
0x133: {  	v57 =	vld [tilespmem:s7+$0x12110];
	[tilespmem:s7+$0x12090] =	vst v3;
	v3 =	vmul.f32 v49, v55  }
0x134: {  	v59 =	vmul.f32 v51, v55;
	[tilespmem:s7+$0x120A0] =	vst v1;
	v1 =	vld [tilespmem:s6+$0x10]  }
0x135: {  	v58 =	vld [tilespmem:s7+$0x12120];
	v2 =	vbroadcast v2, $0xF;
	[tilespmem:s7+$0x120B0] =	vst v3;
	v3 =	vmul.f32 v52, v55  }
0x136: {  	v4 =	vmul.f32 v53, v55;
	v60 =	vld [tilespmem:s7+$0x12130];
	[tilespmem:s7+$0x120C0] =	vst v59  }
0x137: {  	v61 =	vld [tilespmem:s7+$0x12140];
	[tilespmem:s7+$0x120D0] =	vst v3;
	v3 =	vmul.f32 v54, v2  }
0x138: {  	[tilespmem:s7+$0x120E0] =	vst v4;
	v63 =	vmul.f32 v56, v2;
	v62 =	vld [tilespmem:s7+$0x12150]  }
0x139: {  	v12 =	vld [tilespmem:s7+$0x12160];
	v13 =	vbroadcast v1, $0x0;
	[tilespmem:s7+$0x120F0] =	vst v3;
	v3 =	vmul.f32 v57, v2  }
0x13a: {  	v15 =	vld [tilespmem:s7+$0x12180];
	[tilespmem:s7+$0x12100] =	vst v63;
	v2 =	vmul.f32 v58, v2  }
0x13b: {  	v51 =	vld [tilespmem:s7+$0x12350];
	[tilespmem:s7+$0x12110] =	vst v3;
	v3 =	vmul.f32 v13, v60  }
0x13c: {  	v16 =	vld [tilespmem:s7+$0x12190];
	[tilespmem:s7+$0x12120] =	vst v2;
	v2 =	vmul.f32 v61, v13  }
0x13d: {  	v17 =	vld [tilespmem:s7+$0x121A0];
	v18 =	vbroadcast v1, $0x1;
	[tilespmem:s7+$0x12130] =	vst v3;
	v3 =	vmul.f32 v62, v13  }
0x13e: {  	v19 =	vld [tilespmem:s7+$0x121B0];
	[tilespmem:s7+$0x12140] =	vst v2;
	v2 =	vmul.f32 v12, v13  }
0x13f: {  	v20 =	vld [tilespmem:s7+$0x121C0];
	[tilespmem:s7+$0x12150] =	vst v3;
	v3 =	vmul.f32 v14, v18  }
0x140: {  	v21 =	vld [tilespmem:s7+$0x121D0];
	[tilespmem:s7+$0x12160] =	vst v2;
	v2 =	vmul.f32 v15, v18  }
0x141: {  	v22 =	vld [tilespmem:s7+$0x121E0];
	v23 =	vbroadcast v1, $0x2;
	[tilespmem:s7+$0x12170] =	vst v3;
	v3 =	vmul.f32 v16, v18  }
0x142: {  	v24 =	vld [tilespmem:s7+$0x121F0];
	[tilespmem:s7+$0x12180] =	vst v2;
	v2 =	vmul.f32 v17, v18  }
0x143: {  	v25 =	vld [tilespmem:s7+$0x12200];
	[tilespmem:s7+$0x12190] =	vst v3;
	v3 =	vmul.f32 v19, v23  }
0x144: {  	v26 =	vld [tilespmem:s7+$0x12210];
	[tilespmem:s7+$0x121A0] =	vst v2;
	v2 =	vmul.f32 v20, v23  }
0x145: {  	v27 =	vld [tilespmem:s7+$0x12220];
	v28 =	vbroadcast v1, $0x3;
	[tilespmem:s7+$0x121B0] =	vst v3;
	v3 =	vmul.f32 v21, v23  }
0x146: {  	v29 =	vld [tilespmem:s7+$0x12230];
	[tilespmem:s7+$0x121C0] =	vst v2;
	v2 =	vmul.f32 v22, v23  }
0x147: {  	v30 =	vld [tilespmem:s7+$0x12240];
	[tilespmem:s7+$0x121D0] =	vst v3;
	v3 =	vmul.f32 v24, v28  }
0x148: {  	v31 =	vld [tilespmem:s7+$0x12250];
	[tilespmem:s7+$0x121E0] =	vst v2;
	v2 =	vmul.f32 v25, v28  }
0x149: {  	v32 =	vld [tilespmem:s7+$0x12260];
	v33 =	vbroadcast v1, $0x4;
	[tilespmem:s7+$0x121F0] =	vst v3;
	v3 =	vmul.f32 v26, v28  }
0x14a: {  	v34 =	vld [tilespmem:s7+$0x12270];
	[tilespmem:s7+$0x12200] =	vst v2;
	v2 =	vmul.f32 v27, v28  }
0x14b: {  	v35 =	vld [tilespmem:s7+$0x12280];
	[tilespmem:s7+$0x12210] =	vst v3;
	v3 =	vmul.f32 v29, v33  }
0x14c: {  	v36 =	vld [tilespmem:s7+$0x12290];
	[tilespmem:s7+$0x12220] =	vst v2;
	v2 =	vmul.f32 v30, v33  }
0x14d: {  	v37 =	vld [tilespmem:s7+$0x122A0];
	v38 =	vbroadcast v1, $0x5;
	[tilespmem:s7+$0x12230] =	vst v3;
	v3 =	vmul.f32 v31, v33  }
0x14e: {  	v39 =	vld [tilespmem:s7+$0x122B0];
	[tilespmem:s7+$0x12240] =	vst v2;
	v2 =	vmul.f32 v32, v33  }
0x14f: {  	v40 =	vld [tilespmem:s7+$0x122C0];
	[tilespmem:s7+$0x12250] =	vst v3;
	v3 =	vmul.f32 v34, v38  }
0x150: {  	v41 =	vld [tilespmem:s7+$0x122D0];
	[tilespmem:s7+$0x12260] =	vst v2;
	v2 =	vmul.f32 v35, v38  }
0x151: {  	v42 =	vld [tilespmem:s7+$0x122E0];
	v43 =	vbroadcast v1, $0x6;
	[tilespmem:s7+$0x12270] =	vst v3;
	v3 =	vmul.f32 v36, v38  }
0x152: {  	v44 =	vld [tilespmem:s7+$0x122F0];
	[tilespmem:s7+$0x12280] =	vst v2;
	v2 =	vmul.f32 v37, v38  }
0x153: {  	v45 =	vld [tilespmem:s7+$0x12300];
	[tilespmem:s7+$0x12290] =	vst v3;
	v3 =	vmul.f32 v39, v43  }
0x154: {  	v46 =	vld [tilespmem:s7+$0x12310];
	[tilespmem:s7+$0x122A0] =	vst v2;
	v2 =	vmul.f32 v40, v43  }
0x155: {  	v47 =	vld [tilespmem:s7+$0x12320];
	v48 =	vbroadcast v1, $0x7;
	[tilespmem:s7+$0x122B0] =	vst v3;
	v3 =	vmul.f32 v41, v43  }
0x156: {  	v49 =	vld [tilespmem:s7+$0x12330];
	[tilespmem:s7+$0x122C0] =	vst v2;
	v2 =	vmul.f32 v42, v43  }
0x157: {  	v50 =	vld [tilespmem:s7+$0x12340];
	[tilespmem:s7+$0x122D0] =	vst v3;
	v3 =	vmul.f32 v44, v48  }
0x158: {  	v59 =	vld [tilespmem:s7+$0x123B0];
	[tilespmem:s7+$0x122E0] =	vst v2;
	v2 =	vmul.f32 v45, v48  }
0x159: {  	v52 =	vld [tilespmem:s7+$0x12360];
	v53 =	vbroadcast v1, $0x8;
	[tilespmem:s7+$0x122F0] =	vst v3;
	v3 =	vmul.f32 v46, v48  }
0x15a: {  	v54 =	vld [tilespmem:s7+$0x12370];
	[tilespmem:s7+$0x12300] =	vst v2;
	v2 =	vmul.f32 v47, v48  }
0x15b: {  	v55 =	vld [tilespmem:s7+$0x12380];
	[tilespmem:s7+$0x12310] =	vst v3;
	v3 =	vmul.f32 v49, v53  }
0x15c: {  	v56 =	vld [tilespmem:s7+$0x12390];
	[tilespmem:s7+$0x12320] =	vst v2;
	v2 =	vmul.f32 v50, v53  }
0x15d: {  	v57 =	vld [tilespmem:s7+$0x123A0];
	v58 =	vbroadcast v1, $0x9;
	[tilespmem:s7+$0x12330] =	vst v3;
	v3 =	vmul.f32 v51, v53  }
0x15e: {  	v60 =	vld [tilespmem:s7+$0x123C0];
	[tilespmem:s7+$0x12340] =	vst v2;
	v2 =	vmul.f32 v52, v53  }
0x15f: {  	v61 =	vld [tilespmem:s7+$0x123D0];
	[tilespmem:s7+$0x12350] =	vst v3;
	v3 =	vmul.f32 v54, v58  }
0x160: {  	v62 =	vld [tilespmem:s7+$0x123E0];
	[tilespmem:s7+$0x12360] =	vst v2;
	v2 =	vmul.f32 v55, v58  }
0x161: {  	v63 =	vbroadcast v1, $0xA;
	v12 =	vld [tilespmem:s7+$0x123F0];
	[tilespmem:s7+$0x12370] =	vst v3;
	v3 =	vmul.f32 v56, v58  }
0x162: {  	v13 =	vld [tilespmem:s7+$0x12400];
	[tilespmem:s7+$0x12380] =	vst v2;
	v2 =	vmul.f32 v57, v58  }
0x163: {  	v14 =	vld [tilespmem:s7+$0x12410];
	[tilespmem:s7+$0x12390] =	vst v3;
	v3 =	vmul.f32 v59, v63  }
0x164: {  	v15 =	vld [tilespmem:s7+$0x12420];
	[tilespmem:s7+$0x123A0] =	vst v2;
	v2 =	vmul.f32 v60, v63  }
0x165: {  	v16 =	vbroadcast v1, $0xB;
	v17 =	vld [tilespmem:s7+$0x12430];
	[tilespmem:s7+$0x123B0] =	vst v3;
	v3 =	vmul.f32 v61, v63  }
0x166: {  	v18 =	vld [tilespmem:s7+$0x12440];
	[tilespmem:s7+$0x123C0] =	vst v2;
	v2 =	vmul.f32 v62, v63  }
0x167: {  	v19 =	vld [tilespmem:s7+$0x12450];
	[tilespmem:s7+$0x123D0] =	vst v3;
	v3 =	vmul.f32 v12, v16  }
0x168: {  	v20 =	vld [tilespmem:s7+$0x12460];
	[tilespmem:s7+$0x123E0] =	vst v2;
	v2 =	vmul.f32 v13, v16  }
0x169: {  	v21 =	vbroadcast v1, $0xC;
	v22 =	vld [tilespmem:s7+$0x12470];
	[tilespmem:s7+$0x123F0] =	vst v3;
	v3 =	vmul.f32 v14, v16  }
0x16a: {  	v23 =	vld [tilespmem:s7+$0x12480];
	[tilespmem:s7+$0x12400] =	vst v2;
	v2 =	vmul.f32 v15, v16  }
0x16b: {  	v24 =	vld [tilespmem:s7+$0x12490];
	[tilespmem:s7+$0x12410] =	vst v3;
	v3 =	vmul.f32 v17, v21  }
0x16c: {  	v25 =	vld [tilespmem:s7+$0x124A0];
	[tilespmem:s7+$0x12420] =	vst v2;
	v2 =	vmul.f32 v18, v21  }
0x16d: {  	v26 =	vbroadcast v1, $0xD;
	v27 =	vld [tilespmem:s7+$0x124B0];
	[tilespmem:s7+$0x12430] =	vst v3;
	v3 =	vmul.f32 v19, v21  }
0x16e: {  	v28 =	vld [tilespmem:s7+$0x124C0];
	[tilespmem:s7+$0x12440] =	vst v2;
	v2 =	vmul.f32 v20, v21  }
0x16f: {  	v29 =	vld [tilespmem:s7+$0x124D0];
	[tilespmem:s7+$0x12450] =	vst v3;
	v3 =	vmul.f32 v22, v26  }
0x170: {  	v30 =	vld [tilespmem:s7+$0x124E0];
	[tilespmem:s7+$0x12460] =	vst v2;
	v2 =	vmul.f32 v23, v26  }
0x171: {  	v31 =	vbroadcast v1, $0xE;
	v32 =	vld [tilespmem:s7+$0x124F0];
	[tilespmem:s7+$0x12470] =	vst v3;
	v3 =	vmul.f32 v24, v26  }
0x172: {  	v33 =	vld [tilespmem:s7+$0x12500];
	[tilespmem:s7+$0x12480] =	vst v2;
	v2 =	vmul.f32 v25, v26  }
0x173: {  	v34 =	vld [tilespmem:s7+$0x12510];
	[tilespmem:s7+$0x12490] =	vst v3;
	v3 =	vmul.f32 v27, v31  }
0x174: {  	v6 =	vmul.f32 v28, v31;
	[tilespmem:s7+$0x124A0] =	vst v2;
	v2 =	vld [tilespmem:s6+$0x20]  }
0x175: {  	v1 =	vbroadcast v1, $0xF;
	v35 =	vld [tilespmem:s7+$0x12520];
	[tilespmem:s7+$0x124B0] =	vst v3;
	v3 =	vmul.f32 v29, v31  }
0x176: {  	v4 =	vmul.f32 v30, v31;
	[tilespmem:s7+$0x124C0] =	vst v6;
	v36 =	vld [tilespmem:s7+$0x12530]  }
0x177: {  	v37 =	vld [tilespmem:s7+$0x12540];
	[tilespmem:s7+$0x124D0] =	vst v3;
	v3 =	vmul.f32 v32, v1  }
0x178: {  	[tilespmem:s7+$0x124E0] =	vst v4;
	v38 =	vmul.f32 v33, v1;
	v39 =	vld [tilespmem:s7+$0x12550]  }
0x179: {  	v41 =	vld [tilespmem:s7+$0x12560];
	v40 =	vbroadcast v2, $0x0;
	[tilespmem:s7+$0x124F0] =	vst v3;
	v3 =	vmul.f32 v34, v1  }
0x17a: {  	[tilespmem:s7+$0x12500] =	vst v38;
	v42 =	vld [tilespmem:s7+$0x12570];
	v1 =	vmul.f32 v35, v1  }
0x17b: {  	v43 =	vld [tilespmem:s7+$0x12580];
	[tilespmem:s7+$0x12510] =	vst v3;
	v3 =	vmul.f32 v40, v36  }
0x17c: {  	v44 =	vld [tilespmem:s7+$0x12590];
	[tilespmem:s7+$0x12520] =	vst v1;
	v1 =	vmul.f32 v37, v40  }
0x17d: {  	v46 =	vld [tilespmem:s7+$0x125A0];
	v45 =	vbroadcast v2, $0x1;
	[tilespmem:s7+$0x12530] =	vst v3;
	v3 =	vmul.f32 v39, v40  }
0x17e: {  	v47 =	vld [tilespmem:s7+$0x125B0];
	[tilespmem:s7+$0x12540] =	vst v1;
	v1 =	vmul.f32 v41, v40  }
0x17f: {  	v48 =	vld [tilespmem:s7+$0x125C0];
	[tilespmem:s7+$0x12550] =	vst v3;
	v3 =	vmul.f32 v42, v45  }
0x180: {  	v49 =	vld [tilespmem:s7+$0x125D0];
	[tilespmem:s7+$0x12560] =	vst v1;
	v1 =	vmul.f32 v43, v45  }
0x181: {  	v51 =	vld [tilespmem:s7+$0x125E0];
	v50 =	vbroadcast v2, $0x2;
	[tilespmem:s7+$0x12570] =	vst v3;
	v3 =	vmul.f32 v44, v45  }
0x182: {  	v52 =	vld [tilespmem:s7+$0x125F0];
	[tilespmem:s7+$0x12580] =	vst v1;
	v1 =	vmul.f32 v46, v45  }
0x183: {  	v53 =	vld [tilespmem:s7+$0x12600];
	[tilespmem:s7+$0x12590] =	vst v3;
	v3 =	vmul.f32 v47, v50  }
0x184: {  	v54 =	vld [tilespmem:s7+$0x12610];
	[tilespmem:s7+$0x125A0] =	vst v1;
	v1 =	vmul.f32 v48, v50  }
0x185: {  	v56 =	vld [tilespmem:s7+$0x12620];
	v55 =	vbroadcast v2, $0x3;
	[tilespmem:s7+$0x125B0] =	vst v3;
	v3 =	vmul.f32 v49, v50  }
0x186: {  	v57 =	vld [tilespmem:s7+$0x12630];
	[tilespmem:s7+$0x125C0] =	vst v1;
	v1 =	vmul.f32 v51, v50  }
0x187: {  	v58 =	vld [tilespmem:s7+$0x12640];
	[tilespmem:s7+$0x125D0] =	vst v3;
	v3 =	vmul.f32 v52, v55  }
0x188: {  	v59 =	vld [tilespmem:s7+$0x12650];
	[tilespmem:s7+$0x125E0] =	vst v1;
	v1 =	vmul.f32 v53, v55  }
0x189: {  	v61 =	vld [tilespmem:s7+$0x12660];
	v60 =	vbroadcast v2, $0x4;
	[tilespmem:s7+$0x125F0] =	vst v3;
	v3 =	vmul.f32 v54, v55  }
0x18a: {  	v62 =	vld [tilespmem:s7+$0x12670];
	[tilespmem:s7+$0x12600] =	vst v1;
	v1 =	vmul.f32 v56, v55  }
0x18b: {  	v63 =	vld [tilespmem:s7+$0x12680];
	[tilespmem:s7+$0x12610] =	vst v3;
	v3 =	vmul.f32 v57, v60  }
0x18c: {  	v12 =	vld [tilespmem:s7+$0x12690];
	[tilespmem:s7+$0x12620] =	vst v1;
	v1 =	vmul.f32 v58, v60  }
0x18d: {  	v14 =	vld [tilespmem:s7+$0x126A0];
	v13 =	vbroadcast v2, $0x5;
	[tilespmem:s7+$0x12630] =	vst v3;
	v3 =	vmul.f32 v59, v60  }
0x18e: {  	v15 =	vld [tilespmem:s7+$0x126B0];
	[tilespmem:s7+$0x12640] =	vst v1;
	v1 =	vmul.f32 v61, v60  }
0x18f: {  	v16 =	vld [tilespmem:s7+$0x126C0];
	[tilespmem:s7+$0x12650] =	vst v3;
	v3 =	vmul.f32 v62, v13  }
0x190: {  	v17 =	vld [tilespmem:s7+$0x126D0];
	[tilespmem:s7+$0x12660] =	vst v1;
	v1 =	vmul.f32 v63, v13  }
0x191: {  	v19 =	vld [tilespmem:s7+$0x126E0];
	v18 =	vbroadcast v2, $0x6;
	[tilespmem:s7+$0x12670] =	vst v3;
	v3 =	vmul.f32 v12, v13  }
0x192: {  	v20 =	vld [tilespmem:s7+$0x126F0];
	[tilespmem:s7+$0x12680] =	vst v1;
	v1 =	vmul.f32 v14, v13  }
0x193: {  	v21 =	vld [tilespmem:s7+$0x12700];
	[tilespmem:s7+$0x12690] =	vst v3;
	v3 =	vmul.f32 v15, v18  }
0x194: {  	v22 =	vld [tilespmem:s7+$0x12710];
	[tilespmem:s7+$0x126A0] =	vst v1;
	v1 =	vmul.f32 v16, v18  }
0x195: {  	v24 =	vld [tilespmem:s7+$0x12720];
	v23 =	vbroadcast v2, $0x7;
	[tilespmem:s7+$0x126B0] =	vst v3;
	v3 =	vmul.f32 v17, v18  }
0x196: {  	v25 =	vld [tilespmem:s7+$0x12730];
	[tilespmem:s7+$0x126C0] =	vst v1;
	v1 =	vmul.f32 v19, v18  }
0x197: {  	v26 =	vld [tilespmem:s7+$0x12740];
	[tilespmem:s7+$0x126D0] =	vst v3;
	v3 =	vmul.f32 v20, v23  }
0x198: {  	v27 =	vld [tilespmem:s7+$0x12750];
	[tilespmem:s7+$0x126E0] =	vst v1;
	v1 =	vmul.f32 v21, v23  }
0x199: {  	v29 =	vld [tilespmem:s7+$0x12760];
	v28 =	vbroadcast v2, $0x8;
	[tilespmem:s7+$0x126F0] =	vst v3;
	v3 =	vmul.f32 v22, v23  }
0x19a: {  	v30 =	vld [tilespmem:s7+$0x12770];
	[tilespmem:s7+$0x12700] =	vst v1;
	v1 =	vmul.f32 v24, v23  }
0x19b: {  	v31 =	vld [tilespmem:s7+$0x12780];
	[tilespmem:s7+$0x12710] =	vst v3;
	v3 =	vmul.f32 v25, v28  }
0x19c: {  	v32 =	vld [tilespmem:s7+$0x12790];
	[tilespmem:s7+$0x12720] =	vst v1;
	v1 =	vmul.f32 v26, v28  }
0x19d: {  	v33 =	vbroadcast v2, $0x9;
	v34 =	vld [tilespmem:s7+$0x127A0];
	[tilespmem:s7+$0x12730] =	vst v3;
	v3 =	vmul.f32 v27, v28  }
0x19e: {  	v35 =	vld [tilespmem:s7+$0x127B0];
	[tilespmem:s7+$0x12740] =	vst v1;
	v1 =	vmul.f32 v29, v28  }
0x19f: {  	v36 =	vld [tilespmem:s7+$0x127C0];
	[tilespmem:s7+$0x12750] =	vst v3;
	v3 =	vmul.f32 v30, v33  }
0x1a0: {  	v37 =	vld [tilespmem:s7+$0x127D0];
	[tilespmem:s7+$0x12760] =	vst v1;
	v1 =	vmul.f32 v31, v33  }
0x1a1: {  	v38 =	vbroadcast v2, $0xA;
	v39 =	vld [tilespmem:s7+$0x127E0];
	[tilespmem:s7+$0x12770] =	vst v3;
	v3 =	vmul.f32 v32, v33  }
0x1a2: {  	v40 =	vld [tilespmem:s7+$0x127F0];
	[tilespmem:s7+$0x12780] =	vst v1;
	v1 =	vmul.f32 v34, v33  }
0x1a3: {  	v41 =	vld [tilespmem:s7+$0x12800];
	[tilespmem:s7+$0x12790] =	vst v3;
	v3 =	vmul.f32 v35, v38  }
0x1a4: {  	v42 =	vld [tilespmem:s7+$0x12810];
	[tilespmem:s7+$0x127A0] =	vst v1;
	v1 =	vmul.f32 v36, v38  }
0x1a5: {  	v43 =	vbroadcast v2, $0xB;
	v44 =	vld [tilespmem:s7+$0x12820];
	[tilespmem:s7+$0x127B0] =	vst v3;
	v3 =	vmul.f32 v37, v38  }
0x1a6: {  	v45 =	vld [tilespmem:s7+$0x12830];
	[tilespmem:s7+$0x127C0] =	vst v1;
	v1 =	vmul.f32 v39, v38  }
0x1a7: {  	v46 =	vld [tilespmem:s7+$0x12840];
	[tilespmem:s7+$0x127D0] =	vst v3;
	v3 =	vmul.f32 v40, v43  }
0x1a8: {  	v47 =	vld [tilespmem:s7+$0x12850];
	[tilespmem:s7+$0x127E0] =	vst v1;
	v1 =	vmul.f32 v41, v43  }
0x1a9: {  	v48 =	vbroadcast v2, $0xC;
	v49 =	vld [tilespmem:s7+$0x12860];
	[tilespmem:s7+$0x127F0] =	vst v3;
	v3 =	vmul.f32 v42, v43  }
0x1aa: {  	v50 =	vld [tilespmem:s7+$0x12870];
	[tilespmem:s7+$0x12800] =	vst v1;
	v1 =	vmul.f32 v44, v43  }
0x1ab: {  	v51 =	vld [tilespmem:s7+$0x12880];
	[tilespmem:s7+$0x12810] =	vst v3;
	v3 =	vmul.f32 v45, v48  }
0x1ac: {  	v52 =	vld [tilespmem:s7+$0x12890];
	[tilespmem:s7+$0x12820] =	vst v1;
	v1 =	vmul.f32 v46, v48  }
0x1ad: {  	v53 =	vbroadcast v2, $0xD;
	v54 =	vld [tilespmem:s7+$0x128A0];
	[tilespmem:s7+$0x12830] =	vst v3;
	v3 =	vmul.f32 v47, v48  }
0x1ae: {  	v55 =	vld [tilespmem:s7+$0x128B0];
	[tilespmem:s7+$0x12840] =	vst v1;
	v1 =	vmul.f32 v49, v48  }
0x1af: {  	v56 =	vld [tilespmem:s7+$0x128C0];
	[tilespmem:s7+$0x12850] =	vst v3;
	v3 =	vmul.f32 v50, v53  }
0x1b0: {  	v57 =	vld [tilespmem:s7+$0x128D0];
	[tilespmem:s7+$0x12860] =	vst v1;
	v1 =	vmul.f32 v51, v53  }
0x1b1: {  	v58 =	vbroadcast v2, $0xE;
	v59 =	vld [tilespmem:s7+$0x128E0];
	[tilespmem:s7+$0x12870] =	vst v3;
	v3 =	vmul.f32 v52, v53  }
0x1b2: {  	v60 =	vld [tilespmem:s7+$0x128F0];
	[tilespmem:s7+$0x12880] =	vst v1;
	v1 =	vmul.f32 v54, v53  }
0x1b3: {  	v61 =	vld [tilespmem:s7+$0x12900];
	[tilespmem:s7+$0x12890] =	vst v3;
	v3 =	vmul.f32 v55, v58  }
0x1b4: {  	v62 =	vld [tilespmem:s7+$0x12910];
	[tilespmem:s7+$0x128A0] =	vst v1;
	v1 =	vmul.f32 v56, v58  }
0x1b5: {  	v2 =	vbroadcast v2, $0xF;
	v63 =	vld [tilespmem:s7+$0x12920];
	[tilespmem:s7+$0x128B0] =	vst v3;
	v3 =	vmul.f32 v57, v58  }
0x1b6: {  	[tilespmem:s7+$0x128C0] =	vst v1;
	v1 =	vmul.f32 v59, v58  }
0x1b7: {  	[tilespmem:s7+$0x128D0] =	vst v3;
	v3 =	vmul.f32 v60, v2  }
0x1b8: {  	[tilespmem:s7+$0x128E0] =	vst v1;
	v1 =	vmul.f32 v61, v2  }
0x1b9: {  	[tilespmem:s7+$0x128F0] =	vst v3;
	v3 =	vmul.f32 v62, v2  }
0x1ba: {  	[tilespmem:s7+$0x12900] =	vst v1;
	v1 =	vmul.f32 v63, v2  }
0x1bb: {  	p0 =	slt.u32 s1, $0x5;
	[tilespmem:s7+$0x12910] =	vst v3  }
0x1bc: {  	s9 =	sadd.s32 $0x11530, s7;
	[tilespmem:s7+$0x12920] =	vst v1;
	s7 =	simm.s32 @!p0 $0x2  }
0x1bd: {  	[spmem:s2] =	stream.indirect.scatter.add.f32 [tilespmem:s9], [sflag:$0x2], $0x40, s5, s30, $0xb8;
	[tilespmem:$0x1FD30] =	vst v63  }
0x1be: {  	p1 =	sgt.u32 @!p0 s1, $0x77;
	_ =	swait.ge @!p0 [sflag:s7], $0x1400  }
0x1bf: {  	p1 =	por p0, !p1;
	[sflag:s7] =	ssyncset.done @!p0 $0x0  }
0x1c0: {  	[sflag:s7] =	ssyncadd.s32 @!p0 $0xFFFFEC00;
	s7 =	sadd.s32 @p1 $0x5, s1  }
0x1c1: {  	s9 =	smul.u32 @p1 $0xCD, s7;
	_ =	sdelay $0x1  }
0x1c2: {  	s9 =	sshrl.u32 @p1 s9, $0xB  }
0x1c3: {  	s9 =	sand.u32 @p1 $0x1F, s9  }
0x1c4: {  	s9 =	smul.u32 @p1 $0xA, s9;
	_ =	sdelay $0x1  }
0x1c5: {  	s7 =	ssub.s32 @p1 s7, s9  }
0x1c6: {  	s1 =	sadd.s32 $0x1, s1;
	s7 =	sand.u32 @p1 $0xFF, s7  }
0x1c7: {  	p0 =	sne.s32 s1, $0x7D;
	s7 =	smul.u32 @p1 $0x5000, s7  }
.Ltmp1:
0x1c8: {  	_ = 	snop;
	(pc) =	sbr.rel @p0 .LBB2_4-.Ltmp1, $4  }
0x1c9: {  	s7 =	sshrl.u32 @p1 s7, $0x2  }
0x1ca: {  	s7 =	sadd.s32 @p1 $0x11530, s7  }
0x1cb: {  	[tilespmem:s7], [sflag:$0x1] =	stream.indirect.gather @p1 [hbm4b:s4+s30], $0x40, s24, s30, $0xb8;
	[tilespmem:$0x1FD30] =	vst v63  }
0x1cc: {  	s6 =	sadd.s32 $0x50, s6;
	s5 =	sadd.s32 $0x50, s5;
	s24 =	sadd.s32 $0x50, s24  }
0x1cd: {  	_ =	swait.ge [sflag:s31], $0x1400  }
0x1ce: {  	[sflag:s31] =	ssyncset.done $0x0  }
0x1cf: {  	[sflag:s31] =	ssyncadd.s32 $0xFFFFEC00  }
0x1d0: {  	_ =	swait.ge [sflag:s31], $0x1400  }
0x1d1: {  	[sflag:s31] =	ssyncset.done $0x0  }
0x1d2: {  	[sflag:s31] =	ssyncadd.s32 $0xFFFFEC00  }
0x1d3: {  	_ =	swait.ge [sflag:s31], $0x1400  }
0x1d4: {  	[sflag:s31] =	ssyncset.done $0x0  }
0x1d5: {  	[sflag:s31] =	ssyncadd.s32 $0xFFFFEC00  }
0x1d6: {  	_ =	swait.ge [sflag:s31], $0x1400  }
0x1d7: {  	[sflag:s31] =	ssyncset.done $0x0  }
0x1d8: {  	[sflag:s31] =	ssyncadd.s32 $0xFFFFEC00  }
0x1d9: {  	_ =	swait.ge [sflag:s31], $0x1400  }
0x1da: {  	[sflag:s31] =	ssyncset.done $0x0  }
0x1db: {  	[sflag:s31] =	ssyncadd.s32 $0xFFFFEC00  }
0x1dc: {  	[bflag:$0x0] =	sbarrier.arrive $0xFFFF  }
0x1dd: {  	s1 =	rddreg [dreg:$0x6]  }
0x1de: {  	[tilespmem:s29], [sflag:$0x3] =	stream.linear.gather [spmem:s1], $0x2000, $0x38;
	[tilespmem:$0x1FD30] =	vst v63  }
0x1df: {  	_ =	swait.ge [sflag:s25], $0x2000  }
0x1e0: {  	[sflag:s25] =	ssyncset.done $0x0  }
0x1e1: {  	[sflag:s25] =	ssyncadd.s32 $0xFFFFE000  }
0x1e2: {  	[hbm4b:s15+s3] =	stream.linear.scatter [tilespmem:s29], [sflag:$0x3], $0x2000, $0x38;
	[tilespmem:$0x1FD30] =	vst v63  }
0x1e3: {  	_ =	swait.ge [sflag:s25], $0x2000  }
0x1e4: {  	[sflag:s25] =	ssyncset.done $0x0  }
0x1e5: {  	[sflag:s25] =	ssyncadd.s32 $0xFFFFE000  }
0x1e6: {  	[tilespmem:s29], [sflag:$0x3] =	stream.linear.gather [spmem:s16], $0x2000, $0x38;
	[tilespmem:$0x1FD30] =	vst v63  }
0x1e7: {  	_ =	swait.ge [sflag:s25], $0x2000  }
0x1e8: {  	[sflag:s25] =	ssyncset.done $0x0  }
0x1e9: {  	[sflag:s25] =	ssyncadd.s32 $0xFFFFE000  }
0x1ea: {  	[hbm4b:s17+s3] =	stream.linear.scatter [tilespmem:s29], [sflag:$0x3], $0x2000, $0x38;
	[tilespmem:$0x1FD30] =	vst v63  }
0x1eb: {  	_ =	swait.ge [sflag:s25], $0x2000  }
0x1ec: {  	[sflag:s25] =	ssyncset.done $0x0  }
0x1ed: {  	[sflag:s25] =	ssyncadd.s32 $0xFFFFE000  }
0x1ee: {  	[tilespmem:s29], [sflag:$0x3] =	stream.linear.gather [spmem:s18], $0x2000, $0x38;
	[tilespmem:$0x1FD30] =	vst v63  }
0x1ef: {  	_ =	swait.ge [sflag:s25], $0x2000  }
0x1f0: {  	[sflag:s25] =	ssyncset.done $0x0  }
0x1f1: {  	[sflag:s25] =	ssyncadd.s32 $0xFFFFE000  }
0x1f2: {  	[hbm4b:s19+s3] =	stream.linear.scatter [tilespmem:s29], [sflag:$0x3], $0x2000, $0x38;
	[tilespmem:$0x1FD30] =	vst v63  }
0x1f3: {  	_ =	swait.ge [sflag:s25], $0x2000  }
0x1f4: {  	[sflag:s25] =	ssyncset.done $0x0  }
0x1f5: {  	[sflag:s25] =	ssyncadd.s32 $0xFFFFE000  }
0x1f6: {  	[tilespmem:s29], [sflag:$0x3] =	stream.linear.gather [spmem:s20], $0x2000, $0x38;
	[tilespmem:$0x1FD30] =	vst v63  }
0x1f7: {  	_ =	swait.ge [sflag:s25], $0x2000  }
0x1f8: {  	[sflag:s25] =	ssyncset.done $0x0  }
0x1f9: {  	[sflag:s25] =	ssyncadd.s32 $0xFFFFE000  }
0x1fa: {  	[hbm4b:s21+s3] =	stream.linear.scatter [tilespmem:s29], [sflag:$0x3], $0x2000, $0x38;
	[tilespmem:$0x1FD30] =	vst v63  }
0x1fb: {  	_ =	swait.ge [sflag:s25], $0x2000  }
0x1fc: {  	[sflag:s25] =	ssyncset.done $0x0  }
0x1fd: {  	[sflag:s25] =	ssyncadd.s32 $0xFFFFE000  }
0x1fe: {  	[tilespmem:s29], [sflag:$0x3] =	stream.linear.gather [spmem:s22], $0x2000, $0x38;
	[tilespmem:$0x1FD30] =	vst v63  }
0x1ff: {  	s0 =	sadd.s32 $0x1, s0;
	_ =	swait.ge [sflag:s25], $0x2000  }
0x200: {  	p0 =	sne.s32 s0, s10;
	[sflag:s25] =	ssyncset.done $0x0  }
.Ltmp2:
0x201: {  	[sflag:s25] =	ssyncadd.s32 $0xFFFFE000;
	(pc) =	sbr.rel @p0 .LBB2_1-.Ltmp2, $4  }
0x202: {  	[hbm4b:s23+s3] =	stream.linear.scatter [tilespmem:s29], [sflag:$0x3], $0x2000, $0x38;
	[tilespmem:$0x1FD30] =	vst v63  }
0x203: {  	_ =	swait.ge [sflag:s25], $0x2000  }
0x204: {  	[sflag:s25] =	ssyncset.done $0x0  }
0x205: {  	[sflag:s25] =	ssyncadd.s32 $0xFFFFE000  }
0x206: {  	_ =	sfence.sel $0x180000  }
0x207: {  	[bflag:$0x0] =	sbarrier.arrive $0xFFFF  }
0x208: {  	_ =	strace $0x9000004A  }
0x209: {  	s0 =	stileid.u32;
	[bflag:$0x2] =	sbarrier.arrive $0xFFFF  }
0x20a: {  	p0 =	sne.s32 s0, $0x0;
	s0 =	rddreg [dreg:$0x2]  }
0x20b: {  	s0 =	sadd.s32 @!p0 $0x100000, s0  }
0x20c: {  	[sflag:s0] =	ssyncadd.tile.s32 @!p0 $0x1;
	_ =	shalt  }
.Lfunc_end2:
_tile_overlayer_lowered:
.L_overlay_start_2:
0x20d: {  	(tag) =	ssettag $0x2  }
0x20e: {  	s0 =	rddreg [dreg:$0x0];
	s2 =	stileid.u32  }
0x20f: {  	s1 =	rddreg [dreg:$0x1];
	p0 =	sne.s32 s2, $0x0  }
0x210: {  	s3 =	rddreg [dreg:$0x2];
	[bflag:$0x3] =	sbarrier.arrive $0xFFFF;
	s2 =	simm.s32 @!p0 $0x1C03  }
0x211: {  	[timem:s3], [sflag:s2] =	dma.local @!p0 [hbm:s0], s1  }
0x212: {  	s0 =	simm.s32 @!p0 $0x3  }
0x213: {  	_ =	swait.ge @!p0 [sflag:s0], s1  }
0x214: {  	s1 =	ssub.s32 @!p0 $0x0, s1;
	[sflag:s0] =	ssyncset.done @!p0 $0x0  }
0x215: {  	[sflag:s0] =	ssyncadd.s32 @!p0 s1  }
0x216: {  	[bflag:$0x3] =	sbarrier.arrive $0xFFFF  }
0x217: {  	_ =	shalt  }

// kernel: kernel.15.cloned.1.call-start
scs
__scs_entry_jumppad:
0x0: {  	(pc) =	sbr.rel $0x88, $3  }
0x1: {  	(tag) =	ssettag $0x0;
	lr =	simm.s32 $0x1  }
0x2: {  	[smem:$0x3F98] =	sst lr;
	_ =	strace $0xD0000000  }
0x3: {  	_ = 	snop  }
0x4: {  	_ = 	snop  }
0x5: {  	_ = 	snop  }
0x6: {  	_ = 	snop  }
0x7: {  	_ = 	snop  }
__scs_overlays_trampoline_lowered:
0x8: {  	[smem:$0x3FA7] =	sst s0  }
0x9: {  	[smem:$0x3FA8] =	sst s1  }
0xa: {  	[smem:$0x3FA9] =	sst s2  }
0xb: {  	[smem:$0x3FAA] =	sst s3  }
0xc: {  	[smem:$0x3FAB] =	sst s4  }
0xd: {  	[smem:$0x3FAC] =	sst s5  }
0xe: {  	[smem:$0x3FAD] =	sst s6  }
0xf: {  	[smem:$0x3FAE] =	sst s7  }
0x10: {  	[smem:$0x3FAF] =	sst s8  }
0x11: {  	[smem:$0x3FB0] =	sst s9;
	s0 =	simm.s32 @!p0 $0x0  }
0x12: {  	s1 =	sld [smem:$0x3F96];
	s0 =	simm.s32 @p0 $0x1  }
0x13: {  	[smem:$0x3FB1] =	sst s0;
	s0 =	simm.s32 @!p1 $0x0  }
0x14: {  	s2 =	sld [smem:$0x3F95];
	s0 =	simm.s32 @p1 $0x1  }
0x15: {  	[smem:$0x3FB2] =	sst s0;
	s0 =	simm.s32 @!p2 $0x0  }
0x16: {  	s3 =	sld [smem:$0x3FDB];
	s0 =	simm.s32 @p2 $0x1  }
0x17: {  	s4 =	simm.s32 $0x1BF5;
	[smem:$0x3FB4] =	sst s0  }
0x18: {  	s0 =	sld [smem:$0x3F97];
	_ =	swait.ge [sflag:s4], $0x0  }
0x19: {  	s7 =	sld [smem:$0x3F98]  }
0x1a: {  	s8 =	sadd.s32 $0xFFFFE003, lr  }
0x1b: {  	s9 =	sadd.s32 $0xFFFFFEF7, lr;
	s5 =	simm.s32 $0xFFFFFFFF;
	p2 =	slt.u32 s8, $0xFFFFF086  }
0x1c: {  	p1 =	slt.u32 s9, $0xF7A;
	s5 =	simm.s32 @!p2 $0x0  }
0x1d: {  	s5 =	simm.s32 @p1 $0x1;
	p0 =	seq.s32 s7, s2  }
0x1e: {  	s7 =	smul.u32 @!p0 $0xF7A, s2;
	p2 =	seq.s32 @!p0 s5, $0x0  }
0x1f: {  	s9 =	smul.u32 $0xF7A, s1;
	s8 =	simm.s32 @!p0 $0x1BF5;
	p2 =	por !p2, p0  }
0x20: {  	[sflag:s8] =	ssyncset.s32 @!p0 $0xFFFFF086;
	s6 =	sadd.s32 @!p0 s3, s7;
	s7 =	simm.s32 @!p0 $0x108  }
0x21: {  	s3 =	sadd.s32 s3, s9;
	s6 =	sadd.s32 @!p0 $0x88, s6;
	s7 =	simm.s32 @p2 $0x1082  }
0x22: {  	[simem:s7], [sflag:s8] =	dma.local @!p0 [hbm:s6], $0xF7A  }
0x23: {  	s9 =	sor.u32 $0xD0000000, s2;
	s6 =	simm.s32 $0x108;
	_ =	swait.ge @!p0 [sflag:s8], $0x0  }
0x24: {  	s3 =	sadd.s32 $0x88, s3;
	s6 =	simm.s32 @!p1 $0x1082;
	[sflag:s4] =	ssyncset.s32 $0xFFFFF086  }
0x25: {  	[simem:s6], [sflag:s4] =	dma.local [hbm:s3], $0xF7A  }
0x26: {  	[smem:$0x3F98] =	sst s1;
	(tag) =	ssettag s2;
	_ =	strace s9  }
0x27: {  	s1 =	sld [smem:$0x3FA8]  }
0x28: {  	s2 =	sld [smem:$0x3FA9]  }
0x29: {  	s4 =	sld [smem:$0x3FAB]  }
0x2a: {  	p0 =	seq.s32 s5, $0x0;
	s5 =	sld [smem:$0x3FAC]  }
0x2b: {  	s6 =	sld [smem:$0x3FAD]  }
0x2c: {  	s7 =	sld [smem:$0x3FAE]  }
0x2d: {  	s3 =	simm.s32 $0x108;
	s8 =	sld [smem:$0x3FAF]  }
0x2e: {  	s3 =	simm.s32 @!p0 $0x1082;
	s9 =	sld [smem:$0x3FB0]  }
0x2f: {  	lr =	sadd.s32 s0, s3;
	s0 =	sld [smem:$0x3FA7]  }
0x30: {  	s3 =	sld [smem:$0x3FAA]  }
0x31: {  	[smem:$0x3FB3] =	sst s10  }
0x32: {  	s10 =	sld [smem:$0x3FB1];
	_ =	sdelay $0x3  }
0x33: {  	p0 =	seq.s32 s10, $0x1;
	s10 =	sld [smem:$0x3FB3];
	_ =	sdelay $0x3  }
0x34: {  	[smem:$0x3FB3] =	sst s10  }
0x35: {  	s10 =	sld [smem:$0x3FB2];
	_ =	sdelay $0x3  }
0x36: {  	p1 =	seq.s32 s10, $0x1;
	s10 =	sld [smem:$0x3FB3];
	_ =	sdelay $0x3  }
0x37: {  	[smem:$0x3FB3] =	sst s10  }
0x38: {  	s10 =	sld [smem:$0x3FB4]  }
0x39: {  	_ = 	snop;
	(pc) =	sbr.ind lr, $3  }
0x3a: {  	_ = 	snop  }
0x3b: {  	_ = 	snop  }
0x3c: {  	p2 =	seq.s32 s10, $0x1;
	s10 =	sld [smem:$0x3FB3]  }
0x3d: {  	_ =	shalt  }
0x3e: {  	_ =	shalt  }
0x3f: {  	_ =	shalt  }
0x40: {  	_ =	shalt  }
0x41: {  	_ =	shalt  }
0x42: {  	_ =	shalt  }
0x43: {  	_ =	shalt  }
0x44: {  	_ =	shalt  }
0x45: {  	_ =	shalt  }
0x46: {  	_ =	shalt  }
0x47: {  	_ =	shalt  }
0x48: {  	_ =	shalt  }
0x49: {  	_ =	shalt  }
0x4a: {  	_ =	shalt  }
0x4b: {  	_ =	shalt  }
0x4c: {  	_ =	shalt  }
0x4d: {  	_ =	shalt  }
0x4e: {  	_ =	shalt  }
0x4f: {  	_ =	shalt  }
0x50: {  	_ =	shalt  }
0x51: {  	_ =	shalt  }
0x52: {  	_ =	shalt  }
0x53: {  	_ =	shalt  }
0x54: {  	_ =	shalt  }
0x55: {  	_ =	shalt  }
0x56: {  	_ =	shalt  }
0x57: {  	_ =	shalt  }
0x58: {  	_ =	shalt  }
0x59: {  	_ =	shalt  }
0x5a: {  	_ =	shalt  }
0x5b: {  	_ =	shalt  }
0x5c: {  	_ =	shalt  }
0x5d: {  	_ =	shalt  }
0x5e: {  	_ =	shalt  }
0x5f: {  	_ =	shalt  }
0x60: {  	_ =	shalt  }
0x61: {  	_ =	shalt  }
0x62: {  	_ =	shalt  }
0x63: {  	_ =	shalt  }
0x64: {  	_ =	shalt  }
0x65: {  	_ =	shalt  }
0x66: {  	_ =	shalt  }
0x67: {  	_ =	shalt  }
0x68: {  	_ =	shalt  }
0x69: {  	_ =	shalt  }
0x6a: {  	_ =	shalt  }
0x6b: {  	_ =	shalt  }
0x6c: {  	_ =	shalt  }
0x6d: {  	_ =	shalt  }
0x6e: {  	_ =	shalt  }
0x6f: {  	_ =	shalt  }
0x70: {  	_ =	shalt  }
0x71: {  	_ =	shalt  }
0x72: {  	_ =	shalt  }
0x73: {  	_ =	shalt  }
0x74: {  	_ =	shalt  }
0x75: {  	_ =	shalt  }
0x76: {  	_ =	shalt  }
0x77: {  	_ =	shalt  }
0x78: {  	_ =	shalt  }
0x79: {  	_ =	shalt  }
0x7a: {  	_ =	shalt  }
0x7b: {  	_ =	shalt  }
0x7c: {  	_ =	shalt  }
0x7d: {  	_ =	shalt  }
0x7e: {  	_ =	shalt  }
0x7f: {  	_ =	shalt  }
0x80: {  	_ =	shalt  }
0x81: {  	_ =	shalt  }
0x82: {  	_ =	shalt  }
0x83: {  	_ =	shalt  }
0x84: {  	_ =	shalt  }
0x85: {  	_ =	shalt  }
0x86: {  	_ =	shalt  }
0x87: {  	_ =	shalt  }
.Lfunc_end0:
.L_simem_size_0:
called_computation.2_lowered:
.L_overlay_start_0:
0x88: {  	s2 =	sld [smem:$0x3FD9]  }
0x89: {  	s3 =	sld [smem:$0x3FFE];
	_ =	sdelay $0x1  }
0x8a: {  	s1 =	srdreg.scid  }
0x8b: {  	s0 =	sand.u32 $0x1, s1  }
0x8c: {  	s16 =	sshll.u32 s0, $0xA;
	s2 =	sadd.s32 s3, s2  }
0x8d: {  	s2 =	sadd.s32 s2, s16  }
0x8e: {  	[smem:$0x3FBF] =	sst s2  }
0x8f: {  	_ = 	snop  }
0x90: {  	(tm) =	ssettm $0x1  }
0x91: {  	s17 =	sld [smem:$0x3FFB];
	_ =	sdelay $0x3  }
0x92: {  	_ =	strace s17  }
0x93: {  	s2 =	sld [smem:$0x3FFC];
	_ =	sdelay $0x3  }
0x94: {  	_ =	strace s2  }
0x95: {  	s2 =	sld [smem:$0x3FFD];
	_ =	sdelay $0x3  }
0x96: {  	_ =	strace s2  }
0x97: {  	_ =	strace $0x8FFFFFFF  }
0x98: {  	s18 =	sld [smem:$0x3FDB];
	_ =	sdelay $0x1  }
0x99: {  	s19 =	simm.s32 $_scs_section_size  }
0x9a: {  	s4 =	simm.s32 $_size__tile_overlayer_lowered;
	s5 =	simm.s32 $_tile_overlayer_lowered  }
0x9b: {  	s22 =	simm.s32 $0x1BFF;
	s21 =	sshll.u32 s5, $0x1;
	s2 =	sadd.s32 s19, s18  }
0x9c: {  	s6 =	simm.s32 $0x0;
	s20 =	sshll.u32 s4, $0x1;
	s4 =	sadd.s32 s21, s2  }
0x9d: {  	[timem:s6], [sflag:s22] =	dma.local [hbm:s4], s20  }
0x9e: {  	_ =	swait.ge [sflag:s22], s20  }
0x9f: {  	s3 =	ssub.s32 $0x0, s20;
	[sflag:s22] =	ssyncset.done $0x0  }
0xa0: {  	[sflag:s22] =	ssyncadd.s32 s3;
	_ =	sdelay $0x1  }
0xa1: {  	s23 =	simm.s32 $0x1B8B  }
0xa2: {  	_ =	swait.ge [sflag:s23], $0x1  }
0xa3: {  	[sflag:s23] =	ssyncset.done $0x0  }
0xa4: {  	s25 =	simm.s32 $0x1B8E;
	s24 =	sld [smem:$0x3FFE];
	[sflag:s23] =	ssyncadd.s32 $0xFFFFFFFF  }
0xa5: {  	s26 =	simm.s32 $execute0_lowered;
	[smem:$0x3FD2] =	sst s25  }
0xa6: {  	s4 =	sshll.u32 s26, $0x1;
	_ =	strace $0x8000004C;
	[dreg:$0x1] =	wrdreg $0xFFFFFFFF  }
0xa7: {  	s28 =	simm.s32 $_size_execute0_lowered;
	s2 =	sadd.s32 s2, s4;
	[dreg:$0x0] =	wrdreg $0x0  }
0xa8: {  	s4 =	sshll.u32 s28, $0x1;
	[dreg:$0x2] =	wrdreg s2  }
0xa9: {  	[dreg:$0x3] =	wrdreg s4  }
0xaa: {  	[dreg:$0x4] =	wrdreg $0xC0  }
0xab: {  	_ =	task [dreg:s6], $0x5FFFF  }
0xac: {  	[dreg:$0x1] =	wrdreg $0xFFFFFFFF  }
0xad: {  	[dreg:$0x0] =	wrdreg $0x60  }
0xae: {  	[dreg:$0x2] =	wrdreg s24  }
0xaf: {  	[dreg:$0x3] =	wrdreg $0x0  }
0xb0: {  	[dreg:$0x4] =	wrdreg $0x9  }
0xb1: {  	_ =	task.clear_ibuf [dreg:s6], $0x5FFFF;
	_ =	strace $0x9000004C  }
0xb2: {  	s29 =	simm.s32 $0x9;
	_ =	strace $0x8000004E  }
0xb3: {  	_ =	swait.ge [sflag:s29], $0x1  }
0xb4: {  	[sflag:s29] =	ssyncadd.s32 $0xFFFFFFFF  }
0xb5: {  	_ =	strace $0x9000004E  }
0xb6: {  	_ =	sfence  }
0xb7: {  	s30 =	sld [smem:$0x0];
	_ =	sdelay $0x2  }
0xb8: {  	s31 =	sshll.u32 s1, $0xD;
	s1 =	sshrl.u32 s1, $0x2  }
0xb9: {  	s3 =	sand.u32 $0x4000, s31;
	s1 =	sadd.s32 s1, s30  }
0xba: {  	s0 =	sor.u32 s3, s0;
	s1 =	sshll.u32 s1, $0x11  }
0xbb: {  	s0 =	sor.u32 s1, s0  }
0xbc: {  	s0 =	sadd.s32 $0x8F2B, s0  }
0xbd: {  	[sflag:s0] =	ssyncadd.remote.s32 $0x1  }
0xbe: {  	_ =	sfence.sel $0xFFFF  }
0xbf: {  	[dreg:$0x0] =	wrdreg $0xFFFFFFFF;
	(pc) =	sbr.abs _section_cstart, $3  }
0xc0: {  	[dreg:$0x1] =	wrdreg $0xFFFFFFFF  }
0xc1: {  	_ =	task.clear_ibuf [dreg:s6], $0x2FFFF;
	_ =	strace $0x9FFFFFFF  }
0xc2: {  	(tm) =	ssettm $0x7FFFFFFF  }
0xc3: {  	_ =	shalt  }
tec
execute0_lowered:
.L_overlay_start_1:
0x0: {  	(tag) =	ssettag $0x1  }
0x1: {  	s0 =	srdreg.scid;
	s1 =	rddreg [dreg:$0x0]  }
0x2: {  	s2 =	rddreg [dreg:$0x1];
	s8 =	stileid.u32;
	s3 =	simm.s32 $0x0  }
0x3: {  	s29 =	simm.s32 $0xCF30;
	s30 =	simm.s32 $0x50;
	s28 =	simm.s32 $0x1  }
0x4: {  	s31 =	simm.s32 $0x2;
	s0 =	sand.u32 $0x1, s0;
	s14 =	smul.u32 $0xA000, s8  }
0x5: {  	[smem:$0x7FF] =	sst s3;
	s19 =	smul.u32 $0x2800, s8;
	s4 =	sshll.u32 s0, $0x4  }
0x6: {  	_ =	strace $0x8000004D;
	s5 =	ssub.s32 $0x2, s0;
	s0 =	smul.u32 $0x28000, s0  }
0x7: {  	s4 =	sor.u32 s8, s4;
	s7 =	sshrl.u32 s5, $0x1;
	s16 =	sshrl.u32 s14, $0x2  }
0x8: {  	s17 =	sadd.s32 s19, s2;
	s20 =	sadd.s32 $0x800, s19;
	s22 =	sadd.s32 $0x1000, s19  }
0x9: {  	s24 =	sadd.s32 $0x1800, s19;
	s25 =	sadd.s32 $0x2000, s19;
	s4 =	smul.u32 $0x4E2, s4  }
0xa: {  	s5 =	ssub.s32 s5, s7;
	s8 =	sadd.s32 s16, s2;
	[dreg:$0x6] =	wrdreg s17  }
0xb: {  	s18 =	sadd.s32 s0, s19;
	s21 =	sadd.s32 s0, s20;
	s16 =	sadd.s32 s20, s2  }
0xc: {  	s23 =	sadd.s32 s0, s22;
	s26 =	sadd.s32 s0, s24;
	s0 =	sadd.s32 s0, s25  }
0xd: {  	s20 =	sadd.s32 s24, s2;
	s10 =	smax.u32 s5, $0x1;
	s11 =	sadd.s32 $0x800, s8  }
0xe: {  	s12 =	sadd.s32 $0x1000, s8;
	s13 =	sadd.s32 $0x1800, s8;
	s5 =	sshrl.u32 s18, $0x3  }
0xf: {  	s14 =	sadd.s32 $0x2000, s8;
	s18 =	sadd.s32 s22, s2;
	s0 =	sshrl.u32 s0, $0x3  }
0x10: {  	s22 =	sadd.s32 s25, s2;
	s25 =	simm.s32 $0x3;
	s6 =	sadd.s32 s4, s1  }
0x11: {  	s4 =	sadd.s32 $0x33C00, s1;
	s1 =	sadd.s32 $0x2800, s1;
	s9 =	sadd.s32 $0x29E00, s6  }
0x12: {  	s15 =	sadd.s32 $0x20000, s6;
	s6 =	sadd.s32 $0x16200, s6;
	[dreg:$0x3] =	wrdreg s9  }
0x13: {  	[dreg:$0x4] =	wrdreg s15;
	s15 =	sadd.s32 s1, s5;
	s5 =	sshrl.u32 s21, $0x3  }
0x14: {  	[dreg:$0x5] =	wrdreg s6;
	s17 =	sadd.s32 s1, s5;
	s5 =	sshrl.u32 s23, $0x3  }
0x15: {  	s23 =	sadd.s32 s1, s0;
	s19 =	sadd.s32 s1, s5;
	s5 =	sshrl.u32 s26, $0x3  }
0x16: {  	v0 =	vimm.f32 $0.0e+00;
	s0 =	simm.s32 $0x0;
	s26 =	simm.s32 $0x4F10;
	s21 =	sadd.s32 s1, s5  }
.LBB2_1:
0x17: {  	s1 =	rddreg [dreg:$0x3];
	s5 =	simm.s32 $0x2800  }
0x18: {  	[tilespmem:s5], [sflag:$0x3] =	stream.linear.gather [hbm4b:s1+s3], $0x2710, $0x38;
	[tilespmem:$0xD730] =	vst v63  }
0x19: {  	_ =	swait.ge [sflag:s25], $0x2710  }
0x1a: {  	[sflag:s25] =	ssyncset.done $0x0  }
0x1b: {  	s7 =	rddreg [dreg:$0x4];
	[sflag:s25] =	ssyncadd.s32 $0xFFFFD8F0  }
0x1c: {  	[tilespmem:s26], [sflag:$0x3] =	stream.linear.gather [hbm4b:s7+s3], $0x2710, $0x38;
	[tilespmem:$0xD730] =	vst v63  }
0x1d: {  	_ =	swait.ge [sflag:s25], $0x2710  }
0x1e: {  	[sflag:s25] =	ssyncset.done $0x0  }
0x1f: {  	s24 =	simm.s32 $0x7620;
	s9 =	rddreg [dreg:$0x5];
	[sflag:s25] =	ssyncadd.s32 $0xFFFFD8F0  }
0x20: {  	[tilespmem:s24], [sflag:$0x3] =	stream.linear.gather [hbm4b:s9+s3], $0x2710, $0x38;
	[tilespmem:$0xD730] =	vst v63  }
0x21: {  	_ =	swait.ge [sflag:s25], $0x2710  }
0x22: {  	[sflag:s25] =	ssyncset.done $0x0  }
0x23: {  	s1 =	simm.s32 $0xCF50;
	[sflag:s25] =	ssyncadd.s32 $0xFFFFD8F0  }
0x24: {  	[tilespmem:s1+$0xFFFFFFE0] =	vst v0  }
0x25: {  	[tilespmem:s1+$0x10] =	vst v0  }
0x26: {  	s5 =	simm.s32 $0x0;
	[tilespmem:s1+$0x0] =	vst v0  }
.LBB2_2:
0x27: {  	s5 =	sadd.s32 $0x4, s5  }
0x28: {  	[tilespmem:s1+$0xFFFFFFF0] =	vst v0;
	s1 =	sadd.s32 $0x40, s1;
	p0 =	slt.u32 s5, $0x7C  }
.Ltmp0:
0x29: {  	[tilespmem:s1+$0xFFFFFFE0] =	vst v0;
	(pc) =	sbr.rel @p0 .LBB2_2-.Ltmp0, $3  }
0x2a: {  	_ =	sdelay $0x1  }
0x2b: {  	[tilespmem:s1+$0x10] =	vst v0  }
0x2c: {  	[tilespmem:s1+$0x0] =	vst v0  }
0x2d: {  	[tilespmem:s1+$0xFFFFFFF0] =	vst v0  }
0x2e: {  	[spmem:s8] =	stream.linear.scatter [tilespmem:s29], [sflag:$0x3], $0x800, $0x38;
	[tilespmem:$0xD730] =	vst v63  }
0x2f: {  	_ =	swait.ge [sflag:s25], $0x800  }
0x30: {  	[sflag:s25] =	ssyncset.done $0x0  }
0x31: {  	[sflag:s25] =	ssyncadd.s32 $0xFFFFF800  }
0x32: {  	[spmem:s11] =	stream.linear.scatter [tilespmem:s29], [sflag:$0x3], $0x800, $0x38;
	[tilespmem:$0xD730] =	vst v63  }
0x33: {  	_ =	swait.ge [sflag:s25], $0x800  }
0x34: {  	[sflag:s25] =	ssyncset.done $0x0  }
0x35: {  	[sflag:s25] =	ssyncadd.s32 $0xFFFFF800  }
0x36: {  	[spmem:s12] =	stream.linear.scatter [tilespmem:s29], [sflag:$0x3], $0x800, $0x38;
	[tilespmem:$0xD730] =	vst v63  }
0x37: {  	_ =	swait.ge [sflag:s25], $0x800  }
0x38: {  	[sflag:s25] =	ssyncset.done $0x0  }
0x39: {  	[sflag:s25] =	ssyncadd.s32 $0xFFFFF800  }
0x3a: {  	[spmem:s13] =	stream.linear.scatter [tilespmem:s29], [sflag:$0x3], $0x800, $0x38;
	[tilespmem:$0xD730] =	vst v63  }
0x3b: {  	_ =	swait.ge [sflag:s25], $0x800  }
0x3c: {  	[sflag:s25] =	ssyncset.done $0x0  }
0x3d: {  	[sflag:s25] =	ssyncadd.s32 $0xFFFFF800  }
0x3e: {  	[spmem:s14] =	stream.linear.scatter [tilespmem:s29], [sflag:$0x3], $0x800, $0x38;
	[tilespmem:$0xD730] =	vst v63  }
0x3f: {  	_ =	swait.ge [sflag:s25], $0x800  }
0x40: {  	[sflag:s25] =	ssyncset.done $0x0  }
0x41: {  	[sflag:s25] =	ssyncadd.s32 $0xFFFFF800  }
0x42: {  	s6 =	simm.s32 $0x9D30;
	[bflag:$0x0] =	sbarrier.arrive $0xFFFF  }
0x43: {  	[tilespmem:s6], [sflag:$0x1] =	stream.indirect.gather [hbm4b:s4+s30], $0x10, s26, s30, $0xb8;
	[tilespmem:$0xD730] =	vst v63  }
0x44: {  	s7 =	simm.s32 $0x4F60;
	s5 =	simm.s32 $0xA230  }
0x45: {  	[tilespmem:s5], [sflag:$0x1] =	stream.indirect.gather [hbm4b:s4+s30], $0x10, s7, s30, $0xb8;
	[tilespmem:$0xD730] =	vst v63  }
0x46: {  	s9 =	simm.s32 $0x4FB0;
	s24 =	simm.s32 $0xA730  }
0x47: {  	[tilespmem:s24], [sflag:$0x1] =	stream.indirect.gather [hbm4b:s4+s30], $0x10, s9, s30, $0xb8;
	[tilespmem:$0xD730] =	vst v63  }
0x48: {  	s6 =	simm.s32 $0x5000;
	s7 =	simm.s32 $0xAC30  }
0x49: {  	[tilespmem:s7], [sflag:$0x1] =	stream.indirect.gather [hbm4b:s4+s30], $0x10, s6, s30, $0xb8;
	[tilespmem:$0xD730] =	vst v63  }
0x4a: {  	s1 =	simm.s32 $0x0;
	s9 =	simm.s32 $0x5050;
	s24 =	simm.s32 $0xB130  }
0x4b: {  	[tilespmem:s24], [sflag:$0x1] =	stream.indirect.gather [hbm4b:s4+s30], $0x10, s9, s30, $0xb8;
	[tilespmem:$0xD730] =	vst v63  }
0x4c: {  	s5 =	simm.s32 $0x2800;
	s6 =	simm.s32 $0x7640;
	s24 =	simm.s32 $0x50A0  }
.LBB2_4:
0x4d: {  	s7 =	smul.u32 $0xCD, s1;
	_ =	sdelay $0x1  }
0x4e: {  	s7 =	sshrl.u32 s7, $0xB  }
0x4f: {  	s7 =	sand.u32 $0x1F, s7  }
0x50: {  	s7 =	smul.u32 $0xA, s7  }
0x51: {  	_ =	swait.ge [sflag:s28], $0x500  }
0x52: {  	[sflag:s28] =	ssyncset.done $0x0;
	s7 =	ssub.s32 s1, s7  }
0x53: {  	[sflag:s28] =	ssyncadd.s32 $0xFFFFFB00;
	s7 =	sand.u32 $0xFF, s7  }
0x54: {  	v1 =	vld [tilespmem:s6+$0xFFFFFFE0];
	s7 =	smul.u32 $0x1400, s7  }
0x55: {  	v58 =	vld [tilespmem:s6+$0xFFFFFFF0]  }
0x56: {  	v38 =	vld [tilespmem:s6+$0x0];
	s7 =	sshrl.u32 s7, $0x2  }
0x57: {  	v2 =	vld [tilespmem:s7+$0x9D30]  }
0x58: {  	v3 =	vld [tilespmem:s7+$0x9D40]  }
0x59: {  	v4 =	vld [tilespmem:s7+$0x9D50]  }
0x5a: {  	v5 =	vld [tilespmem:s7+$0x9D60]  }
0x5b: {  	v6 =	vld [tilespmem:s7+$0x9D70]  }
0x5c: {  	v9 =	vbroadcast v1, $0x0;
	v7 =	vld [tilespmem:s7+$0x9D80]  }
0x5d: {  	v11 =	vbroadcast v1, $0x1;
	v8 =	vld [tilespmem:s7+$0x9D90]  }
0x5e: {  	v45 =	vbroadcast v1, $0x2;
	v10 =	vld [tilespmem:s7+$0x9DA0];
	v2 =	vmul.f32 v9, v2  }
0x5f: {  	v46 =	vbroadcast v1, $0x3;
	v12 =	vld [tilespmem:s7+$0x9DB0];
	v3 =	vmul.f32 v3, v11  }
0x60: {  	v47 =	vbroadcast v1, $0x4;
	v13 =	vld [tilespmem:s7+$0x9DC0];
	[tilespmem:s7+$0x9D30] =	vst v2;
	v2 =	vmul.f32 v4, v45  }
0x61: {  	v49 =	vbroadcast v1, $0x5;
	v14 =	vld [tilespmem:s7+$0x9DD0];
	[tilespmem:s7+$0x9D40] =	vst v3;
	v3 =	vmul.f32 v5, v46  }
0x62: {  	v51 =	vbroadcast v1, $0x6;
	v48 =	vld [tilespmem:s7+$0x9DE0];
	[tilespmem:s7+$0x9D50] =	vst v2;
	v2 =	vmul.f32 v6, v47  }
0x63: {  	v53 =	vbroadcast v1, $0x7;
	v50 =	vld [tilespmem:s7+$0x9DF0];
	[tilespmem:s7+$0x9D60] =	vst v3;
	v3 =	vmul.f32 v7, v49  }
0x64: {  	v55 =	vbroadcast v1, $0x8;
	v52 =	vld [tilespmem:s7+$0x9E00];
	[tilespmem:s7+$0x9D70] =	vst v2;
	v2 =	vmul.f32 v8, v51  }
0x65: {  	v57 =	vbroadcast v1, $0x9;
	v54 =	vld [tilespmem:s7+$0x9E10];
	[tilespmem:s7+$0x9D80] =	vst v3;
	v3 =	vmul.f32 v10, v53  }
0x66: {  	v59 =	vbroadcast v1, $0xA;
	v56 =	vld [tilespmem:s7+$0x9E20];
	[tilespmem:s7+$0x9D90] =	vst v2;
	v2 =	vmul.f32 v12, v55  }
0x67: {  	v61 =	vbroadcast v1, $0xB;
	v60 =	vld [tilespmem:s7+$0x9E30];
	[tilespmem:s7+$0x9DA0] =	vst v3;
	v3 =	vmul.f32 v13, v57  }
0x68: {  	v63 =	vbroadcast v1, $0xC;
	v62 =	vld [tilespmem:s7+$0x9E40];
	[tilespmem:s7+$0x9DB0] =	vst v2;
	v2 =	vmul.f32 v14, v59  }
0x69: {  	v17 =	vbroadcast v1, $0xD;
	v16 =	vld [tilespmem:s7+$0x9E50];
	[tilespmem:s7+$0x9DC0] =	vst v3;
	v3 =	vmul.f32 v48, v61  }
0x6a: {  	v19 =	vbroadcast v1, $0xE;
	v18 =	vld [tilespmem:s7+$0x9E60];
	[tilespmem:s7+$0x9DD0] =	vst v2;
	v2 =	vmul.f32 v50, v63  }
0x6b: {  	v1 =	vbroadcast v1, $0xF;
	v20 =	vld [tilespmem:s7+$0x9E70];
	[tilespmem:s7+$0x9DE0] =	vst v3;
	v3 =	vmul.f32 v52, v17  }
0x6c: {  	v22 =	vbroadcast v58, $0x0;
	v21 =	vld [tilespmem:s7+$0x9E80];
	[tilespmem:s7+$0x9DF0] =	vst v2;
	v2 =	vmul.f32 v54, v19  }
0x6d: {  	v23 =	vld [tilespmem:s7+$0x9E90];
	v1 =	vmul.f32 v56, v1;
	[tilespmem:s7+$0x9E00] =	vst v3;
	v3 =	vbroadcast v58, $0x1  }
0x6e: {  	v25 =	vbroadcast v58, $0x2;
	v24 =	vld [tilespmem:s7+$0x9EA0];
	[tilespmem:s7+$0x9E10] =	vst v2;
	v2 =	vmul.f32 v22, v60  }
0x6f: {  	v26 =	vld [tilespmem:s7+$0x9EB0];
	[tilespmem:s7+$0x9E20] =	vst v1;
	v1 =	vmul.f32 v62, v3;
	v3 =	vbroadcast v58, $0x3  }
0x70: {  	v28 =	vbroadcast v58, $0x4;
	v27 =	vld [tilespmem:s7+$0x9EC0];
	[tilespmem:s7+$0x9E30] =	vst v2;
	v2 =	vmul.f32 v16, v25  }
0x71: {  	v29 =	vld [tilespmem:s7+$0x9ED0];
	[tilespmem:s7+$0x9E40] =	vst v1;
	v1 =	vmul.f32 v18, v3;
	v3 =	vbroadcast v58, $0x5  }
0x72: {  	v31 =	vbroadcast v58, $0x6;
	v30 =	vld [tilespmem:s7+$0x9EE0];
	[tilespmem:s7+$0x9E50] =	vst v2;
	v2 =	vmul.f32 v20, v28  }
0x73: {  	v32 =	vld [tilespmem:s7+$0x9EF0];
	[tilespmem:s7+$0x9E60] =	vst v1;
	v1 =	vmul.f32 v21, v3;
	v3 =	vbroadcast v58, $0x7  }
0x74: {  	v34 =	vbroadcast v58, $0x8;
	v33 =	vld [tilespmem:s7+$0x9F00];
	[tilespmem:s7+$0x9E70] =	vst v2;
	v2 =	vmul.f32 v23, v31  }
0x75: {  	v35 =	vld [tilespmem:s7+$0x9F10];
	[tilespmem:s7+$0x9E80] =	vst v1;
	v1 =	vmul.f32 v24, v3;
	v3 =	vbroadcast v58, $0x9  }
0x76: {  	v37 =	vbroadcast v58, $0xA;
	v36 =	vld [tilespmem:s7+$0x9F20];
	[tilespmem:s7+$0x9E90] =	vst v2;
	v2 =	vmul.f32 v26, v34  }
0x77: {  	v39 =	vld [tilespmem:s7+$0x9F30];
	[tilespmem:s7+$0x9EA0] =	vst v1;
	v1 =	vmul.f32 v27, v3;
	v3 =	vbroadcast v58, $0xB  }
0x78: {  	v40 =	vbroadcast v58, $0xC;
	v41 =	vld [tilespmem:s7+$0x9F40];
	[tilespmem:s7+$0x9EB0] =	vst v2;
	v2 =	vmul.f32 v29, v37  }
0x79: {  	v42 =	vld [tilespmem:s7+$0x9F50];
	[tilespmem:s7+$0x9EC0] =	vst v1;
	v1 =	vmul.f32 v30, v3;
	v3 =	vbroadcast v58, $0xD  }
0x7a: {  	v43 =	vbroadcast v58, $0xE;
	v44 =	vld [tilespmem:s7+$0x9F60];
	[tilespmem:s7+$0x9ED0] =	vst v2;
	v2 =	vmul.f32 v32, v40  }
0x7b: {  	v15 =	vld [tilespmem:s7+$0xA040];
	[tilespmem:s7+$0x9EE0] =	vst v1;
	v1 =	vmul.f32 v33, v3;
	v3 =	vbroadcast v58, $0xF  }
0x7c: {  	v56 =	vld [tilespmem:s7+$0x9FE0];
	v46 =	vbroadcast v38, $0x0;
	[tilespmem:s7+$0x9EF0] =	vst v2;
	v2 =	vmul.f32 v35, v43  }
0x7d: {  	v45 =	vld [tilespmem:s7+$0x9F70];
	[tilespmem:s7+$0x9F00] =	vst v1;
	v1 =	vmul.f32 v36, v3;
	v3 =	vbroadcast v38, $0x1  }
0x7e: {  	v47 =	vld [tilespmem:s7+$0x9F80];
	v49 =	vbroadcast v38, $0x2;
	[tilespmem:s7+$0x9F10] =	vst v2;
	v2 =	vmul.f32 v46, v39  }
0x7f: {  	v48 =	vld [tilespmem:s7+$0x9F90];
	[tilespmem:s7+$0x9F20] =	vst v1;
	v1 =	vmul.f32 v41, v3;
	v3 =	vbroadcast v38, $0x3  }
0x80: {  	v50 =	vld [tilespmem:s7+$0x9FA0];
	v52 =	vbroadcast v38, $0x4;
	[tilespmem:s7+$0x9F30] =	vst v2;
	v2 =	vmul.f32 v42, v49  }
0x81: {  	v51 =	vld [tilespmem:s7+$0x9FB0];
	[tilespmem:s7+$0x9F40] =	vst v1;
	v1 =	vmul.f32 v44, v3;
	v3 =	vbroadcast v38, $0x5  }
0x82: {  	v53 =	vld [tilespmem:s7+$0x9FC0];
	v55 =	vbroadcast v38, $0x6;
	[tilespmem:s7+$0x9F50] =	vst v2;
	v2 =	vmul.f32 v45, v52  }
0x83: {  	v54 =	vld [tilespmem:s7+$0x9FD0];
	[tilespmem:s7+$0x9F60] =	vst v1;
	v1 =	vmul.f32 v47, v3;
	v3 =	vbroadcast v38, $0x7  }
0x84: {  	v57 =	vld [tilespmem:s7+$0x9FF0];
	v58 =	vbroadcast v38, $0x8;
	[tilespmem:s7+$0x9F70] =	vst v2;
	v2 =	vmul.f32 v48, v55  }
0x85: {  	v59 =	vld [tilespmem:s7+$0xA000];
	[tilespmem:s7+$0x9F80] =	vst v1;
	v1 =	vmul.f32 v50, v3;
	v3 =	vbroadcast v38, $0x9  }
0x86: {  	v61 =	vbroadcast v38, $0xA;
	v63 =	vld [tilespmem:s6+$0x10];
	[tilespmem:s7+$0x9F90] =	vst v2;
	v2 =	vmul.f32 v51, v58  }
0x87: {  	v60 =	vld [tilespmem:s7+$0xA010];
	[tilespmem:s7+$0x9FA0] =	vst v1;
	v1 =	vmul.f32 v53, v3;
	v3 =	vbroadcast v38, $0xB  }
0x88: {  	v13 =	vbroadcast v38, $0xC;
	v62 =	vld [tilespmem:s7+$0xA020];
	[tilespmem:s7+$0x9FB0] =	vst v2;
	v2 =	vmul.f32 v54, v61  }
0x89: {  	v14 =	vld [tilespmem:s7+$0xA030];
	[tilespmem:s7+$0x9FC0] =	vst v1;
	v1 =	vmul.f32 v56, v3;
	v3 =	vbroadcast v38, $0xD  }
0x8a: {  	v17 =	vld [tilespmem:s7+$0xA050];
	v16 =	vbroadcast v38, $0xE;
	[tilespmem:s7+$0x9FD0] =	vst v2;
	v2 =	vmul.f32 v57, v13  }
0x8b: {  	v18 =	vld [tilespmem:s7+$0xA060];
	[tilespmem:s7+$0x9FE0] =	vst v1;
	v1 =	vmul.f32 v59, v3;
	v3 =	vbroadcast v38, $0xF  }
0x8c: {  	v19 =	vbroadcast v63, $0x0;
	v20 =	vld [tilespmem:s7+$0xA070];
	[tilespmem:s7+$0x9FF0] =	vst v2;
	v2 =	vmul.f32 v60, v16  }
0x8d: {  	v21 =	vld [tilespmem:s7+$0xA080];
	[tilespmem:s7+$0xA000] =	vst v1;
	v1 =	vmul.f32 v62, v3;
	v3 =	vbroadcast v63, $0x1  }
0x8e: {  	v22 =	vbroadcast v63, $0x2;
	v23 =	vld [tilespmem:s7+$0xA090];
	[tilespmem:s7+$0xA010] =	vst v2;
	v2 =	vmul.f32 v19, v14  }
0x8f: {  	v24 =	vld [tilespmem:s7+$0xA0A0];
	[tilespmem:s7+$0xA020] =	vst v1;
	v1 =	vmul.f32 v15, v3;
	v3 =	vbroadcast v63, $0x3  }
0x90: {  	v25 =	vbroadcast v63, $0x4;
	v26 =	vld [tilespmem:s7+$0xA0B0];
	[tilespmem:s7+$0xA030] =	vst v2;
	v2 =	vmul.f32 v17, v22  }
0x91: {  	v27 =	vld [tilespmem:s7+$0xA0C0];
	[tilespmem:s7+$0xA040] =	vst v1;
	v1 =	vmul.f32 v18, v3;
	v3 =	vbroadcast v63, $0x5  }
0x92: {  	v28 =	vbroadcast v63, $0x6;
	v29 =	vld [tilespmem:s7+$0xA0D0];
	[tilespmem:s7+$0xA050] =	vst v2;
	v2 =	vmul.f32 v20, v25  }
0x93: {  	v30 =	vld [tilespmem:s7+$0xA0E0];
	[tilespmem:s7+$0xA060] =	vst v1;
	v1 =	vmul.f32 v21, v3;
	v3 =	vbroadcast v63, $0x7  }
0x94: {  	v31 =	vbroadcast v63, $0x8;
	v32 =	vld [tilespmem:s7+$0xA0F0];
	[tilespmem:s7+$0xA070] =	vst v2;
	v2 =	vmul.f32 v23, v28  }
0x95: {  	v33 =	vld [tilespmem:s7+$0xA100];
	[tilespmem:s7+$0xA080] =	vst v1;
	v1 =	vmul.f32 v24, v3;
	v3 =	vbroadcast v63, $0x9  }
0x96: {  	v34 =	vbroadcast v63, $0xA;
	v35 =	vld [tilespmem:s7+$0xA110];
	[tilespmem:s7+$0xA090] =	vst v2;
	v2 =	vmul.f32 v26, v31  }
0x97: {  	v36 =	vld [tilespmem:s6+$0x20];
	[tilespmem:s7+$0xA0A0] =	vst v1;
	v1 =	vmul.f32 v27, v3;
	v3 =	vbroadcast v63, $0xB  }
0x98: {  	v37 =	vbroadcast v63, $0xC;
	v38 =	vld [tilespmem:s7+$0xA120];
	[tilespmem:s7+$0xA0B0] =	vst v2;
	v2 =	vmul.f32 v29, v34  }
0x99: {  	v39 =	vld [tilespmem:s7+$0xA130];
	[tilespmem:s7+$0xA0C0] =	vst v1;
	v1 =	vmul.f32 v30, v3;
	v3 =	vbroadcast v63, $0xD  }
0x9a: {  	v40 =	vbroadcast v63, $0xE;
	v41 =	vld [tilespmem:s7+$0xA140];
	[tilespmem:s7+$0xA0D0] =	vst v2;
	v2 =	vmul.f32 v32, v37  }
0x9b: {  	v42 =	vld [tilespmem:s7+$0xA150];
	[tilespmem:s7+$0xA0E0] =	vst v1;
	v1 =	vmul.f32 v33, v3;
	v3 =	vbroadcast v63, $0xF  }
0x9c: {  	v44 =	vld [tilespmem:s7+$0xA160];
	v43 =	vbroadcast v36, $0x0;
	[tilespmem:s7+$0xA0F0] =	vst v2;
	v2 =	vmul.f32 v35, v40  }
0x9d: {  	v45 =	vld [tilespmem:s7+$0xA170];
	[tilespmem:s7+$0xA100] =	vst v1;
	v1 =	vmul.f32 v38, v3;
	v3 =	vbroadcast v36, $0x1  }
0x9e: {  	v46 =	vbroadcast v36, $0x2;
	v47 =	vld [tilespmem:s7+$0xA180];
	[tilespmem:s7+$0xA110] =	vst v2;
	v2 =	vmul.f32 v43, v39  }
0x9f: {  	v48 =	vld [tilespmem:s7+$0xA190];
	[tilespmem:s7+$0xA120] =	vst v1;
	v1 =	vmul.f32 v41, v3;
	v3 =	vbroadcast v36, $0x3  }
0xa0: {  	v49 =	vbroadcast v36, $0x4;
	v50 =	vld [tilespmem:s7+$0xA1A0];
	[tilespmem:s7+$0xA130] =	vst v2;
	v2 =	vmul.f32 v42, v46  }
0xa1: {  	v51 =	vld [tilespmem:s7+$0xA1B0];
	[tilespmem:s7+$0xA140] =	vst v1;
	v1 =	vmul.f32 v44, v3;
	v3 =	vbroadcast v36, $0x5  }
0xa2: {  	v52 =	vbroadcast v36, $0x6;
	v53 =	vld [tilespmem:s7+$0xA1C0];
	[tilespmem:s7+$0xA150] =	vst v2;
	v2 =	vmul.f32 v45, v49  }
0xa3: {  	v54 =	vld [tilespmem:s7+$0xA1D0];
	[tilespmem:s7+$0xA160] =	vst v1;
	v1 =	vmul.f32 v47, v3;
	v3 =	vbroadcast v36, $0x7  }
0xa4: {  	v55 =	vbroadcast v36, $0x8;
	v56 =	vld [tilespmem:s7+$0xA1E0];
	[tilespmem:s7+$0xA170] =	vst v2;
	v2 =	vmul.f32 v48, v52  }
0xa5: {  	v57 =	vld [tilespmem:s7+$0xA1F0];
	[tilespmem:s7+$0xA180] =	vst v1;
	v1 =	vmul.f32 v50, v3;
	v3 =	vbroadcast v36, $0x9  }
0xa6: {  	v58 =	vbroadcast v36, $0xA;
	v59 =	vld [tilespmem:s7+$0xA200];
	[tilespmem:s7+$0xA190] =	vst v2;
	v2 =	vmul.f32 v51, v55  }
0xa7: {  	v60 =	vld [tilespmem:s7+$0xA210];
	[tilespmem:s7+$0xA1A0] =	vst v1;
	v1 =	vmul.f32 v53, v3;
	v3 =	vbroadcast v36, $0xB  }
0xa8: {  	v61 =	vbroadcast v36, $0xC;
	v62 =	vld [tilespmem:s7+$0xA220];
	[tilespmem:s7+$0xA1B0] =	vst v2;
	v2 =	vmul.f32 v54, v58  }
0xa9: {  	[tilespmem:s7+$0xA1C0] =	vst v1;
	v1 =	vmul.f32 v56, v3;
	v3 =	vbroadcast v36, $0xD  }
0xaa: {  	v63 =	vbroadcast v36, $0xE;
	[tilespmem:s7+$0xA1D0] =	vst v2;
	v2 =	vmul.f32 v57, v61  }
0xab: {  	[tilespmem:s7+$0xA1E0] =	vst v1;
	v1 =	vmul.f32 v59, v3;
	v3 =	vbroadcast v36, $0xF  }
0xac: {  	[tilespmem:s7+$0xA1F0] =	vst v2;
	v2 =	vmul.f32 v60, v63  }
0xad: {  	[tilespmem:s7+$0xA200] =	vst v1;
	v1 =	vmul.f32 v62, v3  }
0xae: {  	p0 =	slt.u32 s1, $0x5;
	[tilespmem:s7+$0xA210] =	vst v2  }
0xaf: {  	s9 =	sadd.s32 $0x9D30, s7;
	[tilespmem:s7+$0xA220] =	vst v1;
	s7 =	simm.s32 @!p0 $0x2  }
0xb0: {  	[spmem:s2] =	stream.indirect.scatter.add.f32 [tilespmem:s9], [sflag:$0x2], $0x10, s5, s30, $0xb8;
	[tilespmem:$0xD730] =	vst v63  }
0xb1: {  	p1 =	sgt.u32 @!p0 s1, $0x77;
	_ =	swait.ge @!p0 [sflag:s7], $0x500  }
0xb2: {  	p1 =	por p0, !p1;
	[sflag:s7] =	ssyncset.done @!p0 $0x0  }
0xb3: {  	[sflag:s7] =	ssyncadd.s32 @!p0 $0xFFFFFB00;
	s7 =	sadd.s32 @p1 $0x5, s1  }
0xb4: {  	s9 =	smul.u32 @p1 $0xCD, s7;
	_ =	sdelay $0x1  }
0xb5: {  	s9 =	sshrl.u32 @p1 s9, $0xB  }
0xb6: {  	s9 =	sand.u32 @p1 $0x1F, s9  }
0xb7: {  	s9 =	smul.u32 @p1 $0xA, s9;
	_ =	sdelay $0x1  }
0xb8: {  	s7 =	ssub.s32 @p1 s7, s9  }
0xb9: {  	s1 =	sadd.s32 $0x1, s1;
	s7 =	sand.u32 @p1 $0xFF, s7  }
0xba: {  	p0 =	sne.s32 s1, $0x7D;
	s7 =	smul.u32 @p1 $0x1400, s7  }
.Ltmp1:
0xbb: {  	_ = 	snop;
	(pc) =	sbr.rel @p0 .LBB2_4-.Ltmp1, $4  }
0xbc: {  	s7 =	sshrl.u32 @p1 s7, $0x2  }
0xbd: {  	s7 =	sadd.s32 @p1 $0x9D30, s7  }
0xbe: {  	[tilespmem:s7], [sflag:$0x1] =	stream.indirect.gather @p1 [hbm4b:s4+s30], $0x10, s24, s30, $0xb8;
	[tilespmem:$0xD730] =	vst v63  }
0xbf: {  	s6 =	sadd.s32 $0x50, s6;
	s5 =	sadd.s32 $0x50, s5;
	s24 =	sadd.s32 $0x50, s24  }
0xc0: {  	_ =	swait.ge [sflag:s31], $0x500  }
0xc1: {  	[sflag:s31] =	ssyncset.done $0x0  }
0xc2: {  	[sflag:s31] =	ssyncadd.s32 $0xFFFFFB00  }
0xc3: {  	_ =	swait.ge [sflag:s31], $0x500  }
0xc4: {  	[sflag:s31] =	ssyncset.done $0x0  }
0xc5: {  	[sflag:s31] =	ssyncadd.s32 $0xFFFFFB00  }
0xc6: {  	_ =	swait.ge [sflag:s31], $0x500  }
0xc7: {  	[sflag:s31] =	ssyncset.done $0x0  }
0xc8: {  	[sflag:s31] =	ssyncadd.s32 $0xFFFFFB00  }
0xc9: {  	_ =	swait.ge [sflag:s31], $0x500  }
0xca: {  	[sflag:s31] =	ssyncset.done $0x0  }
0xcb: {  	[sflag:s31] =	ssyncadd.s32 $0xFFFFFB00  }
0xcc: {  	_ =	swait.ge [sflag:s31], $0x500  }
0xcd: {  	[sflag:s31] =	ssyncset.done $0x0  }
0xce: {  	[sflag:s31] =	ssyncadd.s32 $0xFFFFFB00  }
0xcf: {  	[bflag:$0x0] =	sbarrier.arrive $0xFFFF  }
0xd0: {  	s1 =	rddreg [dreg:$0x6]  }
0xd1: {  	[tilespmem:s29], [sflag:$0x3] =	stream.linear.gather [spmem:s1], $0x800, $0x38;
	[tilespmem:$0xD730] =	vst v63  }
0xd2: {  	_ =	swait.ge [sflag:s25], $0x800  }
0xd3: {  	[sflag:s25] =	ssyncset.done $0x0  }
0xd4: {  	[sflag:s25] =	ssyncadd.s32 $0xFFFFF800  }
0xd5: {  	[hbm4b:s15+s3] =	stream.linear.scatter [tilespmem:s29], [sflag:$0x3], $0x800, $0x38;
	[tilespmem:$0xD730] =	vst v63  }
0xd6: {  	_ =	swait.ge [sflag:s25], $0x800  }
0xd7: {  	[sflag:s25] =	ssyncset.done $0x0  }
0xd8: {  	[sflag:s25] =	ssyncadd.s32 $0xFFFFF800  }
0xd9: {  	[tilespmem:s29], [sflag:$0x3] =	stream.linear.gather [spmem:s16], $0x800, $0x38;
	[tilespmem:$0xD730] =	vst v63  }
0xda: {  	_ =	swait.ge [sflag:s25], $0x800  }
0xdb: {  	[sflag:s25] =	ssyncset.done $0x0  }
0xdc: {  	[sflag:s25] =	ssyncadd.s32 $0xFFFFF800  }
0xdd: {  	[hbm4b:s17+s3] =	stream.linear.scatter [tilespmem:s29], [sflag:$0x3], $0x800, $0x38;
	[tilespmem:$0xD730] =	vst v63  }
0xde: {  	_ =	swait.ge [sflag:s25], $0x800  }
0xdf: {  	[sflag:s25] =	ssyncset.done $0x0  }
0xe0: {  	[sflag:s25] =	ssyncadd.s32 $0xFFFFF800  }
0xe1: {  	[tilespmem:s29], [sflag:$0x3] =	stream.linear.gather [spmem:s18], $0x800, $0x38;
	[tilespmem:$0xD730] =	vst v63  }
0xe2: {  	_ =	swait.ge [sflag:s25], $0x800  }
0xe3: {  	[sflag:s25] =	ssyncset.done $0x0  }
0xe4: {  	[sflag:s25] =	ssyncadd.s32 $0xFFFFF800  }
0xe5: {  	[hbm4b:s19+s3] =	stream.linear.scatter [tilespmem:s29], [sflag:$0x3], $0x800, $0x38;
	[tilespmem:$0xD730] =	vst v63  }
0xe6: {  	_ =	swait.ge [sflag:s25], $0x800  }
0xe7: {  	[sflag:s25] =	ssyncset.done $0x0  }
0xe8: {  	[sflag:s25] =	ssyncadd.s32 $0xFFFFF800  }
0xe9: {  	[tilespmem:s29], [sflag:$0x3] =	stream.linear.gather [spmem:s20], $0x800, $0x38;
	[tilespmem:$0xD730] =	vst v63  }
0xea: {  	_ =	swait.ge [sflag:s25], $0x800  }
0xeb: {  	[sflag:s25] =	ssyncset.done $0x0  }
0xec: {  	[sflag:s25] =	ssyncadd.s32 $0xFFFFF800  }
0xed: {  	[hbm4b:s21+s3] =	stream.linear.scatter [tilespmem:s29], [sflag:$0x3], $0x800, $0x38;
	[tilespmem:$0xD730] =	vst v63  }
0xee: {  	_ =	swait.ge [sflag:s25], $0x800  }
0xef: {  	[sflag:s25] =	ssyncset.done $0x0  }
0xf0: {  	[sflag:s25] =	ssyncadd.s32 $0xFFFFF800  }
0xf1: {  	[tilespmem:s29], [sflag:$0x3] =	stream.linear.gather [spmem:s22], $0x800, $0x38;
	[tilespmem:$0xD730] =	vst v63  }
0xf2: {  	s0 =	sadd.s32 $0x1, s0;
	_ =	swait.ge [sflag:s25], $0x800  }
0xf3: {  	p0 =	sne.s32 s0, s10;
	[sflag:s25] =	ssyncset.done $0x0  }
.Ltmp2:
0xf4: {  	[sflag:s25] =	ssyncadd.s32 $0xFFFFF800;
	(pc) =	sbr.rel @p0 .LBB2_1-.Ltmp2, $4  }
0xf5: {  	[hbm4b:s23+s3] =	stream.linear.scatter [tilespmem:s29], [sflag:$0x3], $0x800, $0x38;
	[tilespmem:$0xD730] =	vst v63  }
0xf6: {  	_ =	swait.ge [sflag:s25], $0x800  }
0xf7: {  	[sflag:s25] =	ssyncset.done $0x0  }
0xf8: {  	[sflag:s25] =	ssyncadd.s32 $0xFFFFF800  }
0xf9: {  	_ =	sfence.sel $0x180000  }
0xfa: {  	[bflag:$0x0] =	sbarrier.arrive $0xFFFF  }
0xfb: {  	_ =	strace $0x9000004D  }
0xfc: {  	s0 =	stileid.u32;
	[bflag:$0x2] =	sbarrier.arrive $0xFFFF  }
0xfd: {  	p0 =	sne.s32 s0, $0x0;
	s0 =	rddreg [dreg:$0x2]  }
0xfe: {  	s0 =	sadd.s32 @!p0 $0x100000, s0  }
0xff: {  	[sflag:s0] =	ssyncadd.tile.s32 @!p0 $0x1;
	_ =	shalt  }
.Lfunc_end2:
_tile_overlayer_lowered:
.L_overlay_start_2:
0x100: {  	(tag) =	ssettag $0x2  }
0x101: {  	s0 =	rddreg [dreg:$0x0];
	s2 =	stileid.u32  }
0x102: {  	s1 =	rddreg [dreg:$0x1];
	p0 =	sne.s32 s2, $0x0  }
0x103: {  	s3 =	rddreg [dreg:$0x2];
	[bflag:$0x3] =	sbarrier.arrive $0xFFFF;
	s2 =	simm.s32 @!p0 $0x1C03  }
0x104: {  	[timem:s3], [sflag:s2] =	dma.local @!p0 [hbm:s0], s1  }
0x105: {  	s0 =	simm.s32 @!p0 $0x3  }
0x106: {  	_ =	swait.ge @!p0 [sflag:s0], s1  }
0x107: {  	s1 =	ssub.s32 @!p0 $0x0, s1;
	[sflag:s0] =	ssyncset.done @!p0 $0x0  }
0x108: {  	[sflag:s0] =	ssyncadd.s32 @!p0 s1  }
0x109: {  	[bflag:$0x3] =	sbarrier.arrive $0xFFFF  }
0x10a: {  	_ =	shalt  }

// kernel: kernel.9.cloned.1.call-start
scs
__scs_entry_jumppad:
0x0: {  	(pc) =	sbr.rel $0x88, $3  }
0x1: {  	(tag) =	ssettag $0x0;
	lr =	simm.s32 $0x1  }
0x2: {  	[smem:$0x3F98] =	sst lr;
	_ =	strace $0xD0000000  }
0x3: {  	_ = 	snop  }
0x4: {  	_ = 	snop  }
0x5: {  	_ = 	snop  }
0x6: {  	_ = 	snop  }
0x7: {  	_ = 	snop  }
__scs_overlays_trampoline_lowered:
0x8: {  	[smem:$0x3FA7] =	sst s0  }
0x9: {  	[smem:$0x3FA8] =	sst s1  }
0xa: {  	[smem:$0x3FA9] =	sst s2  }
0xb: {  	[smem:$0x3FAA] =	sst s3  }
0xc: {  	[smem:$0x3FAB] =	sst s4  }
0xd: {  	[smem:$0x3FAC] =	sst s5  }
0xe: {  	[smem:$0x3FAD] =	sst s6  }
0xf: {  	[smem:$0x3FAE] =	sst s7  }
0x10: {  	[smem:$0x3FAF] =	sst s8  }
0x11: {  	[smem:$0x3FB0] =	sst s9;
	s0 =	simm.s32 @!p0 $0x0  }
0x12: {  	s1 =	sld [smem:$0x3F96];
	s0 =	simm.s32 @p0 $0x1  }
0x13: {  	[smem:$0x3FB1] =	sst s0;
	s0 =	simm.s32 @!p1 $0x0  }
0x14: {  	s2 =	sld [smem:$0x3F95];
	s0 =	simm.s32 @p1 $0x1  }
0x15: {  	[smem:$0x3FB2] =	sst s0;
	s0 =	simm.s32 @!p2 $0x0  }
0x16: {  	s3 =	sld [smem:$0x3FDB];
	s0 =	simm.s32 @p2 $0x1  }
0x17: {  	s4 =	simm.s32 $0x1BF5;
	[smem:$0x3FB4] =	sst s0  }
0x18: {  	s0 =	sld [smem:$0x3F97];
	_ =	swait.ge [sflag:s4], $0x0  }
0x19: {  	s7 =	sld [smem:$0x3F98]  }
0x1a: {  	s8 =	sadd.s32 $0xFFFFE003, lr  }
0x1b: {  	s9 =	sadd.s32 $0xFFFFFEF7, lr;
	s5 =	simm.s32 $0xFFFFFFFF;
	p2 =	slt.u32 s8, $0xFFFFF086  }
0x1c: {  	p1 =	slt.u32 s9, $0xF7A;
	s5 =	simm.s32 @!p2 $0x0  }
0x1d: {  	s5 =	simm.s32 @p1 $0x1;
	p0 =	seq.s32 s7, s2  }
0x1e: {  	s7 =	smul.u32 @!p0 $0xF7A, s2;
	p2 =	seq.s32 @!p0 s5, $0x0  }
0x1f: {  	s9 =	smul.u32 $0xF7A, s1;
	s8 =	simm.s32 @!p0 $0x1BF5;
	p2 =	por !p2, p0  }
0x20: {  	[sflag:s8] =	ssyncset.s32 @!p0 $0xFFFFF086;
	s6 =	sadd.s32 @!p0 s3, s7;
	s7 =	simm.s32 @!p0 $0x108  }
0x21: {  	s3 =	sadd.s32 s3, s9;
	s6 =	sadd.s32 @!p0 $0x88, s6;
	s7 =	simm.s32 @p2 $0x1082  }
0x22: {  	[simem:s7], [sflag:s8] =	dma.local @!p0 [hbm:s6], $0xF7A  }
0x23: {  	s9 =	sor.u32 $0xD0000000, s2;
	s6 =	simm.s32 $0x108;
	_ =	swait.ge @!p0 [sflag:s8], $0x0  }
0x24: {  	s3 =	sadd.s32 $0x88, s3;
	s6 =	simm.s32 @!p1 $0x1082;
	[sflag:s4] =	ssyncset.s32 $0xFFFFF086  }
0x25: {  	[simem:s6], [sflag:s4] =	dma.local [hbm:s3], $0xF7A  }
0x26: {  	[smem:$0x3F98] =	sst s1;
	(tag) =	ssettag s2;
	_ =	strace s9  }
0x27: {  	s1 =	sld [smem:$0x3FA8]  }
0x28: {  	s2 =	sld [smem:$0x3FA9]  }
0x29: {  	s4 =	sld [smem:$0x3FAB]  }
0x2a: {  	p0 =	seq.s32 s5, $0x0;
	s5 =	sld [smem:$0x3FAC]  }
0x2b: {  	s6 =	sld [smem:$0x3FAD]  }
0x2c: {  	s7 =	sld [smem:$0x3FAE]  }
0x2d: {  	s3 =	simm.s32 $0x108;
	s8 =	sld [smem:$0x3FAF]  }
0x2e: {  	s3 =	simm.s32 @!p0 $0x1082;
	s9 =	sld [smem:$0x3FB0]  }
0x2f: {  	lr =	sadd.s32 s0, s3;
	s0 =	sld [smem:$0x3FA7]  }
0x30: {  	s3 =	sld [smem:$0x3FAA]  }
0x31: {  	[smem:$0x3FB3] =	sst s10  }
0x32: {  	s10 =	sld [smem:$0x3FB1];
	_ =	sdelay $0x3  }
0x33: {  	p0 =	seq.s32 s10, $0x1;
	s10 =	sld [smem:$0x3FB3];
	_ =	sdelay $0x3  }
0x34: {  	[smem:$0x3FB3] =	sst s10  }
0x35: {  	s10 =	sld [smem:$0x3FB2];
	_ =	sdelay $0x3  }
0x36: {  	p1 =	seq.s32 s10, $0x1;
	s10 =	sld [smem:$0x3FB3];
	_ =	sdelay $0x3  }
0x37: {  	[smem:$0x3FB3] =	sst s10  }
0x38: {  	s10 =	sld [smem:$0x3FB4]  }
0x39: {  	_ = 	snop;
	(pc) =	sbr.ind lr, $3  }
0x3a: {  	_ = 	snop  }
0x3b: {  	_ = 	snop  }
0x3c: {  	p2 =	seq.s32 s10, $0x1;
	s10 =	sld [smem:$0x3FB3]  }
0x3d: {  	_ =	shalt  }
0x3e: {  	_ =	shalt  }
0x3f: {  	_ =	shalt  }
0x40: {  	_ =	shalt  }
0x41: {  	_ =	shalt  }
0x42: {  	_ =	shalt  }
0x43: {  	_ =	shalt  }
0x44: {  	_ =	shalt  }
0x45: {  	_ =	shalt  }
0x46: {  	_ =	shalt  }
0x47: {  	_ =	shalt  }
0x48: {  	_ =	shalt  }
0x49: {  	_ =	shalt  }
0x4a: {  	_ =	shalt  }
0x4b: {  	_ =	shalt  }
0x4c: {  	_ =	shalt  }
0x4d: {  	_ =	shalt  }
0x4e: {  	_ =	shalt  }
0x4f: {  	_ =	shalt  }
0x50: {  	_ =	shalt  }
0x51: {  	_ =	shalt  }
0x52: {  	_ =	shalt  }
0x53: {  	_ =	shalt  }
0x54: {  	_ =	shalt  }
0x55: {  	_ =	shalt  }
0x56: {  	_ =	shalt  }
0x57: {  	_ =	shalt  }
0x58: {  	_ =	shalt  }
0x59: {  	_ =	shalt  }
0x5a: {  	_ =	shalt  }
0x5b: {  	_ =	shalt  }
0x5c: {  	_ =	shalt  }
0x5d: {  	_ =	shalt  }
0x5e: {  	_ =	shalt  }
0x5f: {  	_ =	shalt  }
0x60: {  	_ =	shalt  }
0x61: {  	_ =	shalt  }
0x62: {  	_ =	shalt  }
0x63: {  	_ =	shalt  }
0x64: {  	_ =	shalt  }
0x65: {  	_ =	shalt  }
0x66: {  	_ =	shalt  }
0x67: {  	_ =	shalt  }
0x68: {  	_ =	shalt  }
0x69: {  	_ =	shalt  }
0x6a: {  	_ =	shalt  }
0x6b: {  	_ =	shalt  }
0x6c: {  	_ =	shalt  }
0x6d: {  	_ =	shalt  }
0x6e: {  	_ =	shalt  }
0x6f: {  	_ =	shalt  }
0x70: {  	_ =	shalt  }
0x71: {  	_ =	shalt  }
0x72: {  	_ =	shalt  }
0x73: {  	_ =	shalt  }
0x74: {  	_ =	shalt  }
0x75: {  	_ =	shalt  }
0x76: {  	_ =	shalt  }
0x77: {  	_ =	shalt  }
0x78: {  	_ =	shalt  }
0x79: {  	_ =	shalt  }
0x7a: {  	_ =	shalt  }
0x7b: {  	_ =	shalt  }
0x7c: {  	_ =	shalt  }
0x7d: {  	_ =	shalt  }
0x7e: {  	_ =	shalt  }
0x7f: {  	_ =	shalt  }
0x80: {  	_ =	shalt  }
0x81: {  	_ =	shalt  }
0x82: {  	_ =	shalt  }
0x83: {  	_ =	shalt  }
0x84: {  	_ =	shalt  }
0x85: {  	_ =	shalt  }
0x86: {  	_ =	shalt  }
0x87: {  	_ =	shalt  }
.Lfunc_end0:
.L_simem_size_0:
called_computation_lowered:
.L_overlay_start_0:
0x88: {  	s2 =	sld [smem:$0x3FD9]  }
0x89: {  	s3 =	sld [smem:$0x3FFE];
	_ =	sdelay $0x1  }
0x8a: {  	s1 =	srdreg.scid  }
0x8b: {  	s0 =	sand.u32 $0x1, s1  }
0x8c: {  	s17 =	sshll.u32 s0, $0xA;
	s2 =	sadd.s32 s3, s2  }
0x8d: {  	s2 =	sadd.s32 s2, s17  }
0x8e: {  	[smem:$0x3FBF] =	sst s2  }
0x8f: {  	_ = 	snop  }
0x90: {  	s2 =	sld [smem:$0x3FC8];
	(tm) =	ssettm $0x1  }
0x91: {  	s18 =	sld [smem:$0x3FFB];
	_ =	sdelay $0x3  }
0x92: {  	_ =	strace s18  }
0x93: {  	s3 =	sld [smem:$0x3FFC];
	_ =	sdelay $0x3  }
0x94: {  	_ =	strace s3  }
0x95: {  	s3 =	sld [smem:$0x3FFD];
	_ =	sdelay $0x3  }
0x96: {  	_ =	strace s3  }
0x97: {  	_ =	strace $0x8FFFFFFF  }
0x98: {  	s19 =	sld [smem:$0x3FDB];
	_ =	sdelay $0x1  }
0x99: {  	s4 =	simm.s32 $_scs_section_size  }
0x9a: {  	s5 =	simm.s32 $_size__tile_overlayer_lowered;
	s6 =	simm.s32 $_tile_overlayer_lowered  }
0x9b: {  	s22 =	simm.s32 $0x1BFF;
	s21 =	sshll.u32 s6, $0x1;
	s3 =	sadd.s32 s4, s19  }
0x9c: {  	s7 =	simm.s32 $0x0;
	s20 =	sshll.u32 s5, $0x1;
	s5 =	sadd.s32 s21, s3  }
0x9d: {  	[timem:s7], [sflag:s22] =	dma.local [hbm:s5], s20  }
0x9e: {  	_ =	swait.ge [sflag:s22], s20  }
0x9f: {  	s4 =	ssub.s32 $0x0, s20;
	[sflag:s22] =	ssyncset.done $0x0  }
0xa0: {  	[sflag:s22] =	ssyncadd.s32 s4;
	_ =	sdelay $0x1  }
0xa1: {  	s23 =	simm.s32 $0x1B8B  }
0xa2: {  	_ =	swait.ge [sflag:s23], $0x1  }
0xa3: {  	[sflag:s23] =	ssyncset.done $0x0  }
0xa4: {  	s25 =	simm.s32 $0x1B8E;
	s24 =	sld [smem:$0x3FFE];
	[sflag:s23] =	ssyncadd.s32 $0xFFFFFFFF  }
0xa5: {  	s26 =	simm.s32 $execute0_lowered;
	[smem:$0x3FD2] =	sst s25  }
0xa6: {  	s5 =	sshll.u32 s26, $0x1;
	_ =	strace $0x80000046;
	[dreg:$0x1] =	wrdreg $0xFFFFFFFF  }
0xa7: {  	s28 =	simm.s32 $_size_execute0_lowered;
	s3 =	sadd.s32 s3, s5;
	[dreg:$0x0] =	wrdreg $0x0  }
0xa8: {  	s5 =	sshll.u32 s28, $0x1;
	[dreg:$0x2] =	wrdreg s3  }
0xa9: {  	[dreg:$0x3] =	wrdreg s5  }
0xaa: {  	[dreg:$0x4] =	wrdreg $0xC0  }
0xab: {  	_ =	task [dreg:s7], $0x5FFFF  }
0xac: {  	[dreg:$0x1] =	wrdreg $0xFFFFFFFF  }
0xad: {  	[dreg:$0x0] =	wrdreg $0x60  }
0xae: {  	[dreg:$0x2] =	wrdreg s24  }
0xaf: {  	[dreg:$0x3] =	wrdreg s2  }
0xb0: {  	[dreg:$0x4] =	wrdreg $0x0  }
0xb1: {  	[dreg:$0x5] =	wrdreg $0x9  }
0xb2: {  	_ =	task.clear_ibuf [dreg:s7], $0x6FFFF;
	_ =	strace $0x90000046  }
0xb3: {  	s29 =	simm.s32 $0x9;
	_ =	strace $0x80000048  }
0xb4: {  	_ =	swait.ge [sflag:s29], $0x1  }
0xb5: {  	[sflag:s29] =	ssyncadd.s32 $0xFFFFFFFF  }
0xb6: {  	_ =	strace $0x90000048  }
0xb7: {  	_ =	sfence  }
0xb8: {  	s30 =	sld [smem:$0x0];
	_ =	sdelay $0x2  }
0xb9: {  	s31 =	sshll.u32 s1, $0xD;
	s1 =	sshrl.u32 s1, $0x2  }
0xba: {  	s3 =	sand.u32 $0x4000, s31;
	s1 =	sadd.s32 s1, s30  }
0xbb: {  	s0 =	sor.u32 s3, s0;
	s1 =	sshll.u32 s1, $0x11  }
0xbc: {  	s0 =	sor.u32 s1, s0  }
0xbd: {  	s0 =	sadd.s32 $0x8F2B, s0  }
0xbe: {  	[sflag:s0] =	ssyncadd.remote.s32 $0x1  }
0xbf: {  	_ =	sfence.sel $0xFFFF  }
0xc0: {  	[dreg:$0x0] =	wrdreg $0xFFFFFFFF;
	(pc) =	sbr.abs _section_cstart, $3  }
0xc1: {  	[dreg:$0x1] =	wrdreg $0xFFFFFFFF  }
0xc2: {  	_ =	task.clear_ibuf [dreg:s7], $0x2FFFF;
	_ =	strace $0x9FFFFFFF  }
0xc3: {  	(tm) =	ssettm $0x7FFFFFFF  }
tec
execute0_lowered:
.L_overlay_start_1:
0x0: {  	(tag) =	ssettag $0x1  }
0x1: {  	s0 =	srdreg.scid;
	s1 =	rddreg [dreg:$0x0]  }
0x2: {  	s4 =	rddreg [dreg:$0x1];
	s9 =	stileid.u32  }
0x3: {  	s2 =	rddreg [dreg:$0x2];
	s15 =	simm.s32 $0x2;
	s11 =	simm.s32 $0x7530  }
0x4: {  	s18 =	simm.s32 $0x50;
	s19 =	simm.s32 $0x1ADB0;
	s0 =	sand.u32 $0x1, s0  }
0x5: {  	s20 =	simm.s32 $0x1;
	s7 =	smul.u32 $0x9C40, s9;
	s3 =	sshll.u32 s0, $0x4  }
0x6: {  	s8 =	sadd.s32 $0x2800, s1;
	s0 =	ssub.s32 $0x2, s0;
	s5 =	sor.u32 s9, s3  }
0x7: {  	s3 =	simm.s32 $0x0;
	s9 =	smul.u32 $0x4E20, s9;
	s25 =	sshrl.u32 s0, $0x1  }
0x8: {  	s7 =	sshrl.u32 s7, $0x2;
	s6 =	smul.u32 $0x2710, s5;
	[smem:$0x7FF] =	sst s3  }
0x9: {  	s5 =	smul.u32 $0x4E2, s5;
	s26 =	sadd.s32 s7, s2;
	_ =	strace $0x80000047  }
0xa: {  	s9 =	sshrl.u32 s9, $0x3;
	[dreg:$0x4] =	wrdreg s26;
	s6 =	sshrl.u32 s6, $0x3  }
0xb: {  	s28 =	sadd.s32 s8, s9;
	s29 =	sadd.s32 s4, s9;
	s10 =	sadd.s32 s6, s1  }
0xc: {  	s1 =	sadd.s32 s5, s1;
	s5 =	sadd.s32 $0x9C40, s28;
	[dreg:$0x6] =	wrdreg s29  }
0xd: {  	s7 =	sadd.s32 s8, s6;
	s4 =	sadd.s32 s4, s6;
	[dreg:$0x5] =	wrdreg s5  }
0xe: {  	s0 =	ssub.s32 s0, s25;
	s30 =	sadd.s32 $0x9C40, s7;
	[dreg:$0x8] =	wrdreg s4  }
0xf: {  	s25 =	simm.s32 $0x0;
	s31 =	sadd.s32 $0x20000, s1;
	[dreg:$0x7] =	wrdreg s30  }
0x10: {  	s13 =	smax.u32 s0, $0x1;
	s1 =	sadd.s32 $0x29E00, s1;
	[dreg:$0x9] =	wrdreg s31  }
0x11: {  	v0 =	vimm.f32 $0.0e+00;
	v1 =	vimm.f32 $1.000000000e+00;
	s12 =	sadd.s32 $0x16200, s10;
	s10 =	simm.s32 $0x2710;
	[dreg:$0xa] =	wrdreg s1  }
.LBB2_1:
0x12: {  	s0 =	simm.s32 $0x1AE20  }
0x13: {  	[tilespmem:s0+$0xFFFFFFE0] =	vst v0  }
0x14: {  	[tilespmem:s0+$0x10] =	vst v0  }
0x15: {  	s1 =	simm.s32 $0x0;
	[tilespmem:s0+$0x0] =	vst v0  }
.LBB2_2:
0x16: {  	s1 =	sadd.s32 $0x4, s1  }
0x17: {  	[tilespmem:s0+$0xFFFFFFF0] =	vst v0;
	s0 =	sadd.s32 $0x40, s0;
	p0 =	slt.u32 s1, $0x26C  }
.Ltmp0:
0x18: {  	[tilespmem:s0+$0xFFFFFFE0] =	vst v0;
	(pc) =	sbr.rel @p0 .LBB2_2-.Ltmp0, $3  }
0x19: {  	_ =	sdelay $0x1  }
0x1a: {  	[tilespmem:s0+$0x10] =	vst v0  }
0x1b: {  	[tilespmem:s0+$0x0] =	vst v0  }
0x1c: {  	[tilespmem:s0+$0xFFFFFFF0] =	vst v0  }
0x1d: {  	[tilespmem:$0x1D500] =	vst v0  }
0x1e: {  	[tilespmem:$0x1ADB0] =	vst v1  }
0x1f: {  	[tilespmem:$0x1ADC0] =	vst v1  }
0x20: {  	[tilespmem:$0x1ADD0] =	vst v1  }
0x21: {  	[tilespmem:$0x1ADE0] =	vst v1  }
0x22: {  	s29 =	rddreg [dreg:$0x4];
	s1 =	simm.s32 $0x1AE00;
	[tilespmem:$0x1ADF0] =	vst v1  }
0x23: {  	[spmem:s29] =	stream.linear.scatter [tilespmem:s1], [sflag:$0x2], $0x2710, $0x38;
	[tilespmem:$0x1D510] =	vst v63  }
0x24: {  	_ =	swait.ge [sflag:s15], $0x2710  }
0x25: {  	[sflag:s15] =	ssyncset.done $0x0  }
0x26: {  	[sflag:s15] =	ssyncadd.s32 $0xFFFFD8F0  }
0x27: {  	[bflag:$0x0] =	sbarrier.arrive $0xFFFF  }
0x28: {  	s30 =	rddreg [dreg:$0x5]  }
0x29: {  	[tilespmem:s10], [sflag:$0x2] =	stream.linear.gather [hbm4b:s30+s3], $0x4E20, $0x38;
	[tilespmem:$0x1D510] =	vst v63  }
0x2a: {  	_ =	swait.ge [sflag:s15], $0x4E20  }
0x2b: {  	[sflag:s15] =	ssyncset.done $0x0  }
0x2c: {  	s31 =	rddreg [dreg:$0x6];
	[sflag:s15] =	ssyncadd.s32 $0xFFFFB1E0  }
0x2d: {  	[tilespmem:s11], [sflag:$0x2] =	stream.linear.gather [hbm4b:s31+s3], $0x4E20, $0x38;
	[tilespmem:$0x1D510] =	vst v63  }
0x2e: {  	_ =	swait.ge [sflag:s15], $0x4E20  }
0x2f: {  	[sflag:s15] =	ssyncset.done $0x0  }
0x30: {  	s8 =	simm.s32 $0x2760;
	[sflag:s15] =	ssyncadd.s32 $0xFFFFB1E0  }
0x31: {  	s6 =	simm.s32 $0x7580;
	v2 =	vld [tilespmem:s8+$0x0]  }
0x32: {  	v3 =	vld [tilespmem:s6+$0x0]  }
0x33: {  	v4 =	vld [tilespmem:s8+$0xFFFFFFB0]  }
0x34: {  	v5 =	vld [tilespmem:s6+$0xFFFFFFB0];
	_ =	sdelay $0x1  }
0x35: {  	v2 =	vshll.u32 v2, $0x4  }
0x36: {  	s0 =	simm.s32 $0xEAB0;
	v2 =	vadd.s32 v3, v2  }
0x37: {  	v3 =	vshll.u32 v4, $0x4;
	[tilespmem:s0+$0x0] =	vst v2  }
0x38: {  	v2 =	vadd.s32 v5, v3;
	v3 =	vld [tilespmem:s8+$0x10]  }
0x39: {  	[tilespmem:s0+$0xFFFFFFB0] =	vst v2;
	v2 =	vld [tilespmem:s6+$0x10]  }
0x3a: {  	v4 =	vld [tilespmem:s8+$0xFFFFFFC0]  }
0x3b: {  	v5 =	vld [tilespmem:s6+$0xFFFFFFC0];
	_ =	sdelay $0x1  }
0x3c: {  	v3 =	vshll.u32 v3, $0x4  }
0x3d: {  	v2 =	vadd.s32 v2, v3  }
0x3e: {  	v3 =	vshll.u32 v4, $0x4;
	[tilespmem:s0+$0x10] =	vst v2  }
0x3f: {  	v2 =	vadd.s32 v5, v3;
	v3 =	vld [tilespmem:s8+$0x20]  }
0x40: {  	[tilespmem:s0+$0xFFFFFFC0] =	vst v2;
	v2 =	vld [tilespmem:s6+$0x20]  }
0x41: {  	v4 =	vld [tilespmem:s8+$0xFFFFFFD0]  }
0x42: {  	s1 =	simm.s32 $0x2800;
	v5 =	vld [tilespmem:s6+$0xFFFFFFD0]  }
0x43: {  	s5 =	simm.s32 $0x7620;
	v6 =	vld [tilespmem:s1+$0x0]  }
0x44: {  	v7 =	vld [tilespmem:s5+$0x0];
	v3 =	vshll.u32 v3, $0x4  }
0x45: {  	v8 =	vld [tilespmem:s1+$0xFFFFFFB0];
	v2 =	vadd.s32 v2, v3  }
0x46: {  	v3 =	vld [tilespmem:s5+$0xFFFFFFB0];
	v4 =	vshll.u32 v4, $0x4;
	[tilespmem:s0+$0x20] =	vst v2  }
0x47: {  	v2 =	vadd.s32 v5, v4;
	v4 =	vld [tilespmem:s8+$0x30]  }
0x48: {  	v5 =	vshll.u32 v6, $0x4;
	[tilespmem:s0+$0xFFFFFFD0] =	vst v2;
	v2 =	vld [tilespmem:s6+$0x30]  }
0x49: {  	s4 =	simm.s32 $0xEB50;
	v5 =	vadd.s32 v7, v5;
	v6 =	vld [tilespmem:s8+$0xFFFFFFE0]  }
0x4a: {  	v7 =	vshll.u32 v8, $0x4;
	[tilespmem:s4+$0x0] =	vst v5;
	v5 =	vld [tilespmem:s6+$0xFFFFFFE0]  }
0x4b: {  	v3 =	vadd.s32 v3, v7;
	v7 =	vld [tilespmem:s1+$0x10]  }
0x4c: {  	[tilespmem:s4+$0xFFFFFFB0] =	vst v3;
	v3 =	vld [tilespmem:s5+$0x10];
	v4 =	vshll.u32 v4, $0x4  }
0x4d: {  	v8 =	vld [tilespmem:s1+$0xFFFFFFC0];
	v2 =	vadd.s32 v2, v4  }
0x4e: {  	v4 =	vld [tilespmem:s5+$0xFFFFFFC0];
	v6 =	vshll.u32 v6, $0x4;
	[tilespmem:s0+$0x30] =	vst v2  }
0x4f: {  	v2 =	vadd.s32 v5, v6;
	v5 =	vld [tilespmem:s8+$0x40]  }
0x50: {  	v6 =	vshll.u32 v7, $0x4;
	[tilespmem:s0+$0xFFFFFFE0] =	vst v2;
	v7 =	vld [tilespmem:s6+$0x40]  }
0x51: {  	v2 =	vadd.s32 v3, v6;
	v9 =	vld [tilespmem:s8+$0xFFFFFFF0]  }
0x52: {  	v3 =	vshll.u32 v8, $0x4;
	[tilespmem:s4+$0x10] =	vst v2;
	v2 =	vld [tilespmem:s6+$0xFFFFFFF0]  }
0x53: {  	v3 =	vadd.s32 v4, v3;
	v4 =	vld [tilespmem:s1+$0x20]  }
0x54: {  	[tilespmem:s4+$0xFFFFFFC0] =	vst v3;
	v3 =	vld [tilespmem:s5+$0x20];
	v6 =	vshll.u32 v5, $0x4  }
0x55: {  	v5 =	vld [tilespmem:s1+$0xFFFFFFD0];
	v8 =	vadd.s32 v7, v6  }
0x56: {  	s9 =	simm.s32 $0x28A0;
	s8 =	simm.s32 $0x2;
	s6 =	simm.s32 $0x7620;
	v6 =	vld [tilespmem:s5+$0xFFFFFFD0];
	v7 =	vshll.u32 v9, $0x4;
	[tilespmem:s0+$0x40] =	vst v8  }
.LBB2_4:
0x57: {  	v8 =	vld [tilespmem:s9+$0x0];
	s8 =	sadd.s32 $0x2, s8;
	s5 =	sadd.s32 $0xA0, s5;
	v2 =	vadd.s32 v2, v7  }
0x58: {  	v7 =	vld [tilespmem:s5+$0x0];
	p0 =	slt.u32 s8, $0xF8;
	v4 =	vshll.u32 v4, $0x4;
	[tilespmem:s0+$0xFFFFFFF0] =	vst v2;
	s0 =	smov.u32 s4  }
0x59: {  	v2 =	vld [tilespmem:s9+$0xFFFFFFB0];
	v3 =	vadd.s32 v3, v4  }
0x5a: {  	v4 =	vld [tilespmem:s5+$0xFFFFFFB0];
	v5 =	vshll.u32 v5, $0x4;
	[tilespmem:s4+$0x20] =	vst v3  }
0x5b: {  	v3 =	vadd.s32 v6, v5;
	v5 =	vld [tilespmem:s1+$0x30]  }
0x5c: {  	v6 =	vshll.u32 v8, $0x4;
	[tilespmem:s4+$0xFFFFFFD0] =	vst v3;
	v3 =	vld [tilespmem:s6+$0x30]  }
0x5d: {  	s4 =	sadd.s32 $0xA0, s4;
	v6 =	vadd.s32 v7, v6;
	v7 =	vld [tilespmem:s1+$0xFFFFFFE0]  }
0x5e: {  	v2 =	vshll.u32 v2, $0x4;
	[tilespmem:s4+$0x0] =	vst v6;
	v6 =	vld [tilespmem:s6+$0xFFFFFFE0]  }
0x5f: {  	v2 =	vadd.s32 v4, v2;
	v4 =	vld [tilespmem:s9+$0x10]  }
0x60: {  	[tilespmem:s4+$0xFFFFFFB0] =	vst v2;
	v2 =	vld [tilespmem:s5+$0x10];
	v5 =	vshll.u32 v5, $0x4  }
0x61: {  	v8 =	vld [tilespmem:s9+$0xFFFFFFC0];
	v3 =	vadd.s32 v3, v5  }
0x62: {  	v5 =	vld [tilespmem:s5+$0xFFFFFFC0];
	v7 =	vshll.u32 v7, $0x4;
	[tilespmem:s0+$0x30] =	vst v3  }
0x63: {  	v3 =	vadd.s32 v6, v7;
	v6 =	vld [tilespmem:s1+$0x40]  }
0x64: {  	v4 =	vshll.u32 v4, $0x4;
	[tilespmem:s0+$0xFFFFFFE0] =	vst v3;
	v7 =	vld [tilespmem:s6+$0x40]  }
0x65: {  	v2 =	vadd.s32 v2, v4;
	v9 =	vld [tilespmem:s1+$0xFFFFFFF0];
	s1 =	smov.u32 s9  }
.Ltmp1:
0x66: {  	v3 =	vshll.u32 v8, $0x4;
	[tilespmem:s4+$0x10] =	vst v2;
	v2 =	vld [tilespmem:s6+$0xFFFFFFF0];
	s6 =	smov.u32 s5;
	(pc) =	sbr.rel @p0 .LBB2_4-.Ltmp1, $4  }
0x67: {  	v3 =	vadd.s32 v5, v3;
	v4 =	vld [tilespmem:s9+$0x20]  }
0x68: {  	[tilespmem:s4+$0xFFFFFFC0] =	vst v3;
	v3 =	vld [tilespmem:s5+$0x20];
	v6 =	vshll.u32 v6, $0x4  }
0x69: {  	v5 =	vld [tilespmem:s9+$0xFFFFFFD0];
	v8 =	vadd.s32 v7, v6  }
0x6a: {  	s9 =	sadd.s32 $0xA0, s9;
	v6 =	vld [tilespmem:s5+$0xFFFFFFD0];
	v7 =	vshll.u32 v9, $0x4;
	[tilespmem:s0+$0x40] =	vst v8  }
0x6b: {  	_ = 	snop  }
0x6c: {  	v4 =	vshll.u32 v4, $0x4  }
0x6d: {  	v3 =	vadd.s32 v3, v4  }
0x6e: {  	v56 =	vshll.u32 v5, $0x4;
	[tilespmem:s4+$0x20] =	vst v3  }
0x6f: {  	v3 =	vadd.s32 v6, v56;
	v57 =	vld [tilespmem:s1+$0x30]  }
0x70: {  	[tilespmem:s4+$0xFFFFFFD0] =	vst v3;
	v3 =	vld [tilespmem:s6+$0x30]  }
0x71: {  	v58 =	vld [tilespmem:s1+$0xFFFFFFE0]  }
0x72: {  	v59 =	vld [tilespmem:s6+$0xFFFFFFE0];
	_ =	sdelay $0x1  }
0x73: {  	v4 =	vshll.u32 v57, $0x4  }
0x74: {  	v3 =	vadd.s32 v3, v4  }
0x75: {  	v60 =	vshll.u32 v58, $0x4;
	[tilespmem:s4+$0x30] =	vst v3  }
0x76: {  	v3 =	vadd.s32 v59, v60;
	v61 =	vld [tilespmem:s1+$0x40]  }
0x77: {  	[tilespmem:s4+$0xFFFFFFE0] =	vst v3;
	v3 =	vld [tilespmem:s6+$0x40]  }
0x78: {  	v62 =	vld [tilespmem:s1+$0xFFFFFFF0]  }
0x79: {  	v63 =	vld [tilespmem:s6+$0xFFFFFFF0];
	_ =	sdelay $0x2  }
0x7a: {  	v2 =	vadd.s32 v2, v7;
	v4 =	vshll.u32 v61, $0x4  }
0x7b: {  	p1 =	por $0x1, $0x1;
	[tilespmem:s0+$0xFFFFFFF0] =	vst v2;
	v2 =	vadd.s32 v3, v4;
	v3 =	vshll.u32 v62, $0x4  }
.Ltmp2:
0x7c: {  	p0 =	por $0x1, $0x1;
	[tilespmem:s4+$0x40] =	vst v2;
	v2 =	vadd.s32 v63, v3;
	(pc) =	sbr.rel @!p1 .LBB2_7-.Ltmp2, $4  }
0x7d: {  	s0 =	simm.s32 $0xEA60;
	[tilespmem:s4+$0xFFFFFFF0] =	vst v2;
	s4 =	simm.s32 @!p0 $0x1  }
0x7e: {  	[spmem:s2] =	stream.indirect.scatter.add.f32 [tilespmem:s19], [sflag:$0x1], $0x1, s0, s18, $0xb8;
	[tilespmem:$0x1D510] =	vst v63  }
0x7f: {  	_ =	swait.ge @!p0 [sflag:s4], $0x50  }
0x80: {  	s1 =	simm.s32 $0x1;
	[sflag:s4] =	ssyncset.done @!p0 $0x0  }
.LBB2_6:
0x81: {  	[sflag:s4] =	ssyncadd.s32 @!p0 $0xFFFFFFB0  }
0x82: {  	s0 =	sadd.s32 $0x50, s0;
	s4 =	smov.u32 s1;
	s1 =	sadd.s32 $0x1, s1  }
0x83: {  	p1 =	sne.s32 s1, $0xFA  }
0x84: {  	[spmem:s2] =	stream.indirect.scatter.add.f32 [tilespmem:s19], [sflag:$0x1], $0x1, s0, s18, $0xb8;
	[tilespmem:$0x1D510] =	vst v63  }
.Ltmp3:
0x85: {  	_ = 	snop;
	(pc) =	sbr.rel @p1 .LBB2_6-.Ltmp3, $4  }
0x86: {  	p0 =	slt.u32 s4, $0x8  }
0x87: {  	s4 =	simm.s32 @!p0 $0x1  }
0x88: {  	_ =	swait.ge @!p0 [sflag:s4], $0x50  }
0x89: {  	[sflag:s4] =	ssyncset.done @!p0 $0x0  }
.LBB2_7:
0x8a: {  	[sflag:s4] =	ssyncadd.s32 @!p0 $0xFFFFFFB0  }
0x8b: {  	_ =	swait.ge [sflag:s20], $0x50  }
0x8c: {  	[sflag:s20] =	ssyncset.done $0x0  }
0x8d: {  	[sflag:s20] =	ssyncadd.s32 $0xFFFFFFB0  }
0x8e: {  	_ =	swait.ge [sflag:s20], $0x50  }
0x8f: {  	[sflag:s20] =	ssyncset.done $0x0  }
0x90: {  	[sflag:s20] =	ssyncadd.s32 $0xFFFFFFB0  }
0x91: {  	_ =	swait.ge [sflag:s20], $0x50  }
0x92: {  	[sflag:s20] =	ssyncset.done $0x0  }
0x93: {  	[sflag:s20] =	ssyncadd.s32 $0xFFFFFFB0  }
0x94: {  	_ =	swait.ge [sflag:s20], $0x50  }
0x95: {  	[sflag:s20] =	ssyncset.done $0x0  }
0x96: {  	[sflag:s20] =	ssyncadd.s32 $0xFFFFFFB0  }
0x97: {  	_ =	swait.ge [sflag:s20], $0x50  }
0x98: {  	[sflag:s20] =	ssyncset.done $0x0  }
0x99: {  	[sflag:s20] =	ssyncadd.s32 $0xFFFFFFB0  }
0x9a: {  	_ =	swait.ge [sflag:s20], $0x50  }
0x9b: {  	[sflag:s20] =	ssyncset.done $0x0  }
0x9c: {  	[sflag:s20] =	ssyncadd.s32 $0xFFFFFFB0  }
0x9d: {  	_ =	swait.ge [sflag:s20], $0x50  }
0x9e: {  	[sflag:s20] =	ssyncset.done $0x0  }
0x9f: {  	[sflag:s20] =	ssyncadd.s32 $0xFFFFFFB0  }
0xa0: {  	_ =	swait.ge [sflag:s20], $0x50  }
0xa1: {  	[sflag:s20] =	ssyncset.done $0x0  }
0xa2: {  	[sflag:s20] =	ssyncadd.s32 $0xFFFFFFB0  }
0xa3: {  	[bflag:$0x0] =	sbarrier.arrive $0xFFFF  }
0xa4: {  	s0 =	rddreg [dreg:$0x7]  }
0xa5: {  	[tilespmem:s10], [sflag:$0x2] =	stream.linear.gather [hbm4b:s0+s3], $0x2710, $0x38;
	[tilespmem:$0x1D510] =	vst v63  }
0xa6: {  	_ =	swait.ge [sflag:s15], $0x2710  }
0xa7: {  	[sflag:s15] =	ssyncset.done $0x0  }
0xa8: {  	s9 =	rddreg [dreg:$0x8];
	[sflag:s15] =	ssyncadd.s32 $0xFFFFD8F0  }
0xa9: {  	[tilespmem:s11], [sflag:$0x2] =	stream.linear.gather [hbm4b:s9+s3], $0x2710, $0x38;
	[tilespmem:$0x1D510] =	vst v63  }
0xaa: {  	_ =	swait.ge [sflag:s15], $0x2710  }
0xab: {  	[sflag:s15] =	ssyncset.done $0x0  }
0xac: {  	s10 =	simm.s32 $0xC350;
	[sflag:s15] =	ssyncadd.s32 $0xFFFFD8F0  }
0xad: {  	[tilespmem:s10], [sflag:$0x2] =	stream.linear.gather [hbm4b:s7+s3], $0x2710, $0x38;
	[tilespmem:$0x1D510] =	vst v63  }
0xae: {  	_ =	swait.ge [sflag:s15], $0x2710  }
0xaf: {  	[sflag:s15] =	ssyncset.done $0x0  }
0xb0: {  	s26 =	simm.s32 $0x2760;
	[sflag:s15] =	ssyncadd.s32 $0xFFFFD8F0  }
0xb1: {  	s11 =	simm.s32 $0x7580;
	v2 =	vld [tilespmem:s26+$0x0]  }
0xb2: {  	v3 =	vld [tilespmem:s11+$0x0];
	_ =	sdelay $0x3  }
0xb3: {  	v2 =	vshll.u32 v2, $0x4  }
0xb4: {  	s8 =	simm.s32 $0xEAB0;
	v2 =	vadd.s32 v3, v2  }
0xb5: {  	[tilespmem:s8+$0x0] =	vst v2  }
0xb6: {  	v2 =	vld [tilespmem:s11+$0x0]  }
0xb7: {  	s6 =	simm.s32 $0xC3A0  }
0xb8: {  	v3 =	vld [tilespmem:s6+$0x0];
	_ =	sdelay $0x2  }
0xb9: {  	v2 =	vmul.u32 $0x2710, v2;
	_ =	sdelay $0x1  }
0xba: {  	s29 =	simm.s32 $0x138D0;
	v2 =	vadd.s32 v3, v2  }
0xbb: {  	[tilespmem:s29+$0x0] =	vst v2  }
0xbc: {  	v2 =	vld [tilespmem:s26+$0x0]  }
0xbd: {  	v3 =	vld [tilespmem:s26+$0xFFFFFFB0]  }
0xbe: {  	v4 =	vld [tilespmem:s11+$0xFFFFFFB0];
	_ =	sdelay $0x1  }
0xbf: {  	s28 =	simm.s32 $0x15FE0  }
0xc0: {  	[tilespmem:s28+$0x0] =	vst v2  }
0xc1: {  	v2 =	vshll.u32 v3, $0x4;
	v3 =	vld [tilespmem:s26+$0x10]  }
0xc2: {  	v2 =	vadd.s32 v4, v2;
	v4 =	vld [tilespmem:s11+$0x10]  }
0xc3: {  	[tilespmem:s8+$0xFFFFFFB0] =	vst v2  }
0xc4: {  	v2 =	vld [tilespmem:s11+$0xFFFFFFB0];
	_ =	sdelay $0x1  }
0xc5: {  	v5 =	vld [tilespmem:s6+$0xFFFFFFB0];
	v3 =	vshll.u32 v3, $0x4  }
0xc6: {  	v3 =	vadd.s32 v4, v3  }
0xc7: {  	[tilespmem:s8+$0x10] =	vst v3  }
0xc8: {  	v2 =	vmul.u32 $0x2710, v2;
	v3 =	vld [tilespmem:s11+$0x10];
	_ =	sdelay $0x1  }
0xc9: {  	v4 =	vld [tilespmem:s6+$0x10];
	v2 =	vadd.s32 v5, v2  }
0xca: {  	[tilespmem:s29+$0xFFFFFFB0] =	vst v2  }
0xcb: {  	v2 =	vld [tilespmem:s26+$0xFFFFFFB0]  }
0xcc: {  	v3 =	vmul.u32 $0x2710, v3;
	_ =	sdelay $0x1  }
0xcd: {  	v3 =	vadd.s32 v4, v3  }
0xce: {  	[tilespmem:s29+$0x10] =	vst v3  }
0xcf: {  	[tilespmem:s28+$0xFFFFFFB0] =	vst v2;
	v2 =	vld [tilespmem:s26+$0x10]  }
0xd0: {  	v3 =	vld [tilespmem:s26+$0xFFFFFFC0]  }
0xd1: {  	v4 =	vld [tilespmem:s11+$0xFFFFFFC0];
	_ =	sdelay $0x2  }
0xd2: {  	[tilespmem:s28+$0x10] =	vst v2  }
0xd3: {  	v2 =	vshll.u32 v3, $0x4;
	v3 =	vld [tilespmem:s26+$0x20]  }
0xd4: {  	s30 =	simm.s32 $0x2800;
	v2 =	vadd.s32 v4, v2;
	v4 =	vld [tilespmem:s11+$0x20]  }
0xd5: {  	v5 =	vld [tilespmem:s30+$0x0];
	[tilespmem:s8+$0xFFFFFFC0] =	vst v2  }
0xd6: {  	s31 =	simm.s32 $0x7620;
	v2 =	vld [tilespmem:s11+$0xFFFFFFC0]  }
0xd7: {  	v6 =	vld [tilespmem:s31+$0x0]  }
0xd8: {  	v7 =	vld [tilespmem:s6+$0xFFFFFFC0];
	v3 =	vshll.u32 v3, $0x4  }
0xd9: {  	v3 =	vadd.s32 v4, v3  }
0xda: {  	v4 =	vld [tilespmem:s30+$0xFFFFFFB0];
	[tilespmem:s8+$0x20] =	vst v3  }
0xdb: {  	v5 =	vshll.u32 v5, $0x4;
	v2 =	vmul.u32 $0x2710, v2;
	v3 =	vld [tilespmem:s11+$0x20]  }
0xdc: {  	s21 =	simm.s32 $0xEB50;
	v8 =	vld [tilespmem:s31+$0xFFFFFFB0];
	v5 =	vadd.s32 v6, v5  }
0xdd: {  	[tilespmem:s21+$0x0] =	vst v5;
	v6 =	vld [tilespmem:s6+$0x20];
	v2 =	vadd.s32 v7, v2  }
0xde: {  	s14 =	simm.s32 $0xC440;
	[tilespmem:s29+$0xFFFFFFC0] =	vst v2;
	v2 =	vld [tilespmem:s31+$0x0]  }
0xdf: {  	v7 =	vld [tilespmem:s14+$0x0]  }
0xe0: {  	v5 =	vld [tilespmem:s26+$0xFFFFFFC0];
	v4 =	vshll.u32 v4, $0x4;
	v3 =	vmul.u32 $0x2710, v3  }
0xe1: {  	v4 =	vadd.s32 v8, v4  }
0xe2: {  	[tilespmem:s21+$0xFFFFFFB0] =	vst v4;
	v3 =	vadd.s32 v6, v3  }
0xe3: {  	v4 =	vld [tilespmem:s31+$0xFFFFFFB0];
	v2 =	vmul.u32 $0x2710, v2;
	[tilespmem:s29+$0x20] =	vst v3  }
0xe4: {  	v3 =	vld [tilespmem:s26+$0x20]  }
0xe5: {  	s1 =	simm.s32 $0x13970;
	[tilespmem:s28+$0xFFFFFFC0] =	vst v5;
	v5 =	vld [tilespmem:s14+$0xFFFFFFB0];
	v2 =	vadd.s32 v7, v2  }
0xe6: {  	[tilespmem:s1+$0x0] =	vst v2  }
0xe7: {  	v2 =	vld [tilespmem:s30+$0x0]  }
0xe8: {  	v6 =	vld [tilespmem:s26+$0xFFFFFFD0];
	v4 =	vmul.u32 $0x2710, v4  }
0xe9: {  	v7 =	vld [tilespmem:s11+$0xFFFFFFD0];
	[tilespmem:s28+$0x20] =	vst v3  }
0xea: {  	v4 =	vadd.s32 v5, v4;
	v3 =	vld [tilespmem:s26+$0x30]  }
0xeb: {  	s0 =	simm.s32 $0x16080;
	[tilespmem:s1+$0xFFFFFFB0] =	vst v4;
	v5 =	vld [tilespmem:s11+$0x30]  }
0xec: {  	v4 =	vld [tilespmem:s30+$0xFFFFFFB0];
	[tilespmem:s0+$0x0] =	vst v2  }
0xed: {  	v2 =	vshll.u32 v6, $0x4;
	v6 =	vld [tilespmem:s30+$0x10]  }
0xee: {  	v2 =	vadd.s32 v7, v2;
	v7 =	vld [tilespmem:s31+$0x10]  }
0xef: {  	[tilespmem:s8+$0xFFFFFFD0] =	vst v2;
	v3 =	vshll.u32 v3, $0x4  }
0xf0: {  	v2 =	vadd.s32 v5, v3;
	v3 =	vld [tilespmem:s11+$0xFFFFFFD0]  }
0xf1: {  	v5 =	vld [tilespmem:s6+$0xFFFFFFD0];
	[tilespmem:s8+$0x30] =	vst v2  }
0xf2: {  	v6 =	vshll.u32 v6, $0x4;
	v2 =	vld [tilespmem:s11+$0x30]  }
0xf3: {  	[tilespmem:s0+$0xFFFFFFB0] =	vst v4;
	v4 =	vadd.s32 v7, v6;
	v6 =	vld [tilespmem:s6+$0x30]  }
0xf4: {  	v7 =	vld [tilespmem:s30+$0xFFFFFFC0];
	[tilespmem:s21+$0x10] =	vst v4  }
0xf5: {  	v4 =	vld [tilespmem:s31+$0x10]  }
0xf6: {  	v8 =	vld [tilespmem:s31+$0xFFFFFFC0]  }
0xf7: {  	v9 =	vld [tilespmem:s14+$0x10];
	v2 =	vmul.u32 $0x2710, v2  }
0xf8: {  	v3 =	vmul.u32 $0x2710, v3  }
0xf9: {  	v2 =	vadd.s32 v6, v2  }
0xfa: {  	v4 =	vmul.u32 $0x2710, v4;
	[tilespmem:s29+$0x30] =	vst v2;
	v2 =	vadd.s32 v5, v3;
	v3 =	vshll.u32 v7, $0x4  }
0xfb: {  	v5 =	vld [tilespmem:s26+$0x30];
	[tilespmem:s29+$0xFFFFFFD0] =	vst v2;
	v2 =	vadd.s32 v8, v3  }
0xfc: {  	v3 =	vld [tilespmem:s26+$0xFFFFFFD0];
	[tilespmem:s21+$0xFFFFFFC0] =	vst v2;
	v2 =	vadd.s32 v9, v4  }
0xfd: {  	v4 =	vld [tilespmem:s31+$0xFFFFFFC0];
	[tilespmem:s1+$0x10] =	vst v2  }
0xfe: {  	v2 =	vld [tilespmem:s30+$0x10]  }
0xff: {  	v6 =	vld [tilespmem:s14+$0xFFFFFFC0]  }
0x100: {  	s22 =	simm.s32 $0x28A0  }
0x101: {  	v58 =	vld [tilespmem:s22+$0xFFFFFFB0];
	[tilespmem:s28+$0x30] =	vst v5  }
0x102: {  	v5 =	vld [tilespmem:s26+$0x40];
	[tilespmem:s28+$0xFFFFFFD0] =	vst v3;
	v3 =	vmul.u32 $0x2710, v4  }
0x103: {  	v7 =	vld [tilespmem:s11+$0x40];
	[tilespmem:s0+$0x10] =	vst v2  }
0x104: {  	v2 =	vadd.s32 v6, v3;
	v3 =	vld [tilespmem:s30+$0x20]  }
0x105: {  	s24 =	simm.s32 $0x76C0;
	[tilespmem:s1+$0xFFFFFFC0] =	vst v2;
	v2 =	vld [tilespmem:s31+$0x20]  }
0x106: {  	v10 =	vld [tilespmem:s24+$0xFFFFFFB0]  }
0x107: {  	v8 =	vld [tilespmem:s24+$0x0];
	v5 =	vshll.u32 v5, $0x4  }
0x108: {  	v5 =	vadd.s32 v7, v5;
	v7 =	vld [tilespmem:s22+$0x0]  }
0x109: {  	v6 =	vld [tilespmem:s30+$0xFFFFFFC0];
	[tilespmem:s8+$0x40] =	vst v5;
	v3 =	vshll.u32 v3, $0x4  }
0x10a: {  	v5 =	vld [tilespmem:s11+$0x40];
	v2 =	vadd.s32 v2, v3  }
0x10b: {  	v3 =	vld [tilespmem:s6+$0x40];
	[tilespmem:s21+$0x20] =	vst v2  }
0x10c: {  	v2 =	vld [tilespmem:s31+$0x20]  }
0x10d: {  	v4 =	vld [tilespmem:s26+$0xFFFFFFE0];
	v7 =	vshll.u32 v7, $0x4  }
0x10e: {  	s16 =	simm.s32 $0xEBF0;
	v7 =	vadd.s32 v8, v7;
	v8 =	vld [tilespmem:s14+$0x20]  }
0x10f: {  	[tilespmem:s16+$0x0] =	vst v7;
	v7 =	vld [tilespmem:s11+$0xFFFFFFE0];
	v5 =	vmul.u32 $0x2710, v5  }
0x110: {  	s17 =	simm.s32 $0xC4E0;
	[tilespmem:s0+$0xFFFFFFC0] =	vst v6;
	v6 =	vld [tilespmem:s24+$0x0]  }
0x111: {  	v9 =	vshll.u32 v58, $0x4;
	v59 =	vld [tilespmem:s17+$0x0];
	v3 =	vadd.s32 v3, v5;
	v2 =	vmul.u32 $0x2710, v2  }
0x112: {  	v5 =	vld [tilespmem:s30+$0xFFFFFFD0];
	[tilespmem:s29+$0x40] =	vst v3;
	v3 =	vadd.s32 v10, v9  }
0x113: {  	v60 =	vld [tilespmem:s26+$0x40];
	[tilespmem:s16+$0xFFFFFFB0] =	vst v3;
	v2 =	vadd.s32 v8, v2  }
0x114: {  	v3 =	vld [tilespmem:s24+$0xFFFFFFB0];
	[tilespmem:s1+$0x20] =	vst v2  }
0x115: {  	v2 =	vshll.u32 v4, $0x4;
	v4 =	vmul.u32 $0x2710, v6;
	v6 =	vld [tilespmem:s30+$0x20]  }
0x116: {  	v2 =	vadd.s32 v7, v2;
	v7 =	vld [tilespmem:s31+$0xFFFFFFD0]  }
0x117: {  	s23 =	simm.s32 $0x13A10;
	[tilespmem:s8+$0xFFFFFFE0] =	vst v2;
	v2 =	vld [tilespmem:s17+$0xFFFFFFB0];
	v4 =	vadd.s32 v59, v4  }
0x118: {  	v8 =	vld [tilespmem:s11+$0xFFFFFFE0];
	[tilespmem:s23+$0x0] =	vst v4  }
0x119: {  	v4 =	vld [tilespmem:s22+$0x0]  }
0x11a: {  	v5 =	vshll.u32 v5, $0x4;
	v61 =	vld [tilespmem:s6+$0xFFFFFFE0];
	v3 =	vmul.u32 $0x2710, v3;
	[tilespmem:s0+$0x20] =	vst v6  }
0x11b: {  	v5 =	vadd.s32 v7, v5;
	v6 =	vld [tilespmem:s30+$0x30]  }
0x11c: {  	[tilespmem:s21+$0xFFFFFFD0] =	vst v5;
	v2 =	vadd.s32 v2, v3;
	v3 =	vld [tilespmem:s31+$0x30]  }
0x11d: {  	s5 =	simm.s32 $0x16120;
	v5 =	vld [tilespmem:s31+$0xFFFFFFD0];
	[tilespmem:s23+$0xFFFFFFB0] =	vst v2  }
0x11e: {  	v2 =	vmul.u32 $0x2710, v8;
	v7 =	vld [tilespmem:s22+$0xFFFFFFB0];
	[tilespmem:s5+$0x0] =	vst v4  }
0x11f: {  	v4 =	vld [tilespmem:s22+$0x10]  }
0x120: {  	v2 =	vadd.s32 v61, v2;
	v8 =	vld [tilespmem:s24+$0x10];
	v6 =	vshll.u32 v6, $0x4  }
0x121: {  	v62 =	vld [tilespmem:s14+$0xFFFFFFD0];
	[tilespmem:s29+$0xFFFFFFE0] =	vst v2;
	v2 =	vadd.s32 v3, v6  }
0x122: {  	v3 =	vld [tilespmem:s26+$0xFFFFFFE0];
	[tilespmem:s21+$0x30] =	vst v2  }
0x123: {  	[tilespmem:s5+$0xFFFFFFB0] =	vst v7;
	v2 =	vld [tilespmem:s31+$0x30]  }
0x124: {  	v5 =	vmul.u32 $0x2710, v5;
	v6 =	vld [tilespmem:s22+$0xFFFFFFC0];
	v4 =	vshll.u32 v4, $0x4  }
0x125: {  	v7 =	vld [tilespmem:s14+$0x30];
	v4 =	vadd.s32 v8, v4  }
0x126: {  	v5 =	vadd.s32 v62, v5;
	v8 =	vld [tilespmem:s24+$0xFFFFFFC0];
	[tilespmem:s16+$0x10] =	vst v4  }
0x127: {  	[tilespmem:s1+$0xFFFFFFD0] =	vst v5;
	v4 =	vld [tilespmem:s24+$0x10]  }
0x128: {  	v5 =	vld [tilespmem:s30+$0xFFFFFFD0];
	v2 =	vmul.u32 $0x2710, v2  }
0x129: {  	[tilespmem:s28+$0xFFFFFFE0] =	vst v3;
	v3 =	vld [tilespmem:s17+$0x10]  }
0x12a: {  	v6 =	vshll.u32 v6, $0x4;
	v2 =	vadd.s32 v7, v2;
	v7 =	vld [tilespmem:s26+$0xFFFFFFF0]  }
0x12b: {  	v6 =	vadd.s32 v8, v6;
	[tilespmem:s1+$0x30] =	vst v2;
	v2 =	vld [tilespmem:s11+$0xFFFFFFF0]  }
0x12c: {  	[tilespmem:s16+$0xFFFFFFC0] =	vst v6;
	v4 =	vmul.u32 $0x2710, v4;
	v6 =	vld [tilespmem:s30+$0x30]  }
0x12d: {  	v8 =	vld [tilespmem:s24+$0xFFFFFFC0]  }
0x12e: {  	[tilespmem:s0+$0xFFFFFFD0] =	vst v5;
	v5 =	vld [tilespmem:s17+$0xFFFFFFC0];
	v3 =	vadd.s32 v3, v4  }
0x12f: {  	v4 =	vld [tilespmem:s30+$0xFFFFFFE0];
	[tilespmem:s23+$0x10] =	vst v3  }
0x130: {  	v63 =	vld [tilespmem:s22+$0x10]  }
0x131: {  	v3 =	vshll.u32 v7, $0x4;
	v7 =	vld [tilespmem:s31+$0xFFFFFFE0];
	[tilespmem:s0+$0x30] =	vst v6  }
0x132: {  	v2 =	vadd.s32 v2, v3;
	v11 =	vld [tilespmem:s30+$0x40]  }
0x133: {  	[tilespmem:s8+$0xFFFFFFF0] =	vst v2;
	v12 =	vld [tilespmem:s31+$0x40]  }
0x134: {  	v6 =	vmul.u32 $0x2710, v8;
	v3 =	vld [tilespmem:s11+$0xFFFFFFF0]  }
0x135: {  	v2 =	vld [tilespmem:s6+$0xFFFFFFF0];
	[tilespmem:s5+$0x10] =	vst v63  }
0x136: {  	[tilespmem:s28+$0x40] =	vst v60;
	v4 =	vshll.u32 v4, $0x4;
	v6 =	vadd.s32 v5, v6;
	v5 =	vld [tilespmem:s22+$0x20]  }
0x137: {  	s4 =	simm.s32 $0x16120;
	s9 =	simm.s32 $0xEBF0;
	s10 =	simm.s32 $0x4;
	[tilespmem:s23+$0xFFFFFFC0] =	vst v6;
	v4 =	vadd.s32 v7, v4;
	v6 =	vld [tilespmem:s24+$0x20];
	v8 =	vshll.u32 v11, $0x4  }
0x138: {  	s8 =	simm.s32 $0xC4E0;
	s11 =	simm.s32 $0x2940;
	s6 =	simm.s32 $0x76C0;
	[tilespmem:s21+$0xFFFFFFE0] =	vst v4;
	v7 =	vld [tilespmem:s22+$0xFFFFFFC0];
	v4 =	vadd.s32 v12, v8  }
.LBB2_8:
0x139: {  	v8 =	vld [tilespmem:s11+$0x0];
	[tilespmem:s21+$0x40] =	vst v4;
	v3 =	vmul.u32 $0x2710, v3  }
0x13a: {  	s10 =	sadd.s32 $0x2, s10;
	s24 =	sadd.s32 $0xA0, s24;
	v4 =	vld [tilespmem:s31+$0x40]  }
0x13b: {  	p0 =	slt.u32 s10, $0x7A;
	v9 =	vld [tilespmem:s24+$0x0];
	v5 =	vshll.u32 v5, $0x4;
	v2 =	vadd.s32 v2, v3  }
0x13c: {  	v3 =	vadd.s32 v6, v5;
	v5 =	vld [tilespmem:s14+$0x40];
	[tilespmem:s29+$0xFFFFFFF0] =	vst v2;
	s29 =	smov.u32 s1;
	s1 =	smov.u32 s23  }
0x13d: {  	v2 =	vld [tilespmem:s11+$0xFFFFFFB0];
	[tilespmem:s16+$0x20] =	vst v3  }
0x13e: {  	[tilespmem:s5+$0xFFFFFFC0] =	vst v7;
	v3 =	vld [tilespmem:s6+$0x20]  }
0x13f: {  	v7 =	vshll.u32 v8, $0x4;
	v6 =	vld [tilespmem:s24+$0xFFFFFFB0];
	v4 =	vmul.u32 $0x2710, v4  }
0x140: {  	s16 =	sadd.s32 $0xA0, s16;
	v7 =	vadd.s32 v9, v7;
	v8 =	vld [tilespmem:s17+$0x20]  }
0x141: {  	[tilespmem:s16+$0x0] =	vst v7;
	v7 =	vld [tilespmem:s22+$0xFFFFFFD0];
	v4 =	vadd.s32 v5, v4  }
0x142: {  	v2 =	vshll.u32 v2, $0x4;
	v5 =	vld [tilespmem:s24+$0x0];
	[tilespmem:s29+$0x40] =	vst v4  }
0x143: {  	s17 =	sadd.s32 $0xA0, s17;
	v3 =	vmul.u32 $0x2710, v3;
	v4 =	vld [tilespmem:s30+$0x40]  }
0x144: {  	v2 =	vadd.s32 v6, v2;
	v6 =	vld [tilespmem:s17+$0x0]  }
0x145: {  	[tilespmem:s16+$0xFFFFFFB0] =	vst v2;
	v2 =	vld [tilespmem:s6+$0xFFFFFFD0];
	v3 =	vadd.s32 v8, v3  }
0x146: {  	v8 =	vld [tilespmem:s24+$0xFFFFFFB0];
	v7 =	vshll.u32 v7, $0x4;
	[tilespmem:s23+$0x20] =	vst v3  }
0x147: {  	v3 =	vmul.u32 $0x2710, v5;
	v5 =	vld [tilespmem:s22+$0x20]  }
0x148: {  	v9 =	vld [tilespmem:s17+$0xFFFFFFB0];
	[tilespmem:s0+$0x40] =	vst v4  }
0x149: {  	s23 =	sadd.s32 $0xA0, s23;
	v3 =	vadd.s32 v6, v3;
	v4 =	vld [tilespmem:s31+$0xFFFFFFE0]  }
0x14a: {  	[tilespmem:s23+$0x0] =	vst v3;
	v2 =	vadd.s32 v2, v7;
	v3 =	vld [tilespmem:s14+$0xFFFFFFE0]  }
0x14b: {  	v6 =	vmul.u32 $0x2710, v8;
	v7 =	vld [tilespmem:s11+$0x0];
	[tilespmem:s9+$0xFFFFFFD0] =	vst v2  }
0x14c: {  	v2 =	vld [tilespmem:s6+$0xFFFFFFD0];
	[tilespmem:s5+$0x20] =	vst v5  }
0x14d: {  	v5 =	vadd.s32 v9, v6;
	v6 =	vld [tilespmem:s22+$0x30]  }
0x14e: {  	[tilespmem:s23+$0xFFFFFFB0] =	vst v5;
	v5 =	vld [tilespmem:s6+$0x30];
	v4 =	vmul.u32 $0x2710, v4  }
0x14f: {  	s5 =	sadd.s32 $0xA0, s5;
	v8 =	vld [tilespmem:s11+$0xFFFFFFB0]  }
0x150: {  	[tilespmem:s5+$0x0] =	vst v7;
	v7 =	vld [tilespmem:s8+$0xFFFFFFD0];
	v3 =	vadd.s32 v3, v4  }
0x151: {  	v4 =	vld [tilespmem:s11+$0x10];
	v2 =	vmul.u32 $0x2710, v2;
	[tilespmem:s29+$0xFFFFFFE0] =	vst v3  }
0x152: {  	v3 =	vld [tilespmem:s24+$0x10];
	v6 =	vshll.u32 v6, $0x4  }
0x153: {  	v5 =	vadd.s32 v5, v6;
	v6 =	vld [tilespmem:s30+$0xFFFFFFE0]  }
0x154: {  	[tilespmem:s9+$0x30] =	vst v5;
	v5 =	vld [tilespmem:s26+$0xFFFFFFF0];
	s26 =	smov.u32 s30;
	s30 =	smov.u32 s22;
	s22 =	smov.u32 s11  }
0x155: {  	[tilespmem:s5+$0xFFFFFFB0] =	vst v8;
	v2 =	vadd.s32 v7, v2;
	v7 =	vld [tilespmem:s6+$0x30]  }
0x156: {  	v8 =	vld [tilespmem:s11+$0xFFFFFFC0];
	v4 =	vshll.u32 v4, $0x4;
	[tilespmem:s1+$0xFFFFFFD0] =	vst v2  }
0x157: {  	v2 =	vadd.s32 v3, v4;
	v3 =	vld [tilespmem:s8+$0x30]  }
0x158: {  	v4 =	vld [tilespmem:s24+$0xFFFFFFC0];
	[tilespmem:s16+$0x10] =	vst v2  }
0x159: {  	v2 =	vld [tilespmem:s24+$0x10];
	[tilespmem:s0+$0xFFFFFFE0] =	vst v6  }
0x15a: {  	v6 =	vld [tilespmem:s30+$0xFFFFFFD0];
	v7 =	vmul.u32 $0x2710, v7;
	[tilespmem:s28+$0xFFFFFFF0] =	vst v5;
	s28 =	smov.u32 s0;
	s0 =	smov.u32 s4;
	s4 =	smov.u32 s5  }
0x15b: {  	v5 =	vshll.u32 v8, $0x4;
	v8 =	vld [tilespmem:s17+$0x10]  }
0x15c: {  	v3 =	vadd.s32 v3, v7;
	v7 =	vld [tilespmem:s26+$0xFFFFFFF0]  }
0x15d: {  	v4 =	vadd.s32 v4, v5;
	[tilespmem:s1+$0x30] =	vst v3;
	v3 =	vld [tilespmem:s31+$0xFFFFFFF0]  }
0x15e: {  	[tilespmem:s16+$0xFFFFFFC0] =	vst v4;
	v2 =	vmul.u32 $0x2710, v2;
	v4 =	vld [tilespmem:s30+$0x30]  }
0x15f: {  	v5 =	vld [tilespmem:s24+$0xFFFFFFC0];
	[tilespmem:s0+$0xFFFFFFD0] =	vst v6  }
0x160: {  	v6 =	vld [tilespmem:s17+$0xFFFFFFC0];
	v2 =	vadd.s32 v8, v2  }
0x161: {  	[tilespmem:s23+$0x10] =	vst v2;
	v2 =	vld [tilespmem:s30+$0xFFFFFFE0];
	v7 =	vshll.u32 v7, $0x4  }
0x162: {  	v8 =	vld [tilespmem:s11+$0x10];
	v3 =	vadd.s32 v3, v7  }
0x163: {  	v7 =	vld [tilespmem:s6+$0xFFFFFFE0];
	[tilespmem:s0+$0x30] =	vst v4  }
0x164: {  	v4 =	vmul.u32 $0x2710, v5;
	v9 =	vld [tilespmem:s30+$0x40];
	[tilespmem:s21+$0xFFFFFFF0] =	vst v3;
	s21 =	smov.u32 s9;
	s9 =	smov.u32 s16  }
0x165: {  	v10 =	vld [tilespmem:s6+$0x40]  }
.Ltmp4:
0x166: {  	v4 =	vadd.s32 v6, v4;
	v6 =	vshll.u32 v2, $0x4;
	v3 =	vld [tilespmem:s31+$0xFFFFFFF0];
	s31 =	smov.u32 s6;
	s6 =	smov.u32 s24;
	(pc) =	sbr.rel @p0 .LBB2_8-.Ltmp4, $4  }
0x167: {  	[tilespmem:s5+$0x10] =	vst v8;
	v2 =	vld [tilespmem:s14+$0xFFFFFFF0];
	s14 =	smov.u32 s8;
	s8 =	smov.u32 s17  }
0x168: {  	[tilespmem:s23+$0xFFFFFFC0] =	vst v4;
	v5 =	vld [tilespmem:s11+$0x20];
	v4 =	vadd.s32 v7, v6  }
0x169: {  	v6 =	vld [tilespmem:s24+$0x20];
	[tilespmem:s21+$0xFFFFFFE0] =	vst v4;
	v4 =	vshll.u32 v9, $0x4  }
0x16a: {  	s11 =	sadd.s32 $0xA0, s11;
	v7 =	vld [tilespmem:s22+$0xFFFFFFC0];
	v4 =	vadd.s32 v10, v4  }
0x16b: {  	_ =	sdelay $0x3  }
0x16c: {  	[tilespmem:s5+$0xFFFFFFC0] =	vst v7  }
0x16d: {  	v7 =	vld [tilespmem:s22+$0xFFFFFFD0]  }
0x16e: {  	v8 =	vld [tilespmem:s6+$0xFFFFFFD0];
	_ =	sdelay $0x1  }
0x16f: {  	v5 =	vshll.u32 v5, $0x4  }
0x170: {  	v5 =	vadd.s32 v6, v5  }
0x171: {  	[tilespmem:s16+$0x20] =	vst v5;
	v27 =	vshll.u32 v7, $0x4  }
0x172: {  	v28 =	vld [tilespmem:s6+$0x20];
	v5 =	vadd.s32 v8, v27  }
0x173: {  	v29 =	vld [tilespmem:s17+$0x20];
	[tilespmem:s9+$0xFFFFFFD0] =	vst v5  }
0x174: {  	v5 =	vld [tilespmem:s6+$0xFFFFFFD0];
	_ =	sdelay $0x1  }
0x175: {  	v30 =	vld [tilespmem:s8+$0xFFFFFFD0]  }
0x176: {  	v6 =	vmul.u32 $0x2710, v28;
	_ =	sdelay $0x1  }
0x177: {  	v6 =	vadd.s32 v29, v6;
	v5 =	vmul.u32 $0x2710, v5  }
0x178: {  	[tilespmem:s23+$0x20] =	vst v6  }
0x179: {  	v6 =	vld [tilespmem:s22+$0x20];
	v5 =	vadd.s32 v30, v5  }
0x17a: {  	[tilespmem:s23+$0xFFFFFFD0] =	vst v5  }
0x17b: {  	v5 =	vld [tilespmem:s22+$0xFFFFFFD0];
	_ =	sdelay $0x2  }
0x17c: {  	[tilespmem:s5+$0x20] =	vst v6  }
0x17d: {  	v6 =	vld [tilespmem:s22+$0x30]  }
0x17e: {  	v31 =	vld [tilespmem:s6+$0x30];
	[tilespmem:s4+$0xFFFFFFD0] =	vst v5  }
0x17f: {  	v5 =	vld [tilespmem:s22+$0xFFFFFFE0]  }
0x180: {  	v32 =	vld [tilespmem:s6+$0xFFFFFFE0];
	_ =	sdelay $0x1  }
0x181: {  	v6 =	vshll.u32 v6, $0x4  }
0x182: {  	v9 =	vld [tilespmem:s31+$0xFFFFFFE0];
	v6 =	vadd.s32 v31, v6  }
0x183: {  	v33 =	vld [tilespmem:s14+$0xFFFFFFE0];
	[tilespmem:s9+$0x30] =	vst v6;
	v5 =	vshll.u32 v5, $0x4  }
0x184: {  	v6 =	vld [tilespmem:s6+$0x30];
	v5 =	vadd.s32 v32, v5  }
0x185: {  	v34 =	vld [tilespmem:s8+$0x30];
	[tilespmem:s9+$0xFFFFFFE0] =	vst v5  }
0x186: {  	v5 =	vld [tilespmem:s6+$0xFFFFFFE0]  }
0x187: {  	v9 =	vmul.u32 $0x2710, v9  }
0x188: {  	v10 =	vld [tilespmem:s8+$0xFFFFFFE0]  }
0x189: {  	v7 =	vadd.s32 v33, v9;
	v6 =	vmul.u32 $0x2710, v6  }
0x18a: {  	[tilespmem:s1+$0xFFFFFFE0] =	vst v7  }
0x18b: {  	v7 =	vld [tilespmem:s30+$0xFFFFFFE0];
	v6 =	vadd.s32 v34, v6;
	v5 =	vmul.u32 $0x2710, v5  }
0x18c: {  	[tilespmem:s23+$0x30] =	vst v6  }
0x18d: {  	v6 =	vld [tilespmem:s22+$0x30];
	v5 =	vadd.s32 v10, v5  }
0x18e: {  	[tilespmem:s23+$0xFFFFFFE0] =	vst v5  }
0x18f: {  	v5 =	vld [tilespmem:s22+$0xFFFFFFE0]  }
0x190: {  	[tilespmem:s0+$0xFFFFFFE0] =	vst v7  }
0x191: {  	v7 =	vld [tilespmem:s30+$0xFFFFFFF0]  }
0x192: {  	v35 =	vld [tilespmem:s31+$0xFFFFFFF0];
	[tilespmem:s4+$0x30] =	vst v6  }
0x193: {  	v6 =	vld [tilespmem:s22+$0x40]  }
0x194: {  	v36 =	vld [tilespmem:s6+$0x40];
	[tilespmem:s4+$0xFFFFFFE0] =	vst v5  }
0x195: {  	v5 =	vld [tilespmem:s22+$0xFFFFFFF0]  }
0x196: {  	v37 =	vld [tilespmem:s6+$0xFFFFFFF0]  }
0x197: {  	[tilespmem:s21+$0x40] =	vst v4;
	v38 =	vshll.u32 v7, $0x4  }
0x198: {  	v39 =	vld [tilespmem:s31+$0x40];
	v4 =	vadd.s32 v35, v38  }
0x199: {  	v40 =	vld [tilespmem:s14+$0x40];
	[tilespmem:s21+$0xFFFFFFF0] =	vst v4;
	v6 =	vshll.u32 v6, $0x4  }
0x19a: {  	v42 =	vld [tilespmem:s31+$0xFFFFFFF0];
	v41 =	vadd.s32 v36, v6;
	v43 =	vshll.u32 v5, $0x4  }
0x19b: {  	v46 =	vld [tilespmem:s14+$0xFFFFFFF0];
	[tilespmem:s9+$0x40] =	vst v41;
	v4 =	vadd.s32 v37, v43  }
0x19c: {  	v44 =	vld [tilespmem:s6+$0x40];
	[tilespmem:s9+$0xFFFFFFF0] =	vst v4  }
0x19d: {  	v4 =	vld [tilespmem:s6+$0xFFFFFFF0]  }
0x19e: {  	v3 =	vmul.u32 $0x2710, v3;
	v45 =	vld [tilespmem:s8+$0x40]  }
0x19f: {  	v7 =	vmul.u32 $0x2710, v39;
	v11 =	vld [tilespmem:s8+$0xFFFFFFF0]  }
0x1a0: {  	v2 =	vadd.s32 v2, v3;
	v3 =	vmul.u32 $0x2710, v42  }
0x1a1: {  	[tilespmem:s29+$0xFFFFFFF0] =	vst v2;
	v7 =	vadd.s32 v40, v7;
	v5 =	vmul.u32 $0x2710, v44  }
0x1a2: {  	v47 =	vld [tilespmem:s26+$0xFFFFFFF0];
	[tilespmem:s1+$0x40] =	vst v7;
	v3 =	vadd.s32 v46, v3;
	v4 =	vmul.u32 $0x2710, v4  }
0x1a3: {  	v2 =	vld [tilespmem:s30+$0x40];
	[tilespmem:s1+$0xFFFFFFF0] =	vst v3;
	v5 =	vadd.s32 v45, v5  }
0x1a4: {  	v48 =	vld [tilespmem:s30+$0xFFFFFFF0];
	[tilespmem:s23+$0x40] =	vst v5;
	v4 =	vadd.s32 v11, v4  }
0x1a5: {  	v3 =	vld [tilespmem:s22+$0x40];
	[tilespmem:s23+$0xFFFFFFF0] =	vst v4  }
0x1a6: {  	v4 =	vld [tilespmem:s22+$0xFFFFFFF0]  }
0x1a7: {  	[tilespmem:s28+$0xFFFFFFF0] =	vst v47  }
0x1a8: {  	[tilespmem:s0+$0x40] =	vst v2  }
0x1a9: {  	[tilespmem:s0+$0xFFFFFFF0] =	vst v48  }
0x1aa: {  	[tilespmem:s4+$0x40] =	vst v3  }
0x1ab: {  	[tilespmem:s4+$0xFFFFFFF0] =	vst v4  }
0x1ac: {  	v2 =	vld [tilespmem:$0x4DD0]  }
0x1ad: {  	v3 =	vld [tilespmem:$0x9BF0]  }
0x1ae: {  	v4 =	vld [tilespmem:$0x9BF0]  }
0x1af: {  	v5 =	vld [tilespmem:$0xEA10]  }
0x1b0: {  	v6 =	vld [tilespmem:$0x4DD0]  }
0x1b1: {  	v7 =	vld [tilespmem:$0x4DE0]  }
0x1b2: {  	v49 =	vld [tilespmem:$0x9C00]  }
0x1b3: {  	v50 =	vld [tilespmem:$0x9C00]  }
0x1b4: {  	v51 =	vld [tilespmem:$0xEA20]  }
0x1b5: {  	v52 =	vld [tilespmem:$0x4DE0]  }
0x1b6: {  	v12 =	vld [tilespmem:$0x4DF0]  }
0x1b7: {  	v13 =	vld [tilespmem:$0x9C10]  }
0x1b8: {  	v14 =	vld [tilespmem:$0x9C10]  }
0x1b9: {  	v15 =	vld [tilespmem:$0xEA30]  }
0x1ba: {  	v16 =	vld [tilespmem:$0x4DF0];
	v2 =	vshll.u32 v2, $0x4;
	v4 =	vmul.u32 $0x2710, v4  }
0x1bb: {  	v53 =	vld [tilespmem:$0x9C20];
	v2 =	vadd.s32 v3, v2  }
0x1bc: {  	v55 =	vld [tilespmem:$0x9C20];
	[tilespmem:$0x11120] =	vst v2;
	v2 =	vadd.s32 v5, v4  }
0x1bd: {  	v56 =	vld [tilespmem:$0xEA40];
	v54 =	vmul.u32 $0x2710, v50;
	[tilespmem:$0x15F40] =	vst v2;
	v2 =	vshll.u32 v7, $0x4  }
0x1be: {  	[tilespmem:$0x18650] =	vst v6;
	v3 =	vld [tilespmem:$0x4E00];
	v2 =	vadd.s32 v49, v2  }
0x1bf: {  	v57 =	vld [tilespmem:$0x4E00];
	[tilespmem:$0x11130] =	vst v2;
	v2 =	vadd.s32 v51, v54  }
0x1c0: {  	v59 =	vld [tilespmem:$0x4E10];
	v58 =	vmul.u32 $0x2710, v14;
	[tilespmem:$0x15F50] =	vst v2;
	v2 =	vshll.u32 v12, $0x4  }
0x1c1: {  	v60 =	vld [tilespmem:$0x9C30];
	[tilespmem:$0x18660] =	vst v52;
	v2 =	vadd.s32 v13, v2  }
0x1c2: {  	v61 =	vld [tilespmem:$0x9C30];
	[tilespmem:$0x11140] =	vst v2;
	v2 =	vadd.s32 v15, v58  }
0x1c3: {  	v62 =	vld [tilespmem:$0xEA50];
	[tilespmem:$0x15F60] =	vst v2;
	v2 =	vshll.u32 v3, $0x4;
	v3 =	vmul.u32 $0x2710, v55  }
0x1c4: {  	[tilespmem:$0x18670] =	vst v16;
	v2 =	vadd.s32 v53, v2  }
0x1c5: {  	[tilespmem:$0x11150] =	vst v2;
	v2 =	vadd.s32 v56, v3;
	v3 =	vld [tilespmem:$0x4E10]  }
0x1c6: {  	v63 =	vmul.u32 $0x2710, v60;
	[tilespmem:$0x15F70] =	vst v2;
	v2 =	vshll.u32 v59, $0x4  }
0x1c7: {  	[tilespmem:$0x18680] =	vst v57;
	v2 =	vadd.s32 v61, v2  }
0x1c8: {  	[tilespmem:$0x11160] =	vst v2;
	v2 =	vadd.s32 v62, v63  }
0x1c9: {  	[tilespmem:$0x15F80] =	vst v2  }
0x1ca: {  	s26 =	simm.s32 $0x0;
	s28 =	simm.s32 $0x13880;
	s1 =	rddreg [dreg:$0x9];
	[tilespmem:$0x18690] =	vst v3  }
0x1cb: {  	[hbm4b:s1+s26] =	stream.linear.scatter [tilespmem:s28], [sflag:$0x2], $0x2710, $0x38;
	[tilespmem:$0x1D510] =	vst v63  }
0x1cc: {  	_ =	swait.ge [sflag:s15], $0x2710  }
0x1cd: {  	[sflag:s15] =	ssyncset.done $0x0  }
0x1ce: {  	s30 =	simm.s32 $0x15F90;
	s29 =	rddreg [dreg:$0xa];
	[sflag:s15] =	ssyncadd.s32 $0xFFFFD8F0  }
0x1cf: {  	[hbm4b:s29+s26] =	stream.linear.scatter [tilespmem:s30], [sflag:$0x2], $0x2710, $0x38;
	[tilespmem:$0x1D510] =	vst v63  }
0x1d0: {  	p0 =	por $0x1, $0x1;
	_ =	swait.ge [sflag:s15], $0x2710  }
0x1d1: {  	s5 =	simm.s32 @!p0 $0x1;
	[sflag:s15] =	ssyncset.done $0x0  }
0x1d2: {  	s31 =	simm.s32 $0xEA60;
	s0 =	simm.s32 $0x186A0;
	[sflag:s15] =	ssyncadd.s32 $0xFFFFD8F0  }
0x1d3: {  	[tilespmem:s0], [sflag:$0x1] =	stream.indirect.gather [spmem:s2], $0x1, s31, s18, $0xb8;
	[tilespmem:$0x1D510] =	vst v63  }
0x1d4: {  	_ =	swait.ge @!p0 [sflag:s5], $0x50  }
0x1d5: {  	s4 =	simm.s32 $0xEAB0;
	s1 =	simm.s32 $0x1;
	[sflag:s5] =	ssyncset.done @!p0 $0x0  }
.LBB2_10:
0x1d6: {  	[sflag:s5] =	ssyncadd.s32 @!p0 $0xFFFFFFB0  }
0x1d7: {  	s0 =	sadd.s32 $0x50, s0;
	s5 =	smov.u32 s1;
	s1 =	sadd.s32 $0x1, s1  }
0x1d8: {  	p1 =	sne.s32 s1, $0x7D  }
0x1d9: {  	[tilespmem:s0], [sflag:$0x1] =	stream.indirect.gather [spmem:s2], $0x1, s4, s18, $0xb8;
	[tilespmem:$0x1D510] =	vst v63  }
.Ltmp5:
0x1da: {  	_ = 	snop;
	(pc) =	sbr.rel @p1 .LBB2_10-.Ltmp5, $4  }
0x1db: {  	p0 =	slt.u32 s5, $0x8  }
0x1dc: {  	s5 =	simm.s32 @!p0 $0x1  }
0x1dd: {  	_ =	swait.ge @!p0 [sflag:s5], $0x50  }
0x1de: {  	s4 =	sadd.s32 $0x50, s4;
	[sflag:s5] =	ssyncset.done @!p0 $0x0  }
0x1df: {  	[sflag:s5] =	ssyncadd.s32 @!p0 $0xFFFFFFB0  }
0x1e0: {  	_ =	swait.ge [sflag:s20], $0x50  }
0x1e1: {  	[sflag:s20] =	ssyncset.done $0x0  }
0x1e2: {  	[sflag:s20] =	ssyncadd.s32 $0xFFFFFFB0  }
0x1e3: {  	_ =	swait.ge [sflag:s20], $0x50  }
0x1e4: {  	[sflag:s20] =	ssyncset.done $0x0  }
0x1e5: {  	[sflag:s20] =	ssyncadd.s32 $0xFFFFFFB0  }
0x1e6: {  	_ =	swait.ge [sflag:s20], $0x50  }
0x1e7: {  	[sflag:s20] =	ssyncset.done $0x0  }
0x1e8: {  	[sflag:s20] =	ssyncadd.s32 $0xFFFFFFB0  }
0x1e9: {  	_ =	swait.ge [sflag:s20], $0x50  }
0x1ea: {  	[sflag:s20] =	ssyncset.done $0x0  }
0x1eb: {  	[sflag:s20] =	ssyncadd.s32 $0xFFFFFFB0  }
0x1ec: {  	_ =	swait.ge [sflag:s20], $0x50  }
0x1ed: {  	[sflag:s20] =	ssyncset.done $0x0  }
0x1ee: {  	[sflag:s20] =	ssyncadd.s32 $0xFFFFFFB0  }
0x1ef: {  	_ =	swait.ge [sflag:s20], $0x50  }
0x1f0: {  	[sflag:s20] =	ssyncset.done $0x0  }
0x1f1: {  	[sflag:s20] =	ssyncadd.s32 $0xFFFFFFB0  }
0x1f2: {  	_ =	swait.ge [sflag:s20], $0x50  }
0x1f3: {  	[sflag:s20] =	ssyncset.done $0x0  }
0x1f4: {  	[sflag:s20] =	ssyncadd.s32 $0xFFFFFFB0  }
0x1f5: {  	_ =	swait.ge [sflag:s20], $0x50  }
0x1f6: {  	[sflag:s20] =	ssyncset.done $0x0  }
0x1f7: {  	s0 =	simm.s32 $0x186C0;
	[sflag:s20] =	ssyncadd.s32 $0xFFFFFFB0  }
0x1f8: {  	v2 =	vld [tilespmem:s0+$0xFFFFFFE0]  }
0x1f9: {  	v3 =	vld [tilespmem:s0+$0x0]  }
0x1fa: {  	v4 =	vld [tilespmem:s0+$0x10]  }
0x1fb: {  	v5 =	vld [tilespmem:s0+$0xFFFFFFF0];
	_ =	sdelay $0x1  }
0x1fc: {  	v2 =	vmax.f32 v2, $1.000000000e+00  }
0x1fd: {  	v3 =	vmax.f32 v3, $1.000000000e+00;
	(erf) = vrcp.f32 v2  }
0x1fe: {  	v4 =	vmax.f32 v4, $1.000000000e+00;
	(erf) = vrcp.f32 v3  }
0x1ff: {  	v5 =	vmax.f32 v5, $1.000000000e+00;
	(erf) = vrcp.f32 v4  }
0x200: {  	(erf) = vrcp.f32 v5;
	_ =	sdelay $0x5  }
0x201: {  	v6 =	vpop (erf)  }
0x202: {  	v7 =	vmul.f32 v6, v2;
	v8 =	vpop (erf)  }
0x203: {  	v9 =	vmul.f32 v8, v3;
	v10 =	vpop (erf)  }
0x204: {  	v7 =	vsub.f32 $2.000000000e+00, v7;
	v11 =	vmul.f32 v10, v4;
	v12 =	vpop (erf)  }
0x205: {  	v13 =	vmul.f32 v12, v5;
	v9 =	vsub.f32 $2.000000000e+00, v9  }
0x206: {  	v6 =	vmul.f32 v7, v6;
	v7 =	vsub.f32 $2.000000000e+00, v11  }
0x207: {  	v60 =	vsub.f32 $2.000000000e+00, v13;
	v8 =	vmul.f32 v9, v8  }
0x208: {  	v61 =	vmul.f32 v6, v2;
	v7 =	vmul.f32 v7, v10  }
0x209: {  	v2 =	vmul.f32 v60, v12;
	v3 =	vmul.f32 v8, v3  }
0x20a: {  	v9 =	vsub.f32 $2.000000000e+00, v61;
	v4 =	vmul.f32 v7, v4  }
0x20b: {  	v5 =	vmul.f32 v2, v5;
	v62 =	vsub.f32 $2.000000000e+00, v3  }
0x20c: {  	v6 =	vmul.f32 v9, v6;
	v63 =	vsub.f32 $2.000000000e+00, v4  }
0x20d: {  	s1 =	simm.s32 $0x0;
	v3 =	vsub.f32 $2.000000000e+00, v5;
	v4 =	vmul.f32 v62, v8  }
0x20e: {  	s4 =	simm.s32 $0x18700;
	s10 =	simm.s32 $0x2710;
	s11 =	simm.s32 $0x7530;
	[tilespmem:s0+$0xFFFFFFE0] =	vst v6;
	v5 =	vmul.f32 v63, v7  }
.LBB2_12:
0x20f: {  	v6 =	vld [tilespmem:s4+$0xFFFFFFE0];
	v2 =	vmul.f32 v3, v2;
	[tilespmem:s0+$0x0] =	vst v4  }
0x210: {  	v3 =	vld [tilespmem:s4+$0x0];
	[tilespmem:s0+$0x10] =	vst v5  }
0x211: {  	s1 =	sadd.s32 $0x4, s1;
	v4 =	vld [tilespmem:s4+$0x10];
	[tilespmem:s0+$0xFFFFFFF0] =	vst v2;
	s0 =	smov.u32 s4  }
0x212: {  	p0 =	slt.u32 s1, $0x26C;
	v2 =	vld [tilespmem:s4+$0xFFFFFFF0];
	_ =	sdelay $0x1  }
0x213: {  	v5 =	vmax.f32 v6, $1.000000000e+00  }
0x214: {  	v3 =	vmax.f32 v3, $1.000000000e+00;
	(erf) = vrcp.f32 v5  }
0x215: {  	v4 =	vmax.f32 v4, $1.000000000e+00;
	(erf) = vrcp.f32 v3  }
0x216: {  	v6 =	vmax.f32 v2, $1.000000000e+00;
	(erf) = vrcp.f32 v4  }
0x217: {  	(erf) = vrcp.f32 v6;
	_ =	sdelay $0x5  }
0x218: {  	v2 =	vpop (erf)  }
0x219: {  	v7 =	vmul.f32 v2, v5;
	v8 =	vpop (erf)  }
0x21a: {  	v9 =	vmul.f32 v8, v3;
	v10 =	vpop (erf)  }
0x21b: {  	v7 =	vsub.f32 $2.000000000e+00, v7;
	v11 =	vmul.f32 v10, v4;
	v12 =	vpop (erf)  }
0x21c: {  	v13 =	vmul.f32 v12, v6;
	v9 =	vsub.f32 $2.000000000e+00, v9  }
0x21d: {  	v7 =	vmul.f32 v7, v2;
	v2 =	vsub.f32 $2.000000000e+00, v11  }
0x21e: {  	v11 =	vsub.f32 $2.000000000e+00, v13;
	v8 =	vmul.f32 v9, v8  }
0x21f: {  	v5 =	vmul.f32 v7, v5;
	v9 =	vmul.f32 v2, v10  }
0x220: {  	v2 =	vmul.f32 v11, v12;
	v3 =	vmul.f32 v8, v3  }
.Ltmp6:
0x221: {  	v5 =	vsub.f32 $2.000000000e+00, v5;
	v4 =	vmul.f32 v9, v4;
	(pc) =	sbr.rel @p0 .LBB2_12-.Ltmp6, $4  }
0x222: {  	v6 =	vmul.f32 v2, v6;
	v10 =	vsub.f32 $2.000000000e+00, v3  }
0x223: {  	v5 =	vmul.f32 v5, v7;
	v7 =	vsub.f32 $2.000000000e+00, v4  }
0x224: {  	v3 =	vsub.f32 $2.000000000e+00, v6;
	v4 =	vmul.f32 v10, v8  }
0x225: {  	s4 =	sadd.s32 $0x40, s4;
	[tilespmem:s0+$0xFFFFFFE0] =	vst v5;
	v5 =	vmul.f32 v7, v9  }
0x226: {  	v2 =	vmul.f32 v3, v2;
	[tilespmem:s0+$0x0] =	vst v4  }
0x227: {  	[tilespmem:s0+$0x10] =	vst v5  }
0x228: {  	[tilespmem:s0+$0xFFFFFFF0] =	vst v2  }
0x229: {  	v2 =	vld [tilespmem:$0x1ADA0];
	_ =	sdelay $0x4  }
0x22a: {  	v2 =	vmax.f32 v2, $1.000000000e+00  }
0x22b: {  	(erf) = vrcp.f32 v2;
	_ =	sdelay $0x8  }
0x22c: {  	v3 =	vpop (erf)  }
0x22d: {  	v63 =	vmul.f32 v3, v2;
	_ =	sdelay $0x1  }
0x22e: {  	v4 =	vsub.f32 $2.000000000e+00, v63;
	_ =	sdelay $0x1  }
0x22f: {  	v3 =	vmul.f32 v4, v3;
	_ =	sdelay $0x1  }
0x230: {  	v2 =	vmul.f32 v3, v2;
	_ =	sdelay $0x1  }
0x231: {  	v2 =	vsub.f32 $2.000000000e+00, v2;
	_ =	sdelay $0x1  }
0x232: {  	s25 =	sadd.s32 $0x1, s25;
	v2 =	vmul.f32 v2, v3  }
0x233: {  	p0 =	sne.s32 s25, s13  }
.Ltmp7:
0x234: {  	s31 =	simm.s32 $0x186A0;
	[tilespmem:$0x1ADA0] =	vst v2;
	(pc) =	sbr.rel @p0 .LBB2_1-.Ltmp7, $4  }
0x235: {  	[hbm4b:s12+s3] =	stream.linear.scatter [tilespmem:s31], [sflag:$0x2], $0x2710, $0x38;
	[tilespmem:$0x1D510] =	vst v63  }
0x236: {  	_ =	swait.ge [sflag:s15], $0x2710  }
0x237: {  	[sflag:s15] =	ssyncset.done $0x0  }
0x238: {  	[sflag:s15] =	ssyncadd.s32 $0xFFFFD8F0  }
0x239: {  	_ =	sfence.sel $0x180000  }
0x23a: {  	[bflag:$0x0] =	sbarrier.arrive $0xFFFF  }
0x23b: {  	_ =	strace $0x90000047  }
0x23c: {  	s0 =	stileid.u32;
	[bflag:$0x2] =	sbarrier.arrive $0xFFFF  }
0x23d: {  	p0 =	sne.s32 s0, $0x0;
	s0 =	rddreg [dreg:$0x3]  }
0x23e: {  	s0 =	sadd.s32 @!p0 $0x100000, s0  }
0x23f: {  	[sflag:s0] =	ssyncadd.tile.s32 @!p0 $0x1;
	_ =	shalt  }
.Lfunc_end2:
_tile_overlayer_lowered:
.L_overlay_start_2:
0x240: {  	(tag) =	ssettag $0x2  }
0x241: {  	s0 =	rddreg [dreg:$0x0];
	s2 =	stileid.u32  }
0x242: {  	s1 =	rddreg [dreg:$0x1];
	p0 =	sne.s32 s2, $0x0  }
0x243: {  	s3 =	rddreg [dreg:$0x2];
	[bflag:$0x3] =	sbarrier.arrive $0xFFFF;
	s2 =	simm.s32 @!p0 $0x1C02  }
0x244: {  	[timem:s3], [sflag:s2] =	dma.local @!p0 [hbm:s0], s1  }
0x245: {  	s0 =	simm.s32 @!p0 $0x2  }
0x246: {  	_ =	swait.ge @!p0 [sflag:s0], s1  }
0x247: {  	s1 =	ssub.s32 @!p0 $0x0, s1;
	[sflag:s0] =	ssyncset.done @!p0 $0x0  }
0x248: {  	[sflag:s0] =	ssyncadd.s32 @!p0 s1  }
0x249: {  	[bflag:$0x3] =	sbarrier.arrive $0xFFFF  }
0x24a: {  	_ =	shalt  }

</sc_bundles>
